<compile_context>
chip_gen: v7x
topology: tpu7x:2x2x1
jax: 0.10.2.dev20260603
libtpu: 0.0.44.dev20260713+nightly
codegen_flags: <defaults>
</compile_context>

<pallas_src>
import functools

import jax
import jax.numpy as jnp
from jax import lax
from jax.experimental import pallas as pl
from jax.experimental.pallas import tpu as pltpu
from jax.experimental.pallas import tpu_sc as plsc

H = W = 256
L = 16
NS = 16
ROWS = H // NS
NCH = W // L
T = 50
HALO = 8
SROWS = ROWS + 1
PB = 6


OFF_SCAL = 0
OFF_XROW = OFF_SCAL + 2 * T * PB * L
OFF_KROW = OFF_XROW + 257 * L
OFF_NROW = OFF_KROW + 257 * L
OFF_YCOL = OFF_NROW + 257 * L
OFF_KCOL = OFF_YCOL + W
OFF_NCOL = OFF_KCOL + W + L
OFF_BND = OFF_NCOL + W + L
AUX_LEN = OFF_BND + 2 * T * L


def _body(added, original, aux, out,
          ch_v, scal_v, bounds_v, xrow_v, krow_v, nrow_v, ycol_v, kcol_v,
          ncol_v, inbox_v, mo_v, mp_v, go_v, gp_v, parti_v, partu_v, redall_v,
          iou_v, sem):
    c = lax.axis_index("c")
    s = lax.axis_index("s")
    row0 = s * ROWS

    zeros = jnp.zeros((L,), jnp.float32)
    ones = jnp.full((L,), 1.0, dtype=jnp.float32)

    cps = []
    for k in range(4):
        cps.append(pltpu.async_copy(
            added.at[c, k, pl.ds(row0, ROWS)], ch_v.at[k, pl.ds(0, ROWS)], sem))
    for k in range(4):
        cps.append(pltpu.async_copy(
            original.at[c, k + 1, pl.ds(row0, ROWS)],
            ch_v.at[4 + k, pl.ds(0, ROWS)], sem))
    cps.append(pltpu.async_copy(
        aux.at[pl.ds(OFF_SCAL + c * (T * PB * L), T * PB * L)], scal_v, sem))
    cps.append(pltpu.async_copy(
        aux.at[pl.ds(OFF_BND + c * (T * L), T * L)], bounds_v, sem))
    cps.append(pltpu.async_copy(
        aux.at[pl.ds(OFF_XROW + row0 * L, SROWS * L)], xrow_v, sem))
    cps.append(pltpu.async_copy(
        aux.at[pl.ds(OFF_KROW + row0 * L, SROWS * L)], krow_v, sem))
    cps.append(pltpu.async_copy(
        aux.at[pl.ds(OFF_NROW + row0 * L, SROWS * L)], nrow_v, sem))
    cps.append(pltpu.async_copy(aux.at[pl.ds(OFF_YCOL, W)], ycol_v, sem))
    cps.append(pltpu.async_copy(aux.at[pl.ds(OFF_KCOL, W + L)], kcol_v, sem))
    cps.append(pltpu.async_copy(aux.at[pl.ds(OFF_NCOL, W + L)], ncol_v, sem))

    @pl.when(s < NS - 1)
    def _():
        hcps = []
        for k in range(4):
            hcps.append(pltpu.async_copy(
                added.at[c, k, pl.ds(row0 + ROWS, HALO)],
                ch_v.at[k, pl.ds(ROWS, HALO)], sem))
        for k in range(4):
            hcps.append(pltpu.async_copy(
                original.at[c, k + 1, pl.ds(row0 + ROWS, HALO)],
                ch_v.at[4 + k, pl.ds(ROWS, HALO)], sem))
        for cp in hcps:
            cp.wait()

    @pl.when(s == NS - 1)
    def _():
        for k in range(8):
            for j in range(NCH):
                ch_v[k, ROWS, pl.ds(j * L, L)] = zeros

    for cp in cps:
        cp.wait()

    def mask_body(r, _):
        for j in range(NCH):
            sl = pl.ds(j * L, L)
            sp = ch_v[0, r, sl] + ch_v[1, r, sl] + ch_v[2, r, sl] + ch_v[3, r, sl]
            so = ch_v[4, r, sl] + ch_v[5, r, sl] + ch_v[6, r, sl] + ch_v[7, r, sl]
            mp_v[r, sl] = jnp.where(sp != 0.0, ones, zeros)
            mo_v[r, sl] = jnp.where(so != 0.0, ones, zeros)
            inbox_v[r, sl] = zeros
        return 0
    lax.fori_loop(0, SROWS, mask_body, 0)

    def box_body(t, _):
        base = t * (PB * L)
        cxv = scal_v[pl.ds(base, L)]
        cyv = scal_v[pl.ds(base + L, L)]
        cav = scal_v[pl.ds(base + 2 * L, L)]
        sav = scal_v[pl.ds(base + 3 * L, L)]
        hxv = scal_v[pl.ds(base + 4 * L, L)]
        hyv = scal_v[pl.ds(base + 5 * L, L)]
        bvec = plsc.bitcast(bounds_v[pl.ds(t * L, L)], jnp.int32)
        rlo = jnp.maximum(bvec[0] - row0, 0)
        rhi = jnp.minimum(bvec[1] - row0, SROWS)
        jlo = bvec[2]
        jhi = bvec[3]

        def row_body(r, _):
            sx = xrow_v[pl.ds(r * L, L)] - cxv
            av = sx * cav
            bv = sx * sav

            def col_body(j, _):
                sl = pl.ds(j * L, L)
                sy = ycol_v[sl] - cyv
                lx = av - sy * sav
                ly = bv + sy * cav
                tb = (jnp.abs(lx) < hxv) & (jnp.abs(ly) < hyv)
                inbox_v[r, sl] = jnp.maximum(
                    inbox_v[r, sl], jnp.where(tb, ones, zeros))
                return 0
            lax.fori_loop(jlo, jhi, col_body, 0)
            return 0
        lax.fori_loop(rlo, rhi, row_body, 0)
        return 0
    lax.fori_loop(0, T, box_body, 0)

    go_v[pl.ds(W, L)] = zeros
    gp_v[pl.ds(W, L)] = zeros

    def fold_body(r, carry):
        acc_i, acc_u = carry
        kr0 = krow_v[pl.ds(r * L, L)]
        nr1 = nrow_v[pl.ds(r * L + L, L)]
        for j in range(NCH):
            sl = pl.ds(j * L, L)
            t0 = inbox_v[r, sl] * kr0
            t1 = inbox_v[r + 1, sl] * nr1
            go_v[sl] = jnp.maximum(t0 * mo_v[r, sl], t1 * mo_v[r + 1, sl])
            gp_v[sl] = jnp.maximum(t0 * mp_v[r, sl], t1 * mp_v[r + 1, sl])
        for j in range(NCH):
            sl = pl.ds(j * L, L)
            sl1 = pl.ds(j * L + 1, L)
            g0 = jnp.maximum(go_v[sl] * kcol_v[sl], go_v[sl1] * ncol_v[sl1])
            g1 = jnp.maximum(gp_v[sl] * kcol_v[sl], gp_v[sl1] * ncol_v[sl1])
            acc_i = acc_i + plsc.all_reduce_population_count(g0 * g1 != 0.0)
            acc_u = acc_u + plsc.all_reduce_population_count(
                jnp.maximum(g0, g1) != 0.0)
        return acc_i, acc_u

    izeros = jnp.zeros((L,), jnp.int32)
    acc_i, acc_u = lax.fori_loop(0, ROWS, fold_body, (izeros, izeros))

    parti_v[...] = acc_i.astype(jnp.float32)
    partu_v[...] = acc_u.astype(jnp.float32)
    base = 2 * L + (c * NS + s) * 2 * L
    pltpu.sync_copy(parti_v, out.at[pl.ds(base, L)])
    pltpu.sync_copy(partu_v, out.at[pl.ds(base + L, L)])
    plsc.subcore_barrier()

    @pl.when(s == 0)
    def _():
        pltpu.sync_copy(out.at[pl.ds(2 * L + c * NS * 2 * L, NS * 2 * L)],
                        redall_v)
        ti = redall_v[pl.ds(0, L)]
        tu = redall_v[pl.ds(L, L)]
        for k in range(1, NS):
            ti = ti + redall_v[pl.ds(k * 2 * L, L)]
            tu = tu + redall_v[pl.ds(k * 2 * L + L, L)]
        iou_v[...] = ti / jnp.maximum(tu, ones)
        pltpu.sync_copy(iou_v, out.at[pl.ds(c * L, L)])


@jax.jit
def kernel(added_points, original_points, boxes, ego_loc):
    B = added_points.shape[0]
    f32 = jnp.float32

    r = jnp.arange(256, dtype=f32)
    v = (r - 128.0) * 0.8
    m = (lax.optimization_barrier(v) / 0.8 + 128.0).astype(jnp.int32)
    keep = (m == jnp.arange(256)).astype(f32)
    notk = 1.0 - keep

    cxs = boxes[:, :, 0] + (-ego_loc[:, 0:1])
    cys = boxes[:, :, 1] + (-ego_loc[:, 1:2])
    nrz = -boxes[:, :, 6]
    ca = jnp.cos(nrz)
    sa = jnp.sin(nrz)
    zok = jnp.abs(f32(0.8) - boxes[:, :, 2]) < boxes[:, :, 5] * 0.5
    hx = jnp.where(zok, boxes[:, :, 3] * 0.5, f32(-1.0))
    hy = boxes[:, :, 4] * 0.5
    scal = jnp.stack([cxs, cys, ca, sa, hx, hy], axis=2)
    scal_rep = jnp.broadcast_to(
        scal[..., None], (B, T, PB, L)).astype(f32).reshape(-1)

    rad = jnp.sqrt(boxes[:, :, 3] ** 2 + boxes[:, :, 4] ** 2) * 0.5

    def _bnd(center, radius):
        lo = jnp.floor((center - radius) / 0.8 + 128.0) - 1.0
        hi = jnp.ceil((center + radius) / 0.8 + 128.0) + 2.0
        lo = jnp.clip(jnp.nan_to_num(lo, nan=0.0, posinf=256.0, neginf=0.0),
                      0.0, 256.0)
        hi = jnp.clip(jnp.nan_to_num(hi, nan=256.0, posinf=256.0, neginf=0.0),
                      0.0, 256.0)
        return lo.astype(jnp.int32), hi.astype(jnp.int32)

    rlo, rhi = _bnd(cxs, rad)
    clo, chi = _bnd(cys, rad)
    jlo = clo // L
    jhi = (chi + L - 1) // L
    bounds = jnp.concatenate(
        [jnp.stack([rlo, rhi, jlo, jhi], axis=2),
         jnp.zeros((B, T, L - 4), jnp.int32)], axis=2).reshape(-1)

    pad1 = jnp.zeros((1,), f32)
    xrow_rep = jnp.broadcast_to(
        jnp.concatenate([v, pad1])[:, None], (257, L)).reshape(-1)
    krow_rep = jnp.broadcast_to(
        jnp.concatenate([keep, pad1])[:, None], (257, L)).reshape(-1)
    nrow_rep = jnp.broadcast_to(
        jnp.concatenate([notk, pad1])[:, None], (257, L)).reshape(-1)
    ycol = v
    kcol = jnp.concatenate([keep, jnp.zeros((L,), f32)])
    ncol = jnp.concatenate([notk, jnp.zeros((L,), f32)])
    aux = jnp.concatenate([
        scal_rep, xrow_rep, krow_rep, nrow_rep, ycol, kcol, ncol,
        lax.bitcast_convert_type(bounds, f32)])

    mesh = plsc.VectorSubcoreMesh(core_axis_name="c", subcore_axis_name="s")
    run = functools.partial(
        pl.kernel,
        mesh=mesh,
        compiler_params=pltpu.CompilerParams(needs_layout_passes=False),
        out_type=jax.ShapeDtypeStruct((B * L + B * NS * 2 * L,), f32),
        scratch_types=[
            pltpu.VMEM((8, ROWS + HALO, W), f32),
            pltpu.VMEM((T * PB * L,), f32),
            pltpu.VMEM((T * L,), f32),
            pltpu.VMEM((SROWS * L,), f32),
            pltpu.VMEM((SROWS * L,), f32),
            pltpu.VMEM((SROWS * L,), f32),
            pltpu.VMEM((W,), f32),
            pltpu.VMEM((W + L,), f32),
            pltpu.VMEM((W + L,), f32),
            pltpu.VMEM((SROWS, W), f32),
            pltpu.VMEM((SROWS, W), f32),
            pltpu.VMEM((SROWS, W), f32),
            pltpu.VMEM((W + L,), f32),
            pltpu.VMEM((W + L,), f32),
            pltpu.VMEM((L,), f32),
            pltpu.VMEM((L,), f32),
            pltpu.VMEM((NS * 2 * L,), f32),
            pltpu.VMEM((L,), f32),
            pltpu.SemaphoreType.DMA,
        ],
    )(_body)
    out = run(added_points, original_points, aux)
    return jnp.mean(out[:B * L].reshape(B, L)[:, 0])

# --- scband reference (transcript-rebuilt; emitter-appended) ---
"""Pipeline reference for scband-points-loss-51848845197781 (READ-ONLY COPY).

The authoritative reference and input builder live on the scoring server;
editing this copy changes nothing except your own understanding.
"""

import jax, jax.numpy as jnp
import numpy as np

B = 2
H = W = 256
T = 50


def setup_inputs(seed: int = 0) -> dict:
    key = jax.random.key(seed)
    k1, k2, k3, k4, k5, k6, k7, k8, k9 = jax.random.split(key, 9)
    # sparse-ish occupancy feature maps (pillars): ~20% nonzero
    ap = jax.random.uniform(k1, (B, 4, H, W), dtype=jnp.float32)
    ap = ap * jax.random.bernoulli(k2, 0.2, (B, 4, H, W)).astype(jnp.float32)
    op = jax.random.uniform(k3, (B, 5, H, W), dtype=jnp.float32)
    op = op * jax.random.bernoulli(k4, 0.2, (B, 5, H, W)).astype(jnp.float32)
    # boxes: (B, T, 7) = [cx, cy, cz, dx, dy, dz, heading]
    cxy = jax.random.uniform(k5, (B, T, 2), minval=-90.0, maxval=90.0)
    cz = jnp.zeros((B, T, 1), dtype=jnp.float32)
    dxy = jax.random.uniform(k6, (B, T, 2), minval=5.0, maxval=20.0)
    dz = jax.random.uniform(k7, (B, T, 1), minval=2.0, maxval=4.0)
    rz = jax.random.uniform(k8, (B, T, 1), minval=-np.pi, maxval=np.pi)
    boxes = jnp.concatenate([cxy, cz, dxy, dz, rz], axis=2).astype(jnp.float32)
    ego_loc = jax.random.normal(k9, (B, 2), dtype=jnp.float32) * 2.0
    return {"added_points": ap, "original_points": op, "boxes": boxes, "ego_loc": ego_loc}


def points_in_boxes(points, boxes):
    # points: (B, M, 3); boxes: (B, T, 7); returns (B, M) box idx, -1 = background
    cx = boxes[..., 0][:, None, :]
    cy = boxes[..., 1][:, None, :]
    cz = boxes[..., 2][:, None, :]
    dx = boxes[..., 3][:, None, :]
    dy = boxes[..., 4][:, None, :]
    dz = boxes[..., 5][:, None, :]
    rz = boxes[..., 6][:, None, :]
    sx = points[:, :, None, 0] - cx
    sy = points[:, :, None, 1] - cy
    sz = points[:, :, None, 2] - cz
    cosa = jnp.cos(-rz)
    sina = jnp.sin(-rz)
    lx = sx * cosa - sy * sina
    ly = sx * sina + sy * cosa
    in_b = (jnp.abs(lx) < dx * 0.5) & (jnp.abs(ly) < dy * 0.5) & (jnp.abs(sz) < dz * 0.5)
    any_in = in_b.any(axis=-1)
    idx = jnp.where(any_in, jnp.argmax(in_b, axis=-1), -1)
    return idx


def reference(added_points, original_points, boxes, ego_loc):
    # drop first channel of original, reduce channels -> BEV occupancy
    orig = jnp.sum(original_points[:, 1:, :, :], axis=1)
    pred = jnp.sum(added_points, axis=1)
    b = pred.shape[0]
    # all grid-cell coordinates (static-shape replacement for per-image nonzero + zero padding)
    ii, jj = jnp.meshgrid(jnp.arange(H), jnp.arange(W), indexing="ij")
    coords = jnp.stack([ii, jj], axis=-1).reshape(-1, 2).astype(jnp.float32)
    pts = jnp.concatenate([coords - 128.0, jnp.ones((coords.shape[0], 1), jnp.float32)], axis=1) * 0.8
    pts = jnp.broadcast_to(pts[None], (b, pts.shape[0], 3))
    mask_p = pred.reshape(b, -1) != 0
    mask_o = orig.reshape(b, -1) != 0
    # boxes shifted to ego frame (torch code mutates boxes in place; boxes_frame aliases it)
    boxes_s = boxes.at[:, :, 0:2].add(-ego_loc[:, None, :])
    idx_o = points_in_boxes(pts, boxes_s)
    idx_p = points_in_boxes(pts, boxes_s)
    inb_o = (idx_o >= 0) & mask_o
    inb_p = (idx_p >= 0) & mask_p
    # scatter foreground points back into 256x256 grids (scatter-max overwrite with 1)
    ix = (pts[..., 0] / 0.8 + 128.0).astype(jnp.int32)
    iy = (pts[..., 1] / 0.8 + 128.0).astype(jnp.int32)
    bidx = jnp.broadcast_to(jnp.arange(b)[:, None], ix.shape)
    grid_o = jnp.zeros((b, H, W), jnp.float32).at[bidx, ix, iy].max(inb_o.astype(jnp.float32))
    grid_p = jnp.zeros((b, H, W), jnp.float32).at[bidx, ix, iy].max(inb_p.astype(jnp.float32))
    inter = grid_o * grid_p
    union = jnp.maximum(grid_o, grid_p)
    iou = jnp.sum(inter, axis=(1, 2)) / jnp.clip(jnp.sum(union, axis=(1, 2)), 1.0)
    return jnp.mean(iou)

if __name__ == "__main__":
    import jax
    _d = setup_inputs()
    print(jax.jit(kernel)(*tuple(_d.values())))

</pallas_src>

<mosaic_0001>
#map = affine_map<(d0, d1) -> (0, 0, 0, 0)>
#map1 = affine_map<(d0, d1) -> (0)>
module attributes {stable_mosaic.version = 14 : i64} {
  func.func @_body(%arg0: i32, %arg1: i32, %arg2: memref<2x4x256x256xf32, #tpu.memory_space<hbm>>, %arg3: memref<2x5x256x256xf32, #tpu.memory_space<hbm>>, %arg4: memref<24336xf32, #tpu.memory_space<hbm>>, %arg5: memref<1056xf32, #tpu.memory_space<hbm>>, %arg6: memref<8x24x256xf32, #tpu.memory_space<vmem>>, %arg7: memref<4800xf32, #tpu.memory_space<vmem>>, %arg8: memref<800xf32, #tpu.memory_space<vmem>>, %arg9: memref<272xf32, #tpu.memory_space<vmem>>, %arg10: memref<272xf32, #tpu.memory_space<vmem>>, %arg11: memref<272xf32, #tpu.memory_space<vmem>>, %arg12: memref<256xf32, #tpu.memory_space<vmem>>, %arg13: memref<272xf32, #tpu.memory_space<vmem>>, %arg14: memref<272xf32, #tpu.memory_space<vmem>>, %arg15: memref<17x256xf32, #tpu.memory_space<vmem>>, %arg16: memref<17x256xf32, #tpu.memory_space<vmem>>, %arg17: memref<17x256xf32, #tpu.memory_space<vmem>>, %arg18: memref<272xf32, #tpu.memory_space<vmem>>, %arg19: memref<272xf32, #tpu.memory_space<vmem>>, %arg20: memref<16xf32, #tpu.memory_space<vmem>>, %arg21: memref<16xf32, #tpu.memory_space<vmem>>, %arg22: memref<512xf32, #tpu.memory_space<vmem>>, %arg23: memref<16xf32, #tpu.memory_space<vmem>>, %arg24: memref<!tpu.dma_semaphore, #tpu.memory_space<semaphore_mem>>) attributes {dimension_semantics = [#tpu.dimension_semantics<core_parallel>, #tpu.dimension_semantics<subcore_parallel>], iteration_bounds = array<i64: 2, 16>, scalar_prefetch = 0 : i64, scratch_operands = 19 : i64, tpu.core_type = #tpu.core_type<sc_vector_subcore>, window_params = [{transform_indices = #map}, {transform_indices = #map}, {transform_indices = #map1}, {transform_indices = #map1}]} {
    %mul3A = arith.constant 16 : i32
    %mul3A_0 = arith.muli %arg1, %mul3A : i32
    %broadcast_in_dim3A = arith.constant 0.000000e+00 : f32
    %broadcast_in_dim3A_1 = vector.broadcast %broadcast_in_dim3A : f32 to vector<16xf32>
    %broadcast_in_dim3A_2 = arith.constant 1.000000e+00 : f32
    %broadcast_in_dim3A_3 = vector.broadcast %broadcast_in_dim3A_2 : f32 to vector<16xf32>
    %dma_start3A = arith.constant 0 : i32
    %dma_start3A_4 = arith.constant 0 : i32
    %dma_start3A_5 = arith.constant 0 : i32
    %dma_start3A_6 = arith.constant 0 : i32
    %dma_start3A_7 = tpu.memref_slice %arg6[%dma_start3A_4, %dma_start3A_5, %dma_start3A_6] : memref<8x24x256xf32, #tpu.memory_space<vmem>> -> memref<1x16x256xf32, #tpu.memory_space<vmem>>
    %dma_start3A_8 = tpu.memref_squeeze %dma_start3A_7 : memref<1x16x256xf32, #tpu.memory_space<vmem>> -> memref<16x256xf32, #tpu.memory_space<vmem>>
    %dma_start3A_9 = arith.constant 0 : i32
    %dma_start3A_10 = tpu.memref_slice %arg2[%arg0, %dma_start3A, %mul3A_0, %dma_start3A_9] : memref<2x4x256x256xf32, #tpu.memory_space<hbm>> -> memref<1x1x16x256xf32, #tpu.memory_space<hbm>>
    %dma_start3A_11 = tpu.memref_squeeze %dma_start3A_10 : memref<1x1x16x256xf32, #tpu.memory_space<hbm>> -> memref<16x256xf32, #tpu.memory_space<hbm>>
    %dma_start3A_12 = arith.constant 0 : i32
    %dma_start3A_13 = arith.constant 0 : i32
    %dma_start3A_14 = tpu.memref_slice %arg6[%dma_start3A_4, %dma_start3A_12, %dma_start3A_13] : memref<8x24x256xf32, #tpu.memory_space<vmem>> -> memref<1x16x256xf32, #tpu.memory_space<vmem>>
    %dma_start3A_15 = tpu.memref_squeeze %dma_start3A_14 : memref<1x16x256xf32, #tpu.memory_space<vmem>> -> memref<16x256xf32, #tpu.memory_space<vmem>>
    %dma_start3A_16 = arith.constant 0 : i32
    %dma_start3A_17 = tpu.memref_slice %arg2[%arg0, %dma_start3A, %mul3A_0, %dma_start3A_16] : memref<2x4x256x256xf32, #tpu.memory_space<hbm>> -> memref<1x1x16x256xf32, #tpu.memory_space<hbm>>
    %dma_start3A_18 = tpu.memref_squeeze %dma_start3A_17 : memref<1x1x16x256xf32, #tpu.memory_space<hbm>> -> memref<16x256xf32, #tpu.memory_space<hbm>>
    tpu.enqueue_dma source(%dma_start3A_18 : memref<16x256xf32, #tpu.memory_space<hbm>>) target(%dma_start3A_15 : memref<16x256xf32, #tpu.memory_space<vmem>>) target_semaphore(%arg24 : memref<!tpu.dma_semaphore, #tpu.memory_space<semaphore_mem>>)
    %dma_start3A_19 = arith.constant 1 : i32
    %dma_start3A_20 = arith.constant 1 : i32
    %dma_start3A_21 = arith.constant 0 : i32
    %dma_start3A_22 = arith.constant 0 : i32
    %dma_start3A_23 = tpu.memref_slice %arg6[%dma_start3A_20, %dma_start3A_21, %dma_start3A_22] : memref<8x24x256xf32, #tpu.memory_space<vmem>> -> memref<1x16x256xf32, #tpu.memory_space<vmem>>
    %dma_start3A_24 = tpu.memref_squeeze %dma_start3A_23 : memref<1x16x256xf32, #tpu.memory_space<vmem>> -> memref<16x256xf32, #tpu.memory_space<vmem>>
    %dma_start3A_25 = arith.constant 0 : i32
    %dma_start3A_26 = tpu.memref_slice %arg2[%arg0, %dma_start3A_19, %mul3A_0, %dma_start3A_25] : memref<2x4x256x256xf32, #tpu.memory_space<hbm>> -> memref<1x1x16x256xf32, #tpu.memory_space<hbm>>
    %dma_start3A_27 = tpu.memref_squeeze %dma_start3A_26 : memref<1x1x16x256xf32, #tpu.memory_space<hbm>> -> memref<16x256xf32, #tpu.memory_space<hbm>>
    %dma_start3A_28 = arith.constant 0 : i32
    %dma_start3A_29 = arith.constant 0 : i32
    %dma_start3A_30 = tpu.memref_slice %arg6[%dma_start3A_20, %dma_start3A_28, %dma_start3A_29] : memref<8x24x256xf32, #tpu.memory_space<vmem>> -> memref<1x16x256xf32, #tpu.memory_space<vmem>>
    %dma_start3A_31 = tpu.memref_squeeze %dma_start3A_30 : memref<1x16x256xf32, #tpu.memory_space<vmem>> -> memref<16x256xf32, #tpu.memory_space<vmem>>
    %dma_start3A_32 = arith.constant 0 : i32
    %dma_start3A_33 = tpu.memref_slice %arg2[%arg0, %dma_start3A_19, %mul3A_0, %dma_start3A_32] : memref<2x4x256x256xf32, #tpu.memory_space<hbm>> -> memref<1x1x16x256xf32, #tpu.memory_space<hbm>>
    %dma_start3A_34 = tpu.memref_squeeze %dma_start3A_33 : memref<1x1x16x256xf32, #tpu.memory_space<hbm>> -> memref<16x256xf32, #tpu.memory_space<hbm>>
    tpu.enqueue_dma source(%dma_start3A_34 : memref<16x256xf32, #tpu.memory_space<hbm>>) target(%dma_start3A_31 : memref<16x256xf32, #tpu.memory_space<vmem>>) target_semaphore(%arg24 : memref<!tpu.dma_semaphore, #tpu.memory_space<semaphore_mem>>)
    %dma_start3A_35 = arith.constant 2 : i32
    %dma_start3A_36 = arith.constant 2 : i32
    %dma_start3A_37 = arith.constant 0 : i32
    %dma_start3A_38 = arith.constant 0 : i32
    %dma_start3A_39 = tpu.memref_slice %arg6[%dma_start3A_36, %dma_start3A_37, %dma_start3A_38] : memref<8x24x256xf32, #tpu.memory_space<vmem>> -> memref<1x16x256xf32, #tpu.memory_space<vmem>>
    %dma_start3A_40 = tpu.memref_squeeze %dma_start3A_39 : memref<1x16x256xf32, #tpu.memory_space<vmem>> -> memref<16x256xf32, #tpu.memory_space<vmem>>
    %dma_start3A_41 = arith.constant 0 : i32
    %dma_start3A_42 = tpu.memref_slice %arg2[%arg0, %dma_start3A_35, %mul3A_0, %dma_start3A_41] : memref<2x4x256x256xf32, #tpu.memory_space<hbm>> -> memref<1x1x16x256xf32, #tpu.memory_space<hbm>>
    %dma_start3A_43 = tpu.memref_squeeze %dma_start3A_42 : memref<1x1x16x256xf32, #tpu.memory_space<hbm>> -> memref<16x256xf32, #tpu.memory_space<hbm>>
    %dma_start3A_44 = arith.constant 0 : i32
    %dma_start3A_45 = arith.constant 0 : i32
    %dma_start3A_46 = tpu.memref_slice %arg6[%dma_start3A_36, %dma_start3A_44, %dma_start3A_45] : memref<8x24x256xf32, #tpu.memory_space<vmem>> -> memref<1x16x256xf32, #tpu.memory_space<vmem>>
    %dma_start3A_47 = tpu.memref_squeeze %dma_start3A_46 : memref<1x16x256xf32, #tpu.memory_space<vmem>> -> memref<16x256xf32, #tpu.memory_space<vmem>>
    %dma_start3A_48 = arith.constant 0 : i32
    %dma_start3A_49 = tpu.memref_slice %arg2[%arg0, %dma_start3A_35, %mul3A_0, %dma_start3A_48] : memref<2x4x256x256xf32, #tpu.memory_space<hbm>> -> memref<1x1x16x256xf32, #tpu.memory_space<hbm>>
    %dma_start3A_50 = tpu.memref_squeeze %dma_start3A_49 : memref<1x1x16x256xf32, #tpu.memory_space<hbm>> -> memref<16x256xf32, #tpu.memory_space<hbm>>
    tpu.enqueue_dma source(%dma_start3A_50 : memref<16x256xf32, #tpu.memory_space<hbm>>) target(%dma_start3A_47 : memref<16x256xf32, #tpu.memory_space<vmem>>) target_semaphore(%arg24 : memref<!tpu.dma_semaphore, #tpu.memory_space<semaphore_mem>>)
    %dma_start3A_51 = arith.constant 3 : i32
    %dma_start3A_52 = arith.constant 3 : i32
    %dma_start3A_53 = arith.constant 0 : i32
    %dma_start3A_54 = arith.constant 0 : i32
    %dma_start3A_55 = tpu.memref_slice %arg6[%dma_start3A_52, %dma_start3A_53, %dma_start3A_54] : memref<8x24x256xf32, #tpu.memory_space<vmem>> -> memref<1x16x256xf32, #tpu.memory_space<vmem>>
    %dma_start3A_56 = tpu.memref_squeeze %dma_start3A_55 : memref<1x16x256xf32, #tpu.memory_space<vmem>> -> memref<16x256xf32, #tpu.memory_space<vmem>>
    %dma_start3A_57 = arith.constant 0 : i32
    %dma_start3A_58 = tpu.memref_slice %arg2[%arg0, %dma_start3A_51, %mul3A_0, %dma_start3A_57] : memref<2x4x256x256xf32, #tpu.memory_space<hbm>> -> memref<1x1x16x256xf32, #tpu.memory_space<hbm>>
    %dma_start3A_59 = tpu.memref_squeeze %dma_start3A_58 : memref<1x1x16x256xf32, #tpu.memory_space<hbm>> -> memref<16x256xf32, #tpu.memory_space<hbm>>
    %dma_start3A_60 = arith.constant 0 : i32
    %dma_start3A_61 = arith.constant 0 : i32
    %dma_start3A_62 = tpu.memref_slice %arg6[%dma_start3A_52, %dma_start3A_60, %dma_start3A_61] : memref<8x24x256xf32, #tpu.memory_space<vmem>> -> memref<1x16x256xf32, #tpu.memory_space<vmem>>
    %dma_start3A_63 = tpu.memref_squeeze %dma_start3A_62 : memref<1x16x256xf32, #tpu.memory_space<vmem>> -> memref<16x256xf32, #tpu.memory_space<vmem>>
    %dma_start3A_64 = arith.constant 0 : i32
    %dma_start3A_65 = tpu.memref_slice %arg2[%arg0, %dma_start3A_51, %mul3A_0, %dma_start3A_64] : memref<2x4x256x256xf32, #tpu.memory_space<hbm>> -> memref<1x1x16x256xf32, #tpu.memory_space<hbm>>
    %dma_start3A_66 = tpu.memref_squeeze %dma_start3A_65 : memref<1x1x16x256xf32, #tpu.memory_space<hbm>> -> memref<16x256xf32, #tpu.memory_space<hbm>>
    tpu.enqueue_dma source(%dma_start3A_66 : memref<16x256xf32, #tpu.memory_space<hbm>>) target(%dma_start3A_63 : memref<16x256xf32, #tpu.memory_space<vmem>>) target_semaphore(%arg24 : memref<!tpu.dma_semaphore, #tpu.memory_space<semaphore_mem>>)
    %dma_start3A_67 = arith.constant 1 : i32
    %dma_start3A_68 = arith.constant 4 : i32
    %dma_start3A_69 = arith.constant 0 : i32
    %dma_start3A_70 = arith.constant 0 : i32
    %dma_start3A_71 = tpu.memref_slice %arg6[%dma_start3A_68, %dma_start3A_69, %dma_start3A_70] : memref<8x24x256xf32, #tpu.memory_space<vmem>> -> memref<1x16x256xf32, #tpu.memory_space<vmem>>
    %dma_start3A_72 = tpu.memref_squeeze %dma_start3A_71 : memref<1x16x256xf32, #tpu.memory_space<vmem>> -> memref<16x256xf32, #tpu.memory_space<vmem>>
    %dma_start3A_73 = arith.constant 0 : i32
    %dma_start3A_74 = tpu.memref_slice %arg3[%arg0, %dma_start3A_67, %mul3A_0, %dma_start3A_73] : memref<2x5x256x256xf32, #tpu.memory_space<hbm>> -> memref<1x1x16x256xf32, #tpu.memory_space<hbm>>
    %dma_start3A_75 = tpu.memref_squeeze %dma_start3A_74 : memref<1x1x16x256xf32, #tpu.memory_space<hbm>> -> memref<16x256xf32, #tpu.memory_space<hbm>>
    %dma_start3A_76 = arith.constant 0 : i32
    %dma_start3A_77 = arith.constant 0 : i32
    %dma_start3A_78 = tpu.memref_slice %arg6[%dma_start3A_68, %dma_start3A_76, %dma_start3A_77] : memref<8x24x256xf32, #tpu.memory_space<vmem>> -> memref<1x16x256xf32, #tpu.memory_space<vmem>>
    %dma_start3A_79 = tpu.memref_squeeze %dma_start3A_78 : memref<1x16x256xf32, #tpu.memory_space<vmem>> -> memref<16x256xf32, #tpu.memory_space<vmem>>
    %dma_start3A_80 = arith.constant 0 : i32
    %dma_start3A_81 = tpu.memref_slice %arg3[%arg0, %dma_start3A_67, %mul3A_0, %dma_start3A_80] : memref<2x5x256x256xf32, #tpu.memory_space<hbm>> -> memref<1x1x16x256xf32, #tpu.memory_space<hbm>>
    %dma_start3A_82 = tpu.memref_squeeze %dma_start3A_81 : memref<1x1x16x256xf32, #tpu.memory_space<hbm>> -> memref<16x256xf32, #tpu.memory_space<hbm>>
    tpu.enqueue_dma source(%dma_start3A_82 : memref<16x256xf32, #tpu.memory_space<hbm>>) target(%dma_start3A_79 : memref<16x256xf32, #tpu.memory_space<vmem>>) target_semaphore(%arg24 : memref<!tpu.dma_semaphore, #tpu.memory_space<semaphore_mem>>)
    %dma_start3A_83 = arith.constant 2 : i32
    %dma_start3A_84 = arith.constant 5 : i32
    %dma_start3A_85 = arith.constant 0 : i32
    %dma_start3A_86 = arith.constant 0 : i32
    %dma_start3A_87 = tpu.memref_slice %arg6[%dma_start3A_84, %dma_start3A_85, %dma_start3A_86] : memref<8x24x256xf32, #tpu.memory_space<vmem>> -> memref<1x16x256xf32, #tpu.memory_space<vmem>>
    %dma_start3A_88 = tpu.memref_squeeze %dma_start3A_87 : memref<1x16x256xf32, #tpu.memory_space<vmem>> -> memref<16x256xf32, #tpu.memory_space<vmem>>
    %dma_start3A_89 = arith.constant 0 : i32
    %dma_start3A_90 = tpu.memref_slice %arg3[%arg0, %dma_start3A_83, %mul3A_0, %dma_start3A_89] : memref<2x5x256x256xf32, #tpu.memory_space<hbm>> -> memref<1x1x16x256xf32, #tpu.memory_space<hbm>>
    %dma_start3A_91 = tpu.memref_squeeze %dma_start3A_90 : memref<1x1x16x256xf32, #tpu.memory_space<hbm>> -> memref<16x256xf32, #tpu.memory_space<hbm>>
    %dma_start3A_92 = arith.constant 0 : i32
    %dma_start3A_93 = arith.constant 0 : i32
    %dma_start3A_94 = tpu.memref_slice %arg6[%dma_start3A_84, %dma_start3A_92, %dma_start3A_93] : memref<8x24x256xf32, #tpu.memory_space<vmem>> -> memref<1x16x256xf32, #tpu.memory_space<vmem>>
    %dma_start3A_95 = tpu.memref_squeeze %dma_start3A_94 : memref<1x16x256xf32, #tpu.memory_space<vmem>> -> memref<16x256xf32, #tpu.memory_space<vmem>>
    %dma_start3A_96 = arith.constant 0 : i32
    %dma_start3A_97 = tpu.memref_slice %arg3[%arg0, %dma_start3A_83, %mul3A_0, %dma_start3A_96] : memref<2x5x256x256xf32, #tpu.memory_space<hbm>> -> memref<1x1x16x256xf32, #tpu.memory_space<hbm>>
    %dma_start3A_98 = tpu.memref_squeeze %dma_start3A_97 : memref<1x1x16x256xf32, #tpu.memory_space<hbm>> -> memref<16x256xf32, #tpu.memory_space<hbm>>
    tpu.enqueue_dma source(%dma_start3A_98 : memref<16x256xf32, #tpu.memory_space<hbm>>) target(%dma_start3A_95 : memref<16x256xf32, #tpu.memory_space<vmem>>) target_semaphore(%arg24 : memref<!tpu.dma_semaphore, #tpu.memory_space<semaphore_mem>>)
    %dma_start3A_99 = arith.constant 3 : i32
    %dma_start3A_100 = arith.constant 6 : i32
    %dma_start3A_101 = arith.constant 0 : i32
    %dma_start3A_102 = arith.constant 0 : i32
    %dma_start3A_103 = tpu.memref_slice %arg6[%dma_start3A_100, %dma_start3A_101, %dma_start3A_102] : memref<8x24x256xf32, #tpu.memory_space<vmem>> -> memref<1x16x256xf32, #tpu.memory_space<vmem>>
    %dma_start3A_104 = tpu.memref_squeeze %dma_start3A_103 : memref<1x16x256xf32, #tpu.memory_space<vmem>> -> memref<16x256xf32, #tpu.memory_space<vmem>>
    %dma_start3A_105 = arith.constant 0 : i32
    %dma_start3A_106 = tpu.memref_slice %arg3[%arg0, %dma_start3A_99, %mul3A_0, %dma_start3A_105] : memref<2x5x256x256xf32, #tpu.memory_space<hbm>> -> memref<1x1x16x256xf32, #tpu.memory_space<hbm>>
    %dma_start3A_107 = tpu.memref_squeeze %dma_start3A_106 : memref<1x1x16x256xf32, #tpu.memory_space<hbm>> -> memref<16x256xf32, #tpu.memory_space<hbm>>
    %dma_start3A_108 = arith.constant 0 : i32
    %dma_start3A_109 = arith.constant 0 : i32
    %dma_start3A_110 = tpu.memref_slice %arg6[%dma_start3A_100, %dma_start3A_108, %dma_start3A_109] : memref<8x24x256xf32, #tpu.memory_space<vmem>> -> memref<1x16x256xf32, #tpu.memory_space<vmem>>
    %dma_start3A_111 = tpu.memref_squeeze %dma_start3A_110 : memref<1x16x256xf32, #tpu.memory_space<vmem>> -> memref<16x256xf32, #tpu.memory_space<vmem>>
    %dma_start3A_112 = arith.constant 0 : i32
    %dma_start3A_113 = tpu.memref_slice %arg3[%arg0, %dma_start3A_99, %mul3A_0, %dma_start3A_112] : memref<2x5x256x256xf32, #tpu.memory_space<hbm>> -> memref<1x1x16x256xf32, #tpu.memory_space<hbm>>
    %dma_start3A_114 = tpu.memref_squeeze %dma_start3A_113 : memref<1x1x16x256xf32, #tpu.memory_space<hbm>> -> memref<16x256xf32, #tpu.memory_space<hbm>>
    tpu.enqueue_dma source(%dma_start3A_114 : memref<16x256xf32, #tpu.memory_space<hbm>>) target(%dma_start3A_111 : memref<16x256xf32, #tpu.memory_space<vmem>>) target_semaphore(%arg24 : memref<!tpu.dma_semaphore, #tpu.memory_space<semaphore_mem>>)
    %dma_start3A_115 = arith.constant 4 : i32
    %dma_start3A_116 = arith.constant 7 : i32
    %dma_start3A_117 = arith.constant 0 : i32
    %dma_start3A_118 = arith.constant 0 : i32
    %dma_start3A_119 = tpu.memref_slice %arg6[%dma_start3A_116, %dma_start3A_117, %dma_start3A_118] : memref<8x24x256xf32, #tpu.memory_space<vmem>> -> memref<1x16x256xf32, #tpu.memory_space<vmem>>
    %dma_start3A_120 = tpu.memref_squeeze %dma_start3A_119 : memref<1x16x256xf32, #tpu.memory_space<vmem>> -> memref<16x256xf32, #tpu.memory_space<vmem>>
    %dma_start3A_121 = arith.constant 0 : i32
    %dma_start3A_122 = tpu.memref_slice %arg3[%arg0, %dma_start3A_115, %mul3A_0, %dma_start3A_121] : memref<2x5x256x256xf32, #tpu.memory_space<hbm>> -> memref<1x1x16x256xf32, #tpu.memory_space<hbm>>
    %dma_start3A_123 = tpu.memref_squeeze %dma_start3A_122 : memref<1x1x16x256xf32, #tpu.memory_space<hbm>> -> memref<16x256xf32, #tpu.memory_space<hbm>>
    %dma_start3A_124 = arith.constant 0 : i32
    %dma_start3A_125 = arith.constant 0 : i32
    %dma_start3A_126 = tpu.memref_slice %arg6[%dma_start3A_116, %dma_start3A_124, %dma_start3A_125] : memref<8x24x256xf32, #tpu.memory_space<vmem>> -> memref<1x16x256xf32, #tpu.memory_space<vmem>>
    %dma_start3A_127 = tpu.memref_squeeze %dma_start3A_126 : memref<1x16x256xf32, #tpu.memory_space<vmem>> -> memref<16x256xf32, #tpu.memory_space<vmem>>
    %dma_start3A_128 = arith.constant 0 : i32
    %dma_start3A_129 = tpu.memref_slice %arg3[%arg0, %dma_start3A_115, %mul3A_0, %dma_start3A_128] : memref<2x5x256x256xf32, #tpu.memory_space<hbm>> -> memref<1x1x16x256xf32, #tpu.memory_space<hbm>>
    %dma_start3A_130 = tpu.memref_squeeze %dma_start3A_129 : memref<1x1x16x256xf32, #tpu.memory_space<hbm>> -> memref<16x256xf32, #tpu.memory_space<hbm>>
    tpu.enqueue_dma source(%dma_start3A_130 : memref<16x256xf32, #tpu.memory_space<hbm>>) target(%dma_start3A_127 : memref<16x256xf32, #tpu.memory_space<vmem>>) target_semaphore(%arg24 : memref<!tpu.dma_semaphore, #tpu.memory_space<semaphore_mem>>)
    %mul3A_131 = arith.constant 4800 : i32
    %mul3A_132 = arith.muli %arg0, %mul3A_131 : i32
    %add3A = arith.constant 0 : i32
    %add3A_133 = arith.addi %add3A, %mul3A_132 : i32
    %dma_start3A_134 = tpu.memref_slice %arg4[%add3A_133] : memref<24336xf32, #tpu.memory_space<hbm>> -> memref<4800xf32, #tpu.memory_space<hbm>>
    %dma_start3A_135 = tpu.memref_slice %arg4[%add3A_133] : memref<24336xf32, #tpu.memory_space<hbm>> -> memref<4800xf32, #tpu.memory_space<hbm>>
    tpu.enqueue_dma source(%dma_start3A_135 : memref<4800xf32, #tpu.memory_space<hbm>>) target(%arg7 : memref<4800xf32, #tpu.memory_space<vmem>>) target_semaphore(%arg24 : memref<!tpu.dma_semaphore, #tpu.memory_space<semaphore_mem>>)
    %mul3A_136 = arith.constant 800 : i32
    %mul3A_137 = arith.muli %arg0, %mul3A_136 : i32
    %add3A_138 = arith.constant 22736 : i32
    %add3A_139 = arith.addi %add3A_138, %mul3A_137 : i32
    %dma_start3A_140 = tpu.memref_slice %arg4[%add3A_139] : memref<24336xf32, #tpu.memory_space<hbm>> -> memref<800xf32, #tpu.memory_space<hbm>>
    %dma_start3A_141 = tpu.memref_slice %arg4[%add3A_139] : memref<24336xf32, #tpu.memory_space<hbm>> -> memref<800xf32, #tpu.memory_space<hbm>>
    tpu.enqueue_dma source(%dma_start3A_141 : memref<800xf32, #tpu.memory_space<hbm>>) target(%arg8 : memref<800xf32, #tpu.memory_space<vmem>>) target_semaphore(%arg24 : memref<!tpu.dma_semaphore, #tpu.memory_space<semaphore_mem>>)
    %mul3A_142 = arith.constant 16 : i32
    %mul3A_143 = arith.muli %mul3A_0, %mul3A_142 : i32
    %add3A_144 = arith.constant 9600 : i32
    %add3A_145 = arith.addi %add3A_144, %mul3A_143 : i32
    %dma_start3A_146 = tpu.memref_slice %arg4[%add3A_145] : memref<24336xf32, #tpu.memory_space<hbm>> -> memref<272xf32, #tpu.memory_space<hbm>>
    %dma_start3A_147 = tpu.memref_slice %arg4[%add3A_145] : memref<24336xf32, #tpu.memory_space<hbm>> -> memref<272xf32, #tpu.memory_space<hbm>>
    tpu.enqueue_dma source(%dma_start3A_147 : memref<272xf32, #tpu.memory_space<hbm>>) target(%arg9 : memref<272xf32, #tpu.memory_space<vmem>>) target_semaphore(%arg24 : memref<!tpu.dma_semaphore, #tpu.memory_space<semaphore_mem>>)
    %mul3A_148 = arith.constant 16 : i32
    %mul3A_149 = arith.muli %mul3A_0, %mul3A_148 : i32
    %add3A_150 = arith.constant 13712 : i32
    %add3A_151 = arith.addi %add3A_150, %mul3A_149 : i32
    %dma_start3A_152 = tpu.memref_slice %arg4[%add3A_151] : memref<24336xf32, #tpu.memory_space<hbm>> -> memref<272xf32, #tpu.memory_space<hbm>>
    %dma_start3A_153 = tpu.memref_slice %arg4[%add3A_151] : memref<24336xf32, #tpu.memory_space<hbm>> -> memref<272xf32, #tpu.memory_space<hbm>>
    tpu.enqueue_dma source(%dma_start3A_153 : memref<272xf32, #tpu.memory_space<hbm>>) target(%arg10 : memref<272xf32, #tpu.memory_space<vmem>>) target_semaphore(%arg24 : memref<!tpu.dma_semaphore, #tpu.memory_space<semaphore_mem>>)
    %mul3A_154 = arith.constant 16 : i32
    %mul3A_155 = arith.muli %mul3A_0, %mul3A_154 : i32
    %add3A_156 = arith.constant 17824 : i32
    %add3A_157 = arith.addi %add3A_156, %mul3A_155 : i32
    %dma_start3A_158 = tpu.memref_slice %arg4[%add3A_157] : memref<24336xf32, #tpu.memory_space<hbm>> -> memref<272xf32, #tpu.memory_space<hbm>>
    %dma_start3A_159 = tpu.memref_slice %arg4[%add3A_157] : memref<24336xf32, #tpu.memory_space<hbm>> -> memref<272xf32, #tpu.memory_space<hbm>>
    tpu.enqueue_dma source(%dma_start3A_159 : memref<272xf32, #tpu.memory_space<hbm>>) target(%arg11 : memref<272xf32, #tpu.memory_space<vmem>>) target_semaphore(%arg24 : memref<!tpu.dma_semaphore, #tpu.memory_space<semaphore_mem>>)
    %dma_start3A_160 = arith.constant 21936 : i32
    %dma_start3A_161 = tpu.memref_slice %arg4[%dma_start3A_160] : memref<24336xf32, #tpu.memory_space<hbm>> -> memref<256xf32, #tpu.memory_space<hbm>>
    %dma_start3A_162 = arith.constant 21936 : i32
    %dma_start3A_163 = tpu.memref_slice %arg4[%dma_start3A_162] : memref<24336xf32, #tpu.memory_space<hbm>> -> memref<256xf32, #tpu.memory_space<hbm>>
    tpu.enqueue_dma source(%dma_start3A_163 : memref<256xf32, #tpu.memory_space<hbm>>) target(%arg12 : memref<256xf32, #tpu.memory_space<vmem>>) target_semaphore(%arg24 : memref<!tpu.dma_semaphore, #tpu.memory_space<semaphore_mem>>)
    %dma_start3A_164 = arith.constant 22192 : i32
    %dma_start3A_165 = tpu.memref_slice %arg4[%dma_start3A_164] : memref<24336xf32, #tpu.memory_space<hbm>> -> memref<272xf32, #tpu.memory_space<hbm>>
    %dma_start3A_166 = arith.constant 22192 : i32
    %dma_start3A_167 = tpu.memref_slice %arg4[%dma_start3A_166] : memref<24336xf32, #tpu.memory_space<hbm>> -> memref<272xf32, #tpu.memory_space<hbm>>
    tpu.enqueue_dma source(%dma_start3A_167 : memref<272xf32, #tpu.memory_space<hbm>>) target(%arg13 : memref<272xf32, #tpu.memory_space<vmem>>) target_semaphore(%arg24 : memref<!tpu.dma_semaphore, #tpu.memory_space<semaphore_mem>>)
    %dma_start3A_168 = arith.constant 22464 : i32
    %dma_start3A_169 = tpu.memref_slice %arg4[%dma_start3A_168] : memref<24336xf32, #tpu.memory_space<hbm>> -> memref<272xf32, #tpu.memory_space<hbm>>
    %dma_start3A_170 = arith.constant 22464 : i32
    %dma_start3A_171 = tpu.memref_slice %arg4[%dma_start3A_170] : memref<24336xf32, #tpu.memory_space<hbm>> -> memref<272xf32, #tpu.memory_space<hbm>>
    tpu.enqueue_dma source(%dma_start3A_171 : memref<272xf32, #tpu.memory_space<hbm>>) target(%arg14 : memref<272xf32, #tpu.memory_space<vmem>>) target_semaphore(%arg24 : memref<!tpu.dma_semaphore, #tpu.memory_space<semaphore_mem>>)
    %lt3A = arith.constant 15 : i32
    %lt3A_172 = arith.cmpi slt, %arg1, %lt3A : i32
    %convert_element_type3A = arith.extui %lt3A_172 : i1 to i32
    %cond3A = arith.constant 0 : i32
    %cond3A_173 = arith.cmpi ne, %convert_element_type3A, %cond3A : i32
    scf.if %cond3A_173 {
      %add3A_373 = arith.constant 16 : i32
      %add3A_374 = arith.addi %mul3A_0, %add3A_373 : i32
      %dma_start3A_375 = arith.constant 0 : i32
      %dma_start3A_376 = arith.constant 0 : i32
      %dma_start3A_377 = arith.constant 16 : i32
      %dma_start3A_378 = arith.constant 0 : i32
      %dma_start3A_379 = tpu.memref_slice %arg6[%dma_start3A_376, %dma_start3A_377, %dma_start3A_378] : memref<8x24x256xf32, #tpu.memory_space<vmem>> -> memref<1x8x256xf32, #tpu.memory_space<vmem>>
      %dma_start3A_380 = tpu.memref_squeeze %dma_start3A_379 : memref<1x8x256xf32, #tpu.memory_space<vmem>> -> memref<8x256xf32, #tpu.memory_space<vmem>>
      %dma_start3A_381 = arith.constant 0 : i32
      %dma_start3A_382 = tpu.memref_slice %arg2[%arg0, %dma_start3A_375, %add3A_374, %dma_start3A_381] : memref<2x4x256x256xf32, #tpu.memory_space<hbm>> -> memref<1x1x8x256xf32, #tpu.memory_space<hbm>>
      %dma_start3A_383 = tpu.memref_squeeze %dma_start3A_382 : memref<1x1x8x256xf32, #tpu.memory_space<hbm>> -> memref<8x256xf32, #tpu.memory_space<hbm>>
      %dma_start3A_384 = arith.constant 16 : i32
      %dma_start3A_385 = arith.constant 0 : i32
      %dma_start3A_386 = tpu.memref_slice %arg6[%dma_start3A_376, %dma_start3A_384, %dma_start3A_385] : memref<8x24x256xf32, #tpu.memory_space<vmem>> -> memref<1x8x256xf32, #tpu.memory_space<vmem>>
      %dma_start3A_387 = tpu.memref_squeeze %dma_start3A_386 : memref<1x8x256xf32, #tpu.memory_space<vmem>> -> memref<8x256xf32, #tpu.memory_space<vmem>>
      %dma_start3A_388 = arith.constant 0 : i32
      %dma_start3A_389 = tpu.memref_slice %arg2[%arg0, %dma_start3A_375, %add3A_374, %dma_start3A_388] : memref<2x4x256x256xf32, #tpu.memory_space<hbm>> -> memref<1x1x8x256xf32, #tpu.memory_space<hbm>>
      %dma_start3A_390 = tpu.memref_squeeze %dma_start3A_389 : memref<1x1x8x256xf32, #tpu.memory_space<hbm>> -> memref<8x256xf32, #tpu.memory_space<hbm>>
      tpu.enqueue_dma source(%dma_start3A_390 : memref<8x256xf32, #tpu.memory_space<hbm>>) target(%dma_start3A_387 : memref<8x256xf32, #tpu.memory_space<vmem>>) target_semaphore(%arg24 : memref<!tpu.dma_semaphore, #tpu.memory_space<semaphore_mem>>)
      %add3A_391 = arith.constant 16 : i32
      %add3A_392 = arith.addi %mul3A_0, %add3A_391 : i32
      %dma_start3A_393 = arith.constant 1 : i32
      %dma_start3A_394 = arith.constant 1 : i32
      %dma_start3A_395 = arith.constant 16 : i32
      %dma_start3A_396 = arith.constant 0 : i32
      %dma_start3A_397 = tpu.memref_slice %arg6[%dma_start3A_394, %dma_start3A_395, %dma_start3A_396] : memref<8x24x256xf32, #tpu.memory_space<vmem>> -> memref<1x8x256xf32, #tpu.memory_space<vmem>>
      %dma_start3A_398 = tpu.memref_squeeze %dma_start3A_397 : memref<1x8x256xf32, #tpu.memory_space<vmem>> -> memref<8x256xf32, #tpu.memory_space<vmem>>
      %dma_start3A_399 = arith.constant 0 : i32
      %dma_start3A_400 = tpu.memref_slice %arg2[%arg0, %dma_start3A_393, %add3A_392, %dma_start3A_399] : memref<2x4x256x256xf32, #tpu.memory_space<hbm>> -> memref<1x1x8x256xf32, #tpu.memory_space<hbm>>
      %dma_start3A_401 = tpu.memref_squeeze %dma_start3A_400 : memref<1x1x8x256xf32, #tpu.memory_space<hbm>> -> memref<8x256xf32, #tpu.memory_space<hbm>>
      %dma_start3A_402 = arith.constant 16 : i32
      %dma_start3A_403 = arith.constant 0 : i32
      %dma_start3A_404 = tpu.memref_slice %arg6[%dma_start3A_394, %dma_start3A_402, %dma_start3A_403] : memref<8x24x256xf32, #tpu.memory_space<vmem>> -> memref<1x8x256xf32, #tpu.memory_space<vmem>>
      %dma_start3A_405 = tpu.memref_squeeze %dma_start3A_404 : memref<1x8x256xf32, #tpu.memory_space<vmem>> -> memref<8x256xf32, #tpu.memory_space<vmem>>
      %dma_start3A_406 = arith.constant 0 : i32
      %dma_start3A_407 = tpu.memref_slice %arg2[%arg0, %dma_start3A_393, %add3A_392, %dma_start3A_406] : memref<2x4x256x256xf32, #tpu.memory_space<hbm>> -> memref<1x1x8x256xf32, #tpu.memory_space<hbm>>
      %dma_start3A_408 = tpu.memref_squeeze %dma_start3A_407 : memref<1x1x8x256xf32, #tpu.memory_space<hbm>> -> memref<8x256xf32, #tpu.memory_space<hbm>>
      tpu.enqueue_dma source(%dma_start3A_408 : memref<8x256xf32, #tpu.memory_space<hbm>>) target(%dma_start3A_405 : memref<8x256xf32, #tpu.memory_space<vmem>>) target_semaphore(%arg24 : memref<!tpu.dma_semaphore, #tpu.memory_space<semaphore_mem>>)
      %add3A_409 = arith.constant 16 : i32
      %add3A_410 = arith.addi %mul3A_0, %add3A_409 : i32
      %dma_start3A_411 = arith.constant 2 : i32
      %dma_start3A_412 = arith.constant 2 : i32
      %dma_start3A_413 = arith.constant 16 : i32
      %dma_start3A_414 = arith.constant 0 : i32
      %dma_start3A_415 = tpu.memref_slice %arg6[%dma_start3A_412, %dma_start3A_413, %dma_start3A_414] : memref<8x24x256xf32, #tpu.memory_space<vmem>> -> memref<1x8x256xf32, #tpu.memory_space<vmem>>
      %dma_start3A_416 = tpu.memref_squeeze %dma_start3A_415 : memref<1x8x256xf32, #tpu.memory_space<vmem>> -> memref<8x256xf32, #tpu.memory_space<vmem>>
      %dma_start3A_417 = arith.constant 0 : i32
      %dma_start3A_418 = tpu.memref_slice %arg2[%arg0, %dma_start3A_411, %add3A_410, %dma_start3A_417] : memref<2x4x256x256xf32, #tpu.memory_space<hbm>> -> memref<1x1x8x256xf32, #tpu.memory_space<hbm>>
      %dma_start3A_419 = tpu.memref_squeeze %dma_start3A_418 : memref<1x1x8x256xf32, #tpu.memory_space<hbm>> -> memref<8x256xf32, #tpu.memory_space<hbm>>
      %dma_start3A_420 = arith.constant 16 : i32
      %dma_start3A_421 = arith.constant 0 : i32
      %dma_start3A_422 = tpu.memref_slice %arg6[%dma_start3A_412, %dma_start3A_420, %dma_start3A_421] : memref<8x24x256xf32, #tpu.memory_space<vmem>> -> memref<1x8x256xf32, #tpu.memory_space<vmem>>
      %dma_start3A_423 = tpu.memref_squeeze %dma_start3A_422 : memref<1x8x256xf32, #tpu.memory_space<vmem>> -> memref<8x256xf32, #tpu.memory_space<vmem>>
      %dma_start3A_424 = arith.constant 0 : i32
      %dma_start3A_425 = tpu.memref_slice %arg2[%arg0, %dma_start3A_411, %add3A_410, %dma_start3A_424] : memref<2x4x256x256xf32, #tpu.memory_space<hbm>> -> memref<1x1x8x256xf32, #tpu.memory_space<hbm>>
      %dma_start3A_426 = tpu.memref_squeeze %dma_start3A_425 : memref<1x1x8x256xf32, #tpu.memory_space<hbm>> -> memref<8x256xf32, #tpu.memory_space<hbm>>
      tpu.enqueue_dma source(%dma_start3A_426 : memref<8x256xf32, #tpu.memory_space<hbm>>) target(%dma_start3A_423 : memref<8x256xf32, #tpu.memory_space<vmem>>) target_semaphore(%arg24 : memref<!tpu.dma_semaphore, #tpu.memory_space<semaphore_mem>>)
      %add3A_427 = arith.constant 16 : i32
      %add3A_428 = arith.addi %mul3A_0, %add3A_427 : i32
      %dma_start3A_429 = arith.constant 3 : i32
      %dma_start3A_430 = arith.constant 3 : i32
      %dma_start3A_431 = arith.constant 16 : i32
      %dma_start3A_432 = arith.constant 0 : i32
      %dma_start3A_433 = tpu.memref_slice %arg6[%dma_start3A_430, %dma_start3A_431, %dma_start3A_432] : memref<8x24x256xf32, #tpu.memory_space<vmem>> -> memref<1x8x256xf32, #tpu.memory_space<vmem>>
      %dma_start3A_434 = tpu.memref_squeeze %dma_start3A_433 : memref<1x8x256xf32, #tpu.memory_space<vmem>> -> memref<8x256xf32, #tpu.memory_space<vmem>>
      %dma_start3A_435 = arith.constant 0 : i32
      %dma_start3A_436 = tpu.memref_slice %arg2[%arg0, %dma_start3A_429, %add3A_428, %dma_start3A_435] : memref<2x4x256x256xf32, #tpu.memory_space<hbm>> -> memref<1x1x8x256xf32, #tpu.memory_space<hbm>>
      %dma_start3A_437 = tpu.memref_squeeze %dma_start3A_436 : memref<1x1x8x256xf32, #tpu.memory_space<hbm>> -> memref<8x256xf32, #tpu.memory_space<hbm>>
      %dma_start3A_438 = arith.constant 16 : i32
      %dma_start3A_439 = arith.constant 0 : i32
      %dma_start3A_440 = tpu.memref_slice %arg6[%dma_start3A_430, %dma_start3A_438, %dma_start3A_439] : memref<8x24x256xf32, #tpu.memory_space<vmem>> -> memref<1x8x256xf32, #tpu.memory_space<vmem>>
      %dma_start3A_441 = tpu.memref_squeeze %dma_start3A_440 : memref<1x8x256xf32, #tpu.memory_space<vmem>> -> memref<8x256xf32, #tpu.memory_space<vmem>>
      %dma_start3A_442 = arith.constant 0 : i32
      %dma_start3A_443 = tpu.memref_slice %arg2[%arg0, %dma_start3A_429, %add3A_428, %dma_start3A_442] : memref<2x4x256x256xf32, #tpu.memory_space<hbm>> -> memref<1x1x8x256xf32, #tpu.memory_space<hbm>>
      %dma_start3A_444 = tpu.memref_squeeze %dma_start3A_443 : memref<1x1x8x256xf32, #tpu.memory_space<hbm>> -> memref<8x256xf32, #tpu.memory_space<hbm>>
      tpu.enqueue_dma source(%dma_start3A_444 : memref<8x256xf32, #tpu.memory_space<hbm>>) target(%dma_start3A_441 : memref<8x256xf32, #tpu.memory_space<vmem>>) target_semaphore(%arg24 : memref<!tpu.dma_semaphore, #tpu.memory_space<semaphore_mem>>)
      %add3A_445 = arith.constant 16 : i32
      %add3A_446 = arith.addi %mul3A_0, %add3A_445 : i32
      %dma_start3A_447 = arith.constant 1 : i32
      %dma_start3A_448 = arith.constant 4 : i32
      %dma_start3A_449 = arith.constant 16 : i32
      %dma_start3A_450 = arith.constant 0 : i32
      %dma_start3A_451 = tpu.memref_slice %arg6[%dma_start3A_448, %dma_start3A_449, %dma_start3A_450] : memref<8x24x256xf32, #tpu.memory_space<vmem>> -> memref<1x8x256xf32, #tpu.memory_space<vmem>>
      %dma_start3A_452 = tpu.memref_squeeze %dma_start3A_451 : memref<1x8x256xf32, #tpu.memory_space<vmem>> -> memref<8x256xf32, #tpu.memory_space<vmem>>
      %dma_start3A_453 = arith.constant 0 : i32
      %dma_start3A_454 = tpu.memref_slice %arg3[%arg0, %dma_start3A_447, %add3A_446, %dma_start3A_453] : memref<2x5x256x256xf32, #tpu.memory_space<hbm>> -> memref<1x1x8x256xf32, #tpu.memory_space<hbm>>
      %dma_start3A_455 = tpu.memref_squeeze %dma_start3A_454 : memref<1x1x8x256xf32, #tpu.memory_space<hbm>> -> memref<8x256xf32, #tpu.memory_space<hbm>>
      %dma_start3A_456 = arith.constant 16 : i32
      %dma_start3A_457 = arith.constant 0 : i32
      %dma_start3A_458 = tpu.memref_slice %arg6[%dma_start3A_448, %dma_start3A_456, %dma_start3A_457] : memref<8x24x256xf32, #tpu.memory_space<vmem>> -> memref<1x8x256xf32, #tpu.memory_space<vmem>>
      %dma_start3A_459 = tpu.memref_squeeze %dma_start3A_458 : memref<1x8x256xf32, #tpu.memory_space<vmem>> -> memref<8x256xf32, #tpu.memory_space<vmem>>
      %dma_start3A_460 = arith.constant 0 : i32
      %dma_start3A_461 = tpu.memref_slice %arg3[%arg0, %dma_start3A_447, %add3A_446, %dma_start3A_460] : memref<2x5x256x256xf32, #tpu.memory_space<hbm>> -> memref<1x1x8x256xf32, #tpu.memory_space<hbm>>
      %dma_start3A_462 = tpu.memref_squeeze %dma_start3A_461 : memref<1x1x8x256xf32, #tpu.memory_space<hbm>> -> memref<8x256xf32, #tpu.memory_space<hbm>>
      tpu.enqueue_dma source(%dma_start3A_462 : memref<8x256xf32, #tpu.memory_space<hbm>>) target(%dma_start3A_459 : memref<8x256xf32, #tpu.memory_space<vmem>>) target_semaphore(%arg24 : memref<!tpu.dma_semaphore, #tpu.memory_space<semaphore_mem>>)
      %add3A_463 = arith.constant 16 : i32
      %add3A_464 = arith.addi %mul3A_0, %add3A_463 : i32
      %dma_start3A_465 = arith.constant 2 : i32
      %dma_start3A_466 = arith.constant 5 : i32
      %dma_start3A_467 = arith.constant 16 : i32
      %dma_start3A_468 = arith.constant 0 : i32
      %dma_start3A_469 = tpu.memref_slice %arg6[%dma_start3A_466, %dma_start3A_467, %dma_start3A_468] : memref<8x24x256xf32, #tpu.memory_space<vmem>> -> memref<1x8x256xf32, #tpu.memory_space<vmem>>
      %dma_start3A_470 = tpu.memref_squeeze %dma_start3A_469 : memref<1x8x256xf32, #tpu.memory_space<vmem>> -> memref<8x256xf32, #tpu.memory_space<vmem>>
      %dma_start3A_471 = arith.constant 0 : i32
      %dma_start3A_472 = tpu.memref_slice %arg3[%arg0, %dma_start3A_465, %add3A_464, %dma_start3A_471] : memref<2x5x256x256xf32, #tpu.memory_space<hbm>> -> memref<1x1x8x256xf32, #tpu.memory_space<hbm>>
      %dma_start3A_473 = tpu.memref_squeeze %dma_start3A_472 : memref<1x1x8x256xf32, #tpu.memory_space<hbm>> -> memref<8x256xf32, #tpu.memory_space<hbm>>
      %dma_start3A_474 = arith.constant 16 : i32
      %dma_start3A_475 = arith.constant 0 : i32
      %dma_start3A_476 = tpu.memref_slice %arg6[%dma_start3A_466, %dma_start3A_474, %dma_start3A_475] : memref<8x24x256xf32, #tpu.memory_space<vmem>> -> memref<1x8x256xf32, #tpu.memory_space<vmem>>
      %dma_start3A_477 = tpu.memref_squeeze %dma_start3A_476 : memref<1x8x256xf32, #tpu.memory_space<vmem>> -> memref<8x256xf32, #tpu.memory_space<vmem>>
      %dma_start3A_478 = arith.constant 0 : i32
      %dma_start3A_479 = tpu.memref_slice %arg3[%arg0, %dma_start3A_465, %add3A_464, %dma_start3A_478] : memref<2x5x256x256xf32, #tpu.memory_space<hbm>> -> memref<1x1x8x256xf32, #tpu.memory_space<hbm>>
      %dma_start3A_480 = tpu.memref_squeeze %dma_start3A_479 : memref<1x1x8x256xf32, #tpu.memory_space<hbm>> -> memref<8x256xf32, #tpu.memory_space<hbm>>
      tpu.enqueue_dma source(%dma_start3A_480 : memref<8x256xf32, #tpu.memory_space<hbm>>) target(%dma_start3A_477 : memref<8x256xf32, #tpu.memory_space<vmem>>) target_semaphore(%arg24 : memref<!tpu.dma_semaphore, #tpu.memory_space<semaphore_mem>>)
      %add3A_481 = arith.constant 16 : i32
      %add3A_482 = arith.addi %mul3A_0, %add3A_481 : i32
      %dma_start3A_483 = arith.constant 3 : i32
      %dma_start3A_484 = arith.constant 6 : i32
      %dma_start3A_485 = arith.constant 16 : i32
      %dma_start3A_486 = arith.constant 0 : i32
      %dma_start3A_487 = tpu.memref_slice %arg6[%dma_start3A_484, %dma_start3A_485, %dma_start3A_486] : memref<8x24x256xf32, #tpu.memory_space<vmem>> -> memref<1x8x256xf32, #tpu.memory_space<vmem>>
      %dma_start3A_488 = tpu.memref_squeeze %dma_start3A_487 : memref<1x8x256xf32, #tpu.memory_space<vmem>> -> memref<8x256xf32, #tpu.memory_space<vmem>>
      %dma_start3A_489 = arith.constant 0 : i32
      %dma_start3A_490 = tpu.memref_slice %arg3[%arg0, %dma_start3A_483, %add3A_482, %dma_start3A_489] : memref<2x5x256x256xf32, #tpu.memory_space<hbm>> -> memref<1x1x8x256xf32, #tpu.memory_space<hbm>>
      %dma_start3A_491 = tpu.memref_squeeze %dma_start3A_490 : memref<1x1x8x256xf32, #tpu.memory_space<hbm>> -> memref<8x256xf32, #tpu.memory_space<hbm>>
      %dma_start3A_492 = arith.constant 16 : i32
      %dma_start3A_493 = arith.constant 0 : i32
      %dma_start3A_494 = tpu.memref_slice %arg6[%dma_start3A_484, %dma_start3A_492, %dma_start3A_493] : memref<8x24x256xf32, #tpu.memory_space<vmem>> -> memref<1x8x256xf32, #tpu.memory_space<vmem>>
      %dma_start3A_495 = tpu.memref_squeeze %dma_start3A_494 : memref<1x8x256xf32, #tpu.memory_space<vmem>> -> memref<8x256xf32, #tpu.memory_space<vmem>>
      %dma_start3A_496 = arith.constant 0 : i32
      %dma_start3A_497 = tpu.memref_slice %arg3[%arg0, %dma_start3A_483, %add3A_482, %dma_start3A_496] : memref<2x5x256x256xf32, #tpu.memory_space<hbm>> -> memref<1x1x8x256xf32, #tpu.memory_space<hbm>>
      %dma_start3A_498 = tpu.memref_squeeze %dma_start3A_497 : memref<1x1x8x256xf32, #tpu.memory_space<hbm>> -> memref<8x256xf32, #tpu.memory_space<hbm>>
      tpu.enqueue_dma source(%dma_start3A_498 : memref<8x256xf32, #tpu.memory_space<hbm>>) target(%dma_start3A_495 : memref<8x256xf32, #tpu.memory_space<vmem>>) target_semaphore(%arg24 : memref<!tpu.dma_semaphore, #tpu.memory_space<semaphore_mem>>)
      %add3A_499 = arith.constant 16 : i32
      %add3A_500 = arith.addi %mul3A_0, %add3A_499 : i32
      %dma_start3A_501 = arith.constant 4 : i32
      %dma_start3A_502 = arith.constant 7 : i32
      %dma_start3A_503 = arith.constant 16 : i32
      %dma_start3A_504 = arith.constant 0 : i32
      %dma_start3A_505 = tpu.memref_slice %arg6[%dma_start3A_502, %dma_start3A_503, %dma_start3A_504] : memref<8x24x256xf32, #tpu.memory_space<vmem>> -> memref<1x8x256xf32, #tpu.memory_space<vmem>>
      %dma_start3A_506 = tpu.memref_squeeze %dma_start3A_505 : memref<1x8x256xf32, #tpu.memory_space<vmem>> -> memref<8x256xf32, #tpu.memory_space<vmem>>
      %dma_start3A_507 = arith.constant 0 : i32
      %dma_start3A_508 = tpu.memref_slice %arg3[%arg0, %dma_start3A_501, %add3A_500, %dma_start3A_507] : memref<2x5x256x256xf32, #tpu.memory_space<hbm>> -> memref<1x1x8x256xf32, #tpu.memory_space<hbm>>
      %dma_start3A_509 = tpu.memref_squeeze %dma_start3A_508 : memref<1x1x8x256xf32, #tpu.memory_space<hbm>> -> memref<8x256xf32, #tpu.memory_space<hbm>>
      %dma_start3A_510 = arith.constant 16 : i32
      %dma_start3A_511 = arith.constant 0 : i32
      %dma_start3A_512 = tpu.memref_slice %arg6[%dma_start3A_502, %dma_start3A_510, %dma_start3A_511] : memref<8x24x256xf32, #tpu.memory_space<vmem>> -> memref<1x8x256xf32, #tpu.memory_space<vmem>>
      %dma_start3A_513 = tpu.memref_squeeze %dma_start3A_512 : memref<1x8x256xf32, #tpu.memory_space<vmem>> -> memref<8x256xf32, #tpu.memory_space<vmem>>
      %dma_start3A_514 = arith.constant 0 : i32
      %dma_start3A_515 = tpu.memref_slice %arg3[%arg0, %dma_start3A_501, %add3A_500, %dma_start3A_514] : memref<2x5x256x256xf32, #tpu.memory_space<hbm>> -> memref<1x1x8x256xf32, #tpu.memory_space<hbm>>
      %dma_start3A_516 = tpu.memref_squeeze %dma_start3A_515 : memref<1x1x8x256xf32, #tpu.memory_space<hbm>> -> memref<8x256xf32, #tpu.memory_space<hbm>>
      tpu.enqueue_dma source(%dma_start3A_516 : memref<8x256xf32, #tpu.memory_space<hbm>>) target(%dma_start3A_513 : memref<8x256xf32, #tpu.memory_space<vmem>>) target_semaphore(%arg24 : memref<!tpu.dma_semaphore, #tpu.memory_space<semaphore_mem>>)
      %dma_wait3A_517 = arith.constant 0 : i32
      %dma_wait3A_518 = arith.constant 0 : i32
      %dma_wait3A_519 = arith.constant 16 : i32
      %dma_wait3A_520 = arith.constant 0 : i32
      %dma_wait3A_521 = tpu.memref_slice %arg6[%dma_wait3A_518, %dma_wait3A_519, %dma_wait3A_520] : memref<8x24x256xf32, #tpu.memory_space<vmem>> -> memref<1x8x256xf32, #tpu.memory_space<vmem>>
      %dma_wait3A_522 = tpu.memref_squeeze %dma_wait3A_521 : memref<1x8x256xf32, #tpu.memory_space<vmem>> -> memref<8x256xf32, #tpu.memory_space<vmem>>
      %dma_wait3A_523 = arith.constant 0 : i32
      %dma_wait3A_524 = tpu.memref_slice %arg2[%arg0, %dma_wait3A_517, %add3A_374, %dma_wait3A_523] : memref<2x4x256x256xf32, #tpu.memory_space<hbm>> -> memref<1x1x8x256xf32, #tpu.memory_space<hbm>>
      %dma_wait3A_525 = tpu.memref_squeeze %dma_wait3A_524 : memref<1x1x8x256xf32, #tpu.memory_space<hbm>> -> memref<8x256xf32, #tpu.memory_space<hbm>>
      %dma_wait3A_526 = arith.constant 16 : i32
      %dma_wait3A_527 = arith.constant 0 : i32
      %dma_wait3A_528 = tpu.memref_slice %arg6[%dma_wait3A_518, %dma_wait3A_526, %dma_wait3A_527] : memref<8x24x256xf32, #tpu.memory_space<vmem>> -> memref<1x8x256xf32, #tpu.memory_space<vmem>>
      %dma_wait3A_529 = tpu.memref_squeeze %dma_wait3A_528 : memref<1x8x256xf32, #tpu.memory_space<vmem>> -> memref<8x256xf32, #tpu.memory_space<vmem>>
      %dma_wait3A_530 = arith.constant 0 : i32
      %dma_wait3A_531 = tpu.memref_slice %arg2[%arg0, %dma_wait3A_517, %add3A_374, %dma_wait3A_530] : memref<2x4x256x256xf32, #tpu.memory_space<hbm>> -> memref<1x1x8x256xf32, #tpu.memory_space<hbm>>
      %dma_wait3A_532 = tpu.memref_squeeze %dma_wait3A_531 : memref<1x1x8x256xf32, #tpu.memory_space<hbm>> -> memref<8x256xf32, #tpu.memory_space<hbm>>
      tpu.wait_dma2 semaphore(%arg24 : memref<!tpu.dma_semaphore, #tpu.memory_space<semaphore_mem>>) src(%dma_wait3A_532 : memref<8x256xf32, #tpu.memory_space<hbm>>) dst(%dma_wait3A_529 : memref<8x256xf32, #tpu.memory_space<vmem>>)
      %dma_wait3A_533 = arith.constant 1 : i32
      %dma_wait3A_534 = arith.constant 1 : i32
      %dma_wait3A_535 = arith.constant 16 : i32
      %dma_wait3A_536 = arith.constant 0 : i32
      %dma_wait3A_537 = tpu.memref_slice %arg6[%dma_wait3A_534, %dma_wait3A_535, %dma_wait3A_536] : memref<8x24x256xf32, #tpu.memory_space<vmem>> -> memref<1x8x256xf32, #tpu.memory_space<vmem>>
      %dma_wait3A_538 = tpu.memref_squeeze %dma_wait3A_537 : memref<1x8x256xf32, #tpu.memory_space<vmem>> -> memref<8x256xf32, #tpu.memory_space<vmem>>
      %dma_wait3A_539 = arith.constant 0 : i32
      %dma_wait3A_540 = tpu.memref_slice %arg2[%arg0, %dma_wait3A_533, %add3A_392, %dma_wait3A_539] : memref<2x4x256x256xf32, #tpu.memory_space<hbm>> -> memref<1x1x8x256xf32, #tpu.memory_space<hbm>>
      %dma_wait3A_541 = tpu.memref_squeeze %dma_wait3A_540 : memref<1x1x8x256xf32, #tpu.memory_space<hbm>> -> memref<8x256xf32, #tpu.memory_space<hbm>>
      %dma_wait3A_542 = arith.constant 16 : i32
      %dma_wait3A_543 = arith.constant 0 : i32
      %dma_wait3A_544 = tpu.memref_slice %arg6[%dma_wait3A_534, %dma_wait3A_542, %dma_wait3A_543] : memref<8x24x256xf32, #tpu.memory_space<vmem>> -> memref<1x8x256xf32, #tpu.memory_space<vmem>>
      %dma_wait3A_545 = tpu.memref_squeeze %dma_wait3A_544 : memref<1x8x256xf32, #tpu.memory_space<vmem>> -> memref<8x256xf32, #tpu.memory_space<vmem>>
      %dma_wait3A_546 = arith.constant 0 : i32
      %dma_wait3A_547 = tpu.memref_slice %arg2[%arg0, %dma_wait3A_533, %add3A_392, %dma_wait3A_546] : memref<2x4x256x256xf32, #tpu.memory_space<hbm>> -> memref<1x1x8x256xf32, #tpu.memory_space<hbm>>
      %dma_wait3A_548 = tpu.memref_squeeze %dma_wait3A_547 : memref<1x1x8x256xf32, #tpu.memory_space<hbm>> -> memref<8x256xf32, #tpu.memory_space<hbm>>
      tpu.wait_dma2 semaphore(%arg24 : memref<!tpu.dma_semaphore, #tpu.memory_space<semaphore_mem>>) src(%dma_wait3A_548 : memref<8x256xf32, #tpu.memory_space<hbm>>) dst(%dma_wait3A_545 : memref<8x256xf32, #tpu.memory_space<vmem>>)
      %dma_wait3A_549 = arith.constant 2 : i32
      %dma_wait3A_550 = arith.constant 2 : i32
      %dma_wait3A_551 = arith.constant 16 : i32
      %dma_wait3A_552 = arith.constant 0 : i32
      %dma_wait3A_553 = tpu.memref_slice %arg6[%dma_wait3A_550, %dma_wait3A_551, %dma_wait3A_552] : memref<8x24x256xf32, #tpu.memory_space<vmem>> -> memref<1x8x256xf32, #tpu.memory_space<vmem>>
      %dma_wait3A_554 = tpu.memref_squeeze %dma_wait3A_553 : memref<1x8x256xf32, #tpu.memory_space<vmem>> -> memref<8x256xf32, #tpu.memory_space<vmem>>
      %dma_wait3A_555 = arith.constant 0 : i32
      %dma_wait3A_556 = tpu.memref_slice %arg2[%arg0, %dma_wait3A_549, %add3A_410, %dma_wait3A_555] : memref<2x4x256x256xf32, #tpu.memory_space<hbm>> -> memref<1x1x8x256xf32, #tpu.memory_space<hbm>>
      %dma_wait3A_557 = tpu.memref_squeeze %dma_wait3A_556 : memref<1x1x8x256xf32, #tpu.memory_space<hbm>> -> memref<8x256xf32, #tpu.memory_space<hbm>>
      %dma_wait3A_558 = arith.constant 16 : i32
      %dma_wait3A_559 = arith.constant 0 : i32
      %dma_wait3A_560 = tpu.memref_slice %arg6[%dma_wait3A_550, %dma_wait3A_558, %dma_wait3A_559] : memref<8x24x256xf32, #tpu.memory_space<vmem>> -> memref<1x8x256xf32, #tpu.memory_space<vmem>>
      %dma_wait3A_561 = tpu.memref_squeeze %dma_wait3A_560 : memref<1x8x256xf32, #tpu.memory_space<vmem>> -> memref<8x256xf32, #tpu.memory_space<vmem>>
      %dma_wait3A_562 = arith.constant 0 : i32
      %dma_wait3A_563 = tpu.memref_slice %arg2[%arg0, %dma_wait3A_549, %add3A_410, %dma_wait3A_562] : memref<2x4x256x256xf32, #tpu.memory_space<hbm>> -> memref<1x1x8x256xf32, #tpu.memory_space<hbm>>
      %dma_wait3A_564 = tpu.memref_squeeze %dma_wait3A_563 : memref<1x1x8x256xf32, #tpu.memory_space<hbm>> -> memref<8x256xf32, #tpu.memory_space<hbm>>
      tpu.wait_dma2 semaphore(%arg24 : memref<!tpu.dma_semaphore, #tpu.memory_space<semaphore_mem>>) src(%dma_wait3A_564 : memref<8x256xf32, #tpu.memory_space<hbm>>) dst(%dma_wait3A_561 : memref<8x256xf32, #tpu.memory_space<vmem>>)
      %dma_wait3A_565 = arith.constant 3 : i32
      %dma_wait3A_566 = arith.constant 3 : i32
      %dma_wait3A_567 = arith.constant 16 : i32
      %dma_wait3A_568 = arith.constant 0 : i32
      %dma_wait3A_569 = tpu.memref_slice %arg6[%dma_wait3A_566, %dma_wait3A_567, %dma_wait3A_568] : memref<8x24x256xf32, #tpu.memory_space<vmem>> -> memref<1x8x256xf32, #tpu.memory_space<vmem>>
      %dma_wait3A_570 = tpu.memref_squeeze %dma_wait3A_569 : memref<1x8x256xf32, #tpu.memory_space<vmem>> -> memref<8x256xf32, #tpu.memory_space<vmem>>
      %dma_wait3A_571 = arith.constant 0 : i32
      %dma_wait3A_572 = tpu.memref_slice %arg2[%arg0, %dma_wait3A_565, %add3A_428, %dma_wait3A_571] : memref<2x4x256x256xf32, #tpu.memory_space<hbm>> -> memref<1x1x8x256xf32, #tpu.memory_space<hbm>>
      %dma_wait3A_573 = tpu.memref_squeeze %dma_wait3A_572 : memref<1x1x8x256xf32, #tpu.memory_space<hbm>> -> memref<8x256xf32, #tpu.memory_space<hbm>>
      %dma_wait3A_574 = arith.constant 16 : i32
      %dma_wait3A_575 = arith.constant 0 : i32
      %dma_wait3A_576 = tpu.memref_slice %arg6[%dma_wait3A_566, %dma_wait3A_574, %dma_wait3A_575] : memref<8x24x256xf32, #tpu.memory_space<vmem>> -> memref<1x8x256xf32, #tpu.memory_space<vmem>>
      %dma_wait3A_577 = tpu.memref_squeeze %dma_wait3A_576 : memref<1x8x256xf32, #tpu.memory_space<vmem>> -> memref<8x256xf32, #tpu.memory_space<vmem>>
      %dma_wait3A_578 = arith.constant 0 : i32
      %dma_wait3A_579 = tpu.memref_slice %arg2[%arg0, %dma_wait3A_565, %add3A_428, %dma_wait3A_578] : memref<2x4x256x256xf32, #tpu.memory_space<hbm>> -> memref<1x1x8x256xf32, #tpu.memory_space<hbm>>
      %dma_wait3A_580 = tpu.memref_squeeze %dma_wait3A_579 : memref<1x1x8x256xf32, #tpu.memory_space<hbm>> -> memref<8x256xf32, #tpu.memory_space<hbm>>
      tpu.wait_dma2 semaphore(%arg24 : memref<!tpu.dma_semaphore, #tpu.memory_space<semaphore_mem>>) src(%dma_wait3A_580 : memref<8x256xf32, #tpu.memory_space<hbm>>) dst(%dma_wait3A_577 : memref<8x256xf32, #tpu.memory_space<vmem>>)
      %dma_wait3A_581 = arith.constant 1 : i32
      %dma_wait3A_582 = arith.constant 4 : i32
      %dma_wait3A_583 = arith.constant 16 : i32
      %dma_wait3A_584 = arith.constant 0 : i32
      %dma_wait3A_585 = tpu.memref_slice %arg6[%dma_wait3A_582, %dma_wait3A_583, %dma_wait3A_584] : memref<8x24x256xf32, #tpu.memory_space<vmem>> -> memref<1x8x256xf32, #tpu.memory_space<vmem>>
      %dma_wait3A_586 = tpu.memref_squeeze %dma_wait3A_585 : memref<1x8x256xf32, #tpu.memory_space<vmem>> -> memref<8x256xf32, #tpu.memory_space<vmem>>
      %dma_wait3A_587 = arith.constant 0 : i32
      %dma_wait3A_588 = tpu.memref_slice %arg3[%arg0, %dma_wait3A_581, %add3A_446, %dma_wait3A_587] : memref<2x5x256x256xf32, #tpu.memory_space<hbm>> -> memref<1x1x8x256xf32, #tpu.memory_space<hbm>>
      %dma_wait3A_589 = tpu.memref_squeeze %dma_wait3A_588 : memref<1x1x8x256xf32, #tpu.memory_space<hbm>> -> memref<8x256xf32, #tpu.memory_space<hbm>>
      %dma_wait3A_590 = arith.constant 16 : i32
      %dma_wait3A_591 = arith.constant 0 : i32
      %dma_wait3A_592 = tpu.memref_slice %arg6[%dma_wait3A_582, %dma_wait3A_590, %dma_wait3A_591] : memref<8x24x256xf32, #tpu.memory_space<vmem>> -> memref<1x8x256xf32, #tpu.memory_space<vmem>>
      %dma_wait3A_593 = tpu.memref_squeeze %dma_wait3A_592 : memref<1x8x256xf32, #tpu.memory_space<vmem>> -> memref<8x256xf32, #tpu.memory_space<vmem>>
      %dma_wait3A_594 = arith.constant 0 : i32
      %dma_wait3A_595 = tpu.memref_slice %arg3[%arg0, %dma_wait3A_581, %add3A_446, %dma_wait3A_594] : memref<2x5x256x256xf32, #tpu.memory_space<hbm>> -> memref<1x1x8x256xf32, #tpu.memory_space<hbm>>
      %dma_wait3A_596 = tpu.memref_squeeze %dma_wait3A_595 : memref<1x1x8x256xf32, #tpu.memory_space<hbm>> -> memref<8x256xf32, #tpu.memory_space<hbm>>
      tpu.wait_dma2 semaphore(%arg24 : memref<!tpu.dma_semaphore, #tpu.memory_space<semaphore_mem>>) src(%dma_wait3A_596 : memref<8x256xf32, #tpu.memory_space<hbm>>) dst(%dma_wait3A_593 : memref<8x256xf32, #tpu.memory_space<vmem>>)
      %dma_wait3A_597 = arith.constant 2 : i32
      %dma_wait3A_598 = arith.constant 5 : i32
      %dma_wait3A_599 = arith.constant 16 : i32
      %dma_wait3A_600 = arith.constant 0 : i32
      %dma_wait3A_601 = tpu.memref_slice %arg6[%dma_wait3A_598, %dma_wait3A_599, %dma_wait3A_600] : memref<8x24x256xf32, #tpu.memory_space<vmem>> -> memref<1x8x256xf32, #tpu.memory_space<vmem>>
      %dma_wait3A_602 = tpu.memref_squeeze %dma_wait3A_601 : memref<1x8x256xf32, #tpu.memory_space<vmem>> -> memref<8x256xf32, #tpu.memory_space<vmem>>
      %dma_wait3A_603 = arith.constant 0 : i32
      %dma_wait3A_604 = tpu.memref_slice %arg3[%arg0, %dma_wait3A_597, %add3A_464, %dma_wait3A_603] : memref<2x5x256x256xf32, #tpu.memory_space<hbm>> -> memref<1x1x8x256xf32, #tpu.memory_space<hbm>>
      %dma_wait3A_605 = tpu.memref_squeeze %dma_wait3A_604 : memref<1x1x8x256xf32, #tpu.memory_space<hbm>> -> memref<8x256xf32, #tpu.memory_space<hbm>>
      %dma_wait3A_606 = arith.constant 16 : i32
      %dma_wait3A_607 = arith.constant 0 : i32
      %dma_wait3A_608 = tpu.memref_slice %arg6[%dma_wait3A_598, %dma_wait3A_606, %dma_wait3A_607] : memref<8x24x256xf32, #tpu.memory_space<vmem>> -> memref<1x8x256xf32, #tpu.memory_space<vmem>>
      %dma_wait3A_609 = tpu.memref_squeeze %dma_wait3A_608 : memref<1x8x256xf32, #tpu.memory_space<vmem>> -> memref<8x256xf32, #tpu.memory_space<vmem>>
      %dma_wait3A_610 = arith.constant 0 : i32
      %dma_wait3A_611 = tpu.memref_slice %arg3[%arg0, %dma_wait3A_597, %add3A_464, %dma_wait3A_610] : memref<2x5x256x256xf32, #tpu.memory_space<hbm>> -> memref<1x1x8x256xf32, #tpu.memory_space<hbm>>
      %dma_wait3A_612 = tpu.memref_squeeze %dma_wait3A_611 : memref<1x1x8x256xf32, #tpu.memory_space<hbm>> -> memref<8x256xf32, #tpu.memory_space<hbm>>
      tpu.wait_dma2 semaphore(%arg24 : memref<!tpu.dma_semaphore, #tpu.memory_space<semaphore_mem>>) src(%dma_wait3A_612 : memref<8x256xf32, #tpu.memory_space<hbm>>) dst(%dma_wait3A_609 : memref<8x256xf32, #tpu.memory_space<vmem>>)
      %dma_wait3A_613 = arith.constant 3 : i32
      %dma_wait3A_614 = arith.constant 6 : i32
      %dma_wait3A_615 = arith.constant 16 : i32
      %dma_wait3A_616 = arith.constant 0 : i32
      %dma_wait3A_617 = tpu.memref_slice %arg6[%dma_wait3A_614, %dma_wait3A_615, %dma_wait3A_616] : memref<8x24x256xf32, #tpu.memory_space<vmem>> -> memref<1x8x256xf32, #tpu.memory_space<vmem>>
      %dma_wait3A_618 = tpu.memref_squeeze %dma_wait3A_617 : memref<1x8x256xf32, #tpu.memory_space<vmem>> -> memref<8x256xf32, #tpu.memory_space<vmem>>
      %dma_wait3A_619 = arith.constant 0 : i32
      %dma_wait3A_620 = tpu.memref_slice %arg3[%arg0, %dma_wait3A_613, %add3A_482, %dma_wait3A_619] : memref<2x5x256x256xf32, #tpu.memory_space<hbm>> -> memref<1x1x8x256xf32, #tpu.memory_space<hbm>>
      %dma_wait3A_621 = tpu.memref_squeeze %dma_wait3A_620 : memref<1x1x8x256xf32, #tpu.memory_space<hbm>> -> memref<8x256xf32, #tpu.memory_space<hbm>>
      %dma_wait3A_622 = arith.constant 16 : i32
      %dma_wait3A_623 = arith.constant 0 : i32
      %dma_wait3A_624 = tpu.memref_slice %arg6[%dma_wait3A_614, %dma_wait3A_622, %dma_wait3A_623] : memref<8x24x256xf32, #tpu.memory_space<vmem>> -> memref<1x8x256xf32, #tpu.memory_space<vmem>>
      %dma_wait3A_625 = tpu.memref_squeeze %dma_wait3A_624 : memref<1x8x256xf32, #tpu.memory_space<vmem>> -> memref<8x256xf32, #tpu.memory_space<vmem>>
      %dma_wait3A_626 = arith.constant 0 : i32
      %dma_wait3A_627 = tpu.memref_slice %arg3[%arg0, %dma_wait3A_613, %add3A_482, %dma_wait3A_626] : memref<2x5x256x256xf32, #tpu.memory_space<hbm>> -> memref<1x1x8x256xf32, #tpu.memory_space<hbm>>
      %dma_wait3A_628 = tpu.memref_squeeze %dma_wait3A_627 : memref<1x1x8x256xf32, #tpu.memory_space<hbm>> -> memref<8x256xf32, #tpu.memory_space<hbm>>
      tpu.wait_dma2 semaphore(%arg24 : memref<!tpu.dma_semaphore, #tpu.memory_space<semaphore_mem>>) src(%dma_wait3A_628 : memref<8x256xf32, #tpu.memory_space<hbm>>) dst(%dma_wait3A_625 : memref<8x256xf32, #tpu.memory_space<vmem>>)
      %dma_wait3A_629 = arith.constant 4 : i32
      %dma_wait3A_630 = arith.constant 7 : i32
      %dma_wait3A_631 = arith.constant 16 : i32
      %dma_wait3A_632 = arith.constant 0 : i32
      %dma_wait3A_633 = tpu.memref_slice %arg6[%dma_wait3A_630, %dma_wait3A_631, %dma_wait3A_632] : memref<8x24x256xf32, #tpu.memory_space<vmem>> -> memref<1x8x256xf32, #tpu.memory_space<vmem>>
      %dma_wait3A_634 = tpu.memref_squeeze %dma_wait3A_633 : memref<1x8x256xf32, #tpu.memory_space<vmem>> -> memref<8x256xf32, #tpu.memory_space<vmem>>
      %dma_wait3A_635 = arith.constant 0 : i32
      %dma_wait3A_636 = tpu.memref_slice %arg3[%arg0, %dma_wait3A_629, %add3A_500, %dma_wait3A_635] : memref<2x5x256x256xf32, #tpu.memory_space<hbm>> -> memref<1x1x8x256xf32, #tpu.memory_space<hbm>>
      %dma_wait3A_637 = tpu.memref_squeeze %dma_wait3A_636 : memref<1x1x8x256xf32, #tpu.memory_space<hbm>> -> memref<8x256xf32, #tpu.memory_space<hbm>>
      %dma_wait3A_638 = arith.constant 16 : i32
      %dma_wait3A_639 = arith.constant 0 : i32
      %dma_wait3A_640 = tpu.memref_slice %arg6[%dma_wait3A_630, %dma_wait3A_638, %dma_wait3A_639] : memref<8x24x256xf32, #tpu.memory_space<vmem>> -> memref<1x8x256xf32, #tpu.memory_space<vmem>>
      %dma_wait3A_641 = tpu.memref_squeeze %dma_wait3A_640 : memref<1x8x256xf32, #tpu.memory_space<vmem>> -> memref<8x256xf32, #tpu.memory_space<vmem>>
      %dma_wait3A_642 = arith.constant 0 : i32
      %dma_wait3A_643 = tpu.memref_slice %arg3[%arg0, %dma_wait3A_629, %add3A_500, %dma_wait3A_642] : memref<2x5x256x256xf32, #tpu.memory_space<hbm>> -> memref<1x1x8x256xf32, #tpu.memory_space<hbm>>
      %dma_wait3A_644 = tpu.memref_squeeze %dma_wait3A_643 : memref<1x1x8x256xf32, #tpu.memory_space<hbm>> -> memref<8x256xf32, #tpu.memory_space<hbm>>
      tpu.wait_dma2 semaphore(%arg24 : memref<!tpu.dma_semaphore, #tpu.memory_space<semaphore_mem>>) src(%dma_wait3A_644 : memref<8x256xf32, #tpu.memory_space<hbm>>) dst(%dma_wait3A_641 : memref<8x256xf32, #tpu.memory_space<vmem>>)
    } else {
    }
    %eq3A = arith.constant 15 : i32
    %eq3A_174 = arith.cmpi eq, %arg1, %eq3A : i32
    %convert_element_type3A_175 = arith.extui %eq3A_174 : i1 to i32
    %cond3A_176 = arith.constant 0 : i32
    %cond3A_177 = arith.cmpi ne, %convert_element_type3A_175, %cond3A_176 : i32
    scf.if %cond3A_177 {
      %swap3A_373 = arith.constant 0 : i32
      %swap3A_374 = arith.constant 16 : i32
      %swap3A_375 = arith.index_cast %swap3A_373 : i32 to index
      %swap3A_376 = arith.index_cast %swap3A_374 : i32 to index
      %swap3A_377 = arith.constant 0 : index
      %swap3A_378 = tpu.vector_load %arg6[%swap3A_375, %swap3A_376, %swap3A_377] {strides = array<i32>} : memref<8x24x256xf32, #tpu.memory_space<vmem>>, vector<16xf32>,
      tpu.vector_store %arg6[%swap3A_375, %swap3A_376, %swap3A_377], %broadcast_in_dim3A_1 {strides = array<i32>} : memref<8x24x256xf32, #tpu.memory_space<vmem>>, vector<16xf32>,
      %swap3A_379 = arith.constant 0 : i32
      %swap3A_380 = arith.constant 16 : i32
      %swap3A_381 = arith.index_cast %swap3A_379 : i32 to index
      %swap3A_382 = arith.index_cast %swap3A_380 : i32 to index
      %swap3A_383 = arith.constant 16 : index
      %swap3A_384 = tpu.vector_load %arg6[%swap3A_381, %swap3A_382, %swap3A_383] {strides = array<i32>} : memref<8x24x256xf32, #tpu.memory_space<vmem>>, vector<16xf32>,
      tpu.vector_store %arg6[%swap3A_381, %swap3A_382, %swap3A_383], %broadcast_in_dim3A_1 {strides = array<i32>} : memref<8x24x256xf32, #tpu.memory_space<vmem>>, vector<16xf32>,
      %swap3A_385 = arith.constant 0 : i32
      %swap3A_386 = arith.constant 16 : i32
      %swap3A_387 = arith.index_cast %swap3A_385 : i32 to index
      %swap3A_388 = arith.index_cast %swap3A_386 : i32 to index
      %swap3A_389 = arith.constant 32 : index
      %swap3A_390 = tpu.vector_load %arg6[%swap3A_387, %swap3A_388, %swap3A_389] {strides = array<i32>} : memref<8x24x256xf32, #tpu.memory_space<vmem>>, vector<16xf32>,
      tpu.vector_store %arg6[%swap3A_387, %swap3A_388, %swap3A_389], %broadcast_in_dim3A_1 {strides = array<i32>} : memref<8x24x256xf32, #tpu.memory_space<vmem>>, vector<16xf32>,
      %swap3A_391 = arith.constant 0 : i32
      %swap3A_392 = arith.constant 16 : i32
      %swap3A_393 = arith.index_cast %swap3A_391 : i32 to index
      %swap3A_394 = arith.index_cast %swap3A_392 : i32 to index
      %swap3A_395 = arith.constant 48 : index
      %swap3A_396 = tpu.vector_load %arg6[%swap3A_393, %swap3A_394, %swap3A_395] {strides = array<i32>} : memref<8x24x256xf32, #tpu.memory_space<vmem>>, vector<16xf32>,
      tpu.vector_store %arg6[%swap3A_393, %swap3A_394, %swap3A_395], %broadcast_in_dim3A_1 {strides = array<i32>} : memref<8x24x256xf32, #tpu.memory_space<vmem>>, vector<16xf32>,
      %swap3A_397 = arith.constant 0 : i32
      %swap3A_398 = arith.constant 16 : i32
      %swap3A_399 = arith.index_cast %swap3A_397 : i32 to index
      %swap3A_400 = arith.index_cast %swap3A_398 : i32 to index
      %swap3A_401 = arith.constant 64 : index
      %swap3A_402 = tpu.vector_load %arg6[%swap3A_399, %swap3A_400, %swap3A_401] {strides = array<i32>} : memref<8x24x256xf32, #tpu.memory_space<vmem>>, vector<16xf32>,
      tpu.vector_store %arg6[%swap3A_399, %swap3A_400, %swap3A_401], %broadcast_in_dim3A_1 {strides = array<i32>} : memref<8x24x256xf32, #tpu.memory_space<vmem>>, vector<16xf32>,
      %swap3A_403 = arith.constant 0 : i32
      %swap3A_404 = arith.constant 16 : i32
      %swap3A_405 = arith.index_cast %swap3A_403 : i32 to index
      %swap3A_406 = arith.index_cast %swap3A_404 : i32 to index
      %swap3A_407 = arith.constant 80 : index
      %swap3A_408 = tpu.vector_load %arg6[%swap3A_405, %swap3A_406, %swap3A_407] {strides = array<i32>} : memref<8x24x256xf32, #tpu.memory_space<vmem>>, vector<16xf32>,
      tpu.vector_store %arg6[%swap3A_405, %swap3A_406, %swap3A_407], %broadcast_in_dim3A_1 {strides = array<i32>} : memref<8x24x256xf32, #tpu.memory_space<vmem>>, vector<16xf32>,
      %swap3A_409 = arith.constant 0 : i32
      %swap3A_410 = arith.constant 16 : i32
      %swap3A_411 = arith.index_cast %swap3A_409 : i32 to index
      %swap3A_412 = arith.index_cast %swap3A_410 : i32 to index
      %swap3A_413 = arith.constant 96 : index
      %swap3A_414 = tpu.vector_load %arg6[%swap3A_411, %swap3A_412, %swap3A_413] {strides = array<i32>} : memref<8x24x256xf32, #tpu.memory_space<vmem>>, vector<16xf32>,
      tpu.vector_store %arg6[%swap3A_411, %swap3A_412, %swap3A_413], %broadcast_in_dim3A_1 {strides = array<i32>} : memref<8x24x256xf32, #tpu.memory_space<vmem>>, vector<16xf32>,
      %swap3A_415 = arith.constant 0 : i32
      %swap3A_416 = arith.constant 16 : i32
      %swap3A_417 = arith.index_cast %swap3A_415 : i32 to index
      %swap3A_418 = arith.index_cast %swap3A_416 : i32 to index
      %swap3A_419 = arith.constant 112 : index
      %swap3A_420 = tpu.vector_load %arg6[%swap3A_417, %swap3A_418, %swap3A_419] {strides = array<i32>} : memref<8x24x256xf32, #tpu.memory_space<vmem>>, vector<16xf32>,
      tpu.vector_store %arg6[%swap3A_417, %swap3A_418, %swap3A_419], %broadcast_in_dim3A_1 {strides = array<i32>} : memref<8x24x256xf32, #tpu.memory_space<vmem>>, vector<16xf32>,
      %swap3A_421 = arith.constant 0 : i32
      %swap3A_422 = arith.constant 16 : i32
      %swap3A_423 = arith.index_cast %swap3A_421 : i32 to index
      %swap3A_424 = arith.index_cast %swap3A_422 : i32 to index
      %swap3A_425 = arith.constant 128 : index
      %swap3A_426 = tpu.vector_load %arg6[%swap3A_423, %swap3A_424, %swap3A_425] {strides = array<i32>} : memref<8x24x256xf32, #tpu.memory_space<vmem>>, vector<16xf32>,
      tpu.vector_store %arg6[%swap3A_423, %swap3A_424, %swap3A_425], %broadcast_in_dim3A_1 {strides = array<i32>} : memref<8x24x256xf32, #tpu.memory_space<vmem>>, vector<16xf32>,
      %swap3A_427 = arith.constant 0 : i32
      %swap3A_428 = arith.constant 16 : i32
      %swap3A_429 = arith.index_cast %swap3A_427 : i32 to index
      %swap3A_430 = arith.index_cast %swap3A_428 : i32 to index
      %swap3A_431 = arith.constant 144 : index
      %swap3A_432 = tpu.vector_load %arg6[%swap3A_429, %swap3A_430, %swap3A_431] {strides = array<i32>} : memref<8x24x256xf32, #tpu.memory_space<vmem>>, vector<16xf32>,
      tpu.vector_store %arg6[%swap3A_429, %swap3A_430, %swap3A_431], %broadcast_in_dim3A_1 {strides = array<i32>} : memref<8x24x256xf32, #tpu.memory_space<vmem>>, vector<16xf32>,
      %swap3A_433 = arith.constant 0 : i32
      %swap3A_434 = arith.constant 16 : i32
      %swap3A_435 = arith.index_cast %swap3A_433 : i32 to index
      %swap3A_436 = arith.index_cast %swap3A_434 : i32 to index
      %swap3A_437 = arith.constant 160 : index
      %swap3A_438 = tpu.vector_load %arg6[%swap3A_435, %swap3A_436, %swap3A_437] {strides = array<i32>} : memref<8x24x256xf32, #tpu.memory_space<vmem>>, vector<16xf32>,
      tpu.vector_store %arg6[%swap3A_435, %swap3A_436, %swap3A_437], %broadcast_in_dim3A_1 {strides = array<i32>} : memref<8x24x256xf32, #tpu.memory_space<vmem>>, vector<16xf32>,
      %swap3A_439 = arith.constant 0 : i32
      %swap3A_440 = arith.constant 16 : i32
      %swap3A_441 = arith.index_cast %swap3A_439 : i32 to index
      %swap3A_442 = arith.index_cast %swap3A_440 : i32 to index
      %swap3A_443 = arith.constant 176 : index
      %swap3A_444 = tpu.vector_load %arg6[%swap3A_441, %swap3A_442, %swap3A_443] {strides = array<i32>} : memref<8x24x256xf32, #tpu.memory_space<vmem>>, vector<16xf32>,
      tpu.vector_store %arg6[%swap3A_441, %swap3A_442, %swap3A_443], %broadcast_in_dim3A_1 {strides = array<i32>} : memref<8x24x256xf32, #tpu.memory_space<vmem>>, vector<16xf32>,
      %swap3A_445 = arith.constant 0 : i32
      %swap3A_446 = arith.constant 16 : i32
      %swap3A_447 = arith.index_cast %swap3A_445 : i32 to index
      %swap3A_448 = arith.index_cast %swap3A_446 : i32 to index
      %swap3A_449 = arith.constant 192 : index
      %swap3A_450 = tpu.vector_load %arg6[%swap3A_447, %swap3A_448, %swap3A_449] {strides = array<i32>} : memref<8x24x256xf32, #tpu.memory_space<vmem>>, vector<16xf32>,
      tpu.vector_store %arg6[%swap3A_447, %swap3A_448, %swap3A_449], %broadcast_in_dim3A_1 {strides = array<i32>} : memref<8x24x256xf32, #tpu.memory_space<vmem>>, vector<16xf32>,
      %swap3A_451 = arith.constant 0 : i32
      %swap3A_452 = arith.constant 16 : i32
      %swap3A_453 = arith.index_cast %swap3A_451 : i32 to index
      %swap3A_454 = arith.index_cast %swap3A_452 : i32 to index
      %swap3A_455 = arith.constant 208 : index
      %swap3A_456 = tpu.vector_load %arg6[%swap3A_453, %swap3A_454, %swap3A_455] {strides = array<i32>} : memref<8x24x256xf32, #tpu.memory_space<vmem>>, vector<16xf32>,
      tpu.vector_store %arg6[%swap3A_453, %swap3A_454, %swap3A_455], %broadcast_in_dim3A_1 {strides = array<i32>} : memref<8x24x256xf32, #tpu.memory_space<vmem>>, vector<16xf32>,
      %swap3A_457 = arith.constant 0 : i32
      %swap3A_458 = arith.constant 16 : i32
      %swap3A_459 = arith.index_cast %swap3A_457 : i32 to index
      %swap3A_460 = arith.index_cast %swap3A_458 : i32 to index
      %swap3A_461 = arith.constant 224 : index
      %swap3A_462 = tpu.vector_load %arg6[%swap3A_459, %swap3A_460, %swap3A_461] {strides = array<i32>} : memref<8x24x256xf32, #tpu.memory_space<vmem>>, vector<16xf32>,
      tpu.vector_store %arg6[%swap3A_459, %swap3A_460, %swap3A_461], %broadcast_in_dim3A_1 {strides = array<i32>} : memref<8x24x256xf32, #tpu.memory_space<vmem>>, vector<16xf32>,
      %swap3A_463 = arith.constant 0 : i32
      %swap3A_464 = arith.constant 16 : i32
      %swap3A_465 = arith.index_cast %swap3A_463 : i32 to index
      %swap3A_466 = arith.index_cast %swap3A_464 : i32 to index
      %swap3A_467 = arith.constant 240 : index
      %swap3A_468 = tpu.vector_load %arg6[%swap3A_465, %swap3A_466, %swap3A_467] {strides = array<i32>} : memref<8x24x256xf32, #tpu.memory_space<vmem>>, vector<16xf32>,
      tpu.vector_store %arg6[%swap3A_465, %swap3A_466, %swap3A_467], %broadcast_in_dim3A_1 {strides = array<i32>} : memref<8x24x256xf32, #tpu.memory_space<vmem>>, vector<16xf32>,
      %swap3A_469 = arith.constant 1 : i32
      %swap3A_470 = arith.constant 16 : i32
      %swap3A_471 = arith.index_cast %swap3A_469 : i32 to index
      %swap3A_472 = arith.index_cast %swap3A_470 : i32 to index
      %swap3A_473 = arith.constant 0 : index
      %swap3A_474 = tpu.vector_load %arg6[%swap3A_471, %swap3A_472, %swap3A_473] {strides = array<i32>} : memref<8x24x256xf32, #tpu.memory_space<vmem>>, vector<16xf32>,
      tpu.vector_store %arg6[%swap3A_471, %swap3A_472, %swap3A_473], %broadcast_in_dim3A_1 {strides = array<i32>} : memref<8x24x256xf32, #tpu.memory_space<vmem>>, vector<16xf32>,
      %swap3A_475 = arith.constant 1 : i32
      %swap3A_476 = arith.constant 16 : i32
      %swap3A_477 = arith.index_cast %swap3A_475 : i32 to index
      %swap3A_478 = arith.index_cast %swap3A_476 : i32 to index
      %swap3A_479 = arith.constant 16 : index
      %swap3A_480 = tpu.vector_load %arg6[%swap3A_477, %swap3A_478, %swap3A_479] {strides = array<i32>} : memref<8x24x256xf32, #tpu.memory_space<vmem>>, vector<16xf32>,
      tpu.vector_store %arg6[%swap3A_477, %swap3A_478, %swap3A_479], %broadcast_in_dim3A_1 {strides = array<i32>} : memref<8x24x256xf32, #tpu.memory_space<vmem>>, vector<16xf32>,
      %swap3A_481 = arith.constant 1 : i32
      %swap3A_482 = arith.constant 16 : i32
      %swap3A_483 = arith.index_cast %swap3A_481 : i32 to index
      %swap3A_484 = arith.index_cast %swap3A_482 : i32 to index
      %swap3A_485 = arith.constant 32 : index
      %swap3A_486 = tpu.vector_load %arg6[%swap3A_483, %swap3A_484, %swap3A_485] {strides = array<i32>} : memref<8x24x256xf32, #tpu.memory_space<vmem>>, vector<16xf32>,
      tpu.vector_store %arg6[%swap3A_483, %swap3A_484, %swap3A_485], %broadcast_in_dim3A_1 {strides = array<i32>} : memref<8x24x256xf32, #tpu.memory_space<vmem>>, vector<16xf32>,
      %swap3A_487 = arith.constant 1 : i32
      %swap3A_488 = arith.constant 16 : i32
      %swap3A_489 = arith.index_cast %swap3A_487 : i32 to index
      %swap3A_490 = arith.index_cast %swap3A_488 : i32 to index
      %swap3A_491 = arith.constant 48 : index
      %swap3A_492 = tpu.vector_load %arg6[%swap3A_489, %swap3A_490, %swap3A_491] {strides = array<i32>} : memref<8x24x256xf32, #tpu.memory_space<vmem>>, vector<16xf32>,
      tpu.vector_store %arg6[%swap3A_489, %swap3A_490, %swap3A_491], %broadcast_in_dim3A_1 {strides = array<i32>} : memref<8x24x256xf32, #tpu.memory_space<vmem>>, vector<16xf32>,
      %swap3A_493 = arith.constant 1 : i32
      %swap3A_494 = arith.constant 16 : i32
      %swap3A_495 = arith.index_cast %swap3A_493 : i32 to index
      %swap3A_496 = arith.index_cast %swap3A_494 : i32 to index
      %swap3A_497 = arith.constant 64 : index
      %swap3A_498 = tpu.vector_load %arg6[%swap3A_495, %swap3A_496, %swap3A_497] {strides = array<i32>} : memref<8x24x256xf32, #tpu.memory_space<vmem>>, vector<16xf32>,
      tpu.vector_store %arg6[%swap3A_495, %swap3A_496, %swap3A_497], %broadcast_in_dim3A_1 {strides = array<i32>} : memref<8x24x256xf32, #tpu.memory_space<vmem>>, vector<16xf32>,
      %swap3A_499 = arith.constant 1 : i32
      %swap3A_500 = arith.constant 16 : i32
      %swap3A_501 = arith.index_cast %swap3A_499 : i32 to index
      %swap3A_502 = arith.index_cast %swap3A_500 : i32 to index
      %swap3A_503 = arith.constant 80 : index
      %swap3A_504 = tpu.vector_load %arg6[%swap3A_501, %swap3A_502, %swap3A_503] {strides = array<i32>} : memref<8x24x256xf32, #tpu.memory_space<vmem>>, vector<16xf32>,
      tpu.vector_store %arg6[%swap3A_501, %swap3A_502, %swap3A_503], %broadcast_in_dim3A_1 {strides = array<i32>} : memref<8x24x256xf32, #tpu.memory_space<vmem>>, vector<16xf32>,
      %swap3A_505 = arith.constant 1 : i32
      %swap3A_506 = arith.constant 16 : i32
      %swap3A_507 = arith.index_cast %swap3A_505 : i32 to index
      %swap3A_508 = arith.index_cast %swap3A_506 : i32 to index
      %swap3A_509 = arith.constant 96 : index
      %swap3A_510 = tpu.vector_load %arg6[%swap3A_507, %swap3A_508, %swap3A_509] {strides = array<i32>} : memref<8x24x256xf32, #tpu.memory_space<vmem>>, vector<16xf32>,
      tpu.vector_store %arg6[%swap3A_507, %swap3A_508, %swap3A_509], %broadcast_in_dim3A_1 {strides = array<i32>} : memref<8x24x256xf32, #tpu.memory_space<vmem>>, vector<16xf32>,
      %swap3A_511 = arith.constant 1 : i32
      %swap3A_512 = arith.constant 16 : i32
      %swap3A_513 = arith.index_cast %swap3A_511 : i32 to index
      %swap3A_514 = arith.index_cast %swap3A_512 : i32 to index
      %swap3A_515 = arith.constant 112 : index
      %swap3A_516 = tpu.vector_load %arg6[%swap3A_513, %swap3A_514, %swap3A_515] {strides = array<i32>} : memref<8x24x256xf32, #tpu.memory_space<vmem>>, vector<16xf32>,
      tpu.vector_store %arg6[%swap3A_513, %swap3A_514, %swap3A_515], %broadcast_in_dim3A_1 {strides = array<i32>} : memref<8x24x256xf32, #tpu.memory_space<vmem>>, vector<16xf32>,
      %swap3A_517 = arith.constant 1 : i32
      %swap3A_518 = arith.constant 16 : i32
      %swap3A_519 = arith.index_cast %swap3A_517 : i32 to index
      %swap3A_520 = arith.index_cast %swap3A_518 : i32 to index
      %swap3A_521 = arith.constant 128 : index
      %swap3A_522 = tpu.vector_load %arg6[%swap3A_519, %swap3A_520, %swap3A_521] {strides = array<i32>} : memref<8x24x256xf32, #tpu.memory_space<vmem>>, vector<16xf32>,
      tpu.vector_store %arg6[%swap3A_519, %swap3A_520, %swap3A_521], %broadcast_in_dim3A_1 {strides = array<i32>} : memref<8x24x256xf32, #tpu.memory_space<vmem>>, vector<16xf32>,
      %swap3A_523 = arith.constant 1 : i32
      %swap3A_524 = arith.constant 16 : i32
      %swap3A_525 = arith.index_cast %swap3A_523 : i32 to index
      %swap3A_526 = arith.index_cast %swap3A_524 : i32 to index
      %swap3A_527 = arith.constant 144 : index
      %swap3A_528 = tpu.vector_load %arg6[%swap3A_525, %swap3A_526, %swap3A_527] {strides = array<i32>} : memref<8x24x256xf32, #tpu.memory_space<vmem>>, vector<16xf32>,
      tpu.vector_store %arg6[%swap3A_525, %swap3A_526, %swap3A_527], %broadcast_in_dim3A_1 {strides = array<i32>} : memref<8x24x256xf32, #tpu.memory_space<vmem>>, vector<16xf32>,
      %swap3A_529 = arith.constant 1 : i32
      %swap3A_530 = arith.constant 16 : i32
      %swap3A_531 = arith.index_cast %swap3A_529 : i32 to index
      %swap3A_532 = arith.index_cast %swap3A_530 : i32 to index
      %swap3A_533 = arith.constant 160 : index
      %swap3A_534 = tpu.vector_load %arg6[%swap3A_531, %swap3A_532, %swap3A_533] {strides = array<i32>} : memref<8x24x256xf32, #tpu.memory_space<vmem>>, vector<16xf32>,
      tpu.vector_store %arg6[%swap3A_531, %swap3A_532, %swap3A_533], %broadcast_in_dim3A_1 {strides = array<i32>} : memref<8x24x256xf32, #tpu.memory_space<vmem>>, vector<16xf32>,
      %swap3A_535 = arith.constant 1 : i32
      %swap3A_536 = arith.constant 16 : i32
      %swap3A_537 = arith.index_cast %swap3A_535 : i32 to index
      %swap3A_538 = arith.index_cast %swap3A_536 : i32 to index
      %swap3A_539 = arith.constant 176 : index
      %swap3A_540 = tpu.vector_load %arg6[%swap3A_537, %swap3A_538, %swap3A_539] {strides = array<i32>} : memref<8x24x256xf32, #tpu.memory_space<vmem>>, vector<16xf32>,
      tpu.vector_store %arg6[%swap3A_537, %swap3A_538, %swap3A_539], %broadcast_in_dim3A_1 {strides = array<i32>} : memref<8x24x256xf32, #tpu.memory_space<vmem>>, vector<16xf32>,
      %swap3A_541 = arith.constant 1 : i32
      %swap3A_542 = arith.constant 16 : i32
      %swap3A_543 = arith.index_cast %swap3A_541 : i32 to index
      %swap3A_544 = arith.index_cast %swap3A_542 : i32 to index
      %swap3A_545 = arith.constant 192 : index
      %swap3A_546 = tpu.vector_load %arg6[%swap3A_543, %swap3A_544, %swap3A_545] {strides = array<i32>} : memref<8x24x256xf32, #tpu.memory_space<vmem>>, vector<16xf32>,
      tpu.vector_store %arg6[%swap3A_543, %swap3A_544, %swap3A_545], %broadcast_in_dim3A_1 {strides = array<i32>} : memref<8x24x256xf32, #tpu.memory_space<vmem>>, vector<16xf32>,
      %swap3A_547 = arith.constant 1 : i32
      %swap3A_548 = arith.constant 16 : i32
      %swap3A_549 = arith.index_cast %swap3A_547 : i32 to index
      %swap3A_550 = arith.index_cast %swap3A_548 : i32 to index
      %swap3A_551 = arith.constant 208 : index
      %swap3A_552 = tpu.vector_load %arg6[%swap3A_549, %swap3A_550, %swap3A_551] {strides = array<i32>} : memref<8x24x256xf32, #tpu.memory_space<vmem>>, vector<16xf32>,
      tpu.vector_store %arg6[%swap3A_549, %swap3A_550, %swap3A_551], %broadcast_in_dim3A_1 {strides = array<i32>} : memref<8x24x256xf32, #tpu.memory_space<vmem>>, vector<16xf32>,
      %swap3A_553 = arith.constant 1 : i32
      %swap3A_554 = arith.constant 16 : i32
      %swap3A_555 = arith.index_cast %swap3A_553 : i32 to index
      %swap3A_556 = arith.index_cast %swap3A_554 : i32 to index
      %swap3A_557 = arith.constant 224 : index
      %swap3A_558 = tpu.vector_load %arg6[%swap3A_555, %swap3A_556, %swap3A_557] {strides = array<i32>} : memref<8x24x256xf32, #tpu.memory_space<vmem>>, vector<16xf32>,
      tpu.vector_store %arg6[%swap3A_555, %swap3A_556, %swap3A_557], %broadcast_in_dim3A_1 {strides = array<i32>} : memref<8x24x256xf32, #tpu.memory_space<vmem>>, vector<16xf32>,
      %swap3A_559 = arith.constant 1 : i32
      %swap3A_560 = arith.constant 16 : i32
      %swap3A_561 = arith.index_cast %swap3A_559 : i32 to index
      %swap3A_562 = arith.index_cast %swap3A_560 : i32 to index
      %swap3A_563 = arith.constant 240 : index
      %swap3A_564 = tpu.vector_load %arg6[%swap3A_561, %swap3A_562, %swap3A_563] {strides = array<i32>} : memref<8x24x256xf32, #tpu.memory_space<vmem>>, vector<16xf32>,
      tpu.vector_store %arg6[%swap3A_561, %swap3A_562, %swap3A_563], %broadcast_in_dim3A_1 {strides = array<i32>} : memref<8x24x256xf32, #tpu.memory_space<vmem>>, vector<16xf32>,
      %swap3A_565 = arith.constant 2 : i32
      %swap3A_566 = arith.constant 16 : i32
      %swap3A_567 = arith.index_cast %swap3A_565 : i32 to index
      %swap3A_568 = arith.index_cast %swap3A_566 : i32 to index
      %swap3A_569 = arith.constant 0 : index
      %swap3A_570 = tpu.vector_load %arg6[%swap3A_567, %swap3A_568, %swap3A_569] {strides = array<i32>} : memref<8x24x256xf32, #tpu.memory_space<vmem>>, vector<16xf32>,
      tpu.vector_store %arg6[%swap3A_567, %swap3A_568, %swap3A_569], %broadcast_in_dim3A_1 {strides = array<i32>} : memref<8x24x256xf32, #tpu.memory_space<vmem>>, vector<16xf32>,
      %swap3A_571 = arith.constant 2 : i32
      %swap3A_572 = arith.constant 16 : i32
      %swap3A_573 = arith.index_cast %swap3A_571 : i32 to index
      %swap3A_574 = arith.index_cast %swap3A_572 : i32 to index
      %swap3A_575 = arith.constant 16 : index
      %swap3A_576 = tpu.vector_load %arg6[%swap3A_573, %swap3A_574, %swap3A_575] {strides = array<i32>} : memref<8x24x256xf32, #tpu.memory_space<vmem>>, vector<16xf32>,
      tpu.vector_store %arg6[%swap3A_573, %swap3A_574, %swap3A_575], %broadcast_in_dim3A_1 {strides = array<i32>} : memref<8x24x256xf32, #tpu.memory_space<vmem>>, vector<16xf32>,
      %swap3A_577 = arith.constant 2 : i32
      %swap3A_578 = arith.constant 16 : i32
      %swap3A_579 = arith.index_cast %swap3A_577 : i32 to index
      %swap3A_580 = arith.index_cast %swap3A_578 : i32 to index
      %swap3A_581 = arith.constant 32 : index
      %swap3A_582 = tpu.vector_load %arg6[%swap3A_579, %swap3A_580, %swap3A_581] {strides = array<i32>} : memref<8x24x256xf32, #tpu.memory_space<vmem>>, vector<16xf32>,
      tpu.vector_store %arg6[%swap3A_579, %swap3A_580, %swap3A_581], %broadcast_in_dim3A_1 {strides = array<i32>} : memref<8x24x256xf32, #tpu.memory_space<vmem>>, vector<16xf32>,
      %swap3A_583 = arith.constant 2 : i32
      %swap3A_584 = arith.constant 16 : i32
      %swap3A_585 = arith.index_cast %swap3A_583 : i32 to index
      %swap3A_586 = arith.index_cast %swap3A_584 : i32 to index
      %swap3A_587 = arith.constant 48 : index
      %swap3A_588 = tpu.vector_load %arg6[%swap3A_585, %swap3A_586, %swap3A_587] {strides = array<i32>} : memref<8x24x256xf32, #tpu.memory_space<vmem>>, vector<16xf32>,
      tpu.vector_store %arg6[%swap3A_585, %swap3A_586, %swap3A_587], %broadcast_in_dim3A_1 {strides = array<i32>} : memref<8x24x256xf32, #tpu.memory_space<vmem>>, vector<16xf32>,
      %swap3A_589 = arith.constant 2 : i32
      %swap3A_590 = arith.constant 16 : i32
      %swap3A_591 = arith.index_cast %swap3A_589 : i32 to index
      %swap3A_592 = arith.index_cast %swap3A_590 : i32 to index
      %swap3A_593 = arith.constant 64 : index
      %swap3A_594 = tpu.vector_load %arg6[%swap3A_591, %swap3A_592, %swap3A_593] {strides = array<i32>} : memref<8x24x256xf32, #tpu.memory_space<vmem>>, vector<16xf32>,
      tpu.vector_store %arg6[%swap3A_591, %swap3A_592, %swap3A_593], %broadcast_in_dim3A_1 {strides = array<i32>} : memref<8x24x256xf32, #tpu.memory_space<vmem>>, vector<16xf32>,
      %swap3A_595 = arith.constant 2 : i32
      %swap3A_596 = arith.constant 16 : i32
      %swap3A_597 = arith.index_cast %swap3A_595 : i32 to index
      %swap3A_598 = arith.index_cast %swap3A_596 : i32 to index
      %swap3A_599 = arith.constant 80 : index
      %swap3A_600 = tpu.vector_load %arg6[%swap3A_597, %swap3A_598, %swap3A_599] {strides = array<i32>} : memref<8x24x256xf32, #tpu.memory_space<vmem>>, vector<16xf32>,
      tpu.vector_store %arg6[%swap3A_597, %swap3A_598, %swap3A_599], %broadcast_in_dim3A_1 {strides = array<i32>} : memref<8x24x256xf32, #tpu.memory_space<vmem>>, vector<16xf32>,
      %swap3A_601 = arith.constant 2 : i32
      %swap3A_602 = arith.constant 16 : i32
      %swap3A_603 = arith.index_cast %swap3A_601 : i32 to index
      %swap3A_604 = arith.index_cast %swap3A_602 : i32 to index
      %swap3A_605 = arith.constant 96 : index
      %swap3A_606 = tpu.vector_load %arg6[%swap3A_603, %swap3A_604, %swap3A_605] {strides = array<i32>} : memref<8x24x256xf32, #tpu.memory_space<vmem>>, vector<16xf32>,
      tpu.vector_store %arg6[%swap3A_603, %swap3A_604, %swap3A_605], %broadcast_in_dim3A_1 {strides = array<i32>} : memref<8x24x256xf32, #tpu.memory_space<vmem>>, vector<16xf32>,
      %swap3A_607 = arith.constant 2 : i32
      %swap3A_608 = arith.constant 16 : i32
      %swap3A_609 = arith.index_cast %swap3A_607 : i32 to index
      %swap3A_610 = arith.index_cast %swap3A_608 : i32 to index
      %swap3A_611 = arith.constant 112 : index
      %swap3A_612 = tpu.vector_load %arg6[%swap3A_609, %swap3A_610, %swap3A_611] {strides = array<i32>} : memref<8x24x256xf32, #tpu.memory_space<vmem>>, vector<16xf32>,
      tpu.vector_store %arg6[%swap3A_609, %swap3A_610, %swap3A_611], %broadcast_in_dim3A_1 {strides = array<i32>} : memref<8x24x256xf32, #tpu.memory_space<vmem>>, vector<16xf32>,
      %swap3A_613 = arith.constant 2 : i32
      %swap3A_614 = arith.constant 16 : i32
      %swap3A_615 = arith.index_cast %swap3A_613 : i32 to index
      %swap3A_616 = arith.index_cast %swap3A_614 : i32 to index
      %swap3A_617 = arith.constant 128 : index
      %swap3A_618 = tpu.vector_load %arg6[%swap3A_615, %swap3A_616, %swap3A_617] {strides = array<i32>} : memref<8x24x256xf32, #tpu.memory_space<vmem>>, vector<16xf32>,
      tpu.vector_store %arg6[%swap3A_615, %swap3A_616, %swap3A_617], %broadcast_in_dim3A_1 {strides = array<i32>} : memref<8x24x256xf32, #tpu.memory_space<vmem>>, vector<16xf32>,
      %swap3A_619 = arith.constant 2 : i32
      %swap3A_620 = arith.constant 16 : i32
      %swap3A_621 = arith.index_cast %swap3A_619 : i32 to index
      %swap3A_622 = arith.index_cast %swap3A_620 : i32 to index
      %swap3A_623 = arith.constant 144 : index
      %swap3A_624 = tpu.vector_load %arg6[%swap3A_621, %swap3A_622, %swap3A_623] {strides = array<i32>} : memref<8x24x256xf32, #tpu.memory_space<vmem>>, vector<16xf32>,
      tpu.vector_store %arg6[%swap3A_621, %swap3A_622, %swap3A_623], %broadcast_in_dim3A_1 {strides = array<i32>} : memref<8x24x256xf32, #tpu.memory_space<vmem>>, vector<16xf32>,
      %swap3A_625 = arith.constant 2 : i32
      %swap3A_626 = arith.constant 16 : i32
      %swap3A_627 = arith.index_cast %swap3A_625 : i32 to index
      %swap3A_628 = arith.index_cast %swap3A_626 : i32 to index
      %swap3A_629 = arith.constant 160 : index
      %swap3A_630 = tpu.vector_load %arg6[%swap3A_627, %swap3A_628, %swap3A_629] {strides = array<i32>} : memref<8x24x256xf32, #tpu.memory_space<vmem>>, vector<16xf32>,
      tpu.vector_store %arg6[%swap3A_627, %swap3A_628, %swap3A_629], %broadcast_in_dim3A_1 {strides = array<i32>} : memref<8x24x256xf32, #tpu.memory_space<vmem>>, vector<16xf32>,
      %swap3A_631 = arith.constant 2 : i32
      %swap3A_632 = arith.constant 16 : i32
      %swap3A_633 = arith.index_cast %swap3A_631 : i32 to index
      %swap3A_634 = arith.index_cast %swap3A_632 : i32 to index
      %swap3A_635 = arith.constant 176 : index
      %swap3A_636 = tpu.vector_load %arg6[%swap3A_633, %swap3A_634, %swap3A_635] {strides = array<i32>} : memref<8x24x256xf32, #tpu.memory_space<vmem>>, vector<16xf32>,
      tpu.vector_store %arg6[%swap3A_633, %swap3A_634, %swap3A_635], %broadcast_in_dim3A_1 {strides = array<i32>} : memref<8x24x256xf32, #tpu.memory_space<vmem>>, vector<16xf32>,
      %swap3A_637 = arith.constant 2 : i32
      %swap3A_638 = arith.constant 16 : i32
      %swap3A_639 = arith.index_cast %swap3A_637 : i32 to index
      %swap3A_640 = arith.index_cast %swap3A_638 : i32 to index
      %swap3A_641 = arith.constant 192 : index
      %swap3A_642 = tpu.vector_load %arg6[%swap3A_639, %swap3A_640, %swap3A_641] {strides = array<i32>} : memref<8x24x256xf32, #tpu.memory_space<vmem>>, vector<16xf32>,
      tpu.vector_store %arg6[%swap3A_639, %swap3A_640, %swap3A_641], %broadcast_in_dim3A_1 {strides = array<i32>} : memref<8x24x256xf32, #tpu.memory_space<vmem>>, vector<16xf32>,
      %swap3A_643 = arith.constant 2 : i32
      %swap3A_644 = arith.constant 16 : i32
      %swap3A_645 = arith.index_cast %swap3A_643 : i32 to index
      %swap3A_646 = arith.index_cast %swap3A_644 : i32 to index
      %swap3A_647 = arith.constant 208 : index
      %swap3A_648 = tpu.vector_load %arg6[%swap3A_645, %swap3A_646, %swap3A_647] {strides = array<i32>} : memref<8x24x256xf32, #tpu.memory_space<vmem>>, vector<16xf32>,
      tpu.vector_store %arg6[%swap3A_645, %swap3A_646, %swap3A_647], %broadcast_in_dim3A_1 {strides = array<i32>} : memref<8x24x256xf32, #tpu.memory_space<vmem>>, vector<16xf32>,
      %swap3A_649 = arith.constant 2 : i32
      %swap3A_650 = arith.constant 16 : i32
      %swap3A_651 = arith.index_cast %swap3A_649 : i32 to index
      %swap3A_652 = arith.index_cast %swap3A_650 : i32 to index
      %swap3A_653 = arith.constant 224 : index
      %swap3A_654 = tpu.vector_load %arg6[%swap3A_651, %swap3A_652, %swap3A_653] {strides = array<i32>} : memref<8x24x256xf32, #tpu.memory_space<vmem>>, vector<16xf32>,
      tpu.vector_store %arg6[%swap3A_651, %swap3A_652, %swap3A_653], %broadcast_in_dim3A_1 {strides = array<i32>} : memref<8x24x256xf32, #tpu.memory_space<vmem>>, vector<16xf32>,
      %swap3A_655 = arith.constant 2 : i32
      %swap3A_656 = arith.constant 16 : i32
      %swap3A_657 = arith.index_cast %swap3A_655 : i32 to index
      %swap3A_658 = arith.index_cast %swap3A_656 : i32 to index
      %swap3A_659 = arith.constant 240 : index
      %swap3A_660 = tpu.vector_load %arg6[%swap3A_657, %swap3A_658, %swap3A_659] {strides = array<i32>} : memref<8x24x256xf32, #tpu.memory_space<vmem>>, vector<16xf32>,
      tpu.vector_store %arg6[%swap3A_657, %swap3A_658, %swap3A_659], %broadcast_in_dim3A_1 {strides = array<i32>} : memref<8x24x256xf32, #tpu.memory_space<vmem>>, vector<16xf32>,
      %swap3A_661 = arith.constant 3 : i32
      %swap3A_662 = arith.constant 16 : i32
      %swap3A_663 = arith.index_cast %swap3A_661 : i32 to index
      %swap3A_664 = arith.index_cast %swap3A_662 : i32 to index
      %swap3A_665 = arith.constant 0 : index
      %swap3A_666 = tpu.vector_load %arg6[%swap3A_663, %swap3A_664, %swap3A_665] {strides = array<i32>} : memref<8x24x256xf32, #tpu.memory_space<vmem>>, vector<16xf32>,
      tpu.vector_store %arg6[%swap3A_663, %swap3A_664, %swap3A_665], %broadcast_in_dim3A_1 {strides = array<i32>} : memref<8x24x256xf32, #tpu.memory_space<vmem>>, vector<16xf32>,
      %swap3A_667 = arith.constant 3 : i32
      %swap3A_668 = arith.constant 16 : i32
      %swap3A_669 = arith.index_cast %swap3A_667 : i32 to index
      %swap3A_670 = arith.index_cast %swap3A_668 : i32 to index
      %swap3A_671 = arith.constant 16 : index
      %swap3A_672 = tpu.vector_load %arg6[%swap3A_669, %swap3A_670, %swap3A_671] {strides = array<i32>} : memref<8x24x256xf32, #tpu.memory_space<vmem>>, vector<16xf32>,
      tpu.vector_store %arg6[%swap3A_669, %swap3A_670, %swap3A_671], %broadcast_in_dim3A_1 {strides = array<i32>} : memref<8x24x256xf32, #tpu.memory_space<vmem>>, vector<16xf32>,
      %swap3A_673 = arith.constant 3 : i32
      %swap3A_674 = arith.constant 16 : i32
      %swap3A_675 = arith.index_cast %swap3A_673 : i32 to index
      %swap3A_676 = arith.index_cast %swap3A_674 : i32 to index
      %swap3A_677 = arith.constant 32 : index
      %swap3A_678 = tpu.vector_load %arg6[%swap3A_675, %swap3A_676, %swap3A_677] {strides = array<i32>} : memref<8x24x256xf32, #tpu.memory_space<vmem>>, vector<16xf32>,
      tpu.vector_store %arg6[%swap3A_675, %swap3A_676, %swap3A_677], %broadcast_in_dim3A_1 {strides = array<i32>} : memref<8x24x256xf32, #tpu.memory_space<vmem>>, vector<16xf32>,
      %swap3A_679 = arith.constant 3 : i32
      %swap3A_680 = arith.constant 16 : i32
      %swap3A_681 = arith.index_cast %swap3A_679 : i32 to index
      %swap3A_682 = arith.index_cast %swap3A_680 : i32 to index
      %swap3A_683 = arith.constant 48 : index
      %swap3A_684 = tpu.vector_load %arg6[%swap3A_681, %swap3A_682, %swap3A_683] {strides = array<i32>} : memref<8x24x256xf32, #tpu.memory_space<vmem>>, vector<16xf32>,
      tpu.vector_store %arg6[%swap3A_681, %swap3A_682, %swap3A_683], %broadcast_in_dim3A_1 {strides = array<i32>} : memref<8x24x256xf32, #tpu.memory_space<vmem>>, vector<16xf32>,
      %swap3A_685 = arith.constant 3 : i32
      %swap3A_686 = arith.constant 16 : i32
      %swap3A_687 = arith.index_cast %swap3A_685 : i32 to index
      %swap3A_688 = arith.index_cast %swap3A_686 : i32 to index
      %swap3A_689 = arith.constant 64 : index
      %swap3A_690 = tpu.vector_load %arg6[%swap3A_687, %swap3A_688, %swap3A_689] {strides = array<i32>} : memref<8x24x256xf32, #tpu.memory_space<vmem>>, vector<16xf32>,
      tpu.vector_store %arg6[%swap3A_687, %swap3A_688, %swap3A_689], %broadcast_in_dim3A_1 {strides = array<i32>} : memref<8x24x256xf32, #tpu.memory_space<vmem>>, vector<16xf32>,
      %swap3A_691 = arith.constant 3 : i32
      %swap3A_692 = arith.constant 16 : i32
      %swap3A_693 = arith.index_cast %swap3A_691 : i32 to index
      %swap3A_694 = arith.index_cast %swap3A_692 : i32 to index
      %swap3A_695 = arith.constant 80 : index
      %swap3A_696 = tpu.vector_load %arg6[%swap3A_693, %swap3A_694, %swap3A_695] {strides = array<i32>} : memref<8x24x256xf32, #tpu.memory_space<vmem>>, vector<16xf32>,
      tpu.vector_store %arg6[%swap3A_693, %swap3A_694, %swap3A_695], %broadcast_in_dim3A_1 {strides = array<i32>} : memref<8x24x256xf32, #tpu.memory_space<vmem>>, vector<16xf32>,
      %swap3A_697 = arith.constant 3 : i32
      %swap3A_698 = arith.constant 16 : i32
      %swap3A_699 = arith.index_cast %swap3A_697 : i32 to index
      %swap3A_700 = arith.index_cast %swap3A_698 : i32 to index
      %swap3A_701 = arith.constant 96 : index
      %swap3A_702 = tpu.vector_load %arg6[%swap3A_699, %swap3A_700, %swap3A_701] {strides = array<i32>} : memref<8x24x256xf32, #tpu.memory_space<vmem>>, vector<16xf32>,
      tpu.vector_store %arg6[%swap3A_699, %swap3A_700, %swap3A_701], %broadcast_in_dim3A_1 {strides = array<i32>} : memref<8x24x256xf32, #tpu.memory_space<vmem>>, vector<16xf32>,
      %swap3A_703 = arith.constant 3 : i32
      %swap3A_704 = arith.constant 16 : i32
      %swap3A_705 = arith.index_cast %swap3A_703 : i32 to index
      %swap3A_706 = arith.index_cast %swap3A_704 : i32 to index
      %swap3A_707 = arith.constant 112 : index
      %swap3A_708 = tpu.vector_load %arg6[%swap3A_705, %swap3A_706, %swap3A_707] {strides = array<i32>} : memref<8x24x256xf32, #tpu.memory_space<vmem>>, vector<16xf32>,
      tpu.vector_store %arg6[%swap3A_705, %swap3A_706, %swap3A_707], %broadcast_in_dim3A_1 {strides = array<i32>} : memref<8x24x256xf32, #tpu.memory_space<vmem>>, vector<16xf32>,
      %swap3A_709 = arith.constant 3 : i32
      %swap3A_710 = arith.constant 16 : i32
      %swap3A_711 = arith.index_cast %swap3A_709 : i32 to index
      %swap3A_712 = arith.index_cast %swap3A_710 : i32 to index
      %swap3A_713 = arith.constant 128 : index
      %swap3A_714 = tpu.vector_load %arg6[%swap3A_711, %swap3A_712, %swap3A_713] {strides = array<i32>} : memref<8x24x256xf32, #tpu.memory_space<vmem>>, vector<16xf32>,
      tpu.vector_store %arg6[%swap3A_711, %swap3A_712, %swap3A_713], %broadcast_in_dim3A_1 {strides = array<i32>} : memref<8x24x256xf32, #tpu.memory_space<vmem>>, vector<16xf32>,
      %swap3A_715 = arith.constant 3 : i32
      %swap3A_716 = arith.constant 16 : i32
      %swap3A_717 = arith.index_cast %swap3A_715 : i32 to index
      %swap3A_718 = arith.index_cast %swap3A_716 : i32 to index
      %swap3A_719 = arith.constant 144 : index
      %swap3A_720 = tpu.vector_load %arg6[%swap3A_717, %swap3A_718, %swap3A_719] {strides = array<i32>} : memref<8x24x256xf32, #tpu.memory_space<vmem>>, vector<16xf32>,
      tpu.vector_store %arg6[%swap3A_717, %swap3A_718, %swap3A_719], %broadcast_in_dim3A_1 {strides = array<i32>} : memref<8x24x256xf32, #tpu.memory_space<vmem>>, vector<16xf32>,
      %swap3A_721 = arith.constant 3 : i32
      %swap3A_722 = arith.constant 16 : i32
      %swap3A_723 = arith.index_cast %swap3A_721 : i32 to index
      %swap3A_724 = arith.index_cast %swap3A_722 : i32 to index
      %swap3A_725 = arith.constant 160 : index
      %swap3A_726 = tpu.vector_load %arg6[%swap3A_723, %swap3A_724, %swap3A_725] {strides = array<i32>} : memref<8x24x256xf32, #tpu.memory_space<vmem>>, vector<16xf32>,
      tpu.vector_store %arg6[%swap3A_723, %swap3A_724, %swap3A_725], %broadcast_in_dim3A_1 {strides = array<i32>} : memref<8x24x256xf32, #tpu.memory_space<vmem>>, vector<16xf32>,
      %swap3A_727 = arith.constant 3 : i32
      %swap3A_728 = arith.constant 16 : i32
      %swap3A_729 = arith.index_cast %swap3A_727 : i32 to index
      %swap3A_730 = arith.index_cast %swap3A_728 : i32 to index
      %swap3A_731 = arith.constant 176 : index
      %swap3A_732 = tpu.vector_load %arg6[%swap3A_729, %swap3A_730, %swap3A_731] {strides = array<i32>} : memref<8x24x256xf32, #tpu.memory_space<vmem>>, vector<16xf32>,
      tpu.vector_store %arg6[%swap3A_729, %swap3A_730, %swap3A_731], %broadcast_in_dim3A_1 {strides = array<i32>} : memref<8x24x256xf32, #tpu.memory_space<vmem>>, vector<16xf32>,
      %swap3A_733 = arith.constant 3 : i32
      %swap3A_734 = arith.constant 16 : i32
      %swap3A_735 = arith.index_cast %swap3A_733 : i32 to index
      %swap3A_736 = arith.index_cast %swap3A_734 : i32 to index
      %swap3A_737 = arith.constant 192 : index
      %swap3A_738 = tpu.vector_load %arg6[%swap3A_735, %swap3A_736, %swap3A_737] {strides = array<i32>} : memref<8x24x256xf32, #tpu.memory_space<vmem>>, vector<16xf32>,
      tpu.vector_store %arg6[%swap3A_735, %swap3A_736, %swap3A_737], %broadcast_in_dim3A_1 {strides = array<i32>} : memref<8x24x256xf32, #tpu.memory_space<vmem>>, vector<16xf32>,
      %swap3A_739 = arith.constant 3 : i32
      %swap3A_740 = arith.constant 16 : i32
      %swap3A_741 = arith.index_cast %swap3A_739 : i32 to index
      %swap3A_742 = arith.index_cast %swap3A_740 : i32 to index
      %swap3A_743 = arith.constant 208 : index
      %swap3A_744 = tpu.vector_load %arg6[%swap3A_741, %swap3A_742, %swap3A_743] {strides = array<i32>} : memref<8x24x256xf32, #tpu.memory_space<vmem>>, vector<16xf32>,
      tpu.vector_store %arg6[%swap3A_741, %swap3A_742, %swap3A_743], %broadcast_in_dim3A_1 {strides = array<i32>} : memref<8x24x256xf32, #tpu.memory_space<vmem>>, vector<16xf32>,
      %swap3A_745 = arith.constant 3 : i32
      %swap3A_746 = arith.constant 16 : i32
      %swap3A_747 = arith.index_cast %swap3A_745 : i32 to index
      %swap3A_748 = arith.index_cast %swap3A_746 : i32 to index
      %swap3A_749 = arith.constant 224 : index
      %swap3A_750 = tpu.vector_load %arg6[%swap3A_747, %swap3A_748, %swap3A_749] {strides = array<i32>} : memref<8x24x256xf32, #tpu.memory_space<vmem>>, vector<16xf32>,
      tpu.vector_store %arg6[%swap3A_747, %swap3A_748, %swap3A_749], %broadcast_in_dim3A_1 {strides = array<i32>} : memref<8x24x256xf32, #tpu.memory_space<vmem>>, vector<16xf32>,
      %swap3A_751 = arith.constant 3 : i32
      %swap3A_752 = arith.constant 16 : i32
      %swap3A_753 = arith.index_cast %swap3A_751 : i32 to index
      %swap3A_754 = arith.index_cast %swap3A_752 : i32 to index
      %swap3A_755 = arith.constant 240 : index
      %swap3A_756 = tpu.vector_load %arg6[%swap3A_753, %swap3A_754, %swap3A_755] {strides = array<i32>} : memref<8x24x256xf32, #tpu.memory_space<vmem>>, vector<16xf32>,
      tpu.vector_store %arg6[%swap3A_753, %swap3A_754, %swap3A_755], %broadcast_in_dim3A_1 {strides = array<i32>} : memref<8x24x256xf32, #tpu.memory_space<vmem>>, vector<16xf32>,
      %swap3A_757 = arith.constant 4 : i32
      %swap3A_758 = arith.constant 16 : i32
      %swap3A_759 = arith.index_cast %swap3A_757 : i32 to index
      %swap3A_760 = arith.index_cast %swap3A_758 : i32 to index
      %swap3A_761 = arith.constant 0 : index
      %swap3A_762 = tpu.vector_load %arg6[%swap3A_759, %swap3A_760, %swap3A_761] {strides = array<i32>} : memref<8x24x256xf32, #tpu.memory_space<vmem>>, vector<16xf32>,
      tpu.vector_store %arg6[%swap3A_759, %swap3A_760, %swap3A_761], %broadcast_in_dim3A_1 {strides = array<i32>} : memref<8x24x256xf32, #tpu.memory_space<vmem>>, vector<16xf32>,
      %swap3A_763 = arith.constant 4 : i32
      %swap3A_764 = arith.constant 16 : i32
      %swap3A_765 = arith.index_cast %swap3A_763 : i32 to index
      %swap3A_766 = arith.index_cast %swap3A_764 : i32 to index
      %swap3A_767 = arith.constant 16 : index
      %swap3A_768 = tpu.vector_load %arg6[%swap3A_765, %swap3A_766, %swap3A_767] {strides = array<i32>} : memref<8x24x256xf32, #tpu.memory_space<vmem>>, vector<16xf32>,
      tpu.vector_store %arg6[%swap3A_765, %swap3A_766, %swap3A_767], %broadcast_in_dim3A_1 {strides = array<i32>} : memref<8x24x256xf32, #tpu.memory_space<vmem>>, vector<16xf32>,
      %swap3A_769 = arith.constant 4 : i32
      %swap3A_770 = arith.constant 16 : i32
      %swap3A_771 = arith.index_cast %swap3A_769 : i32 to index
      %swap3A_772 = arith.index_cast %swap3A_770 : i32 to index
      %swap3A_773 = arith.constant 32 : index
      %swap3A_774 = tpu.vector_load %arg6[%swap3A_771, %swap3A_772, %swap3A_773] {strides = array<i32>} : memref<8x24x256xf32, #tpu.memory_space<vmem>>, vector<16xf32>,
      tpu.vector_store %arg6[%swap3A_771, %swap3A_772, %swap3A_773], %broadcast_in_dim3A_1 {strides = array<i32>} : memref<8x24x256xf32, #tpu.memory_space<vmem>>, vector<16xf32>,
      %swap3A_775 = arith.constant 4 : i32
      %swap3A_776 = arith.constant 16 : i32
      %swap3A_777 = arith.index_cast %swap3A_775 : i32 to index
      %swap3A_778 = arith.index_cast %swap3A_776 : i32 to index
      %swap3A_779 = arith.constant 48 : index
      %swap3A_780 = tpu.vector_load %arg6[%swap3A_777, %swap3A_778, %swap3A_779] {strides = array<i32>} : memref<8x24x256xf32, #tpu.memory_space<vmem>>, vector<16xf32>,
      tpu.vector_store %arg6[%swap3A_777, %swap3A_778, %swap3A_779], %broadcast_in_dim3A_1 {strides = array<i32>} : memref<8x24x256xf32, #tpu.memory_space<vmem>>, vector<16xf32>,
      %swap3A_781 = arith.constant 4 : i32
      %swap3A_782 = arith.constant 16 : i32
      %swap3A_783 = arith.index_cast %swap3A_781 : i32 to index
      %swap3A_784 = arith.index_cast %swap3A_782 : i32 to index
      %swap3A_785 = arith.constant 64 : index
      %swap3A_786 = tpu.vector_load %arg6[%swap3A_783, %swap3A_784, %swap3A_785] {strides = array<i32>} : memref<8x24x256xf32, #tpu.memory_space<vmem>>, vector<16xf32>,
      tpu.vector_store %arg6[%swap3A_783, %swap3A_784, %swap3A_785], %broadcast_in_dim3A_1 {strides = array<i32>} : memref<8x24x256xf32, #tpu.memory_space<vmem>>, vector<16xf32>,
      %swap3A_787 = arith.constant 4 : i32
      %swap3A_788 = arith.constant 16 : i32
      %swap3A_789 = arith.index_cast %swap3A_787 : i32 to index
      %swap3A_790 = arith.index_cast %swap3A_788 : i32 to index
      %swap3A_791 = arith.constant 80 : index
      %swap3A_792 = tpu.vector_load %arg6[%swap3A_789, %swap3A_790, %swap3A_791] {strides = array<i32>} : memref<8x24x256xf32, #tpu.memory_space<vmem>>, vector<16xf32>,
      tpu.vector_store %arg6[%swap3A_789, %swap3A_790, %swap3A_791], %broadcast_in_dim3A_1 {strides = array<i32>} : memref<8x24x256xf32, #tpu.memory_space<vmem>>, vector<16xf32>,
      %swap3A_793 = arith.constant 4 : i32
      %swap3A_794 = arith.constant 16 : i32
      %swap3A_795 = arith.index_cast %swap3A_793 : i32 to index
      %swap3A_796 = arith.index_cast %swap3A_794 : i32 to index
      %swap3A_797 = arith.constant 96 : index
      %swap3A_798 = tpu.vector_load %arg6[%swap3A_795, %swap3A_796, %swap3A_797] {strides = array<i32>} : memref<8x24x256xf32, #tpu.memory_space<vmem>>, vector<16xf32>,
      tpu.vector_store %arg6[%swap3A_795, %swap3A_796, %swap3A_797], %broadcast_in_dim3A_1 {strides = array<i32>} : memref<8x24x256xf32, #tpu.memory_space<vmem>>, vector<16xf32>,
      %swap3A_799 = arith.constant 4 : i32
      %swap3A_800 = arith.constant 16 : i32
      %swap3A_801 = arith.index_cast %swap3A_799 : i32 to index
      %swap3A_802 = arith.index_cast %swap3A_800 : i32 to index
      %swap3A_803 = arith.constant 112 : index
      %swap3A_804 = tpu.vector_load %arg6[%swap3A_801, %swap3A_802, %swap3A_803] {strides = array<i32>} : memref<8x24x256xf32, #tpu.memory_space<vmem>>, vector<16xf32>,
      tpu.vector_store %arg6[%swap3A_801, %swap3A_802, %swap3A_803], %broadcast_in_dim3A_1 {strides = array<i32>} : memref<8x24x256xf32, #tpu.memory_space<vmem>>, vector<16xf32>,
      %swap3A_805 = arith.constant 4 : i32
      %swap3A_806 = arith.constant 16 : i32
      %swap3A_807 = arith.index_cast %swap3A_805 : i32 to index
      %swap3A_808 = arith.index_cast %swap3A_806 : i32 to index
      %swap3A_809 = arith.constant 128 : index
      %swap3A_810 = tpu.vector_load %arg6[%swap3A_807, %swap3A_808, %swap3A_809] {strides = array<i32>} : memref<8x24x256xf32, #tpu.memory_space<vmem>>, vector<16xf32>,
      tpu.vector_store %arg6[%swap3A_807, %swap3A_808, %swap3A_809], %broadcast_in_dim3A_1 {strides = array<i32>} : memref<8x24x256xf32, #tpu.memory_space<vmem>>, vector<16xf32>,
      %swap3A_811 = arith.constant 4 : i32
      %swap3A_812 = arith.constant 16 : i32
      %swap3A_813 = arith.index_cast %swap3A_811 : i32 to index
      %swap3A_814 = arith.index_cast %swap3A_812 : i32 to index
      %swap3A_815 = arith.constant 144 : index
      %swap3A_816 = tpu.vector_load %arg6[%swap3A_813, %swap3A_814, %swap3A_815] {strides = array<i32>} : memref<8x24x256xf32, #tpu.memory_space<vmem>>, vector<16xf32>,
      tpu.vector_store %arg6[%swap3A_813, %swap3A_814, %swap3A_815], %broadcast_in_dim3A_1 {strides = array<i32>} : memref<8x24x256xf32, #tpu.memory_space<vmem>>, vector<16xf32>,
      %swap3A_817 = arith.constant 4 : i32
      %swap3A_818 = arith.constant 16 : i32
      %swap3A_819 = arith.index_cast %swap3A_817 : i32 to index
      %swap3A_820 = arith.index_cast %swap3A_818 : i32 to index
      %swap3A_821 = arith.constant 160 : index
      %swap3A_822 = tpu.vector_load %arg6[%swap3A_819, %swap3A_820, %swap3A_821] {strides = array<i32>} : memref<8x24x256xf32, #tpu.memory_space<vmem>>, vector<16xf32>,
      tpu.vector_store %arg6[%swap3A_819, %swap3A_820, %swap3A_821], %broadcast_in_dim3A_1 {strides = array<i32>} : memref<8x24x256xf32, #tpu.memory_space<vmem>>, vector<16xf32>,
      %swap3A_823 = arith.constant 4 : i32
      %swap3A_824 = arith.constant 16 : i32
      %swap3A_825 = arith.index_cast %swap3A_823 : i32 to index
      %swap3A_826 = arith.index_cast %swap3A_824 : i32 to index
      %swap3A_827 = arith.constant 176 : index
      %swap3A_828 = tpu.vector_load %arg6[%swap3A_825, %swap3A_826, %swap3A_827] {strides = array<i32>} : memref<8x24x256xf32, #tpu.memory_space<vmem>>, vector<16xf32>,
      tpu.vector_store %arg6[%swap3A_825, %swap3A_826, %swap3A_827], %broadcast_in_dim3A_1 {strides = array<i32>} : memref<8x24x256xf32, #tpu.memory_space<vmem>>, vector<16xf32>,
      %swap3A_829 = arith.constant 4 : i32
      %swap3A_830 = arith.constant 16 : i32
      %swap3A_831 = arith.index_cast %swap3A_829 : i32 to index
      %swap3A_832 = arith.index_cast %swap3A_830 : i32 to index
      %swap3A_833 = arith.constant 192 : index
      %swap3A_834 = tpu.vector_load %arg6[%swap3A_831, %swap3A_832, %swap3A_833] {strides = array<i32>} : memref<8x24x256xf32, #tpu.memory_space<vmem>>, vector<16xf32>,
      tpu.vector_store %arg6[%swap3A_831, %swap3A_832, %swap3A_833], %broadcast_in_dim3A_1 {strides = array<i32>} : memref<8x24x256xf32, #tpu.memory_space<vmem>>, vector<16xf32>,
      %swap3A_835 = arith.constant 4 : i32
      %swap3A_836 = arith.constant 16 : i32
      %swap3A_837 = arith.index_cast %swap3A_835 : i32 to index
      %swap3A_838 = arith.index_cast %swap3A_836 : i32 to index
      %swap3A_839 = arith.constant 208 : index
      %swap3A_840 = tpu.vector_load %arg6[%swap3A_837, %swap3A_838, %swap3A_839] {strides = array<i32>} : memref<8x24x256xf32, #tpu.memory_space<vmem>>, vector<16xf32>,
      tpu.vector_store %arg6[%swap3A_837, %swap3A_838, %swap3A_839], %broadcast_in_dim3A_1 {strides = array<i32>} : memref<8x24x256xf32, #tpu.memory_space<vmem>>, vector<16xf32>,
      %swap3A_841 = arith.constant 4 : i32
      %swap3A_842 = arith.constant 16 : i32
      %swap3A_843 = arith.index_cast %swap3A_841 : i32 to index
      %swap3A_844 = arith.index_cast %swap3A_842 : i32 to index
      %swap3A_845 = arith.constant 224 : index
      %swap3A_846 = tpu.vector_load %arg6[%swap3A_843, %swap3A_844, %swap3A_845] {strides = array<i32>} : memref<8x24x256xf32, #tpu.memory_space<vmem>>, vector<16xf32>,
      tpu.vector_store %arg6[%swap3A_843, %swap3A_844, %swap3A_845], %broadcast_in_dim3A_1 {strides = array<i32>} : memref<8x24x256xf32, #tpu.memory_space<vmem>>, vector<16xf32>,
      %swap3A_847 = arith.constant 4 : i32
      %swap3A_848 = arith.constant 16 : i32
      %swap3A_849 = arith.index_cast %swap3A_847 : i32 to index
      %swap3A_850 = arith.index_cast %swap3A_848 : i32 to index
      %swap3A_851 = arith.constant 240 : index
      %swap3A_852 = tpu.vector_load %arg6[%swap3A_849, %swap3A_850, %swap3A_851] {strides = array<i32>} : memref<8x24x256xf32, #tpu.memory_space<vmem>>, vector<16xf32>,
      tpu.vector_store %arg6[%swap3A_849, %swap3A_850, %swap3A_851], %broadcast_in_dim3A_1 {strides = array<i32>} : memref<8x24x256xf32, #tpu.memory_space<vmem>>, vector<16xf32>,
      %swap3A_853 = arith.constant 5 : i32
      %swap3A_854 = arith.constant 16 : i32
      %swap3A_855 = arith.index_cast %swap3A_853 : i32 to index
      %swap3A_856 = arith.index_cast %swap3A_854 : i32 to index
      %swap3A_857 = arith.constant 0 : index
      %swap3A_858 = tpu.vector_load %arg6[%swap3A_855, %swap3A_856, %swap3A_857] {strides = array<i32>} : memref<8x24x256xf32, #tpu.memory_space<vmem>>, vector<16xf32>,
      tpu.vector_store %arg6[%swap3A_855, %swap3A_856, %swap3A_857], %broadcast_in_dim3A_1 {strides = array<i32>} : memref<8x24x256xf32, #tpu.memory_space<vmem>>, vector<16xf32>,
      %swap3A_859 = arith.constant 5 : i32
      %swap3A_860 = arith.constant 16 : i32
      %swap3A_861 = arith.index_cast %swap3A_859 : i32 to index
      %swap3A_862 = arith.index_cast %swap3A_860 : i32 to index
      %swap3A_863 = arith.constant 16 : index
      %swap3A_864 = tpu.vector_load %arg6[%swap3A_861, %swap3A_862, %swap3A_863] {strides = array<i32>} : memref<8x24x256xf32, #tpu.memory_space<vmem>>, vector<16xf32>,
      tpu.vector_store %arg6[%swap3A_861, %swap3A_862, %swap3A_863], %broadcast_in_dim3A_1 {strides = array<i32>} : memref<8x24x256xf32, #tpu.memory_space<vmem>>, vector<16xf32>,
      %swap3A_865 = arith.constant 5 : i32
      %swap3A_866 = arith.constant 16 : i32
      %swap3A_867 = arith.index_cast %swap3A_865 : i32 to index
      %swap3A_868 = arith.index_cast %swap3A_866 : i32 to index
      %swap3A_869 = arith.constant 32 : index
      %swap3A_870 = tpu.vector_load %arg6[%swap3A_867, %swap3A_868, %swap3A_869] {strides = array<i32>} : memref<8x24x256xf32, #tpu.memory_space<vmem>>, vector<16xf32>,
      tpu.vector_store %arg6[%swap3A_867, %swap3A_868, %swap3A_869], %broadcast_in_dim3A_1 {strides = array<i32>} : memref<8x24x256xf32, #tpu.memory_space<vmem>>, vector<16xf32>,
      %swap3A_871 = arith.constant 5 : i32
      %swap3A_872 = arith.constant 16 : i32
      %swap3A_873 = arith.index_cast %swap3A_871 : i32 to index
      %swap3A_874 = arith.index_cast %swap3A_872 : i32 to index
      %swap3A_875 = arith.constant 48 : index
      %swap3A_876 = tpu.vector_load %arg6[%swap3A_873, %swap3A_874, %swap3A_875] {strides = array<i32>} : memref<8x24x256xf32, #tpu.memory_space<vmem>>, vector<16xf32>,
      tpu.vector_store %arg6[%swap3A_873, %swap3A_874, %swap3A_875], %broadcast_in_dim3A_1 {strides = array<i32>} : memref<8x24x256xf32, #tpu.memory_space<vmem>>, vector<16xf32>,
      %swap3A_877 = arith.constant 5 : i32
      %swap3A_878 = arith.constant 16 : i32
      %swap3A_879 = arith.index_cast %swap3A_877 : i32 to index
      %swap3A_880 = arith.index_cast %swap3A_878 : i32 to index
      %swap3A_881 = arith.constant 64 : index
      %swap3A_882 = tpu.vector_load %arg6[%swap3A_879, %swap3A_880, %swap3A_881] {strides = array<i32>} : memref<8x24x256xf32, #tpu.memory_space<vmem>>, vector<16xf32>,
      tpu.vector_store %arg6[%swap3A_879, %swap3A_880, %swap3A_881], %broadcast_in_dim3A_1 {strides = array<i32>} : memref<8x24x256xf32, #tpu.memory_space<vmem>>, vector<16xf32>,
      %swap3A_883 = arith.constant 5 : i32
      %swap3A_884 = arith.constant 16 : i32
      %swap3A_885 = arith.index_cast %swap3A_883 : i32 to index
      %swap3A_886 = arith.index_cast %swap3A_884 : i32 to index
      %swap3A_887 = arith.constant 80 : index
      %swap3A_888 = tpu.vector_load %arg6[%swap3A_885, %swap3A_886, %swap3A_887] {strides = array<i32>} : memref<8x24x256xf32, #tpu.memory_space<vmem>>, vector<16xf32>,
      tpu.vector_store %arg6[%swap3A_885, %swap3A_886, %swap3A_887], %broadcast_in_dim3A_1 {strides = array<i32>} : memref<8x24x256xf32, #tpu.memory_space<vmem>>, vector<16xf32>,
      %swap3A_889 = arith.constant 5 : i32
      %swap3A_890 = arith.constant 16 : i32
      %swap3A_891 = arith.index_cast %swap3A_889 : i32 to index
      %swap3A_892 = arith.index_cast %swap3A_890 : i32 to index
      %swap3A_893 = arith.constant 96 : index
      %swap3A_894 = tpu.vector_load %arg6[%swap3A_891, %swap3A_892, %swap3A_893] {strides = array<i32>} : memref<8x24x256xf32, #tpu.memory_space<vmem>>, vector<16xf32>,
      tpu.vector_store %arg6[%swap3A_891, %swap3A_892, %swap3A_893], %broadcast_in_dim3A_1 {strides = array<i32>} : memref<8x24x256xf32, #tpu.memory_space<vmem>>, vector<16xf32>,
      %swap3A_895 = arith.constant 5 : i32
      %swap3A_896 = arith.constant 16 : i32
      %swap3A_897 = arith.index_cast %swap3A_895 : i32 to index
      %swap3A_898 = arith.index_cast %swap3A_896 : i32 to index
      %swap3A_899 = arith.constant 112 : index
      %swap3A_900 = tpu.vector_load %arg6[%swap3A_897, %swap3A_898, %swap3A_899] {strides = array<i32>} : memref<8x24x256xf32, #tpu.memory_space<vmem>>, vector<16xf32>,
      tpu.vector_store %arg6[%swap3A_897, %swap3A_898, %swap3A_899], %broadcast_in_dim3A_1 {strides = array<i32>} : memref<8x24x256xf32, #tpu.memory_space<vmem>>, vector<16xf32>,
      %swap3A_901 = arith.constant 5 : i32
      %swap3A_902 = arith.constant 16 : i32
      %swap3A_903 = arith.index_cast %swap3A_901 : i32 to index
      %swap3A_904 = arith.index_cast %swap3A_902 : i32 to index
      %swap3A_905 = arith.constant 128 : index
      %swap3A_906 = tpu.vector_load %arg6[%swap3A_903, %swap3A_904, %swap3A_905] {strides = array<i32>} : memref<8x24x256xf32, #tpu.memory_space<vmem>>, vector<16xf32>,
      tpu.vector_store %arg6[%swap3A_903, %swap3A_904, %swap3A_905], %broadcast_in_dim3A_1 {strides = array<i32>} : memref<8x24x256xf32, #tpu.memory_space<vmem>>, vector<16xf32>,
      %swap3A_907 = arith.constant 5 : i32
      %swap3A_908 = arith.constant 16 : i32
      %swap3A_909 = arith.index_cast %swap3A_907 : i32 to index
      %swap3A_910 = arith.index_cast %swap3A_908 : i32 to index
      %swap3A_911 = arith.constant 144 : index
      %swap3A_912 = tpu.vector_load %arg6[%swap3A_909, %swap3A_910, %swap3A_911] {strides = array<i32>} : memref<8x24x256xf32, #tpu.memory_space<vmem>>, vector<16xf32>,
      tpu.vector_store %arg6[%swap3A_909, %swap3A_910, %swap3A_911], %broadcast_in_dim3A_1 {strides = array<i32>} : memref<8x24x256xf32, #tpu.memory_space<vmem>>, vector<16xf32>,
      %swap3A_913 = arith.constant 5 : i32
      %swap3A_914 = arith.constant 16 : i32
      %swap3A_915 = arith.index_cast %swap3A_913 : i32 to index
      %swap3A_916 = arith.index_cast %swap3A_914 : i32 to index
      %swap3A_917 = arith.constant 160 : index
      %swap3A_918 = tpu.vector_load %arg6[%swap3A_915, %swap3A_916, %swap3A_917] {strides = array<i32>} : memref<8x24x256xf32, #tpu.memory_space<vmem>>, vector<16xf32>,
      tpu.vector_store %arg6[%swap3A_915, %swap3A_916, %swap3A_917], %broadcast_in_dim3A_1 {strides = array<i32>} : memref<8x24x256xf32, #tpu.memory_space<vmem>>, vector<16xf32>,
      %swap3A_919 = arith.constant 5 : i32
      %swap3A_920 = arith.constant 16 : i32
      %swap3A_921 = arith.index_cast %swap3A_919 : i32 to index
      %swap3A_922 = arith.index_cast %swap3A_920 : i32 to index
      %swap3A_923 = arith.constant 176 : index
      %swap3A_924 = tpu.vector_load %arg6[%swap3A_921, %swap3A_922, %swap3A_923] {strides = array<i32>} : memref<8x24x256xf32, #tpu.memory_space<vmem>>, vector<16xf32>,
      tpu.vector_store %arg6[%swap3A_921, %swap3A_922, %swap3A_923], %broadcast_in_dim3A_1 {strides = array<i32>} : memref<8x24x256xf32, #tpu.memory_space<vmem>>, vector<16xf32>,
      %swap3A_925 = arith.constant 5 : i32
      %swap3A_926 = arith.constant 16 : i32
      %swap3A_927 = arith.index_cast %swap3A_925 : i32 to index
      %swap3A_928 = arith.index_cast %swap3A_926 : i32 to index
      %swap3A_929 = arith.constant 192 : index
      %swap3A_930 = tpu.vector_load %arg6[%swap3A_927, %swap3A_928, %swap3A_929] {strides = array<i32>} : memref<8x24x256xf32, #tpu.memory_space<vmem>>, vector<16xf32>,
      tpu.vector_store %arg6[%swap3A_927, %swap3A_928, %swap3A_929], %broadcast_in_dim3A_1 {strides = array<i32>} : memref<8x24x256xf32, #tpu.memory_space<vmem>>, vector<16xf32>,
      %swap3A_931 = arith.constant 5 : i32
      %swap3A_932 = arith.constant 16 : i32
      %swap3A_933 = arith.index_cast %swap3A_931 : i32 to index
      %swap3A_934 = arith.index_cast %swap3A_932 : i32 to index
      %swap3A_935 = arith.constant 208 : index
      %swap3A_936 = tpu.vector_load %arg6[%swap3A_933, %swap3A_934, %swap3A_935] {strides = array<i32>} : memref<8x24x256xf32, #tpu.memory_space<vmem>>, vector<16xf32>,
      tpu.vector_store %arg6[%swap3A_933, %swap3A_934, %swap3A_935], %broadcast_in_dim3A_1 {strides = array<i32>} : memref<8x24x256xf32, #tpu.memory_space<vmem>>, vector<16xf32>,
      %swap3A_937 = arith.constant 5 : i32
      %swap3A_938 = arith.constant 16 : i32
      %swap3A_939 = arith.index_cast %swap3A_937 : i32 to index
      %swap3A_940 = arith.index_cast %swap3A_938 : i32 to index
      %swap3A_941 = arith.constant 224 : index
      %swap3A_942 = tpu.vector_load %arg6[%swap3A_939, %swap3A_940, %swap3A_941] {strides = array<i32>} : memref<8x24x256xf32, #tpu.memory_space<vmem>>, vector<16xf32>,
      tpu.vector_store %arg6[%swap3A_939, %swap3A_940, %swap3A_941], %broadcast_in_dim3A_1 {strides = array<i32>} : memref<8x24x256xf32, #tpu.memory_space<vmem>>, vector<16xf32>,
      %swap3A_943 = arith.constant 5 : i32
      %swap3A_944 = arith.constant 16 : i32
      %swap3A_945 = arith.index_cast %swap3A_943 : i32 to index
      %swap3A_946 = arith.index_cast %swap3A_944 : i32 to index
      %swap3A_947 = arith.constant 240 : index
      %swap3A_948 = tpu.vector_load %arg6[%swap3A_945, %swap3A_946, %swap3A_947] {strides = array<i32>} : memref<8x24x256xf32, #tpu.memory_space<vmem>>, vector<16xf32>,
      tpu.vector_store %arg6[%swap3A_945, %swap3A_946, %swap3A_947], %broadcast_in_dim3A_1 {strides = array<i32>} : memref<8x24x256xf32, #tpu.memory_space<vmem>>, vector<16xf32>,
      %swap3A_949 = arith.constant 6 : i32
      %swap3A_950 = arith.constant 16 : i32
      %swap3A_951 = arith.index_cast %swap3A_949 : i32 to index
      %swap3A_952 = arith.index_cast %swap3A_950 : i32 to index
      %swap3A_953 = arith.constant 0 : index
      %swap3A_954 = tpu.vector_load %arg6[%swap3A_951, %swap3A_952, %swap3A_953] {strides = array<i32>} : memref<8x24x256xf32, #tpu.memory_space<vmem>>, vector<16xf32>,
      tpu.vector_store %arg6[%swap3A_951, %swap3A_952, %swap3A_953], %broadcast_in_dim3A_1 {strides = array<i32>} : memref<8x24x256xf32, #tpu.memory_space<vmem>>, vector<16xf32>,
      %swap3A_955 = arith.constant 6 : i32
      %swap3A_956 = arith.constant 16 : i32
      %swap3A_957 = arith.index_cast %swap3A_955 : i32 to index
      %swap3A_958 = arith.index_cast %swap3A_956 : i32 to index
      %swap3A_959 = arith.constant 16 : index
      %swap3A_960 = tpu.vector_load %arg6[%swap3A_957, %swap3A_958, %swap3A_959] {strides = array<i32>} : memref<8x24x256xf32, #tpu.memory_space<vmem>>, vector<16xf32>,
      tpu.vector_store %arg6[%swap3A_957, %swap3A_958, %swap3A_959], %broadcast_in_dim3A_1 {strides = array<i32>} : memref<8x24x256xf32, #tpu.memory_space<vmem>>, vector<16xf32>,
      %swap3A_961 = arith.constant 6 : i32
      %swap3A_962 = arith.constant 16 : i32
      %swap3A_963 = arith.index_cast %swap3A_961 : i32 to index
      %swap3A_964 = arith.index_cast %swap3A_962 : i32 to index
      %swap3A_965 = arith.constant 32 : index
      %swap3A_966 = tpu.vector_load %arg6[%swap3A_963, %swap3A_964, %swap3A_965] {strides = array<i32>} : memref<8x24x256xf32, #tpu.memory_space<vmem>>, vector<16xf32>,
      tpu.vector_store %arg6[%swap3A_963, %swap3A_964, %swap3A_965], %broadcast_in_dim3A_1 {strides = array<i32>} : memref<8x24x256xf32, #tpu.memory_space<vmem>>, vector<16xf32>,
      %swap3A_967 = arith.constant 6 : i32
      %swap3A_968 = arith.constant 16 : i32
      %swap3A_969 = arith.index_cast %swap3A_967 : i32 to index
      %swap3A_970 = arith.index_cast %swap3A_968 : i32 to index
      %swap3A_971 = arith.constant 48 : index
      %swap3A_972 = tpu.vector_load %arg6[%swap3A_969, %swap3A_970, %swap3A_971] {strides = array<i32>} : memref<8x24x256xf32, #tpu.memory_space<vmem>>, vector<16xf32>,
      tpu.vector_store %arg6[%swap3A_969, %swap3A_970, %swap3A_971], %broadcast_in_dim3A_1 {strides = array<i32>} : memref<8x24x256xf32, #tpu.memory_space<vmem>>, vector<16xf32>,
      %swap3A_973 = arith.constant 6 : i32
      %swap3A_974 = arith.constant 16 : i32
      %swap3A_975 = arith.index_cast %swap3A_973 : i32 to index
      %swap3A_976 = arith.index_cast %swap3A_974 : i32 to index
      %swap3A_977 = arith.constant 64 : index
      %swap3A_978 = tpu.vector_load %arg6[%swap3A_975, %swap3A_976, %swap3A_977] {strides = array<i32>} : memref<8x24x256xf32, #tpu.memory_space<vmem>>, vector<16xf32>,
      tpu.vector_store %arg6[%swap3A_975, %swap3A_976, %swap3A_977], %broadcast_in_dim3A_1 {strides = array<i32>} : memref<8x24x256xf32, #tpu.memory_space<vmem>>, vector<16xf32>,
      %swap3A_979 = arith.constant 6 : i32
      %swap3A_980 = arith.constant 16 : i32
      %swap3A_981 = arith.index_cast %swap3A_979 : i32 to index
      %swap3A_982 = arith.index_cast %swap3A_980 : i32 to index
      %swap3A_983 = arith.constant 80 : index
      %swap3A_984 = tpu.vector_load %arg6[%swap3A_981, %swap3A_982, %swap3A_983] {strides = array<i32>} : memref<8x24x256xf32, #tpu.memory_space<vmem>>, vector<16xf32>,
      tpu.vector_store %arg6[%swap3A_981, %swap3A_982, %swap3A_983], %broadcast_in_dim3A_1 {strides = array<i32>} : memref<8x24x256xf32, #tpu.memory_space<vmem>>, vector<16xf32>,
      %swap3A_985 = arith.constant 6 : i32
      %swap3A_986 = arith.constant 16 : i32
      %swap3A_987 = arith.index_cast %swap3A_985 : i32 to index
      %swap3A_988 = arith.index_cast %swap3A_986 : i32 to index
      %swap3A_989 = arith.constant 96 : index
      %swap3A_990 = tpu.vector_load %arg6[%swap3A_987, %swap3A_988, %swap3A_989] {strides = array<i32>} : memref<8x24x256xf32, #tpu.memory_space<vmem>>, vector<16xf32>,
      tpu.vector_store %arg6[%swap3A_987, %swap3A_988, %swap3A_989], %broadcast_in_dim3A_1 {strides = array<i32>} : memref<8x24x256xf32, #tpu.memory_space<vmem>>, vector<16xf32>,
      %swap3A_991 = arith.constant 6 : i32
      %swap3A_992 = arith.constant 16 : i32
      %swap3A_993 = arith.index_cast %swap3A_991 : i32 to index
      %swap3A_994 = arith.index_cast %swap3A_992 : i32 to index
      %swap3A_995 = arith.constant 112 : index
      %swap3A_996 = tpu.vector_load %arg6[%swap3A_993, %swap3A_994, %swap3A_995] {strides = array<i32>} : memref<8x24x256xf32, #tpu.memory_space<vmem>>, vector<16xf32>,
      tpu.vector_store %arg6[%swap3A_993, %swap3A_994, %swap3A_995], %broadcast_in_dim3A_1 {strides = array<i32>} : memref<8x24x256xf32, #tpu.memory_space<vmem>>, vector<16xf32>,
      %swap3A_997 = arith.constant 6 : i32
      %swap3A_998 = arith.constant 16 : i32
      %swap3A_999 = arith.index_cast %swap3A_997 : i32 to index
      %swap3A_1000 = arith.index_cast %swap3A_998 : i32 to index
      %swap3A_1001 = arith.constant 128 : index
      %swap3A_1002 = tpu.vector_load %arg6[%swap3A_999, %swap3A_1000, %swap3A_1001] {strides = array<i32>} : memref<8x24x256xf32, #tpu.memory_space<vmem>>, vector<16xf32>,
      tpu.vector_store %arg6[%swap3A_999, %swap3A_1000, %swap3A_1001], %broadcast_in_dim3A_1 {strides = array<i32>} : memref<8x24x256xf32, #tpu.memory_space<vmem>>, vector<16xf32>,
      %swap3A_1003 = arith.constant 6 : i32
      %swap3A_1004 = arith.constant 16 : i32
      %swap3A_1005 = arith.index_cast %swap3A_1003 : i32 to index
      %swap3A_1006 = arith.index_cast %swap3A_1004 : i32 to index
      %swap3A_1007 = arith.constant 144 : index
      %swap3A_1008 = tpu.vector_load %arg6[%swap3A_1005, %swap3A_1006, %swap3A_1007] {strides = array<i32>} : memref<8x24x256xf32, #tpu.memory_space<vmem>>, vector<16xf32>,
      tpu.vector_store %arg6[%swap3A_1005, %swap3A_1006, %swap3A_1007], %broadcast_in_dim3A_1 {strides = array<i32>} : memref<8x24x256xf32, #tpu.memory_space<vmem>>, vector<16xf32>,
      %swap3A_1009 = arith.constant 6 : i32
      %swap3A_1010 = arith.constant 16 : i32
      %swap3A_1011 = arith.index_cast %swap3A_1009 : i32 to index
      %swap3A_1012 = arith.index_cast %swap3A_1010 : i32 to index
      %swap3A_1013 = arith.constant 160 : index
      %swap3A_1014 = tpu.vector_load %arg6[%swap3A_1011, %swap3A_1012, %swap3A_1013] {strides = array<i32>} : memref<8x24x256xf32, #tpu.memory_space<vmem>>, vector<16xf32>,
      tpu.vector_store %arg6[%swap3A_1011, %swap3A_1012, %swap3A_1013], %broadcast_in_dim3A_1 {strides = array<i32>} : memref<8x24x256xf32, #tpu.memory_space<vmem>>, vector<16xf32>,
      %swap3A_1015 = arith.constant 6 : i32
      %swap3A_1016 = arith.constant 16 : i32
      %swap3A_1017 = arith.index_cast %swap3A_1015 : i32 to index
      %swap3A_1018 = arith.index_cast %swap3A_1016 : i32 to index
      %swap3A_1019 = arith.constant 176 : index
      %swap3A_1020 = tpu.vector_load %arg6[%swap3A_1017, %swap3A_1018, %swap3A_1019] {strides = array<i32>} : memref<8x24x256xf32, #tpu.memory_space<vmem>>, vector<16xf32>,
      tpu.vector_store %arg6[%swap3A_1017, %swap3A_1018, %swap3A_1019], %broadcast_in_dim3A_1 {strides = array<i32>} : memref<8x24x256xf32, #tpu.memory_space<vmem>>, vector<16xf32>,
      %swap3A_1021 = arith.constant 6 : i32
      %swap3A_1022 = arith.constant 16 : i32
      %swap3A_1023 = arith.index_cast %swap3A_1021 : i32 to index
      %swap3A_1024 = arith.index_cast %swap3A_1022 : i32 to index
      %swap3A_1025 = arith.constant 192 : index
      %swap3A_1026 = tpu.vector_load %arg6[%swap3A_1023, %swap3A_1024, %swap3A_1025] {strides = array<i32>} : memref<8x24x256xf32, #tpu.memory_space<vmem>>, vector<16xf32>,
      tpu.vector_store %arg6[%swap3A_1023, %swap3A_1024, %swap3A_1025], %broadcast_in_dim3A_1 {strides = array<i32>} : memref<8x24x256xf32, #tpu.memory_space<vmem>>, vector<16xf32>,
      %swap3A_1027 = arith.constant 6 : i32
      %swap3A_1028 = arith.constant 16 : i32
      %swap3A_1029 = arith.index_cast %swap3A_1027 : i32 to index
      %swap3A_1030 = arith.index_cast %swap3A_1028 : i32 to index
      %swap3A_1031 = arith.constant 208 : index
      %swap3A_1032 = tpu.vector_load %arg6[%swap3A_1029, %swap3A_1030, %swap3A_1031] {strides = array<i32>} : memref<8x24x256xf32, #tpu.memory_space<vmem>>, vector<16xf32>,
      tpu.vector_store %arg6[%swap3A_1029, %swap3A_1030, %swap3A_1031], %broadcast_in_dim3A_1 {strides = array<i32>} : memref<8x24x256xf32, #tpu.memory_space<vmem>>, vector<16xf32>,
      %swap3A_1033 = arith.constant 6 : i32
      %swap3A_1034 = arith.constant 16 : i32
      %swap3A_1035 = arith.index_cast %swap3A_1033 : i32 to index
      %swap3A_1036 = arith.index_cast %swap3A_1034 : i32 to index
      %swap3A_1037 = arith.constant 224 : index
      %swap3A_1038 = tpu.vector_load %arg6[%swap3A_1035, %swap3A_1036, %swap3A_1037] {strides = array<i32>} : memref<8x24x256xf32, #tpu.memory_space<vmem>>, vector<16xf32>,
      tpu.vector_store %arg6[%swap3A_1035, %swap3A_1036, %swap3A_1037], %broadcast_in_dim3A_1 {strides = array<i32>} : memref<8x24x256xf32, #tpu.memory_space<vmem>>, vector<16xf32>,
      %swap3A_1039 = arith.constant 6 : i32
      %swap3A_1040 = arith.constant 16 : i32
      %swap3A_1041 = arith.index_cast %swap3A_1039 : i32 to index
      %swap3A_1042 = arith.index_cast %swap3A_1040 : i32 to index
      %swap3A_1043 = arith.constant 240 : index
      %swap3A_1044 = tpu.vector_load %arg6[%swap3A_1041, %swap3A_1042, %swap3A_1043] {strides = array<i32>} : memref<8x24x256xf32, #tpu.memory_space<vmem>>, vector<16xf32>,
      tpu.vector_store %arg6[%swap3A_1041, %swap3A_1042, %swap3A_1043], %broadcast_in_dim3A_1 {strides = array<i32>} : memref<8x24x256xf32, #tpu.memory_space<vmem>>, vector<16xf32>,
      %swap3A_1045 = arith.constant 7 : i32
      %swap3A_1046 = arith.constant 16 : i32
      %swap3A_1047 = arith.index_cast %swap3A_1045 : i32 to index
      %swap3A_1048 = arith.index_cast %swap3A_1046 : i32 to index
      %swap3A_1049 = arith.constant 0 : index
      %swap3A_1050 = tpu.vector_load %arg6[%swap3A_1047, %swap3A_1048, %swap3A_1049] {strides = array<i32>} : memref<8x24x256xf32, #tpu.memory_space<vmem>>, vector<16xf32>,
      tpu.vector_store %arg6[%swap3A_1047, %swap3A_1048, %swap3A_1049], %broadcast_in_dim3A_1 {strides = array<i32>} : memref<8x24x256xf32, #tpu.memory_space<vmem>>, vector<16xf32>,
      %swap3A_1051 = arith.constant 7 : i32
      %swap3A_1052 = arith.constant 16 : i32
      %swap3A_1053 = arith.index_cast %swap3A_1051 : i32 to index
      %swap3A_1054 = arith.index_cast %swap3A_1052 : i32 to index
      %swap3A_1055 = arith.constant 16 : index
      %swap3A_1056 = tpu.vector_load %arg6[%swap3A_1053, %swap3A_1054, %swap3A_1055] {strides = array<i32>} : memref<8x24x256xf32, #tpu.memory_space<vmem>>, vector<16xf32>,
      tpu.vector_store %arg6[%swap3A_1053, %swap3A_1054, %swap3A_1055], %broadcast_in_dim3A_1 {strides = array<i32>} : memref<8x24x256xf32, #tpu.memory_space<vmem>>, vector<16xf32>,
      %swap3A_1057 = arith.constant 7 : i32
      %swap3A_1058 = arith.constant 16 : i32
      %swap3A_1059 = arith.index_cast %swap3A_1057 : i32 to index
      %swap3A_1060 = arith.index_cast %swap3A_1058 : i32 to index
      %swap3A_1061 = arith.constant 32 : index
      %swap3A_1062 = tpu.vector_load %arg6[%swap3A_1059, %swap3A_1060, %swap3A_1061] {strides = array<i32>} : memref<8x24x256xf32, #tpu.memory_space<vmem>>, vector<16xf32>,
      tpu.vector_store %arg6[%swap3A_1059, %swap3A_1060, %swap3A_1061], %broadcast_in_dim3A_1 {strides = array<i32>} : memref<8x24x256xf32, #tpu.memory_space<vmem>>, vector<16xf32>,
      %swap3A_1063 = arith.constant 7 : i32
      %swap3A_1064 = arith.constant 16 : i32
      %swap3A_1065 = arith.index_cast %swap3A_1063 : i32 to index
      %swap3A_1066 = arith.index_cast %swap3A_1064 : i32 to index
      %swap3A_1067 = arith.constant 48 : index
      %swap3A_1068 = tpu.vector_load %arg6[%swap3A_1065, %swap3A_1066, %swap3A_1067] {strides = array<i32>} : memref<8x24x256xf32, #tpu.memory_space<vmem>>, vector<16xf32>,
      tpu.vector_store %arg6[%swap3A_1065, %swap3A_1066, %swap3A_1067], %broadcast_in_dim3A_1 {strides = array<i32>} : memref<8x24x256xf32, #tpu.memory_space<vmem>>, vector<16xf32>,
      %swap3A_1069 = arith.constant 7 : i32
      %swap3A_1070 = arith.constant 16 : i32
      %swap3A_1071 = arith.index_cast %swap3A_1069 : i32 to index
      %swap3A_1072 = arith.index_cast %swap3A_1070 : i32 to index
      %swap3A_1073 = arith.constant 64 : index
      %swap3A_1074 = tpu.vector_load %arg6[%swap3A_1071, %swap3A_1072, %swap3A_1073] {strides = array<i32>} : memref<8x24x256xf32, #tpu.memory_space<vmem>>, vector<16xf32>,
      tpu.vector_store %arg6[%swap3A_1071, %swap3A_1072, %swap3A_1073], %broadcast_in_dim3A_1 {strides = array<i32>} : memref<8x24x256xf32, #tpu.memory_space<vmem>>, vector<16xf32>,
      %swap3A_1075 = arith.constant 7 : i32
      %swap3A_1076 = arith.constant 16 : i32
      %swap3A_1077 = arith.index_cast %swap3A_1075 : i32 to index
      %swap3A_1078 = arith.index_cast %swap3A_1076 : i32 to index
      %swap3A_1079 = arith.constant 80 : index
      %swap3A_1080 = tpu.vector_load %arg6[%swap3A_1077, %swap3A_1078, %swap3A_1079] {strides = array<i32>} : memref<8x24x256xf32, #tpu.memory_space<vmem>>, vector<16xf32>,
      tpu.vector_store %arg6[%swap3A_1077, %swap3A_1078, %swap3A_1079], %broadcast_in_dim3A_1 {strides = array<i32>} : memref<8x24x256xf32, #tpu.memory_space<vmem>>, vector<16xf32>,
      %swap3A_1081 = arith.constant 7 : i32
      %swap3A_1082 = arith.constant 16 : i32
      %swap3A_1083 = arith.index_cast %swap3A_1081 : i32 to index
      %swap3A_1084 = arith.index_cast %swap3A_1082 : i32 to index
      %swap3A_1085 = arith.constant 96 : index
      %swap3A_1086 = tpu.vector_load %arg6[%swap3A_1083, %swap3A_1084, %swap3A_1085] {strides = array<i32>} : memref<8x24x256xf32, #tpu.memory_space<vmem>>, vector<16xf32>,
      tpu.vector_store %arg6[%swap3A_1083, %swap3A_1084, %swap3A_1085], %broadcast_in_dim3A_1 {strides = array<i32>} : memref<8x24x256xf32, #tpu.memory_space<vmem>>, vector<16xf32>,
      %swap3A_1087 = arith.constant 7 : i32
      %swap3A_1088 = arith.constant 16 : i32
      %swap3A_1089 = arith.index_cast %swap3A_1087 : i32 to index
      %swap3A_1090 = arith.index_cast %swap3A_1088 : i32 to index
      %swap3A_1091 = arith.constant 112 : index
      %swap3A_1092 = tpu.vector_load %arg6[%swap3A_1089, %swap3A_1090, %swap3A_1091] {strides = array<i32>} : memref<8x24x256xf32, #tpu.memory_space<vmem>>, vector<16xf32>,
      tpu.vector_store %arg6[%swap3A_1089, %swap3A_1090, %swap3A_1091], %broadcast_in_dim3A_1 {strides = array<i32>} : memref<8x24x256xf32, #tpu.memory_space<vmem>>, vector<16xf32>,
      %swap3A_1093 = arith.constant 7 : i32
      %swap3A_1094 = arith.constant 16 : i32
      %swap3A_1095 = arith.index_cast %swap3A_1093 : i32 to index
      %swap3A_1096 = arith.index_cast %swap3A_1094 : i32 to index
      %swap3A_1097 = arith.constant 128 : index
      %swap3A_1098 = tpu.vector_load %arg6[%swap3A_1095, %swap3A_1096, %swap3A_1097] {strides = array<i32>} : memref<8x24x256xf32, #tpu.memory_space<vmem>>, vector<16xf32>,
      tpu.vector_store %arg6[%swap3A_1095, %swap3A_1096, %swap3A_1097], %broadcast_in_dim3A_1 {strides = array<i32>} : memref<8x24x256xf32, #tpu.memory_space<vmem>>, vector<16xf32>,
      %swap3A_1099 = arith.constant 7 : i32
      %swap3A_1100 = arith.constant 16 : i32
      %swap3A_1101 = arith.index_cast %swap3A_1099 : i32 to index
      %swap3A_1102 = arith.index_cast %swap3A_1100 : i32 to index
      %swap3A_1103 = arith.constant 144 : index
      %swap3A_1104 = tpu.vector_load %arg6[%swap3A_1101, %swap3A_1102, %swap3A_1103] {strides = array<i32>} : memref<8x24x256xf32, #tpu.memory_space<vmem>>, vector<16xf32>,
      tpu.vector_store %arg6[%swap3A_1101, %swap3A_1102, %swap3A_1103], %broadcast_in_dim3A_1 {strides = array<i32>} : memref<8x24x256xf32, #tpu.memory_space<vmem>>, vector<16xf32>,
      %swap3A_1105 = arith.constant 7 : i32
      %swap3A_1106 = arith.constant 16 : i32
      %swap3A_1107 = arith.index_cast %swap3A_1105 : i32 to index
      %swap3A_1108 = arith.index_cast %swap3A_1106 : i32 to index
      %swap3A_1109 = arith.constant 160 : index
      %swap3A_1110 = tpu.vector_load %arg6[%swap3A_1107, %swap3A_1108, %swap3A_1109] {strides = array<i32>} : memref<8x24x256xf32, #tpu.memory_space<vmem>>, vector<16xf32>,
      tpu.vector_store %arg6[%swap3A_1107, %swap3A_1108, %swap3A_1109], %broadcast_in_dim3A_1 {strides = array<i32>} : memref<8x24x256xf32, #tpu.memory_space<vmem>>, vector<16xf32>,
      %swap3A_1111 = arith.constant 7 : i32
      %swap3A_1112 = arith.constant 16 : i32
      %swap3A_1113 = arith.index_cast %swap3A_1111 : i32 to index
      %swap3A_1114 = arith.index_cast %swap3A_1112 : i32 to index
      %swap3A_1115 = arith.constant 176 : index
      %swap3A_1116 = tpu.vector_load %arg6[%swap3A_1113, %swap3A_1114, %swap3A_1115] {strides = array<i32>} : memref<8x24x256xf32, #tpu.memory_space<vmem>>, vector<16xf32>,
      tpu.vector_store %arg6[%swap3A_1113, %swap3A_1114, %swap3A_1115], %broadcast_in_dim3A_1 {strides = array<i32>} : memref<8x24x256xf32, #tpu.memory_space<vmem>>, vector<16xf32>,
      %swap3A_1117 = arith.constant 7 : i32
      %swap3A_1118 = arith.constant 16 : i32
      %swap3A_1119 = arith.index_cast %swap3A_1117 : i32 to index
      %swap3A_1120 = arith.index_cast %swap3A_1118 : i32 to index
      %swap3A_1121 = arith.constant 192 : index
      %swap3A_1122 = tpu.vector_load %arg6[%swap3A_1119, %swap3A_1120, %swap3A_1121] {strides = array<i32>} : memref<8x24x256xf32, #tpu.memory_space<vmem>>, vector<16xf32>,
      tpu.vector_store %arg6[%swap3A_1119, %swap3A_1120, %swap3A_1121], %broadcast_in_dim3A_1 {strides = array<i32>} : memref<8x24x256xf32, #tpu.memory_space<vmem>>, vector<16xf32>,
      %swap3A_1123 = arith.constant 7 : i32
      %swap3A_1124 = arith.constant 16 : i32
      %swap3A_1125 = arith.index_cast %swap3A_1123 : i32 to index
      %swap3A_1126 = arith.index_cast %swap3A_1124 : i32 to index
      %swap3A_1127 = arith.constant 208 : index
      %swap3A_1128 = tpu.vector_load %arg6[%swap3A_1125, %swap3A_1126, %swap3A_1127] {strides = array<i32>} : memref<8x24x256xf32, #tpu.memory_space<vmem>>, vector<16xf32>,
      tpu.vector_store %arg6[%swap3A_1125, %swap3A_1126, %swap3A_1127], %broadcast_in_dim3A_1 {strides = array<i32>} : memref<8x24x256xf32, #tpu.memory_space<vmem>>, vector<16xf32>,
      %swap3A_1129 = arith.constant 7 : i32
      %swap3A_1130 = arith.constant 16 : i32
      %swap3A_1131 = arith.index_cast %swap3A_1129 : i32 to index
      %swap3A_1132 = arith.index_cast %swap3A_1130 : i32 to index
      %swap3A_1133 = arith.constant 224 : index
      %swap3A_1134 = tpu.vector_load %arg6[%swap3A_1131, %swap3A_1132, %swap3A_1133] {strides = array<i32>} : memref<8x24x256xf32, #tpu.memory_space<vmem>>, vector<16xf32>,
      tpu.vector_store %arg6[%swap3A_1131, %swap3A_1132, %swap3A_1133], %broadcast_in_dim3A_1 {strides = array<i32>} : memref<8x24x256xf32, #tpu.memory_space<vmem>>, vector<16xf32>,
      %swap3A_1135 = arith.constant 7 : i32
      %swap3A_1136 = arith.constant 16 : i32
      %swap3A_1137 = arith.index_cast %swap3A_1135 : i32 to index
      %swap3A_1138 = arith.index_cast %swap3A_1136 : i32 to index
      %swap3A_1139 = arith.constant 240 : index
      %swap3A_1140 = tpu.vector_load %arg6[%swap3A_1137, %swap3A_1138, %swap3A_1139] {strides = array<i32>} : memref<8x24x256xf32, #tpu.memory_space<vmem>>, vector<16xf32>,
      tpu.vector_store %arg6[%swap3A_1137, %swap3A_1138, %swap3A_1139], %broadcast_in_dim3A_1 {strides = array<i32>} : memref<8x24x256xf32, #tpu.memory_space<vmem>>, vector<16xf32>,
    } else {
    }
    %dma_wait3A = arith.constant 0 : i32
    %dma_wait3A_178 = arith.constant 0 : i32
    %dma_wait3A_179 = arith.constant 0 : i32
    %dma_wait3A_180 = arith.constant 0 : i32
    %dma_wait3A_181 = tpu.memref_slice %arg6[%dma_wait3A_178, %dma_wait3A_179, %dma_wait3A_180] : memref<8x24x256xf32, #tpu.memory_space<vmem>> -> memref<1x16x256xf32, #tpu.memory_space<vmem>>
    %dma_wait3A_182 = tpu.memref_squeeze %dma_wait3A_181 : memref<1x16x256xf32, #tpu.memory_space<vmem>> -> memref<16x256xf32, #tpu.memory_space<vmem>>
    %dma_wait3A_183 = arith.constant 0 : i32
    %dma_wait3A_184 = tpu.memref_slice %arg2[%arg0, %dma_wait3A, %mul3A_0, %dma_wait3A_183] : memref<2x4x256x256xf32, #tpu.memory_space<hbm>> -> memref<1x1x16x256xf32, #tpu.memory_space<hbm>>
    %dma_wait3A_185 = tpu.memref_squeeze %dma_wait3A_184 : memref<1x1x16x256xf32, #tpu.memory_space<hbm>> -> memref<16x256xf32, #tpu.memory_space<hbm>>
    %dma_wait3A_186 = arith.constant 0 : i32
    %dma_wait3A_187 = arith.constant 0 : i32
    %dma_wait3A_188 = tpu.memref_slice %arg6[%dma_wait3A_178, %dma_wait3A_186, %dma_wait3A_187] : memref<8x24x256xf32, #tpu.memory_space<vmem>> -> memref<1x16x256xf32, #tpu.memory_space<vmem>>
    %dma_wait3A_189 = tpu.memref_squeeze %dma_wait3A_188 : memref<1x16x256xf32, #tpu.memory_space<vmem>> -> memref<16x256xf32, #tpu.memory_space<vmem>>
    %dma_wait3A_190 = arith.constant 0 : i32
    %dma_wait3A_191 = tpu.memref_slice %arg2[%arg0, %dma_wait3A, %mul3A_0, %dma_wait3A_190] : memref<2x4x256x256xf32, #tpu.memory_space<hbm>> -> memref<1x1x16x256xf32, #tpu.memory_space<hbm>>
    %dma_wait3A_192 = tpu.memref_squeeze %dma_wait3A_191 : memref<1x1x16x256xf32, #tpu.memory_space<hbm>> -> memref<16x256xf32, #tpu.memory_space<hbm>>
    tpu.wait_dma2 semaphore(%arg24 : memref<!tpu.dma_semaphore, #tpu.memory_space<semaphore_mem>>) src(%dma_wait3A_192 : memref<16x256xf32, #tpu.memory_space<hbm>>) dst(%dma_wait3A_189 : memref<16x256xf32, #tpu.memory_space<vmem>>)
    %dma_wait3A_193 = arith.constant 1 : i32
    %dma_wait3A_194 = arith.constant 1 : i32
    %dma_wait3A_195 = arith.constant 0 : i32
    %dma_wait3A_196 = arith.constant 0 : i32
    %dma_wait3A_197 = tpu.memref_slice %arg6[%dma_wait3A_194, %dma_wait3A_195, %dma_wait3A_196] : memref<8x24x256xf32, #tpu.memory_space<vmem>> -> memref<1x16x256xf32, #tpu.memory_space<vmem>>
    %dma_wait3A_198 = tpu.memref_squeeze %dma_wait3A_197 : memref<1x16x256xf32, #tpu.memory_space<vmem>> -> memref<16x256xf32, #tpu.memory_space<vmem>>
    %dma_wait3A_199 = arith.constant 0 : i32
    %dma_wait3A_200 = tpu.memref_slice %arg2[%arg0, %dma_wait3A_193, %mul3A_0, %dma_wait3A_199] : memref<2x4x256x256xf32, #tpu.memory_space<hbm>> -> memref<1x1x16x256xf32, #tpu.memory_space<hbm>>
    %dma_wait3A_201 = tpu.memref_squeeze %dma_wait3A_200 : memref<1x1x16x256xf32, #tpu.memory_space<hbm>> -> memref<16x256xf32, #tpu.memory_space<hbm>>
    %dma_wait3A_202 = arith.constant 0 : i32
    %dma_wait3A_203 = arith.constant 0 : i32
    %dma_wait3A_204 = tpu.memref_slice %arg6[%dma_wait3A_194, %dma_wait3A_202, %dma_wait3A_203] : memref<8x24x256xf32, #tpu.memory_space<vmem>> -> memref<1x16x256xf32, #tpu.memory_space<vmem>>
    %dma_wait3A_205 = tpu.memref_squeeze %dma_wait3A_204 : memref<1x16x256xf32, #tpu.memory_space<vmem>> -> memref<16x256xf32, #tpu.memory_space<vmem>>
    %dma_wait3A_206 = arith.constant 0 : i32
    %dma_wait3A_207 = tpu.memref_slice %arg2[%arg0, %dma_wait3A_193, %mul3A_0, %dma_wait3A_206] : memref<2x4x256x256xf32, #tpu.memory_space<hbm>> -> memref<1x1x16x256xf32, #tpu.memory_space<hbm>>
    %dma_wait3A_208 = tpu.memref_squeeze %dma_wait3A_207 : memref<1x1x16x256xf32, #tpu.memory_space<hbm>> -> memref<16x256xf32, #tpu.memory_space<hbm>>
    tpu.wait_dma2 semaphore(%arg24 : memref<!tpu.dma_semaphore, #tpu.memory_space<semaphore_mem>>) src(%dma_wait3A_208 : memref<16x256xf32, #tpu.memory_space<hbm>>) dst(%dma_wait3A_205 : memref<16x256xf32, #tpu.memory_space<vmem>>)
    %dma_wait3A_209 = arith.constant 2 : i32
    %dma_wait3A_210 = arith.constant 2 : i32
    %dma_wait3A_211 = arith.constant 0 : i32
    %dma_wait3A_212 = arith.constant 0 : i32
    %dma_wait3A_213 = tpu.memref_slice %arg6[%dma_wait3A_210, %dma_wait3A_211, %dma_wait3A_212] : memref<8x24x256xf32, #tpu.memory_space<vmem>> -> memref<1x16x256xf32, #tpu.memory_space<vmem>>
    %dma_wait3A_214 = tpu.memref_squeeze %dma_wait3A_213 : memref<1x16x256xf32, #tpu.memory_space<vmem>> -> memref<16x256xf32, #tpu.memory_space<vmem>>
    %dma_wait3A_215 = arith.constant 0 : i32
    %dma_wait3A_216 = tpu.memref_slice %arg2[%arg0, %dma_wait3A_209, %mul3A_0, %dma_wait3A_215] : memref<2x4x256x256xf32, #tpu.memory_space<hbm>> -> memref<1x1x16x256xf32, #tpu.memory_space<hbm>>
    %dma_wait3A_217 = tpu.memref_squeeze %dma_wait3A_216 : memref<1x1x16x256xf32, #tpu.memory_space<hbm>> -> memref<16x256xf32, #tpu.memory_space<hbm>>
    %dma_wait3A_218 = arith.constant 0 : i32
    %dma_wait3A_219 = arith.constant 0 : i32
    %dma_wait3A_220 = tpu.memref_slice %arg6[%dma_wait3A_210, %dma_wait3A_218, %dma_wait3A_219] : memref<8x24x256xf32, #tpu.memory_space<vmem>> -> memref<1x16x256xf32, #tpu.memory_space<vmem>>
    %dma_wait3A_221 = tpu.memref_squeeze %dma_wait3A_220 : memref<1x16x256xf32, #tpu.memory_space<vmem>> -> memref<16x256xf32, #tpu.memory_space<vmem>>
    %dma_wait3A_222 = arith.constant 0 : i32
    %dma_wait3A_223 = tpu.memref_slice %arg2[%arg0, %dma_wait3A_209, %mul3A_0, %dma_wait3A_222] : memref<2x4x256x256xf32, #tpu.memory_space<hbm>> -> memref<1x1x16x256xf32, #tpu.memory_space<hbm>>
    %dma_wait3A_224 = tpu.memref_squeeze %dma_wait3A_223 : memref<1x1x16x256xf32, #tpu.memory_space<hbm>> -> memref<16x256xf32, #tpu.memory_space<hbm>>
    tpu.wait_dma2 semaphore(%arg24 : memref<!tpu.dma_semaphore, #tpu.memory_space<semaphore_mem>>) src(%dma_wait3A_224 : memref<16x256xf32, #tpu.memory_space<hbm>>) dst(%dma_wait3A_221 : memref<16x256xf32, #tpu.memory_space<vmem>>)
    %dma_wait3A_225 = arith.constant 3 : i32
    %dma_wait3A_226 = arith.constant 3 : i32
    %dma_wait3A_227 = arith.constant 0 : i32
    %dma_wait3A_228 = arith.constant 0 : i32
    %dma_wait3A_229 = tpu.memref_slice %arg6[%dma_wait3A_226, %dma_wait3A_227, %dma_wait3A_228] : memref<8x24x256xf32, #tpu.memory_space<vmem>> -> memref<1x16x256xf32, #tpu.memory_space<vmem>>
    %dma_wait3A_230 = tpu.memref_squeeze %dma_wait3A_229 : memref<1x16x256xf32, #tpu.memory_space<vmem>> -> memref<16x256xf32, #tpu.memory_space<vmem>>
    %dma_wait3A_231 = arith.constant 0 : i32
    %dma_wait3A_232 = tpu.memref_slice %arg2[%arg0, %dma_wait3A_225, %mul3A_0, %dma_wait3A_231] : memref<2x4x256x256xf32, #tpu.memory_space<hbm>> -> memref<1x1x16x256xf32, #tpu.memory_space<hbm>>
    %dma_wait3A_233 = tpu.memref_squeeze %dma_wait3A_232 : memref<1x1x16x256xf32, #tpu.memory_space<hbm>> -> memref<16x256xf32, #tpu.memory_space<hbm>>
    %dma_wait3A_234 = arith.constant 0 : i32
    %dma_wait3A_235 = arith.constant 0 : i32
    %dma_wait3A_236 = tpu.memref_slice %arg6[%dma_wait3A_226, %dma_wait3A_234, %dma_wait3A_235] : memref<8x24x256xf32, #tpu.memory_space<vmem>> -> memref<1x16x256xf32, #tpu.memory_space<vmem>>
    %dma_wait3A_237 = tpu.memref_squeeze %dma_wait3A_236 : memref<1x16x256xf32, #tpu.memory_space<vmem>> -> memref<16x256xf32, #tpu.memory_space<vmem>>
    %dma_wait3A_238 = arith.constant 0 : i32
    %dma_wait3A_239 = tpu.memref_slice %arg2[%arg0, %dma_wait3A_225, %mul3A_0, %dma_wait3A_238] : memref<2x4x256x256xf32, #tpu.memory_space<hbm>> -> memref<1x1x16x256xf32, #tpu.memory_space<hbm>>
    %dma_wait3A_240 = tpu.memref_squeeze %dma_wait3A_239 : memref<1x1x16x256xf32, #tpu.memory_space<hbm>> -> memref<16x256xf32, #tpu.memory_space<hbm>>
    tpu.wait_dma2 semaphore(%arg24 : memref<!tpu.dma_semaphore, #tpu.memory_space<semaphore_mem>>) src(%dma_wait3A_240 : memref<16x256xf32, #tpu.memory_space<hbm>>) dst(%dma_wait3A_237 : memref<16x256xf32, #tpu.memory_space<vmem>>)
    %dma_wait3A_241 = arith.constant 1 : i32
    %dma_wait3A_242 = arith.constant 4 : i32
    %dma_wait3A_243 = arith.constant 0 : i32
    %dma_wait3A_244 = arith.constant 0 : i32
    %dma_wait3A_245 = tpu.memref_slice %arg6[%dma_wait3A_242, %dma_wait3A_243, %dma_wait3A_244] : memref<8x24x256xf32, #tpu.memory_space<vmem>> -> memref<1x16x256xf32, #tpu.memory_space<vmem>>
    %dma_wait3A_246 = tpu.memref_squeeze %dma_wait3A_245 : memref<1x16x256xf32, #tpu.memory_space<vmem>> -> memref<16x256xf32, #tpu.memory_space<vmem>>
    %dma_wait3A_247 = arith.constant 0 : i32
    %dma_wait3A_248 = tpu.memref_slice %arg3[%arg0, %dma_wait3A_241, %mul3A_0, %dma_wait3A_247] : memref<2x5x256x256xf32, #tpu.memory_space<hbm>> -> memref<1x1x16x256xf32, #tpu.memory_space<hbm>>
    %dma_wait3A_249 = tpu.memref_squeeze %dma_wait3A_248 : memref<1x1x16x256xf32, #tpu.memory_space<hbm>> -> memref<16x256xf32, #tpu.memory_space<hbm>>
    %dma_wait3A_250 = arith.constant 0 : i32
    %dma_wait3A_251 = arith.constant 0 : i32
    %dma_wait3A_252 = tpu.memref_slice %arg6[%dma_wait3A_242, %dma_wait3A_250, %dma_wait3A_251] : memref<8x24x256xf32, #tpu.memory_space<vmem>> -> memref<1x16x256xf32, #tpu.memory_space<vmem>>
    %dma_wait3A_253 = tpu.memref_squeeze %dma_wait3A_252 : memref<1x16x256xf32, #tpu.memory_space<vmem>> -> memref<16x256xf32, #tpu.memory_space<vmem>>
    %dma_wait3A_254 = arith.constant 0 : i32
    %dma_wait3A_255 = tpu.memref_slice %arg3[%arg0, %dma_wait3A_241, %mul3A_0, %dma_wait3A_254] : memref<2x5x256x256xf32, #tpu.memory_space<hbm>> -> memref<1x1x16x256xf32, #tpu.memory_space<hbm>>
    %dma_wait3A_256 = tpu.memref_squeeze %dma_wait3A_255 : memref<1x1x16x256xf32, #tpu.memory_space<hbm>> -> memref<16x256xf32, #tpu.memory_space<hbm>>
    tpu.wait_dma2 semaphore(%arg24 : memref<!tpu.dma_semaphore, #tpu.memory_space<semaphore_mem>>) src(%dma_wait3A_256 : memref<16x256xf32, #tpu.memory_space<hbm>>) dst(%dma_wait3A_253 : memref<16x256xf32, #tpu.memory_space<vmem>>)
    %dma_wait3A_257 = arith.constant 2 : i32
    %dma_wait3A_258 = arith.constant 5 : i32
    %dma_wait3A_259 = arith.constant 0 : i32
    %dma_wait3A_260 = arith.constant 0 : i32
    %dma_wait3A_261 = tpu.memref_slice %arg6[%dma_wait3A_258, %dma_wait3A_259, %dma_wait3A_260] : memref<8x24x256xf32, #tpu.memory_space<vmem>> -> memref<1x16x256xf32, #tpu.memory_space<vmem>>
    %dma_wait3A_262 = tpu.memref_squeeze %dma_wait3A_261 : memref<1x16x256xf32, #tpu.memory_space<vmem>> -> memref<16x256xf32, #tpu.memory_space<vmem>>
    %dma_wait3A_263 = arith.constant 0 : i32
    %dma_wait3A_264 = tpu.memref_slice %arg3[%arg0, %dma_wait3A_257, %mul3A_0, %dma_wait3A_263] : memref<2x5x256x256xf32, #tpu.memory_space<hbm>> -> memref<1x1x16x256xf32, #tpu.memory_space<hbm>>
    %dma_wait3A_265 = tpu.memref_squeeze %dma_wait3A_264 : memref<1x1x16x256xf32, #tpu.memory_space<hbm>> -> memref<16x256xf32, #tpu.memory_space<hbm>>
    %dma_wait3A_266 = arith.constant 0 : i32
    %dma_wait3A_267 = arith.constant 0 : i32
    %dma_wait3A_268 = tpu.memref_slice %arg6[%dma_wait3A_258, %dma_wait3A_266, %dma_wait3A_267] : memref<8x24x256xf32, #tpu.memory_space<vmem>> -> memref<1x16x256xf32, #tpu.memory_space<vmem>>
    %dma_wait3A_269 = tpu.memref_squeeze %dma_wait3A_268 : memref<1x16x256xf32, #tpu.memory_space<vmem>> -> memref<16x256xf32, #tpu.memory_space<vmem>>
    %dma_wait3A_270 = arith.constant 0 : i32
    %dma_wait3A_271 = tpu.memref_slice %arg3[%arg0, %dma_wait3A_257, %mul3A_0, %dma_wait3A_270] : memref<2x5x256x256xf32, #tpu.memory_space<hbm>> -> memref<1x1x16x256xf32, #tpu.memory_space<hbm>>
    %dma_wait3A_272 = tpu.memref_squeeze %dma_wait3A_271 : memref<1x1x16x256xf32, #tpu.memory_space<hbm>> -> memref<16x256xf32, #tpu.memory_space<hbm>>
    tpu.wait_dma2 semaphore(%arg24 : memref<!tpu.dma_semaphore, #tpu.memory_space<semaphore_mem>>) src(%dma_wait3A_272 : memref<16x256xf32, #tpu.memory_space<hbm>>) dst(%dma_wait3A_269 : memref<16x256xf32, #tpu.memory_space<vmem>>)
    %dma_wait3A_273 = arith.constant 3 : i32
    %dma_wait3A_274 = arith.constant 6 : i32
    %dma_wait3A_275 = arith.constant 0 : i32
    %dma_wait3A_276 = arith.constant 0 : i32
    %dma_wait3A_277 = tpu.memref_slice %arg6[%dma_wait3A_274, %dma_wait3A_275, %dma_wait3A_276] : memref<8x24x256xf32, #tpu.memory_space<vmem>> -> memref<1x16x256xf32, #tpu.memory_space<vmem>>
    %dma_wait3A_278 = tpu.memref_squeeze %dma_wait3A_277 : memref<1x16x256xf32, #tpu.memory_space<vmem>> -> memref<16x256xf32, #tpu.memory_space<vmem>>
    %dma_wait3A_279 = arith.constant 0 : i32
    %dma_wait3A_280 = tpu.memref_slice %arg3[%arg0, %dma_wait3A_273, %mul3A_0, %dma_wait3A_279] : memref<2x5x256x256xf32, #tpu.memory_space<hbm>> -> memref<1x1x16x256xf32, #tpu.memory_space<hbm>>
    %dma_wait3A_281 = tpu.memref_squeeze %dma_wait3A_280 : memref<1x1x16x256xf32, #tpu.memory_space<hbm>> -> memref<16x256xf32, #tpu.memory_space<hbm>>
    %dma_wait3A_282 = arith.constant 0 : i32
    %dma_wait3A_283 = arith.constant 0 : i32
    %dma_wait3A_284 = tpu.memref_slice %arg6[%dma_wait3A_274, %dma_wait3A_282, %dma_wait3A_283] : memref<8x24x256xf32, #tpu.memory_space<vmem>> -> memref<1x16x256xf32, #tpu.memory_space<vmem>>
    %dma_wait3A_285 = tpu.memref_squeeze %dma_wait3A_284 : memref<1x16x256xf32, #tpu.memory_space<vmem>> -> memref<16x256xf32, #tpu.memory_space<vmem>>
    %dma_wait3A_286 = arith.constant 0 : i32
    %dma_wait3A_287 = tpu.memref_slice %arg3[%arg0, %dma_wait3A_273, %mul3A_0, %dma_wait3A_286] : memref<2x5x256x256xf32, #tpu.memory_space<hbm>> -> memref<1x1x16x256xf32, #tpu.memory_space<hbm>>
    %dma_wait3A_288 = tpu.memref_squeeze %dma_wait3A_287 : memref<1x1x16x256xf32, #tpu.memory_space<hbm>> -> memref<16x256xf32, #tpu.memory_space<hbm>>
    tpu.wait_dma2 semaphore(%arg24 : memref<!tpu.dma_semaphore, #tpu.memory_space<semaphore_mem>>) src(%dma_wait3A_288 : memref<16x256xf32, #tpu.memory_space<hbm>>) dst(%dma_wait3A_285 : memref<16x256xf32, #tpu.memory_space<vmem>>)
    %dma_wait3A_289 = arith.constant 4 : i32
    %dma_wait3A_290 = arith.constant 7 : i32
    %dma_wait3A_291 = arith.constant 0 : i32
    %dma_wait3A_292 = arith.constant 0 : i32
    %dma_wait3A_293 = tpu.memref_slice %arg6[%dma_wait3A_290, %dma_wait3A_291, %dma_wait3A_292] : memref<8x24x256xf32, #tpu.memory_space<vmem>> -> memref<1x16x256xf32, #tpu.memory_space<vmem>>
    %dma_wait3A_294 = tpu.memref_squeeze %dma_wait3A_293 : memref<1x16x256xf32, #tpu.memory_space<vmem>> -> memref<16x256xf32, #tpu.memory_space<vmem>>
    %dma_wait3A_295 = arith.constant 0 : i32
    %dma_wait3A_296 = tpu.memref_slice %arg3[%arg0, %dma_wait3A_289, %mul3A_0, %dma_wait3A_295] : memref<2x5x256x256xf32, #tpu.memory_space<hbm>> -> memref<1x1x16x256xf32, #tpu.memory_space<hbm>>
    %dma_wait3A_297 = tpu.memref_squeeze %dma_wait3A_296 : memref<1x1x16x256xf32, #tpu.memory_space<hbm>> -> memref<16x256xf32, #tpu.memory_space<hbm>>
    %dma_wait3A_298 = arith.constant 0 : i32
    %dma_wait3A_299 = arith.constant 0 : i32
    %dma_wait3A_300 = tpu.memref_slice %arg6[%dma_wait3A_290, %dma_wait3A_298, %dma_wait3A_299] : memref<8x24x256xf32, #tpu.memory_space<vmem>> -> memref<1x16x256xf32, #tpu.memory_space<vmem>>
    %dma_wait3A_301 = tpu.memref_squeeze %dma_wait3A_300 : memref<1x16x256xf32, #tpu.memory_space<vmem>> -> memref<16x256xf32, #tpu.memory_space<vmem>>
    %dma_wait3A_302 = arith.constant 0 : i32
    %dma_wait3A_303 = tpu.memref_slice %arg3[%arg0, %dma_wait3A_289, %mul3A_0, %dma_wait3A_302] : memref<2x5x256x256xf32, #tpu.memory_space<hbm>> -> memref<1x1x16x256xf32, #tpu.memory_space<hbm>>
    %dma_wait3A_304 = tpu.memref_squeeze %dma_wait3A_303 : memref<1x1x16x256xf32, #tpu.memory_space<hbm>> -> memref<16x256xf32, #tpu.memory_space<hbm>>
    tpu.wait_dma2 semaphore(%arg24 : memref<!tpu.dma_semaphore, #tpu.memory_space<semaphore_mem>>) src(%dma_wait3A_304 : memref<16x256xf32, #tpu.memory_space<hbm>>) dst(%dma_wait3A_301 : memref<16x256xf32, #tpu.memory_space<vmem>>)
    %dma_wait3A_305 = tpu.memref_slice %arg4[%add3A_133] : memref<24336xf32, #tpu.memory_space<hbm>> -> memref<4800xf32, #tpu.memory_space<hbm>>
    %dma_wait3A_306 = tpu.memref_slice %arg4[%add3A_133] : memref<24336xf32, #tpu.memory_space<hbm>> -> memref<4800xf32, #tpu.memory_space<hbm>>
    tpu.wait_dma2 semaphore(%arg24 : memref<!tpu.dma_semaphore, #tpu.memory_space<semaphore_mem>>) src(%dma_wait3A_306 : memref<4800xf32, #tpu.memory_space<hbm>>) dst(%arg7 : memref<4800xf32, #tpu.memory_space<vmem>>)
    %dma_wait3A_307 = tpu.memref_slice %arg4[%add3A_139] : memref<24336xf32, #tpu.memory_space<hbm>> -> memref<800xf32, #tpu.memory_space<hbm>>
    %dma_wait3A_308 = tpu.memref_slice %arg4[%add3A_139] : memref<24336xf32, #tpu.memory_space<hbm>> -> memref<800xf32, #tpu.memory_space<hbm>>
    tpu.wait_dma2 semaphore(%arg24 : memref<!tpu.dma_semaphore, #tpu.memory_space<semaphore_mem>>) src(%dma_wait3A_308 : memref<800xf32, #tpu.memory_space<hbm>>) dst(%arg8 : memref<800xf32, #tpu.memory_space<vmem>>)
    %dma_wait3A_309 = tpu.memref_slice %arg4[%add3A_145] : memref<24336xf32, #tpu.memory_space<hbm>> -> memref<272xf32, #tpu.memory_space<hbm>>
    %dma_wait3A_310 = tpu.memref_slice %arg4[%add3A_145] : memref<24336xf32, #tpu.memory_space<hbm>> -> memref<272xf32, #tpu.memory_space<hbm>>
    tpu.wait_dma2 semaphore(%arg24 : memref<!tpu.dma_semaphore, #tpu.memory_space<semaphore_mem>>) src(%dma_wait3A_310 : memref<272xf32, #tpu.memory_space<hbm>>) dst(%arg9 : memref<272xf32, #tpu.memory_space<vmem>>)
    %dma_wait3A_311 = tpu.memref_slice %arg4[%add3A_151] : memref<24336xf32, #tpu.memory_space<hbm>> -> memref<272xf32, #tpu.memory_space<hbm>>
    %dma_wait3A_312 = tpu.memref_slice %arg4[%add3A_151] : memref<24336xf32, #tpu.memory_space<hbm>> -> memref<272xf32, #tpu.memory_space<hbm>>
    tpu.wait_dma2 semaphore(%arg24 : memref<!tpu.dma_semaphore, #tpu.memory_space<semaphore_mem>>) src(%dma_wait3A_312 : memref<272xf32, #tpu.memory_space<hbm>>) dst(%arg10 : memref<272xf32, #tpu.memory_space<vmem>>)
    %dma_wait3A_313 = tpu.memref_slice %arg4[%add3A_157] : memref<24336xf32, #tpu.memory_space<hbm>> -> memref<272xf32, #tpu.memory_space<hbm>>
    %dma_wait3A_314 = tpu.memref_slice %arg4[%add3A_157] : memref<24336xf32, #tpu.memory_space<hbm>> -> memref<272xf32, #tpu.memory_space<hbm>>
    tpu.wait_dma2 semaphore(%arg24 : memref<!tpu.dma_semaphore, #tpu.memory_space<semaphore_mem>>) src(%dma_wait3A_314 : memref<272xf32, #tpu.memory_space<hbm>>) dst(%arg11 : memref<272xf32, #tpu.memory_space<vmem>>)
    %dma_wait3A_315 = arith.constant 21936 : i32
    %dma_wait3A_316 = tpu.memref_slice %arg4[%dma_wait3A_315] : memref<24336xf32, #tpu.memory_space<hbm>> -> memref<256xf32, #tpu.memory_space<hbm>>
    %dma_wait3A_317 = arith.constant 21936 : i32
    %dma_wait3A_318 = tpu.memref_slice %arg4[%dma_wait3A_317] : memref<24336xf32, #tpu.memory_space<hbm>> -> memref<256xf32, #tpu.memory_space<hbm>>
    tpu.wait_dma2 semaphore(%arg24 : memref<!tpu.dma_semaphore, #tpu.memory_space<semaphore_mem>>) src(%dma_wait3A_318 : memref<256xf32, #tpu.memory_space<hbm>>) dst(%arg12 : memref<256xf32, #tpu.memory_space<vmem>>)
    %dma_wait3A_319 = arith.constant 22192 : i32
    %dma_wait3A_320 = tpu.memref_slice %arg4[%dma_wait3A_319] : memref<24336xf32, #tpu.memory_space<hbm>> -> memref<272xf32, #tpu.memory_space<hbm>>
    %dma_wait3A_321 = arith.constant 22192 : i32
    %dma_wait3A_322 = tpu.memref_slice %arg4[%dma_wait3A_321] : memref<24336xf32, #tpu.memory_space<hbm>> -> memref<272xf32, #tpu.memory_space<hbm>>
    tpu.wait_dma2 semaphore(%arg24 : memref<!tpu.dma_semaphore, #tpu.memory_space<semaphore_mem>>) src(%dma_wait3A_322 : memref<272xf32, #tpu.memory_space<hbm>>) dst(%arg13 : memref<272xf32, #tpu.memory_space<vmem>>)
    %dma_wait3A_323 = arith.constant 22464 : i32
    %dma_wait3A_324 = tpu.memref_slice %arg4[%dma_wait3A_323] : memref<24336xf32, #tpu.memory_space<hbm>> -> memref<272xf32, #tpu.memory_space<hbm>>
    %dma_wait3A_325 = arith.constant 22464 : i32
    %dma_wait3A_326 = tpu.memref_slice %arg4[%dma_wait3A_325] : memref<24336xf32, #tpu.memory_space<hbm>> -> memref<272xf32, #tpu.memory_space<hbm>>
    tpu.wait_dma2 semaphore(%arg24 : memref<!tpu.dma_semaphore, #tpu.memory_space<semaphore_mem>>) src(%dma_wait3A_326 : memref<272xf32, #tpu.memory_space<hbm>>) dst(%arg14 : memref<272xf32, #tpu.memory_space<vmem>>)
    %scan3A = arith.constant 0 : i32
    %scan3A_327 = arith.constant 0 : i32
    %scan3A_328 = arith.constant 17 : i32
    %scan3A_329 = arith.addi %scan3A_327, %scan3A_328 : i32
    %scan3A_330 = arith.constant 1 : i32
    %scan3A_331 = scf.for %scan3A_373 = %scan3A_327 to %scan3A_329 step %scan3A_330 iter_args(%scan3A_374 = %scan3A) -> (i32)  : i32 {
      %get3A = arith.constant 0 : i32
      %get3A_375 = arith.index_cast %get3A : i32 to index
      %get3A_376 = arith.index_cast %scan3A_373 : i32 to index
      %get3A_377 = arith.constant 0 : index
      %get3A_378 = tpu.vector_load %arg6[%get3A_375, %get3A_376, %get3A_377] {strides = array<i32>} : memref<8x24x256xf32, #tpu.memory_space<vmem>>, vector<16xf32>,
      %get3A_379 = arith.constant 1 : i32
      %get3A_380 = arith.index_cast %get3A_379 : i32 to index
      %get3A_381 = arith.index_cast %scan3A_373 : i32 to index
      %get3A_382 = arith.constant 0 : index
      %get3A_383 = tpu.vector_load %arg6[%get3A_380, %get3A_381, %get3A_382] {strides = array<i32>} : memref<8x24x256xf32, #tpu.memory_space<vmem>>, vector<16xf32>,
      %add3A_384 = arith.addf %get3A_378, %get3A_383 : vector<16xf32>
      %get3A_385 = arith.constant 2 : i32
      %get3A_386 = arith.index_cast %get3A_385 : i32 to index
      %get3A_387 = arith.index_cast %scan3A_373 : i32 to index
      %get3A_388 = arith.constant 0 : index
      %get3A_389 = tpu.vector_load %arg6[%get3A_386, %get3A_387, %get3A_388] {strides = array<i32>} : memref<8x24x256xf32, #tpu.memory_space<vmem>>, vector<16xf32>,
      %add3A_390 = arith.addf %add3A_384, %get3A_389 : vector<16xf32>
      %get3A_391 = arith.constant 3 : i32
      %get3A_392 = arith.index_cast %get3A_391 : i32 to index
      %get3A_393 = arith.index_cast %scan3A_373 : i32 to index
      %get3A_394 = arith.constant 0 : index
      %get3A_395 = tpu.vector_load %arg6[%get3A_392, %get3A_393, %get3A_394] {strides = array<i32>} : memref<8x24x256xf32, #tpu.memory_space<vmem>>, vector<16xf32>,
      %add3A_396 = arith.addf %add3A_390, %get3A_395 : vector<16xf32>
      %get3A_397 = arith.constant 4 : i32
      %get3A_398 = arith.index_cast %get3A_397 : i32 to index
      %get3A_399 = arith.index_cast %scan3A_373 : i32 to index
      %get3A_400 = arith.constant 0 : index
      %get3A_401 = tpu.vector_load %arg6[%get3A_398, %get3A_399, %get3A_400] {strides = array<i32>} : memref<8x24x256xf32, #tpu.memory_space<vmem>>, vector<16xf32>,
      %get3A_402 = arith.constant 5 : i32
      %get3A_403 = arith.index_cast %get3A_402 : i32 to index
      %get3A_404 = arith.index_cast %scan3A_373 : i32 to index
      %get3A_405 = arith.constant 0 : index
      %get3A_406 = tpu.vector_load %arg6[%get3A_403, %get3A_404, %get3A_405] {strides = array<i32>} : memref<8x24x256xf32, #tpu.memory_space<vmem>>, vector<16xf32>,
      %add3A_407 = arith.addf %get3A_401, %get3A_406 : vector<16xf32>
      %get3A_408 = arith.constant 6 : i32
      %get3A_409 = arith.index_cast %get3A_408 : i32 to index
      %get3A_410 = arith.index_cast %scan3A_373 : i32 to index
      %get3A_411 = arith.constant 0 : index
      %get3A_412 = tpu.vector_load %arg6[%get3A_409, %get3A_410, %get3A_411] {strides = array<i32>} : memref<8x24x256xf32, #tpu.memory_space<vmem>>, vector<16xf32>,
      %add3A_413 = arith.addf %add3A_407, %get3A_412 : vector<16xf32>
      %get3A_414 = arith.constant 7 : i32
      %get3A_415 = arith.index_cast %get3A_414 : i32 to index
      %get3A_416 = arith.index_cast %scan3A_373 : i32 to index
      %get3A_417 = arith.constant 0 : index
      %get3A_418 = tpu.vector_load %arg6[%get3A_415, %get3A_416, %get3A_417] {strides = array<i32>} : memref<8x24x256xf32, #tpu.memory_space<vmem>>, vector<16xf32>,
      %add3A_419 = arith.addf %add3A_413, %get3A_418 : vector<16xf32>
      %ne3A = arith.constant 0.000000e+00 : f32
      %ne3A_420 = vector.broadcast %ne3A : f32 to vector<16xf32>
      %ne3A_421 = arith.cmpf one, %add3A_396, %ne3A_420 : vector<16xf32>
      %select_n3A = arith.select %ne3A_421, %broadcast_in_dim3A_3, %broadcast_in_dim3A_1 : vector<16xi1>, vector<16xf32>
      %swap3A_422 = arith.index_cast %scan3A_373 : i32 to index
      %swap3A_423 = arith.constant 0 : index
      %swap3A_424 = tpu.vector_load %arg17[%swap3A_422, %swap3A_423] {strides = array<i32>} : memref<17x256xf32, #tpu.memory_space<vmem>>, vector<16xf32>,
      tpu.vector_store %arg17[%swap3A_422, %swap3A_423], %select_n3A {strides = array<i32>} : memref<17x256xf32, #tpu.memory_space<vmem>>, vector<16xf32>,
      %ne3A_425 = arith.constant 0.000000e+00 : f32
      %ne3A_426 = vector.broadcast %ne3A_425 : f32 to vector<16xf32>
      %ne3A_427 = arith.cmpf one, %add3A_419, %ne3A_426 : vector<16xf32>
      %select_n3A_428 = arith.select %ne3A_427, %broadcast_in_dim3A_3, %broadcast_in_dim3A_1 : vector<16xi1>, vector<16xf32>
      %swap3A_429 = arith.index_cast %scan3A_373 : i32 to index
      %swap3A_430 = arith.constant 0 : index
      %swap3A_431 = tpu.vector_load %arg16[%swap3A_429, %swap3A_430] {strides = array<i32>} : memref<17x256xf32, #tpu.memory_space<vmem>>, vector<16xf32>,
      tpu.vector_store %arg16[%swap3A_429, %swap3A_430], %select_n3A_428 {strides = array<i32>} : memref<17x256xf32, #tpu.memory_space<vmem>>, vector<16xf32>,
      %swap3A_432 = arith.index_cast %scan3A_373 : i32 to index
      %swap3A_433 = arith.constant 0 : index
      %swap3A_434 = tpu.vector_load %arg15[%swap3A_432, %swap3A_433] {strides = array<i32>} : memref<17x256xf32, #tpu.memory_space<vmem>>, vector<16xf32>,
      tpu.vector_store %arg15[%swap3A_432, %swap3A_433], %broadcast_in_dim3A_1 {strides = array<i32>} : memref<17x256xf32, #tpu.memory_space<vmem>>, vector<16xf32>,
      %get3A_435 = arith.constant 0 : i32
      %get3A_436 = arith.index_cast %get3A_435 : i32 to index
      %get3A_437 = arith.index_cast %scan3A_373 : i32 to index
      %get3A_438 = arith.constant 16 : index
      %get3A_439 = tpu.vector_load %arg6[%get3A_436, %get3A_437, %get3A_438] {strides = array<i32>} : memref<8x24x256xf32, #tpu.memory_space<vmem>>, vector<16xf32>,
      %get3A_440 = arith.constant 1 : i32
      %get3A_441 = arith.index_cast %get3A_440 : i32 to index
      %get3A_442 = arith.index_cast %scan3A_373 : i32 to index
      %get3A_443 = arith.constant 16 : index
      %get3A_444 = tpu.vector_load %arg6[%get3A_441, %get3A_442, %get3A_443] {strides = array<i32>} : memref<8x24x256xf32, #tpu.memory_space<vmem>>, vector<16xf32>,
      %add3A_445 = arith.addf %get3A_439, %get3A_444 : vector<16xf32>
      %get3A_446 = arith.constant 2 : i32
      %get3A_447 = arith.index_cast %get3A_446 : i32 to index
      %get3A_448 = arith.index_cast %scan3A_373 : i32 to index
      %get3A_449 = arith.constant 16 : index
      %get3A_450 = tpu.vector_load %arg6[%get3A_447, %get3A_448, %get3A_449] {strides = array<i32>} : memref<8x24x256xf32, #tpu.memory_space<vmem>>, vector<16xf32>,
      %add3A_451 = arith.addf %add3A_445, %get3A_450 : vector<16xf32>
      %get3A_452 = arith.constant 3 : i32
      %get3A_453 = arith.index_cast %get3A_452 : i32 to index
      %get3A_454 = arith.index_cast %scan3A_373 : i32 to index
      %get3A_455 = arith.constant 16 : index
      %get3A_456 = tpu.vector_load %arg6[%get3A_453, %get3A_454, %get3A_455] {strides = array<i32>} : memref<8x24x256xf32, #tpu.memory_space<vmem>>, vector<16xf32>,
      %add3A_457 = arith.addf %add3A_451, %get3A_456 : vector<16xf32>
      %get3A_458 = arith.constant 4 : i32
      %get3A_459 = arith.index_cast %get3A_458 : i32 to index
      %get3A_460 = arith.index_cast %scan3A_373 : i32 to index
      %get3A_461 = arith.constant 16 : index
      %get3A_462 = tpu.vector_load %arg6[%get3A_459, %get3A_460, %get3A_461] {strides = array<i32>} : memref<8x24x256xf32, #tpu.memory_space<vmem>>, vector<16xf32>,
      %get3A_463 = arith.constant 5 : i32
      %get3A_464 = arith.index_cast %get3A_463 : i32 to index
      %get3A_465 = arith.index_cast %scan3A_373 : i32 to index
      %get3A_466 = arith.constant 16 : index
      %get3A_467 = tpu.vector_load %arg6[%get3A_464, %get3A_465, %get3A_466] {strides = array<i32>} : memref<8x24x256xf32, #tpu.memory_space<vmem>>, vector<16xf32>,
      %add3A_468 = arith.addf %get3A_462, %get3A_467 : vector<16xf32>
      %get3A_469 = arith.constant 6 : i32
      %get3A_470 = arith.index_cast %get3A_469 : i32 to index
      %get3A_471 = arith.index_cast %scan3A_373 : i32 to index
      %get3A_472 = arith.constant 16 : index
      %get3A_473 = tpu.vector_load %arg6[%get3A_470, %get3A_471, %get3A_472] {strides = array<i32>} : memref<8x24x256xf32, #tpu.memory_space<vmem>>, vector<16xf32>,
      %add3A_474 = arith.addf %add3A_468, %get3A_473 : vector<16xf32>
      %get3A_475 = arith.constant 7 : i32
      %get3A_476 = arith.index_cast %get3A_475 : i32 to index
      %get3A_477 = arith.index_cast %scan3A_373 : i32 to index
      %get3A_478 = arith.constant 16 : index
      %get3A_479 = tpu.vector_load %arg6[%get3A_476, %get3A_477, %get3A_478] {strides = array<i32>} : memref<8x24x256xf32, #tpu.memory_space<vmem>>, vector<16xf32>,
      %add3A_480 = arith.addf %add3A_474, %get3A_479 : vector<16xf32>
      %ne3A_481 = arith.constant 0.000000e+00 : f32
      %ne3A_482 = vector.broadcast %ne3A_481 : f32 to vector<16xf32>
      %ne3A_483 = arith.cmpf one, %add3A_457, %ne3A_482 : vector<16xf32>
      %select_n3A_484 = arith.select %ne3A_483, %broadcast_in_dim3A_3, %broadcast_in_dim3A_1 : vector<16xi1>, vector<16xf32>
      %swap3A_485 = arith.index_cast %scan3A_373 : i32 to index
      %swap3A_486 = arith.constant 16 : index
      %swap3A_487 = tpu.vector_load %arg17[%swap3A_485, %swap3A_486] {strides = array<i32>} : memref<17x256xf32, #tpu.memory_space<vmem>>, vector<16xf32>,
      tpu.vector_store %arg17[%swap3A_485, %swap3A_486], %select_n3A_484 {strides = array<i32>} : memref<17x256xf32, #tpu.memory_space<vmem>>, vector<16xf32>,
      %ne3A_488 = arith.constant 0.000000e+00 : f32
      %ne3A_489 = vector.broadcast %ne3A_488 : f32 to vector<16xf32>
      %ne3A_490 = arith.cmpf one, %add3A_480, %ne3A_489 : vector<16xf32>
      %select_n3A_491 = arith.select %ne3A_490, %broadcast_in_dim3A_3, %broadcast_in_dim3A_1 : vector<16xi1>, vector<16xf32>
      %swap3A_492 = arith.index_cast %scan3A_373 : i32 to index
      %swap3A_493 = arith.constant 16 : index
      %swap3A_494 = tpu.vector_load %arg16[%swap3A_492, %swap3A_493] {strides = array<i32>} : memref<17x256xf32, #tpu.memory_space<vmem>>, vector<16xf32>,
      tpu.vector_store %arg16[%swap3A_492, %swap3A_493], %select_n3A_491 {strides = array<i32>} : memref<17x256xf32, #tpu.memory_space<vmem>>, vector<16xf32>,
      %swap3A_495 = arith.index_cast %scan3A_373 : i32 to index
      %swap3A_496 = arith.constant 16 : index
      %swap3A_497 = tpu.vector_load %arg15[%swap3A_495, %swap3A_496] {strides = array<i32>} : memref<17x256xf32, #tpu.memory_space<vmem>>, vector<16xf32>,
      tpu.vector_store %arg15[%swap3A_495, %swap3A_496], %broadcast_in_dim3A_1 {strides = array<i32>} : memref<17x256xf32, #tpu.memory_space<vmem>>, vector<16xf32>,
      %get3A_498 = arith.constant 0 : i32
      %get3A_499 = arith.index_cast %get3A_498 : i32 to index
      %get3A_500 = arith.index_cast %scan3A_373 : i32 to index
      %get3A_501 = arith.constant 32 : index
      %get3A_502 = tpu.vector_load %arg6[%get3A_499, %get3A_500, %get3A_501] {strides = array<i32>} : memref<8x24x256xf32, #tpu.memory_space<vmem>>, vector<16xf32>,
      %get3A_503 = arith.constant 1 : i32
      %get3A_504 = arith.index_cast %get3A_503 : i32 to index
      %get3A_505 = arith.index_cast %scan3A_373 : i32 to index
      %get3A_506 = arith.constant 32 : index
      %get3A_507 = tpu.vector_load %arg6[%get3A_504, %get3A_505, %get3A_506] {strides = array<i32>} : memref<8x24x256xf32, #tpu.memory_space<vmem>>, vector<16xf32>,
      %add3A_508 = arith.addf %get3A_502, %get3A_507 : vector<16xf32>
      %get3A_509 = arith.constant 2 : i32
      %get3A_510 = arith.index_cast %get3A_509 : i32 to index
      %get3A_511 = arith.index_cast %scan3A_373 : i32 to index
      %get3A_512 = arith.constant 32 : index
      %get3A_513 = tpu.vector_load %arg6[%get3A_510, %get3A_511, %get3A_512] {strides = array<i32>} : memref<8x24x256xf32, #tpu.memory_space<vmem>>, vector<16xf32>,
      %add3A_514 = arith.addf %add3A_508, %get3A_513 : vector<16xf32>
      %get3A_515 = arith.constant 3 : i32
      %get3A_516 = arith.index_cast %get3A_515 : i32 to index
      %get3A_517 = arith.index_cast %scan3A_373 : i32 to index
      %get3A_518 = arith.constant 32 : index
      %get3A_519 = tpu.vector_load %arg6[%get3A_516, %get3A_517, %get3A_518] {strides = array<i32>} : memref<8x24x256xf32, #tpu.memory_space<vmem>>, vector<16xf32>,
      %add3A_520 = arith.addf %add3A_514, %get3A_519 : vector<16xf32>
      %get3A_521 = arith.constant 4 : i32
      %get3A_522 = arith.index_cast %get3A_521 : i32 to index
      %get3A_523 = arith.index_cast %scan3A_373 : i32 to index
      %get3A_524 = arith.constant 32 : index
      %get3A_525 = tpu.vector_load %arg6[%get3A_522, %get3A_523, %get3A_524] {strides = array<i32>} : memref<8x24x256xf32, #tpu.memory_space<vmem>>, vector<16xf32>,
      %get3A_526 = arith.constant 5 : i32
      %get3A_527 = arith.index_cast %get3A_526 : i32 to index
      %get3A_528 = arith.index_cast %scan3A_373 : i32 to index
      %get3A_529 = arith.constant 32 : index
      %get3A_530 = tpu.vector_load %arg6[%get3A_527, %get3A_528, %get3A_529] {strides = array<i32>} : memref<8x24x256xf32, #tpu.memory_space<vmem>>, vector<16xf32>,
      %add3A_531 = arith.addf %get3A_525, %get3A_530 : vector<16xf32>
      %get3A_532 = arith.constant 6 : i32
      %get3A_533 = arith.index_cast %get3A_532 : i32 to index
      %get3A_534 = arith.index_cast %scan3A_373 : i32 to index
      %get3A_535 = arith.constant 32 : index
      %get3A_536 = tpu.vector_load %arg6[%get3A_533, %get3A_534, %get3A_535] {strides = array<i32>} : memref<8x24x256xf32, #tpu.memory_space<vmem>>, vector<16xf32>,
      %add3A_537 = arith.addf %add3A_531, %get3A_536 : vector<16xf32>
      %get3A_538 = arith.constant 7 : i32
      %get3A_539 = arith.index_cast %get3A_538 : i32 to index
      %get3A_540 = arith.index_cast %scan3A_373 : i32 to index
      %get3A_541 = arith.constant 32 : index
      %get3A_542 = tpu.vector_load %arg6[%get3A_539, %get3A_540, %get3A_541] {strides = array<i32>} : memref<8x24x256xf32, #tpu.memory_space<vmem>>, vector<16xf32>,
      %add3A_543 = arith.addf %add3A_537, %get3A_542 : vector<16xf32>
      %ne3A_544 = arith.constant 0.000000e+00 : f32
      %ne3A_545 = vector.broadcast %ne3A_544 : f32 to vector<16xf32>
      %ne3A_546 = arith.cmpf one, %add3A_520, %ne3A_545 : vector<16xf32>
      %select_n3A_547 = arith.select %ne3A_546, %broadcast_in_dim3A_3, %broadcast_in_dim3A_1 : vector<16xi1>, vector<16xf32>
      %swap3A_548 = arith.index_cast %scan3A_373 : i32 to index
      %swap3A_549 = arith.constant 32 : index
      %swap3A_550 = tpu.vector_load %arg17[%swap3A_548, %swap3A_549] {strides = array<i32>} : memref<17x256xf32, #tpu.memory_space<vmem>>, vector<16xf32>,
      tpu.vector_store %arg17[%swap3A_548, %swap3A_549], %select_n3A_547 {strides = array<i32>} : memref<17x256xf32, #tpu.memory_space<vmem>>, vector<16xf32>,
      %ne3A_551 = arith.constant 0.000000e+00 : f32
      %ne3A_552 = vector.broadcast %ne3A_551 : f32 to vector<16xf32>
      %ne3A_553 = arith.cmpf one, %add3A_543, %ne3A_552 : vector<16xf32>
      %select_n3A_554 = arith.select %ne3A_553, %broadcast_in_dim3A_3, %broadcast_in_dim3A_1 : vector<16xi1>, vector<16xf32>
      %swap3A_555 = arith.index_cast %scan3A_373 : i32 to index
      %swap3A_556 = arith.constant 32 : index
      %swap3A_557 = tpu.vector_load %arg16[%swap3A_555, %swap3A_556] {strides = array<i32>} : memref<17x256xf32, #tpu.memory_space<vmem>>, vector<16xf32>,
      tpu.vector_store %arg16[%swap3A_555, %swap3A_556], %select_n3A_554 {strides = array<i32>} : memref<17x256xf32, #tpu.memory_space<vmem>>, vector<16xf32>,
      %swap3A_558 = arith.index_cast %scan3A_373 : i32 to index
      %swap3A_559 = arith.constant 32 : index
      %swap3A_560 = tpu.vector_load %arg15[%swap3A_558, %swap3A_559] {strides = array<i32>} : memref<17x256xf32, #tpu.memory_space<vmem>>, vector<16xf32>,
      tpu.vector_store %arg15[%swap3A_558, %swap3A_559], %broadcast_in_dim3A_1 {strides = array<i32>} : memref<17x256xf32, #tpu.memory_space<vmem>>, vector<16xf32>,
      %get3A_561 = arith.constant 0 : i32
      %get3A_562 = arith.index_cast %get3A_561 : i32 to index
      %get3A_563 = arith.index_cast %scan3A_373 : i32 to index
      %get3A_564 = arith.constant 48 : index
      %get3A_565 = tpu.vector_load %arg6[%get3A_562, %get3A_563, %get3A_564] {strides = array<i32>} : memref<8x24x256xf32, #tpu.memory_space<vmem>>, vector<16xf32>,
      %get3A_566 = arith.constant 1 : i32
      %get3A_567 = arith.index_cast %get3A_566 : i32 to index
      %get3A_568 = arith.index_cast %scan3A_373 : i32 to index
      %get3A_569 = arith.constant 48 : index
      %get3A_570 = tpu.vector_load %arg6[%get3A_567, %get3A_568, %get3A_569] {strides = array<i32>} : memref<8x24x256xf32, #tpu.memory_space<vmem>>, vector<16xf32>,
      %add3A_571 = arith.addf %get3A_565, %get3A_570 : vector<16xf32>
      %get3A_572 = arith.constant 2 : i32
      %get3A_573 = arith.index_cast %get3A_572 : i32 to index
      %get3A_574 = arith.index_cast %scan3A_373 : i32 to index
      %get3A_575 = arith.constant 48 : index
      %get3A_576 = tpu.vector_load %arg6[%get3A_573, %get3A_574, %get3A_575] {strides = array<i32>} : memref<8x24x256xf32, #tpu.memory_space<vmem>>, vector<16xf32>,
      %add3A_577 = arith.addf %add3A_571, %get3A_576 : vector<16xf32>
      %get3A_578 = arith.constant 3 : i32
      %get3A_579 = arith.index_cast %get3A_578 : i32 to index
      %get3A_580 = arith.index_cast %scan3A_373 : i32 to index
      %get3A_581 = arith.constant 48 : index
      %get3A_582 = tpu.vector_load %arg6[%get3A_579, %get3A_580, %get3A_581] {strides = array<i32>} : memref<8x24x256xf32, #tpu.memory_space<vmem>>, vector<16xf32>,
      %add3A_583 = arith.addf %add3A_577, %get3A_582 : vector<16xf32>
      %get3A_584 = arith.constant 4 : i32
      %get3A_585 = arith.index_cast %get3A_584 : i32 to index
      %get3A_586 = arith.index_cast %scan3A_373 : i32 to index
      %get3A_587 = arith.constant 48 : index
      %get3A_588 = tpu.vector_load %arg6[%get3A_585, %get3A_586, %get3A_587] {strides = array<i32>} : memref<8x24x256xf32, #tpu.memory_space<vmem>>, vector<16xf32>,
      %get3A_589 = arith.constant 5 : i32
      %get3A_590 = arith.index_cast %get3A_589 : i32 to index
      %get3A_591 = arith.index_cast %scan3A_373 : i32 to index
      %get3A_592 = arith.constant 48 : index
      %get3A_593 = tpu.vector_load %arg6[%get3A_590, %get3A_591, %get3A_592] {strides = array<i32>} : memref<8x24x256xf32, #tpu.memory_space<vmem>>, vector<16xf32>,
      %add3A_594 = arith.addf %get3A_588, %get3A_593 : vector<16xf32>
      %get3A_595 = arith.constant 6 : i32
      %get3A_596 = arith.index_cast %get3A_595 : i32 to index
      %get3A_597 = arith.index_cast %scan3A_373 : i32 to index
      %get3A_598 = arith.constant 48 : index
      %get3A_599 = tpu.vector_load %arg6[%get3A_596, %get3A_597, %get3A_598] {strides = array<i32>} : memref<8x24x256xf32, #tpu.memory_space<vmem>>, vector<16xf32>,
      %add3A_600 = arith.addf %add3A_594, %get3A_599 : vector<16xf32>
      %get3A_601 = arith.constant 7 : i32
      %get3A_602 = arith.index_cast %get3A_601 : i32 to index
      %get3A_603 = arith.index_cast %scan3A_373 : i32 to index
      %get3A_604 = arith.constant 48 : index
      %get3A_605 = tpu.vector_load %arg6[%get3A_602, %get3A_603, %get3A_604] {strides = array<i32>} : memref<8x24x256xf32, #tpu.memory_space<vmem>>, vector<16xf32>,
      %add3A_606 = arith.addf %add3A_600, %get3A_605 : vector<16xf32>
      %ne3A_607 = arith.constant 0.000000e+00 : f32
      %ne3A_608 = vector.broadcast %ne3A_607 : f32 to vector<16xf32>
      %ne3A_609 = arith.cmpf one, %add3A_583, %ne3A_608 : vector<16xf32>
      %select_n3A_610 = arith.select %ne3A_609, %broadcast_in_dim3A_3, %broadcast_in_dim3A_1 : vector<16xi1>, vector<16xf32>
      %swap3A_611 = arith.index_cast %scan3A_373 : i32 to index
      %swap3A_612 = arith.constant 48 : index
      %swap3A_613 = tpu.vector_load %arg17[%swap3A_611, %swap3A_612] {strides = array<i32>} : memref<17x256xf32, #tpu.memory_space<vmem>>, vector<16xf32>,
      tpu.vector_store %arg17[%swap3A_611, %swap3A_612], %select_n3A_610 {strides = array<i32>} : memref<17x256xf32, #tpu.memory_space<vmem>>, vector<16xf32>,
      %ne3A_614 = arith.constant 0.000000e+00 : f32
      %ne3A_615 = vector.broadcast %ne3A_614 : f32 to vector<16xf32>
      %ne3A_616 = arith.cmpf one, %add3A_606, %ne3A_615 : vector<16xf32>
      %select_n3A_617 = arith.select %ne3A_616, %broadcast_in_dim3A_3, %broadcast_in_dim3A_1 : vector<16xi1>, vector<16xf32>
      %swap3A_618 = arith.index_cast %scan3A_373 : i32 to index
      %swap3A_619 = arith.constant 48 : index
      %swap3A_620 = tpu.vector_load %arg16[%swap3A_618, %swap3A_619] {strides = array<i32>} : memref<17x256xf32, #tpu.memory_space<vmem>>, vector<16xf32>,
      tpu.vector_store %arg16[%swap3A_618, %swap3A_619], %select_n3A_617 {strides = array<i32>} : memref<17x256xf32, #tpu.memory_space<vmem>>, vector<16xf32>,
      %swap3A_621 = arith.index_cast %scan3A_373 : i32 to index
      %swap3A_622 = arith.constant 48 : index
      %swap3A_623 = tpu.vector_load %arg15[%swap3A_621, %swap3A_622] {strides = array<i32>} : memref<17x256xf32, #tpu.memory_space<vmem>>, vector<16xf32>,
      tpu.vector_store %arg15[%swap3A_621, %swap3A_622], %broadcast_in_dim3A_1 {strides = array<i32>} : memref<17x256xf32, #tpu.memory_space<vmem>>, vector<16xf32>,
      %get3A_624 = arith.constant 0 : i32
      %get3A_625 = arith.index_cast %get3A_624 : i32 to index
      %get3A_626 = arith.index_cast %scan3A_373 : i32 to index
      %get3A_627 = arith.constant 64 : index
      %get3A_628 = tpu.vector_load %arg6[%get3A_625, %get3A_626, %get3A_627] {strides = array<i32>} : memref<8x24x256xf32, #tpu.memory_space<vmem>>, vector<16xf32>,
      %get3A_629 = arith.constant 1 : i32
      %get3A_630 = arith.index_cast %get3A_629 : i32 to index
      %get3A_631 = arith.index_cast %scan3A_373 : i32 to index
      %get3A_632 = arith.constant 64 : index
      %get3A_633 = tpu.vector_load %arg6[%get3A_630, %get3A_631, %get3A_632] {strides = array<i32>} : memref<8x24x256xf32, #tpu.memory_space<vmem>>, vector<16xf32>,
      %add3A_634 = arith.addf %get3A_628, %get3A_633 : vector<16xf32>
      %get3A_635 = arith.constant 2 : i32
      %get3A_636 = arith.index_cast %get3A_635 : i32 to index
      %get3A_637 = arith.index_cast %scan3A_373 : i32 to index
      %get3A_638 = arith.constant 64 : index
      %get3A_639 = tpu.vector_load %arg6[%get3A_636, %get3A_637, %get3A_638] {strides = array<i32>} : memref<8x24x256xf32, #tpu.memory_space<vmem>>, vector<16xf32>,
      %add3A_640 = arith.addf %add3A_634, %get3A_639 : vector<16xf32>
      %get3A_641 = arith.constant 3 : i32
      %get3A_642 = arith.index_cast %get3A_641 : i32 to index
      %get3A_643 = arith.index_cast %scan3A_373 : i32 to index
      %get3A_644 = arith.constant 64 : index
      %get3A_645 = tpu.vector_load %arg6[%get3A_642, %get3A_643, %get3A_644] {strides = array<i32>} : memref<8x24x256xf32, #tpu.memory_space<vmem>>, vector<16xf32>,
      %add3A_646 = arith.addf %add3A_640, %get3A_645 : vector<16xf32>
      %get3A_647 = arith.constant 4 : i32
      %get3A_648 = arith.index_cast %get3A_647 : i32 to index
      %get3A_649 = arith.index_cast %scan3A_373 : i32 to index
      %get3A_650 = arith.constant 64 : index
      %get3A_651 = tpu.vector_load %arg6[%get3A_648, %get3A_649, %get3A_650] {strides = array<i32>} : memref<8x24x256xf32, #tpu.memory_space<vmem>>, vector<16xf32>,
      %get3A_652 = arith.constant 5 : i32
      %get3A_653 = arith.index_cast %get3A_652 : i32 to index
      %get3A_654 = arith.index_cast %scan3A_373 : i32 to index
      %get3A_655 = arith.constant 64 : index
      %get3A_656 = tpu.vector_load %arg6[%get3A_653, %get3A_654, %get3A_655] {strides = array<i32>} : memref<8x24x256xf32, #tpu.memory_space<vmem>>, vector<16xf32>,
      %add3A_657 = arith.addf %get3A_651, %get3A_656 : vector<16xf32>
      %get3A_658 = arith.constant 6 : i32
      %get3A_659 = arith.index_cast %get3A_658 : i32 to index
      %get3A_660 = arith.index_cast %scan3A_373 : i32 to index
      %get3A_661 = arith.constant 64 : index
      %get3A_662 = tpu.vector_load %arg6[%get3A_659, %get3A_660, %get3A_661] {strides = array<i32>} : memref<8x24x256xf32, #tpu.memory_space<vmem>>, vector<16xf32>,
      %add3A_663 = arith.addf %add3A_657, %get3A_662 : vector<16xf32>
      %get3A_664 = arith.constant 7 : i32
      %get3A_665 = arith.index_cast %get3A_664 : i32 to index
      %get3A_666 = arith.index_cast %scan3A_373 : i32 to index
      %get3A_667 = arith.constant 64 : index
      %get3A_668 = tpu.vector_load %arg6[%get3A_665, %get3A_666, %get3A_667] {strides = array<i32>} : memref<8x24x256xf32, #tpu.memory_space<vmem>>, vector<16xf32>,
      %add3A_669 = arith.addf %add3A_663, %get3A_668 : vector<16xf32>
      %ne3A_670 = arith.constant 0.000000e+00 : f32
      %ne3A_671 = vector.broadcast %ne3A_670 : f32 to vector<16xf32>
      %ne3A_672 = arith.cmpf one, %add3A_646, %ne3A_671 : vector<16xf32>
      %select_n3A_673 = arith.select %ne3A_672, %broadcast_in_dim3A_3, %broadcast_in_dim3A_1 : vector<16xi1>, vector<16xf32>
      %swap3A_674 = arith.index_cast %scan3A_373 : i32 to index
      %swap3A_675 = arith.constant 64 : index
      %swap3A_676 = tpu.vector_load %arg17[%swap3A_674, %swap3A_675] {strides = array<i32>} : memref<17x256xf32, #tpu.memory_space<vmem>>, vector<16xf32>,
      tpu.vector_store %arg17[%swap3A_674, %swap3A_675], %select_n3A_673 {strides = array<i32>} : memref<17x256xf32, #tpu.memory_space<vmem>>, vector<16xf32>,
      %ne3A_677 = arith.constant 0.000000e+00 : f32
      %ne3A_678 = vector.broadcast %ne3A_677 : f32 to vector<16xf32>
      %ne3A_679 = arith.cmpf one, %add3A_669, %ne3A_678 : vector<16xf32>
      %select_n3A_680 = arith.select %ne3A_679, %broadcast_in_dim3A_3, %broadcast_in_dim3A_1 : vector<16xi1>, vector<16xf32>
      %swap3A_681 = arith.index_cast %scan3A_373 : i32 to index
      %swap3A_682 = arith.constant 64 : index
      %swap3A_683 = tpu.vector_load %arg16[%swap3A_681, %swap3A_682] {strides = array<i32>} : memref<17x256xf32, #tpu.memory_space<vmem>>, vector<16xf32>,
      tpu.vector_store %arg16[%swap3A_681, %swap3A_682], %select_n3A_680 {strides = array<i32>} : memref<17x256xf32, #tpu.memory_space<vmem>>, vector<16xf32>,
      %swap3A_684 = arith.index_cast %scan3A_373 : i32 to index
      %swap3A_685 = arith.constant 64 : index
      %swap3A_686 = tpu.vector_load %arg15[%swap3A_684, %swap3A_685] {strides = array<i32>} : memref<17x256xf32, #tpu.memory_space<vmem>>, vector<16xf32>,
      tpu.vector_store %arg15[%swap3A_684, %swap3A_685], %broadcast_in_dim3A_1 {strides = array<i32>} : memref<17x256xf32, #tpu.memory_space<vmem>>, vector<16xf32>,
      %get3A_687 = arith.constant 0 : i32
      %get3A_688 = arith.index_cast %get3A_687 : i32 to index
      %get3A_689 = arith.index_cast %scan3A_373 : i32 to index
      %get3A_690 = arith.constant 80 : index
      %get3A_691 = tpu.vector_load %arg6[%get3A_688, %get3A_689, %get3A_690] {strides = array<i32>} : memref<8x24x256xf32, #tpu.memory_space<vmem>>, vector<16xf32>,
      %get3A_692 = arith.constant 1 : i32
      %get3A_693 = arith.index_cast %get3A_692 : i32 to index
      %get3A_694 = arith.index_cast %scan3A_373 : i32 to index
      %get3A_695 = arith.constant 80 : index
      %get3A_696 = tpu.vector_load %arg6[%get3A_693, %get3A_694, %get3A_695] {strides = array<i32>} : memref<8x24x256xf32, #tpu.memory_space<vmem>>, vector<16xf32>,
      %add3A_697 = arith.addf %get3A_691, %get3A_696 : vector<16xf32>
      %get3A_698 = arith.constant 2 : i32
      %get3A_699 = arith.index_cast %get3A_698 : i32 to index
      %get3A_700 = arith.index_cast %scan3A_373 : i32 to index
      %get3A_701 = arith.constant 80 : index
      %get3A_702 = tpu.vector_load %arg6[%get3A_699, %get3A_700, %get3A_701] {strides = array<i32>} : memref<8x24x256xf32, #tpu.memory_space<vmem>>, vector<16xf32>,
      %add3A_703 = arith.addf %add3A_697, %get3A_702 : vector<16xf32>
      %get3A_704 = arith.constant 3 : i32
      %get3A_705 = arith.index_cast %get3A_704 : i32 to index
      %get3A_706 = arith.index_cast %scan3A_373 : i32 to index
      %get3A_707 = arith.constant 80 : index
      %get3A_708 = tpu.vector_load %arg6[%get3A_705, %get3A_706, %get3A_707] {strides = array<i32>} : memref<8x24x256xf32, #tpu.memory_space<vmem>>, vector<16xf32>,
      %add3A_709 = arith.addf %add3A_703, %get3A_708 : vector<16xf32>
      %get3A_710 = arith.constant 4 : i32
      %get3A_711 = arith.index_cast %get3A_710 : i32 to index
      %get3A_712 = arith.index_cast %scan3A_373 : i32 to index
      %get3A_713 = arith.constant 80 : index
      %get3A_714 = tpu.vector_load %arg6[%get3A_711, %get3A_712, %get3A_713] {strides = array<i32>} : memref<8x24x256xf32, #tpu.memory_space<vmem>>, vector<16xf32>,
      %get3A_715 = arith.constant 5 : i32
      %get3A_716 = arith.index_cast %get3A_715 : i32 to index
      %get3A_717 = arith.index_cast %scan3A_373 : i32 to index
      %get3A_718 = arith.constant 80 : index
      %get3A_719 = tpu.vector_load %arg6[%get3A_716, %get3A_717, %get3A_718] {strides = array<i32>} : memref<8x24x256xf32, #tpu.memory_space<vmem>>, vector<16xf32>,
      %add3A_720 = arith.addf %get3A_714, %get3A_719 : vector<16xf32>
      %get3A_721 = arith.constant 6 : i32
      %get3A_722 = arith.index_cast %get3A_721 : i32 to index
      %get3A_723 = arith.index_cast %scan3A_373 : i32 to index
      %get3A_724 = arith.constant 80 : index
      %get3A_725 = tpu.vector_load %arg6[%get3A_722, %get3A_723, %get3A_724] {strides = array<i32>} : memref<8x24x256xf32, #tpu.memory_space<vmem>>, vector<16xf32>,
      %add3A_726 = arith.addf %add3A_720, %get3A_725 : vector<16xf32>
      %get3A_727 = arith.constant 7 : i32
      %get3A_728 = arith.index_cast %get3A_727 : i32 to index
      %get3A_729 = arith.index_cast %scan3A_373 : i32 to index
      %get3A_730 = arith.constant 80 : index
      %get3A_731 = tpu.vector_load %arg6[%get3A_728, %get3A_729, %get3A_730] {strides = array<i32>} : memref<8x24x256xf32, #tpu.memory_space<vmem>>, vector<16xf32>,
      %add3A_732 = arith.addf %add3A_726, %get3A_731 : vector<16xf32>
      %ne3A_733 = arith.constant 0.000000e+00 : f32
      %ne3A_734 = vector.broadcast %ne3A_733 : f32 to vector<16xf32>
      %ne3A_735 = arith.cmpf one, %add3A_709, %ne3A_734 : vector<16xf32>
      %select_n3A_736 = arith.select %ne3A_735, %broadcast_in_dim3A_3, %broadcast_in_dim3A_1 : vector<16xi1>, vector<16xf32>
      %swap3A_737 = arith.index_cast %scan3A_373 : i32 to index
      %swap3A_738 = arith.constant 80 : index
      %swap3A_739 = tpu.vector_load %arg17[%swap3A_737, %swap3A_738] {strides = array<i32>} : memref<17x256xf32, #tpu.memory_space<vmem>>, vector<16xf32>,
      tpu.vector_store %arg17[%swap3A_737, %swap3A_738], %select_n3A_736 {strides = array<i32>} : memref<17x256xf32, #tpu.memory_space<vmem>>, vector<16xf32>,
      %ne3A_740 = arith.constant 0.000000e+00 : f32
      %ne3A_741 = vector.broadcast %ne3A_740 : f32 to vector<16xf32>
      %ne3A_742 = arith.cmpf one, %add3A_732, %ne3A_741 : vector<16xf32>
      %select_n3A_743 = arith.select %ne3A_742, %broadcast_in_dim3A_3, %broadcast_in_dim3A_1 : vector<16xi1>, vector<16xf32>
      %swap3A_744 = arith.index_cast %scan3A_373 : i32 to index
      %swap3A_745 = arith.constant 80 : index
      %swap3A_746 = tpu.vector_load %arg16[%swap3A_744, %swap3A_745] {strides = array<i32>} : memref<17x256xf32, #tpu.memory_space<vmem>>, vector<16xf32>,
      tpu.vector_store %arg16[%swap3A_744, %swap3A_745], %select_n3A_743 {strides = array<i32>} : memref<17x256xf32, #tpu.memory_space<vmem>>, vector<16xf32>,
      %swap3A_747 = arith.index_cast %scan3A_373 : i32 to index
      %swap3A_748 = arith.constant 80 : index
      %swap3A_749 = tpu.vector_load %arg15[%swap3A_747, %swap3A_748] {strides = array<i32>} : memref<17x256xf32, #tpu.memory_space<vmem>>, vector<16xf32>,
      tpu.vector_store %arg15[%swap3A_747, %swap3A_748], %broadcast_in_dim3A_1 {strides = array<i32>} : memref<17x256xf32, #tpu.memory_space<vmem>>, vector<16xf32>,
      %get3A_750 = arith.constant 0 : i32
      %get3A_751 = arith.index_cast %get3A_750 : i32 to index
      %get3A_752 = arith.index_cast %scan3A_373 : i32 to index
      %get3A_753 = arith.constant 96 : index
      %get3A_754 = tpu.vector_load %arg6[%get3A_751, %get3A_752, %get3A_753] {strides = array<i32>} : memref<8x24x256xf32, #tpu.memory_space<vmem>>, vector<16xf32>,
      %get3A_755 = arith.constant 1 : i32
      %get3A_756 = arith.index_cast %get3A_755 : i32 to index
      %get3A_757 = arith.index_cast %scan3A_373 : i32 to index
      %get3A_758 = arith.constant 96 : index
      %get3A_759 = tpu.vector_load %arg6[%get3A_756, %get3A_757, %get3A_758] {strides = array<i32>} : memref<8x24x256xf32, #tpu.memory_space<vmem>>, vector<16xf32>,
      %add3A_760 = arith.addf %get3A_754, %get3A_759 : vector<16xf32>
      %get3A_761 = arith.constant 2 : i32
      %get3A_762 = arith.index_cast %get3A_761 : i32 to index
      %get3A_763 = arith.index_cast %scan3A_373 : i32 to index
      %get3A_764 = arith.constant 96 : index
      %get3A_765 = tpu.vector_load %arg6[%get3A_762, %get3A_763, %get3A_764] {strides = array<i32>} : memref<8x24x256xf32, #tpu.memory_space<vmem>>, vector<16xf32>,
      %add3A_766 = arith.addf %add3A_760, %get3A_765 : vector<16xf32>
      %get3A_767 = arith.constant 3 : i32
      %get3A_768 = arith.index_cast %get3A_767 : i32 to index
      %get3A_769 = arith.index_cast %scan3A_373 : i32 to index
      %get3A_770 = arith.constant 96 : index
      %get3A_771 = tpu.vector_load %arg6[%get3A_768, %get3A_769, %get3A_770] {strides = array<i32>} : memref<8x24x256xf32, #tpu.memory_space<vmem>>, vector<16xf32>,
      %add3A_772 = arith.addf %add3A_766, %get3A_771 : vector<16xf32>
      %get3A_773 = arith.constant 4 : i32
      %get3A_774 = arith.index_cast %get3A_773 : i32 to index
      %get3A_775 = arith.index_cast %scan3A_373 : i32 to index
      %get3A_776 = arith.constant 96 : index
      %get3A_777 = tpu.vector_load %arg6[%get3A_774, %get3A_775, %get3A_776] {strides = array<i32>} : memref<8x24x256xf32, #tpu.memory_space<vmem>>, vector<16xf32>,
      %get3A_778 = arith.constant 5 : i32
      %get3A_779 = arith.index_cast %get3A_778 : i32 to index
      %get3A_780 = arith.index_cast %scan3A_373 : i32 to index
      %get3A_781 = arith.constant 96 : index
      %get3A_782 = tpu.vector_load %arg6[%get3A_779, %get3A_780, %get3A_781] {strides = array<i32>} : memref<8x24x256xf32, #tpu.memory_space<vmem>>, vector<16xf32>,
      %add3A_783 = arith.addf %get3A_777, %get3A_782 : vector<16xf32>
      %get3A_784 = arith.constant 6 : i32
      %get3A_785 = arith.index_cast %get3A_784 : i32 to index
      %get3A_786 = arith.index_cast %scan3A_373 : i32 to index
      %get3A_787 = arith.constant 96 : index
      %get3A_788 = tpu.vector_load %arg6[%get3A_785, %get3A_786, %get3A_787] {strides = array<i32>} : memref<8x24x256xf32, #tpu.memory_space<vmem>>, vector<16xf32>,
      %add3A_789 = arith.addf %add3A_783, %get3A_788 : vector<16xf32>
      %get3A_790 = arith.constant 7 : i32
      %get3A_791 = arith.index_cast %get3A_790 : i32 to index
      %get3A_792 = arith.index_cast %scan3A_373 : i32 to index
      %get3A_793 = arith.constant 96 : index
      %get3A_794 = tpu.vector_load %arg6[%get3A_791, %get3A_792, %get3A_793] {strides = array<i32>} : memref<8x24x256xf32, #tpu.memory_space<vmem>>, vector<16xf32>,
      %add3A_795 = arith.addf %add3A_789, %get3A_794 : vector<16xf32>
      %ne3A_796 = arith.constant 0.000000e+00 : f32
      %ne3A_797 = vector.broadcast %ne3A_796 : f32 to vector<16xf32>
      %ne3A_798 = arith.cmpf one, %add3A_772, %ne3A_797 : vector<16xf32>
      %select_n3A_799 = arith.select %ne3A_798, %broadcast_in_dim3A_3, %broadcast_in_dim3A_1 : vector<16xi1>, vector<16xf32>
      %swap3A_800 = arith.index_cast %scan3A_373 : i32 to index
      %swap3A_801 = arith.constant 96 : index
      %swap3A_802 = tpu.vector_load %arg17[%swap3A_800, %swap3A_801] {strides = array<i32>} : memref<17x256xf32, #tpu.memory_space<vmem>>, vector<16xf32>,
      tpu.vector_store %arg17[%swap3A_800, %swap3A_801], %select_n3A_799 {strides = array<i32>} : memref<17x256xf32, #tpu.memory_space<vmem>>, vector<16xf32>,
      %ne3A_803 = arith.constant 0.000000e+00 : f32
      %ne3A_804 = vector.broadcast %ne3A_803 : f32 to vector<16xf32>
      %ne3A_805 = arith.cmpf one, %add3A_795, %ne3A_804 : vector<16xf32>
      %select_n3A_806 = arith.select %ne3A_805, %broadcast_in_dim3A_3, %broadcast_in_dim3A_1 : vector<16xi1>, vector<16xf32>
      %swap3A_807 = arith.index_cast %scan3A_373 : i32 to index
      %swap3A_808 = arith.constant 96 : index
      %swap3A_809 = tpu.vector_load %arg16[%swap3A_807, %swap3A_808] {strides = array<i32>} : memref<17x256xf32, #tpu.memory_space<vmem>>, vector<16xf32>,
      tpu.vector_store %arg16[%swap3A_807, %swap3A_808], %select_n3A_806 {strides = array<i32>} : memref<17x256xf32, #tpu.memory_space<vmem>>, vector<16xf32>,
      %swap3A_810 = arith.index_cast %scan3A_373 : i32 to index
      %swap3A_811 = arith.constant 96 : index
      %swap3A_812 = tpu.vector_load %arg15[%swap3A_810, %swap3A_811] {strides = array<i32>} : memref<17x256xf32, #tpu.memory_space<vmem>>, vector<16xf32>,
      tpu.vector_store %arg15[%swap3A_810, %swap3A_811], %broadcast_in_dim3A_1 {strides = array<i32>} : memref<17x256xf32, #tpu.memory_space<vmem>>, vector<16xf32>,
      %get3A_813 = arith.constant 0 : i32
      %get3A_814 = arith.index_cast %get3A_813 : i32 to index
      %get3A_815 = arith.index_cast %scan3A_373 : i32 to index
      %get3A_816 = arith.constant 112 : index
      %get3A_817 = tpu.vector_load %arg6[%get3A_814, %get3A_815, %get3A_816] {strides = array<i32>} : memref<8x24x256xf32, #tpu.memory_space<vmem>>, vector<16xf32>,
      %get3A_818 = arith.constant 1 : i32
      %get3A_819 = arith.index_cast %get3A_818 : i32 to index
      %get3A_820 = arith.index_cast %scan3A_373 : i32 to index
      %get3A_821 = arith.constant 112 : index
      %get3A_822 = tpu.vector_load %arg6[%get3A_819, %get3A_820, %get3A_821] {strides = array<i32>} : memref<8x24x256xf32, #tpu.memory_space<vmem>>, vector<16xf32>,
      %add3A_823 = arith.addf %get3A_817, %get3A_822 : vector<16xf32>
      %get3A_824 = arith.constant 2 : i32
      %get3A_825 = arith.index_cast %get3A_824 : i32 to index
      %get3A_826 = arith.index_cast %scan3A_373 : i32 to index
      %get3A_827 = arith.constant 112 : index
      %get3A_828 = tpu.vector_load %arg6[%get3A_825, %get3A_826, %get3A_827] {strides = array<i32>} : memref<8x24x256xf32, #tpu.memory_space<vmem>>, vector<16xf32>,
      %add3A_829 = arith.addf %add3A_823, %get3A_828 : vector<16xf32>
      %get3A_830 = arith.constant 3 : i32
      %get3A_831 = arith.index_cast %get3A_830 : i32 to index
      %get3A_832 = arith.index_cast %scan3A_373 : i32 to index
      %get3A_833 = arith.constant 112 : index
      %get3A_834 = tpu.vector_load %arg6[%get3A_831, %get3A_832, %get3A_833] {strides = array<i32>} : memref<8x24x256xf32, #tpu.memory_space<vmem>>, vector<16xf32>,
      %add3A_835 = arith.addf %add3A_829, %get3A_834 : vector<16xf32>
      %get3A_836 = arith.constant 4 : i32
      %get3A_837 = arith.index_cast %get3A_836 : i32 to index
      %get3A_838 = arith.index_cast %scan3A_373 : i32 to index
      %get3A_839 = arith.constant 112 : index
      %get3A_840 = tpu.vector_load %arg6[%get3A_837, %get3A_838, %get3A_839] {strides = array<i32>} : memref<8x24x256xf32, #tpu.memory_space<vmem>>, vector<16xf32>,
      %get3A_841 = arith.constant 5 : i32
      %get3A_842 = arith.index_cast %get3A_841 : i32 to index
      %get3A_843 = arith.index_cast %scan3A_373 : i32 to index
      %get3A_844 = arith.constant 112 : index
      %get3A_845 = tpu.vector_load %arg6[%get3A_842, %get3A_843, %get3A_844] {strides = array<i32>} : memref<8x24x256xf32, #tpu.memory_space<vmem>>, vector<16xf32>,
      %add3A_846 = arith.addf %get3A_840, %get3A_845 : vector<16xf32>
      %get3A_847 = arith.constant 6 : i32
      %get3A_848 = arith.index_cast %get3A_847 : i32 to index
      %get3A_849 = arith.index_cast %scan3A_373 : i32 to index
      %get3A_850 = arith.constant 112 : index
      %get3A_851 = tpu.vector_load %arg6[%get3A_848, %get3A_849, %get3A_850] {strides = array<i32>} : memref<8x24x256xf32, #tpu.memory_space<vmem>>, vector<16xf32>,
      %add3A_852 = arith.addf %add3A_846, %get3A_851 : vector<16xf32>
      %get3A_853 = arith.constant 7 : i32
      %get3A_854 = arith.index_cast %get3A_853 : i32 to index
      %get3A_855 = arith.index_cast %scan3A_373 : i32 to index
      %get3A_856 = arith.constant 112 : index
      %get3A_857 = tpu.vector_load %arg6[%get3A_854, %get3A_855, %get3A_856] {strides = array<i32>} : memref<8x24x256xf32, #tpu.memory_space<vmem>>, vector<16xf32>,
      %add3A_858 = arith.addf %add3A_852, %get3A_857 : vector<16xf32>
      %ne3A_859 = arith.constant 0.000000e+00 : f32
      %ne3A_860 = vector.broadcast %ne3A_859 : f32 to vector<16xf32>
      %ne3A_861 = arith.cmpf one, %add3A_835, %ne3A_860 : vector<16xf32>
      %select_n3A_862 = arith.select %ne3A_861, %broadcast_in_dim3A_3, %broadcast_in_dim3A_1 : vector<16xi1>, vector<16xf32>
      %swap3A_863 = arith.index_cast %scan3A_373 : i32 to index
      %swap3A_864 = arith.constant 112 : index
      %swap3A_865 = tpu.vector_load %arg17[%swap3A_863, %swap3A_864] {strides = array<i32>} : memref<17x256xf32, #tpu.memory_space<vmem>>, vector<16xf32>,
      tpu.vector_store %arg17[%swap3A_863, %swap3A_864], %select_n3A_862 {strides = array<i32>} : memref<17x256xf32, #tpu.memory_space<vmem>>, vector<16xf32>,
      %ne3A_866 = arith.constant 0.000000e+00 : f32
      %ne3A_867 = vector.broadcast %ne3A_866 : f32 to vector<16xf32>
      %ne3A_868 = arith.cmpf one, %add3A_858, %ne3A_867 : vector<16xf32>
      %select_n3A_869 = arith.select %ne3A_868, %broadcast_in_dim3A_3, %broadcast_in_dim3A_1 : vector<16xi1>, vector<16xf32>
      %swap3A_870 = arith.index_cast %scan3A_373 : i32 to index
      %swap3A_871 = arith.constant 112 : index
      %swap3A_872 = tpu.vector_load %arg16[%swap3A_870, %swap3A_871] {strides = array<i32>} : memref<17x256xf32, #tpu.memory_space<vmem>>, vector<16xf32>,
      tpu.vector_store %arg16[%swap3A_870, %swap3A_871], %select_n3A_869 {strides = array<i32>} : memref<17x256xf32, #tpu.memory_space<vmem>>, vector<16xf32>,
      %swap3A_873 = arith.index_cast %scan3A_373 : i32 to index
      %swap3A_874 = arith.constant 112 : index
      %swap3A_875 = tpu.vector_load %arg15[%swap3A_873, %swap3A_874] {strides = array<i32>} : memref<17x256xf32, #tpu.memory_space<vmem>>, vector<16xf32>,
      tpu.vector_store %arg15[%swap3A_873, %swap3A_874], %broadcast_in_dim3A_1 {strides = array<i32>} : memref<17x256xf32, #tpu.memory_space<vmem>>, vector<16xf32>,
      %get3A_876 = arith.constant 0 : i32
      %get3A_877 = arith.index_cast %get3A_876 : i32 to index
      %get3A_878 = arith.index_cast %scan3A_373 : i32 to index
      %get3A_879 = arith.constant 128 : index
      %get3A_880 = tpu.vector_load %arg6[%get3A_877, %get3A_878, %get3A_879] {strides = array<i32>} : memref<8x24x256xf32, #tpu.memory_space<vmem>>, vector<16xf32>,
      %get3A_881 = arith.constant 1 : i32
      %get3A_882 = arith.index_cast %get3A_881 : i32 to index
      %get3A_883 = arith.index_cast %scan3A_373 : i32 to index
      %get3A_884 = arith.constant 128 : index
      %get3A_885 = tpu.vector_load %arg6[%get3A_882, %get3A_883, %get3A_884] {strides = array<i32>} : memref<8x24x256xf32, #tpu.memory_space<vmem>>, vector<16xf32>,
      %add3A_886 = arith.addf %get3A_880, %get3A_885 : vector<16xf32>
      %get3A_887 = arith.constant 2 : i32
      %get3A_888 = arith.index_cast %get3A_887 : i32 to index
      %get3A_889 = arith.index_cast %scan3A_373 : i32 to index
      %get3A_890 = arith.constant 128 : index
      %get3A_891 = tpu.vector_load %arg6[%get3A_888, %get3A_889, %get3A_890] {strides = array<i32>} : memref<8x24x256xf32, #tpu.memory_space<vmem>>, vector<16xf32>,
      %add3A_892 = arith.addf %add3A_886, %get3A_891 : vector<16xf32>
      %get3A_893 = arith.constant 3 : i32
      %get3A_894 = arith.index_cast %get3A_893 : i32 to index
      %get3A_895 = arith.index_cast %scan3A_373 : i32 to index
      %get3A_896 = arith.constant 128 : index
      %get3A_897 = tpu.vector_load %arg6[%get3A_894, %get3A_895, %get3A_896] {strides = array<i32>} : memref<8x24x256xf32, #tpu.memory_space<vmem>>, vector<16xf32>,
      %add3A_898 = arith.addf %add3A_892, %get3A_897 : vector<16xf32>
      %get3A_899 = arith.constant 4 : i32
      %get3A_900 = arith.index_cast %get3A_899 : i32 to index
      %get3A_901 = arith.index_cast %scan3A_373 : i32 to index
      %get3A_902 = arith.constant 128 : index
      %get3A_903 = tpu.vector_load %arg6[%get3A_900, %get3A_901, %get3A_902] {strides = array<i32>} : memref<8x24x256xf32, #tpu.memory_space<vmem>>, vector<16xf32>,
      %get3A_904 = arith.constant 5 : i32
      %get3A_905 = arith.index_cast %get3A_904 : i32 to index
      %get3A_906 = arith.index_cast %scan3A_373 : i32 to index
      %get3A_907 = arith.constant 128 : index
      %get3A_908 = tpu.vector_load %arg6[%get3A_905, %get3A_906, %get3A_907] {strides = array<i32>} : memref<8x24x256xf32, #tpu.memory_space<vmem>>, vector<16xf32>,
      %add3A_909 = arith.addf %get3A_903, %get3A_908 : vector<16xf32>
      %get3A_910 = arith.constant 6 : i32
      %get3A_911 = arith.index_cast %get3A_910 : i32 to index
      %get3A_912 = arith.index_cast %scan3A_373 : i32 to index
      %get3A_913 = arith.constant 128 : index
      %get3A_914 = tpu.vector_load %arg6[%get3A_911, %get3A_912, %get3A_913] {strides = array<i32>} : memref<8x24x256xf32, #tpu.memory_space<vmem>>, vector<16xf32>,
      %add3A_915 = arith.addf %add3A_909, %get3A_914 : vector<16xf32>
      %get3A_916 = arith.constant 7 : i32
      %get3A_917 = arith.index_cast %get3A_916 : i32 to index
      %get3A_918 = arith.index_cast %scan3A_373 : i32 to index
      %get3A_919 = arith.constant 128 : index
      %get3A_920 = tpu.vector_load %arg6[%get3A_917, %get3A_918, %get3A_919] {strides = array<i32>} : memref<8x24x256xf32, #tpu.memory_space<vmem>>, vector<16xf32>,
      %add3A_921 = arith.addf %add3A_915, %get3A_920 : vector<16xf32>
      %ne3A_922 = arith.constant 0.000000e+00 : f32
      %ne3A_923 = vector.broadcast %ne3A_922 : f32 to vector<16xf32>
      %ne3A_924 = arith.cmpf one, %add3A_898, %ne3A_923 : vector<16xf32>
      %select_n3A_925 = arith.select %ne3A_924, %broadcast_in_dim3A_3, %broadcast_in_dim3A_1 : vector<16xi1>, vector<16xf32>
      %swap3A_926 = arith.index_cast %scan3A_373 : i32 to index
      %swap3A_927 = arith.constant 128 : index
      %swap3A_928 = tpu.vector_load %arg17[%swap3A_926, %swap3A_927] {strides = array<i32>} : memref<17x256xf32, #tpu.memory_space<vmem>>, vector<16xf32>,
      tpu.vector_store %arg17[%swap3A_926, %swap3A_927], %select_n3A_925 {strides = array<i32>} : memref<17x256xf32, #tpu.memory_space<vmem>>, vector<16xf32>,
      %ne3A_929 = arith.constant 0.000000e+00 : f32
      %ne3A_930 = vector.broadcast %ne3A_929 : f32 to vector<16xf32>
      %ne3A_931 = arith.cmpf one, %add3A_921, %ne3A_930 : vector<16xf32>
      %select_n3A_932 = arith.select %ne3A_931, %broadcast_in_dim3A_3, %broadcast_in_dim3A_1 : vector<16xi1>, vector<16xf32>
      %swap3A_933 = arith.index_cast %scan3A_373 : i32 to index
      %swap3A_934 = arith.constant 128 : index
      %swap3A_935 = tpu.vector_load %arg16[%swap3A_933, %swap3A_934] {strides = array<i32>} : memref<17x256xf32, #tpu.memory_space<vmem>>, vector<16xf32>,
      tpu.vector_store %arg16[%swap3A_933, %swap3A_934], %select_n3A_932 {strides = array<i32>} : memref<17x256xf32, #tpu.memory_space<vmem>>, vector<16xf32>,
      %swap3A_936 = arith.index_cast %scan3A_373 : i32 to index
      %swap3A_937 = arith.constant 128 : index
      %swap3A_938 = tpu.vector_load %arg15[%swap3A_936, %swap3A_937] {strides = array<i32>} : memref<17x256xf32, #tpu.memory_space<vmem>>, vector<16xf32>,
      tpu.vector_store %arg15[%swap3A_936, %swap3A_937], %broadcast_in_dim3A_1 {strides = array<i32>} : memref<17x256xf32, #tpu.memory_space<vmem>>, vector<16xf32>,
      %get3A_939 = arith.constant 0 : i32
      %get3A_940 = arith.index_cast %get3A_939 : i32 to index
      %get3A_941 = arith.index_cast %scan3A_373 : i32 to index
      %get3A_942 = arith.constant 144 : index
      %get3A_943 = tpu.vector_load %arg6[%get3A_940, %get3A_941, %get3A_942] {strides = array<i32>} : memref<8x24x256xf32, #tpu.memory_space<vmem>>, vector<16xf32>,
      %get3A_944 = arith.constant 1 : i32
      %get3A_945 = arith.index_cast %get3A_944 : i32 to index
      %get3A_946 = arith.index_cast %scan3A_373 : i32 to index
      %get3A_947 = arith.constant 144 : index
      %get3A_948 = tpu.vector_load %arg6[%get3A_945, %get3A_946, %get3A_947] {strides = array<i32>} : memref<8x24x256xf32, #tpu.memory_space<vmem>>, vector<16xf32>,
      %add3A_949 = arith.addf %get3A_943, %get3A_948 : vector<16xf32>
      %get3A_950 = arith.constant 2 : i32
      %get3A_951 = arith.index_cast %get3A_950 : i32 to index
      %get3A_952 = arith.index_cast %scan3A_373 : i32 to index
      %get3A_953 = arith.constant 144 : index
      %get3A_954 = tpu.vector_load %arg6[%get3A_951, %get3A_952, %get3A_953] {strides = array<i32>} : memref<8x24x256xf32, #tpu.memory_space<vmem>>, vector<16xf32>,
      %add3A_955 = arith.addf %add3A_949, %get3A_954 : vector<16xf32>
      %get3A_956 = arith.constant 3 : i32
      %get3A_957 = arith.index_cast %get3A_956 : i32 to index
      %get3A_958 = arith.index_cast %scan3A_373 : i32 to index
      %get3A_959 = arith.constant 144 : index
      %get3A_960 = tpu.vector_load %arg6[%get3A_957, %get3A_958, %get3A_959] {strides = array<i32>} : memref<8x24x256xf32, #tpu.memory_space<vmem>>, vector<16xf32>,
      %add3A_961 = arith.addf %add3A_955, %get3A_960 : vector<16xf32>
      %get3A_962 = arith.constant 4 : i32
      %get3A_963 = arith.index_cast %get3A_962 : i32 to index
      %get3A_964 = arith.index_cast %scan3A_373 : i32 to index
      %get3A_965 = arith.constant 144 : index
      %get3A_966 = tpu.vector_load %arg6[%get3A_963, %get3A_964, %get3A_965] {strides = array<i32>} : memref<8x24x256xf32, #tpu.memory_space<vmem>>, vector<16xf32>,
      %get3A_967 = arith.constant 5 : i32
      %get3A_968 = arith.index_cast %get3A_967 : i32 to index
      %get3A_969 = arith.index_cast %scan3A_373 : i32 to index
      %get3A_970 = arith.constant 144 : index
      %get3A_971 = tpu.vector_load %arg6[%get3A_968, %get3A_969, %get3A_970] {strides = array<i32>} : memref<8x24x256xf32, #tpu.memory_space<vmem>>, vector<16xf32>,
      %add3A_972 = arith.addf %get3A_966, %get3A_971 : vector<16xf32>
      %get3A_973 = arith.constant 6 : i32
      %get3A_974 = arith.index_cast %get3A_973 : i32 to index
      %get3A_975 = arith.index_cast %scan3A_373 : i32 to index
      %get3A_976 = arith.constant 144 : index
      %get3A_977 = tpu.vector_load %arg6[%get3A_974, %get3A_975, %get3A_976] {strides = array<i32>} : memref<8x24x256xf32, #tpu.memory_space<vmem>>, vector<16xf32>,
      %add3A_978 = arith.addf %add3A_972, %get3A_977 : vector<16xf32>
      %get3A_979 = arith.constant 7 : i32
      %get3A_980 = arith.index_cast %get3A_979 : i32 to index
      %get3A_981 = arith.index_cast %scan3A_373 : i32 to index
      %get3A_982 = arith.constant 144 : index
      %get3A_983 = tpu.vector_load %arg6[%get3A_980, %get3A_981, %get3A_982] {strides = array<i32>} : memref<8x24x256xf32, #tpu.memory_space<vmem>>, vector<16xf32>,
      %add3A_984 = arith.addf %add3A_978, %get3A_983 : vector<16xf32>
      %ne3A_985 = arith.constant 0.000000e+00 : f32
      %ne3A_986 = vector.broadcast %ne3A_985 : f32 to vector<16xf32>
      %ne3A_987 = arith.cmpf one, %add3A_961, %ne3A_986 : vector<16xf32>
      %select_n3A_988 = arith.select %ne3A_987, %broadcast_in_dim3A_3, %broadcast_in_dim3A_1 : vector<16xi1>, vector<16xf32>
      %swap3A_989 = arith.index_cast %scan3A_373 : i32 to index
      %swap3A_990 = arith.constant 144 : index
      %swap3A_991 = tpu.vector_load %arg17[%swap3A_989, %swap3A_990] {strides = array<i32>} : memref<17x256xf32, #tpu.memory_space<vmem>>, vector<16xf32>,
      tpu.vector_store %arg17[%swap3A_989, %swap3A_990], %select_n3A_988 {strides = array<i32>} : memref<17x256xf32, #tpu.memory_space<vmem>>, vector<16xf32>,
      %ne3A_992 = arith.constant 0.000000e+00 : f32
      %ne3A_993 = vector.broadcast %ne3A_992 : f32 to vector<16xf32>
      %ne3A_994 = arith.cmpf one, %add3A_984, %ne3A_993 : vector<16xf32>
      %select_n3A_995 = arith.select %ne3A_994, %broadcast_in_dim3A_3, %broadcast_in_dim3A_1 : vector<16xi1>, vector<16xf32>
      %swap3A_996 = arith.index_cast %scan3A_373 : i32 to index
      %swap3A_997 = arith.constant 144 : index
      %swap3A_998 = tpu.vector_load %arg16[%swap3A_996, %swap3A_997] {strides = array<i32>} : memref<17x256xf32, #tpu.memory_space<vmem>>, vector<16xf32>,
      tpu.vector_store %arg16[%swap3A_996, %swap3A_997], %select_n3A_995 {strides = array<i32>} : memref<17x256xf32, #tpu.memory_space<vmem>>, vector<16xf32>,
      %swap3A_999 = arith.index_cast %scan3A_373 : i32 to index
      %swap3A_1000 = arith.constant 144 : index
      %swap3A_1001 = tpu.vector_load %arg15[%swap3A_999, %swap3A_1000] {strides = array<i32>} : memref<17x256xf32, #tpu.memory_space<vmem>>, vector<16xf32>,
      tpu.vector_store %arg15[%swap3A_999, %swap3A_1000], %broadcast_in_dim3A_1 {strides = array<i32>} : memref<17x256xf32, #tpu.memory_space<vmem>>, vector<16xf32>,
      %get3A_1002 = arith.constant 0 : i32
      %get3A_1003 = arith.index_cast %get3A_1002 : i32 to index
      %get3A_1004 = arith.index_cast %scan3A_373 : i32 to index
      %get3A_1005 = arith.constant 160 : index
      %get3A_1006 = tpu.vector_load %arg6[%get3A_1003, %get3A_1004, %get3A_1005] {strides = array<i32>} : memref<8x24x256xf32, #tpu.memory_space<vmem>>, vector<16xf32>,
      %get3A_1007 = arith.constant 1 : i32
      %get3A_1008 = arith.index_cast %get3A_1007 : i32 to index
      %get3A_1009 = arith.index_cast %scan3A_373 : i32 to index
      %get3A_1010 = arith.constant 160 : index
      %get3A_1011 = tpu.vector_load %arg6[%get3A_1008, %get3A_1009, %get3A_1010] {strides = array<i32>} : memref<8x24x256xf32, #tpu.memory_space<vmem>>, vector<16xf32>,
      %add3A_1012 = arith.addf %get3A_1006, %get3A_1011 : vector<16xf32>
      %get3A_1013 = arith.constant 2 : i32
      %get3A_1014 = arith.index_cast %get3A_1013 : i32 to index
      %get3A_1015 = arith.index_cast %scan3A_373 : i32 to index
      %get3A_1016 = arith.constant 160 : index
      %get3A_1017 = tpu.vector_load %arg6[%get3A_1014, %get3A_1015, %get3A_1016] {strides = array<i32>} : memref<8x24x256xf32, #tpu.memory_space<vmem>>, vector<16xf32>,
      %add3A_1018 = arith.addf %add3A_1012, %get3A_1017 : vector<16xf32>
      %get3A_1019 = arith.constant 3 : i32
      %get3A_1020 = arith.index_cast %get3A_1019 : i32 to index
      %get3A_1021 = arith.index_cast %scan3A_373 : i32 to index
      %get3A_1022 = arith.constant 160 : index
      %get3A_1023 = tpu.vector_load %arg6[%get3A_1020, %get3A_1021, %get3A_1022] {strides = array<i32>} : memref<8x24x256xf32, #tpu.memory_space<vmem>>, vector<16xf32>,
      %add3A_1024 = arith.addf %add3A_1018, %get3A_1023 : vector<16xf32>
      %get3A_1025 = arith.constant 4 : i32
      %get3A_1026 = arith.index_cast %get3A_1025 : i32 to index
      %get3A_1027 = arith.index_cast %scan3A_373 : i32 to index
      %get3A_1028 = arith.constant 160 : index
      %get3A_1029 = tpu.vector_load %arg6[%get3A_1026, %get3A_1027, %get3A_1028] {strides = array<i32>} : memref<8x24x256xf32, #tpu.memory_space<vmem>>, vector<16xf32>,
      %get3A_1030 = arith.constant 5 : i32
      %get3A_1031 = arith.index_cast %get3A_1030 : i32 to index
      %get3A_1032 = arith.index_cast %scan3A_373 : i32 to index
      %get3A_1033 = arith.constant 160 : index
      %get3A_1034 = tpu.vector_load %arg6[%get3A_1031, %get3A_1032, %get3A_1033] {strides = array<i32>} : memref<8x24x256xf32, #tpu.memory_space<vmem>>, vector<16xf32>,
      %add3A_1035 = arith.addf %get3A_1029, %get3A_1034 : vector<16xf32>
      %get3A_1036 = arith.constant 6 : i32
      %get3A_1037 = arith.index_cast %get3A_1036 : i32 to index
      %get3A_1038 = arith.index_cast %scan3A_373 : i32 to index
      %get3A_1039 = arith.constant 160 : index
      %get3A_1040 = tpu.vector_load %arg6[%get3A_1037, %get3A_1038, %get3A_1039] {strides = array<i32>} : memref<8x24x256xf32, #tpu.memory_space<vmem>>, vector<16xf32>,
      %add3A_1041 = arith.addf %add3A_1035, %get3A_1040 : vector<16xf32>
      %get3A_1042 = arith.constant 7 : i32
      %get3A_1043 = arith.index_cast %get3A_1042 : i32 to index
      %get3A_1044 = arith.index_cast %scan3A_373 : i32 to index
      %get3A_1045 = arith.constant 160 : index
      %get3A_1046 = tpu.vector_load %arg6[%get3A_1043, %get3A_1044, %get3A_1045] {strides = array<i32>} : memref<8x24x256xf32, #tpu.memory_space<vmem>>, vector<16xf32>,
      %add3A_1047 = arith.addf %add3A_1041, %get3A_1046 : vector<16xf32>
      %ne3A_1048 = arith.constant 0.000000e+00 : f32
      %ne3A_1049 = vector.broadcast %ne3A_1048 : f32 to vector<16xf32>
      %ne3A_1050 = arith.cmpf one, %add3A_1024, %ne3A_1049 : vector<16xf32>
      %select_n3A_1051 = arith.select %ne3A_1050, %broadcast_in_dim3A_3, %broadcast_in_dim3A_1 : vector<16xi1>, vector<16xf32>
      %swap3A_1052 = arith.index_cast %scan3A_373 : i32 to index
      %swap3A_1053 = arith.constant 160 : index
      %swap3A_1054 = tpu.vector_load %arg17[%swap3A_1052, %swap3A_1053] {strides = array<i32>} : memref<17x256xf32, #tpu.memory_space<vmem>>, vector<16xf32>,
      tpu.vector_store %arg17[%swap3A_1052, %swap3A_1053], %select_n3A_1051 {strides = array<i32>} : memref<17x256xf32, #tpu.memory_space<vmem>>, vector<16xf32>,
      %ne3A_1055 = arith.constant 0.000000e+00 : f32
      %ne3A_1056 = vector.broadcast %ne3A_1055 : f32 to vector<16xf32>
      %ne3A_1057 = arith.cmpf one, %add3A_1047, %ne3A_1056 : vector<16xf32>
      %select_n3A_1058 = arith.select %ne3A_1057, %broadcast_in_dim3A_3, %broadcast_in_dim3A_1 : vector<16xi1>, vector<16xf32>
      %swap3A_1059 = arith.index_cast %scan3A_373 : i32 to index
      %swap3A_1060 = arith.constant 160 : index
      %swap3A_1061 = tpu.vector_load %arg16[%swap3A_1059, %swap3A_1060] {strides = array<i32>} : memref<17x256xf32, #tpu.memory_space<vmem>>, vector<16xf32>,
      tpu.vector_store %arg16[%swap3A_1059, %swap3A_1060], %select_n3A_1058 {strides = array<i32>} : memref<17x256xf32, #tpu.memory_space<vmem>>, vector<16xf32>,
      %swap3A_1062 = arith.index_cast %scan3A_373 : i32 to index
      %swap3A_1063 = arith.constant 160 : index
      %swap3A_1064 = tpu.vector_load %arg15[%swap3A_1062, %swap3A_1063] {strides = array<i32>} : memref<17x256xf32, #tpu.memory_space<vmem>>, vector<16xf32>,
      tpu.vector_store %arg15[%swap3A_1062, %swap3A_1063], %broadcast_in_dim3A_1 {strides = array<i32>} : memref<17x256xf32, #tpu.memory_space<vmem>>, vector<16xf32>,
      %get3A_1065 = arith.constant 0 : i32
      %get3A_1066 = arith.index_cast %get3A_1065 : i32 to index
      %get3A_1067 = arith.index_cast %scan3A_373 : i32 to index
      %get3A_1068 = arith.constant 176 : index
      %get3A_1069 = tpu.vector_load %arg6[%get3A_1066, %get3A_1067, %get3A_1068] {strides = array<i32>} : memref<8x24x256xf32, #tpu.memory_space<vmem>>, vector<16xf32>,
      %get3A_1070 = arith.constant 1 : i32
      %get3A_1071 = arith.index_cast %get3A_1070 : i32 to index
      %get3A_1072 = arith.index_cast %scan3A_373 : i32 to index
      %get3A_1073 = arith.constant 176 : index
      %get3A_1074 = tpu.vector_load %arg6[%get3A_1071, %get3A_1072, %get3A_1073] {strides = array<i32>} : memref<8x24x256xf32, #tpu.memory_space<vmem>>, vector<16xf32>,
      %add3A_1075 = arith.addf %get3A_1069, %get3A_1074 : vector<16xf32>
      %get3A_1076 = arith.constant 2 : i32
      %get3A_1077 = arith.index_cast %get3A_1076 : i32 to index
      %get3A_1078 = arith.index_cast %scan3A_373 : i32 to index
      %get3A_1079 = arith.constant 176 : index
      %get3A_1080 = tpu.vector_load %arg6[%get3A_1077, %get3A_1078, %get3A_1079] {strides = array<i32>} : memref<8x24x256xf32, #tpu.memory_space<vmem>>, vector<16xf32>,
      %add3A_1081 = arith.addf %add3A_1075, %get3A_1080 : vector<16xf32>
      %get3A_1082 = arith.constant 3 : i32
      %get3A_1083 = arith.index_cast %get3A_1082 : i32 to index
      %get3A_1084 = arith.index_cast %scan3A_373 : i32 to index
      %get3A_1085 = arith.constant 176 : index
      %get3A_1086 = tpu.vector_load %arg6[%get3A_1083, %get3A_1084, %get3A_1085] {strides = array<i32>} : memref<8x24x256xf32, #tpu.memory_space<vmem>>, vector<16xf32>,
      %add3A_1087 = arith.addf %add3A_1081, %get3A_1086 : vector<16xf32>
      %get3A_1088 = arith.constant 4 : i32
      %get3A_1089 = arith.index_cast %get3A_1088 : i32 to index
      %get3A_1090 = arith.index_cast %scan3A_373 : i32 to index
      %get3A_1091 = arith.constant 176 : index
      %get3A_1092 = tpu.vector_load %arg6[%get3A_1089, %get3A_1090, %get3A_1091] {strides = array<i32>} : memref<8x24x256xf32, #tpu.memory_space<vmem>>, vector<16xf32>,
      %get3A_1093 = arith.constant 5 : i32
      %get3A_1094 = arith.index_cast %get3A_1093 : i32 to index
      %get3A_1095 = arith.index_cast %scan3A_373 : i32 to index
      %get3A_1096 = arith.constant 176 : index
      %get3A_1097 = tpu.vector_load %arg6[%get3A_1094, %get3A_1095, %get3A_1096] {strides = array<i32>} : memref<8x24x256xf32, #tpu.memory_space<vmem>>, vector<16xf32>,
      %add3A_1098 = arith.addf %get3A_1092, %get3A_1097 : vector<16xf32>
      %get3A_1099 = arith.constant 6 : i32
      %get3A_1100 = arith.index_cast %get3A_1099 : i32 to index
      %get3A_1101 = arith.index_cast %scan3A_373 : i32 to index
      %get3A_1102 = arith.constant 176 : index
      %get3A_1103 = tpu.vector_load %arg6[%get3A_1100, %get3A_1101, %get3A_1102] {strides = array<i32>} : memref<8x24x256xf32, #tpu.memory_space<vmem>>, vector<16xf32>,
      %add3A_1104 = arith.addf %add3A_1098, %get3A_1103 : vector<16xf32>
      %get3A_1105 = arith.constant 7 : i32
      %get3A_1106 = arith.index_cast %get3A_1105 : i32 to index
      %get3A_1107 = arith.index_cast %scan3A_373 : i32 to index
      %get3A_1108 = arith.constant 176 : index
      %get3A_1109 = tpu.vector_load %arg6[%get3A_1106, %get3A_1107, %get3A_1108] {strides = array<i32>} : memref<8x24x256xf32, #tpu.memory_space<vmem>>, vector<16xf32>,
      %add3A_1110 = arith.addf %add3A_1104, %get3A_1109 : vector<16xf32>
      %ne3A_1111 = arith.constant 0.000000e+00 : f32
      %ne3A_1112 = vector.broadcast %ne3A_1111 : f32 to vector<16xf32>
      %ne3A_1113 = arith.cmpf one, %add3A_1087, %ne3A_1112 : vector<16xf32>
      %select_n3A_1114 = arith.select %ne3A_1113, %broadcast_in_dim3A_3, %broadcast_in_dim3A_1 : vector<16xi1>, vector<16xf32>
      %swap3A_1115 = arith.index_cast %scan3A_373 : i32 to index
      %swap3A_1116 = arith.constant 176 : index
      %swap3A_1117 = tpu.vector_load %arg17[%swap3A_1115, %swap3A_1116] {strides = array<i32>} : memref<17x256xf32, #tpu.memory_space<vmem>>, vector<16xf32>,
      tpu.vector_store %arg17[%swap3A_1115, %swap3A_1116], %select_n3A_1114 {strides = array<i32>} : memref<17x256xf32, #tpu.memory_space<vmem>>, vector<16xf32>,
      %ne3A_1118 = arith.constant 0.000000e+00 : f32
      %ne3A_1119 = vector.broadcast %ne3A_1118 : f32 to vector<16xf32>
      %ne3A_1120 = arith.cmpf one, %add3A_1110, %ne3A_1119 : vector<16xf32>
      %select_n3A_1121 = arith.select %ne3A_1120, %broadcast_in_dim3A_3, %broadcast_in_dim3A_1 : vector<16xi1>, vector<16xf32>
      %swap3A_1122 = arith.index_cast %scan3A_373 : i32 to index
      %swap3A_1123 = arith.constant 176 : index
      %swap3A_1124 = tpu.vector_load %arg16[%swap3A_1122, %swap3A_1123] {strides = array<i32>} : memref<17x256xf32, #tpu.memory_space<vmem>>, vector<16xf32>,
      tpu.vector_store %arg16[%swap3A_1122, %swap3A_1123], %select_n3A_1121 {strides = array<i32>} : memref<17x256xf32, #tpu.memory_space<vmem>>, vector<16xf32>,
      %swap3A_1125 = arith.index_cast %scan3A_373 : i32 to index
      %swap3A_1126 = arith.constant 176 : index
      %swap3A_1127 = tpu.vector_load %arg15[%swap3A_1125, %swap3A_1126] {strides = array<i32>} : memref<17x256xf32, #tpu.memory_space<vmem>>, vector<16xf32>,
      tpu.vector_store %arg15[%swap3A_1125, %swap3A_1126], %broadcast_in_dim3A_1 {strides = array<i32>} : memref<17x256xf32, #tpu.memory_space<vmem>>, vector<16xf32>,
      %get3A_1128 = arith.constant 0 : i32
      %get3A_1129 = arith.index_cast %get3A_1128 : i32 to index
      %get3A_1130 = arith.index_cast %scan3A_373 : i32 to index
      %get3A_1131 = arith.constant 192 : index
      %get3A_1132 = tpu.vector_load %arg6[%get3A_1129, %get3A_1130, %get3A_1131] {strides = array<i32>} : memref<8x24x256xf32, #tpu.memory_space<vmem>>, vector<16xf32>,
      %get3A_1133 = arith.constant 1 : i32
      %get3A_1134 = arith.index_cast %get3A_1133 : i32 to index
      %get3A_1135 = arith.index_cast %scan3A_373 : i32 to index
      %get3A_1136 = arith.constant 192 : index
      %get3A_1137 = tpu.vector_load %arg6[%get3A_1134, %get3A_1135, %get3A_1136] {strides = array<i32>} : memref<8x24x256xf32, #tpu.memory_space<vmem>>, vector<16xf32>,
      %add3A_1138 = arith.addf %get3A_1132, %get3A_1137 : vector<16xf32>
      %get3A_1139 = arith.constant 2 : i32
      %get3A_1140 = arith.index_cast %get3A_1139 : i32 to index
      %get3A_1141 = arith.index_cast %scan3A_373 : i32 to index
      %get3A_1142 = arith.constant 192 : index
      %get3A_1143 = tpu.vector_load %arg6[%get3A_1140, %get3A_1141, %get3A_1142] {strides = array<i32>} : memref<8x24x256xf32, #tpu.memory_space<vmem>>, vector<16xf32>,
      %add3A_1144 = arith.addf %add3A_1138, %get3A_1143 : vector<16xf32>
      %get3A_1145 = arith.constant 3 : i32
      %get3A_1146 = arith.index_cast %get3A_1145 : i32 to index
      %get3A_1147 = arith.index_cast %scan3A_373 : i32 to index
      %get3A_1148 = arith.constant 192 : index
      %get3A_1149 = tpu.vector_load %arg6[%get3A_1146, %get3A_1147, %get3A_1148] {strides = array<i32>} : memref<8x24x256xf32, #tpu.memory_space<vmem>>, vector<16xf32>,
      %add3A_1150 = arith.addf %add3A_1144, %get3A_1149 : vector<16xf32>
      %get3A_1151 = arith.constant 4 : i32
      %get3A_1152 = arith.index_cast %get3A_1151 : i32 to index
      %get3A_1153 = arith.index_cast %scan3A_373 : i32 to index
      %get3A_1154 = arith.constant 192 : index
      %get3A_1155 = tpu.vector_load %arg6[%get3A_1152, %get3A_1153, %get3A_1154] {strides = array<i32>} : memref<8x24x256xf32, #tpu.memory_space<vmem>>, vector<16xf32>,
      %get3A_1156 = arith.constant 5 : i32
      %get3A_1157 = arith.index_cast %get3A_1156 : i32 to index
      %get3A_1158 = arith.index_cast %scan3A_373 : i32 to index
      %get3A_1159 = arith.constant 192 : index
      %get3A_1160 = tpu.vector_load %arg6[%get3A_1157, %get3A_1158, %get3A_1159] {strides = array<i32>} : memref<8x24x256xf32, #tpu.memory_space<vmem>>, vector<16xf32>,
      %add3A_1161 = arith.addf %get3A_1155, %get3A_1160 : vector<16xf32>
      %get3A_1162 = arith.constant 6 : i32
      %get3A_1163 = arith.index_cast %get3A_1162 : i32 to index
      %get3A_1164 = arith.index_cast %scan3A_373 : i32 to index
      %get3A_1165 = arith.constant 192 : index
      %get3A_1166 = tpu.vector_load %arg6[%get3A_1163, %get3A_1164, %get3A_1165] {strides = array<i32>} : memref<8x24x256xf32, #tpu.memory_space<vmem>>, vector<16xf32>,
      %add3A_1167 = arith.addf %add3A_1161, %get3A_1166 : vector<16xf32>
      %get3A_1168 = arith.constant 7 : i32
      %get3A_1169 = arith.index_cast %get3A_1168 : i32 to index
      %get3A_1170 = arith.index_cast %scan3A_373 : i32 to index
      %get3A_1171 = arith.constant 192 : index
      %get3A_1172 = tpu.vector_load %arg6[%get3A_1169, %get3A_1170, %get3A_1171] {strides = array<i32>} : memref<8x24x256xf32, #tpu.memory_space<vmem>>, vector<16xf32>,
      %add3A_1173 = arith.addf %add3A_1167, %get3A_1172 : vector<16xf32>
      %ne3A_1174 = arith.constant 0.000000e+00 : f32
      %ne3A_1175 = vector.broadcast %ne3A_1174 : f32 to vector<16xf32>
      %ne3A_1176 = arith.cmpf one, %add3A_1150, %ne3A_1175 : vector<16xf32>
      %select_n3A_1177 = arith.select %ne3A_1176, %broadcast_in_dim3A_3, %broadcast_in_dim3A_1 : vector<16xi1>, vector<16xf32>
      %swap3A_1178 = arith.index_cast %scan3A_373 : i32 to index
      %swap3A_1179 = arith.constant 192 : index
      %swap3A_1180 = tpu.vector_load %arg17[%swap3A_1178, %swap3A_1179] {strides = array<i32>} : memref<17x256xf32, #tpu.memory_space<vmem>>, vector<16xf32>,
      tpu.vector_store %arg17[%swap3A_1178, %swap3A_1179], %select_n3A_1177 {strides = array<i32>} : memref<17x256xf32, #tpu.memory_space<vmem>>, vector<16xf32>,
      %ne3A_1181 = arith.constant 0.000000e+00 : f32
      %ne3A_1182 = vector.broadcast %ne3A_1181 : f32 to vector<16xf32>
      %ne3A_1183 = arith.cmpf one, %add3A_1173, %ne3A_1182 : vector<16xf32>
      %select_n3A_1184 = arith.select %ne3A_1183, %broadcast_in_dim3A_3, %broadcast_in_dim3A_1 : vector<16xi1>, vector<16xf32>
      %swap3A_1185 = arith.index_cast %scan3A_373 : i32 to index
      %swap3A_1186 = arith.constant 192 : index
      %swap3A_1187 = tpu.vector_load %arg16[%swap3A_1185, %swap3A_1186] {strides = array<i32>} : memref<17x256xf32, #tpu.memory_space<vmem>>, vector<16xf32>,
      tpu.vector_store %arg16[%swap3A_1185, %swap3A_1186], %select_n3A_1184 {strides = array<i32>} : memref<17x256xf32, #tpu.memory_space<vmem>>, vector<16xf32>,
      %swap3A_1188 = arith.index_cast %scan3A_373 : i32 to index
      %swap3A_1189 = arith.constant 192 : index
      %swap3A_1190 = tpu.vector_load %arg15[%swap3A_1188, %swap3A_1189] {strides = array<i32>} : memref<17x256xf32, #tpu.memory_space<vmem>>, vector<16xf32>,
      tpu.vector_store %arg15[%swap3A_1188, %swap3A_1189], %broadcast_in_dim3A_1 {strides = array<i32>} : memref<17x256xf32, #tpu.memory_space<vmem>>, vector<16xf32>,
      %get3A_1191 = arith.constant 0 : i32
      %get3A_1192 = arith.index_cast %get3A_1191 : i32 to index
      %get3A_1193 = arith.index_cast %scan3A_373 : i32 to index
      %get3A_1194 = arith.constant 208 : index
      %get3A_1195 = tpu.vector_load %arg6[%get3A_1192, %get3A_1193, %get3A_1194] {strides = array<i32>} : memref<8x24x256xf32, #tpu.memory_space<vmem>>, vector<16xf32>,
      %get3A_1196 = arith.constant 1 : i32
      %get3A_1197 = arith.index_cast %get3A_1196 : i32 to index
      %get3A_1198 = arith.index_cast %scan3A_373 : i32 to index
      %get3A_1199 = arith.constant 208 : index
      %get3A_1200 = tpu.vector_load %arg6[%get3A_1197, %get3A_1198, %get3A_1199] {strides = array<i32>} : memref<8x24x256xf32, #tpu.memory_space<vmem>>, vector<16xf32>,
      %add3A_1201 = arith.addf %get3A_1195, %get3A_1200 : vector<16xf32>
      %get3A_1202 = arith.constant 2 : i32
      %get3A_1203 = arith.index_cast %get3A_1202 : i32 to index
      %get3A_1204 = arith.index_cast %scan3A_373 : i32 to index
      %get3A_1205 = arith.constant 208 : index
      %get3A_1206 = tpu.vector_load %arg6[%get3A_1203, %get3A_1204, %get3A_1205] {strides = array<i32>} : memref<8x24x256xf32, #tpu.memory_space<vmem>>, vector<16xf32>,
      %add3A_1207 = arith.addf %add3A_1201, %get3A_1206 : vector<16xf32>
      %get3A_1208 = arith.constant 3 : i32
      %get3A_1209 = arith.index_cast %get3A_1208 : i32 to index
      %get3A_1210 = arith.index_cast %scan3A_373 : i32 to index
      %get3A_1211 = arith.constant 208 : index
      %get3A_1212 = tpu.vector_load %arg6[%get3A_1209, %get3A_1210, %get3A_1211] {strides = array<i32>} : memref<8x24x256xf32, #tpu.memory_space<vmem>>, vector<16xf32>,
      %add3A_1213 = arith.addf %add3A_1207, %get3A_1212 : vector<16xf32>
      %get3A_1214 = arith.constant 4 : i32
      %get3A_1215 = arith.index_cast %get3A_1214 : i32 to index
      %get3A_1216 = arith.index_cast %scan3A_373 : i32 to index
      %get3A_1217 = arith.constant 208 : index
      %get3A_1218 = tpu.vector_load %arg6[%get3A_1215, %get3A_1216, %get3A_1217] {strides = array<i32>} : memref<8x24x256xf32, #tpu.memory_space<vmem>>, vector<16xf32>,
      %get3A_1219 = arith.constant 5 : i32
      %get3A_1220 = arith.index_cast %get3A_1219 : i32 to index
      %get3A_1221 = arith.index_cast %scan3A_373 : i32 to index
      %get3A_1222 = arith.constant 208 : index
      %get3A_1223 = tpu.vector_load %arg6[%get3A_1220, %get3A_1221, %get3A_1222] {strides = array<i32>} : memref<8x24x256xf32, #tpu.memory_space<vmem>>, vector<16xf32>,
      %add3A_1224 = arith.addf %get3A_1218, %get3A_1223 : vector<16xf32>
      %get3A_1225 = arith.constant 6 : i32
      %get3A_1226 = arith.index_cast %get3A_1225 : i32 to index
      %get3A_1227 = arith.index_cast %scan3A_373 : i32 to index
      %get3A_1228 = arith.constant 208 : index
      %get3A_1229 = tpu.vector_load %arg6[%get3A_1226, %get3A_1227, %get3A_1228] {strides = array<i32>} : memref<8x24x256xf32, #tpu.memory_space<vmem>>, vector<16xf32>,
      %add3A_1230 = arith.addf %add3A_1224, %get3A_1229 : vector<16xf32>
      %get3A_1231 = arith.constant 7 : i32
      %get3A_1232 = arith.index_cast %get3A_1231 : i32 to index
      %get3A_1233 = arith.index_cast %scan3A_373 : i32 to index
      %get3A_1234 = arith.constant 208 : index
      %get3A_1235 = tpu.vector_load %arg6[%get3A_1232, %get3A_1233, %get3A_1234] {strides = array<i32>} : memref<8x24x256xf32, #tpu.memory_space<vmem>>, vector<16xf32>,
      %add3A_1236 = arith.addf %add3A_1230, %get3A_1235 : vector<16xf32>
      %ne3A_1237 = arith.constant 0.000000e+00 : f32
      %ne3A_1238 = vector.broadcast %ne3A_1237 : f32 to vector<16xf32>
      %ne3A_1239 = arith.cmpf one, %add3A_1213, %ne3A_1238 : vector<16xf32>
      %select_n3A_1240 = arith.select %ne3A_1239, %broadcast_in_dim3A_3, %broadcast_in_dim3A_1 : vector<16xi1>, vector<16xf32>
      %swap3A_1241 = arith.index_cast %scan3A_373 : i32 to index
      %swap3A_1242 = arith.constant 208 : index
      %swap3A_1243 = tpu.vector_load %arg17[%swap3A_1241, %swap3A_1242] {strides = array<i32>} : memref<17x256xf32, #tpu.memory_space<vmem>>, vector<16xf32>,
      tpu.vector_store %arg17[%swap3A_1241, %swap3A_1242], %select_n3A_1240 {strides = array<i32>} : memref<17x256xf32, #tpu.memory_space<vmem>>, vector<16xf32>,
      %ne3A_1244 = arith.constant 0.000000e+00 : f32
      %ne3A_1245 = vector.broadcast %ne3A_1244 : f32 to vector<16xf32>
      %ne3A_1246 = arith.cmpf one, %add3A_1236, %ne3A_1245 : vector<16xf32>
      %select_n3A_1247 = arith.select %ne3A_1246, %broadcast_in_dim3A_3, %broadcast_in_dim3A_1 : vector<16xi1>, vector<16xf32>
      %swap3A_1248 = arith.index_cast %scan3A_373 : i32 to index
      %swap3A_1249 = arith.constant 208 : index
      %swap3A_1250 = tpu.vector_load %arg16[%swap3A_1248, %swap3A_1249] {strides = array<i32>} : memref<17x256xf32, #tpu.memory_space<vmem>>, vector<16xf32>,
      tpu.vector_store %arg16[%swap3A_1248, %swap3A_1249], %select_n3A_1247 {strides = array<i32>} : memref<17x256xf32, #tpu.memory_space<vmem>>, vector<16xf32>,
      %swap3A_1251 = arith.index_cast %scan3A_373 : i32 to index
      %swap3A_1252 = arith.constant 208 : index
      %swap3A_1253 = tpu.vector_load %arg15[%swap3A_1251, %swap3A_1252] {strides = array<i32>} : memref<17x256xf32, #tpu.memory_space<vmem>>, vector<16xf32>,
      tpu.vector_store %arg15[%swap3A_1251, %swap3A_1252], %broadcast_in_dim3A_1 {strides = array<i32>} : memref<17x256xf32, #tpu.memory_space<vmem>>, vector<16xf32>,
      %get3A_1254 = arith.constant 0 : i32
      %get3A_1255 = arith.index_cast %get3A_1254 : i32 to index
      %get3A_1256 = arith.index_cast %scan3A_373 : i32 to index
      %get3A_1257 = arith.constant 224 : index
      %get3A_1258 = tpu.vector_load %arg6[%get3A_1255, %get3A_1256, %get3A_1257] {strides = array<i32>} : memref<8x24x256xf32, #tpu.memory_space<vmem>>, vector<16xf32>,
      %get3A_1259 = arith.constant 1 : i32
      %get3A_1260 = arith.index_cast %get3A_1259 : i32 to index
      %get3A_1261 = arith.index_cast %scan3A_373 : i32 to index
      %get3A_1262 = arith.constant 224 : index
      %get3A_1263 = tpu.vector_load %arg6[%get3A_1260, %get3A_1261, %get3A_1262] {strides = array<i32>} : memref<8x24x256xf32, #tpu.memory_space<vmem>>, vector<16xf32>,
      %add3A_1264 = arith.addf %get3A_1258, %get3A_1263 : vector<16xf32>
      %get3A_1265 = arith.constant 2 : i32
      %get3A_1266 = arith.index_cast %get3A_1265 : i32 to index
      %get3A_1267 = arith.index_cast %scan3A_373 : i32 to index
      %get3A_1268 = arith.constant 224 : index
      %get3A_1269 = tpu.vector_load %arg6[%get3A_1266, %get3A_1267, %get3A_1268] {strides = array<i32>} : memref<8x24x256xf32, #tpu.memory_space<vmem>>, vector<16xf32>,
      %add3A_1270 = arith.addf %add3A_1264, %get3A_1269 : vector<16xf32>
      %get3A_1271 = arith.constant 3 : i32
      %get3A_1272 = arith.index_cast %get3A_1271 : i32 to index
      %get3A_1273 = arith.index_cast %scan3A_373 : i32 to index
      %get3A_1274 = arith.constant 224 : index
      %get3A_1275 = tpu.vector_load %arg6[%get3A_1272, %get3A_1273, %get3A_1274] {strides = array<i32>} : memref<8x24x256xf32, #tpu.memory_space<vmem>>, vector<16xf32>,
      %add3A_1276 = arith.addf %add3A_1270, %get3A_1275 : vector<16xf32>
      %get3A_1277 = arith.constant 4 : i32
      %get3A_1278 = arith.index_cast %get3A_1277 : i32 to index
      %get3A_1279 = arith.index_cast %scan3A_373 : i32 to index
      %get3A_1280 = arith.constant 224 : index
      %get3A_1281 = tpu.vector_load %arg6[%get3A_1278, %get3A_1279, %get3A_1280] {strides = array<i32>} : memref<8x24x256xf32, #tpu.memory_space<vmem>>, vector<16xf32>,
      %get3A_1282 = arith.constant 5 : i32
      %get3A_1283 = arith.index_cast %get3A_1282 : i32 to index
      %get3A_1284 = arith.index_cast %scan3A_373 : i32 to index
      %get3A_1285 = arith.constant 224 : index
      %get3A_1286 = tpu.vector_load %arg6[%get3A_1283, %get3A_1284, %get3A_1285] {strides = array<i32>} : memref<8x24x256xf32, #tpu.memory_space<vmem>>, vector<16xf32>,
      %add3A_1287 = arith.addf %get3A_1281, %get3A_1286 : vector<16xf32>
      %get3A_1288 = arith.constant 6 : i32
      %get3A_1289 = arith.index_cast %get3A_1288 : i32 to index
      %get3A_1290 = arith.index_cast %scan3A_373 : i32 to index
      %get3A_1291 = arith.constant 224 : index
      %get3A_1292 = tpu.vector_load %arg6[%get3A_1289, %get3A_1290, %get3A_1291] {strides = array<i32>} : memref<8x24x256xf32, #tpu.memory_space<vmem>>, vector<16xf32>,
      %add3A_1293 = arith.addf %add3A_1287, %get3A_1292 : vector<16xf32>
      %get3A_1294 = arith.constant 7 : i32
      %get3A_1295 = arith.index_cast %get3A_1294 : i32 to index
      %get3A_1296 = arith.index_cast %scan3A_373 : i32 to index
      %get3A_1297 = arith.constant 224 : index
      %get3A_1298 = tpu.vector_load %arg6[%get3A_1295, %get3A_1296, %get3A_1297] {strides = array<i32>} : memref<8x24x256xf32, #tpu.memory_space<vmem>>, vector<16xf32>,
      %add3A_1299 = arith.addf %add3A_1293, %get3A_1298 : vector<16xf32>
      %ne3A_1300 = arith.constant 0.000000e+00 : f32
      %ne3A_1301 = vector.broadcast %ne3A_1300 : f32 to vector<16xf32>
      %ne3A_1302 = arith.cmpf one, %add3A_1276, %ne3A_1301 : vector<16xf32>
      %select_n3A_1303 = arith.select %ne3A_1302, %broadcast_in_dim3A_3, %broadcast_in_dim3A_1 : vector<16xi1>, vector<16xf32>
      %swap3A_1304 = arith.index_cast %scan3A_373 : i32 to index
      %swap3A_1305 = arith.constant 224 : index
      %swap3A_1306 = tpu.vector_load %arg17[%swap3A_1304, %swap3A_1305] {strides = array<i32>} : memref<17x256xf32, #tpu.memory_space<vmem>>, vector<16xf32>,
      tpu.vector_store %arg17[%swap3A_1304, %swap3A_1305], %select_n3A_1303 {strides = array<i32>} : memref<17x256xf32, #tpu.memory_space<vmem>>, vector<16xf32>,
      %ne3A_1307 = arith.constant 0.000000e+00 : f32
      %ne3A_1308 = vector.broadcast %ne3A_1307 : f32 to vector<16xf32>
      %ne3A_1309 = arith.cmpf one, %add3A_1299, %ne3A_1308 : vector<16xf32>
      %select_n3A_1310 = arith.select %ne3A_1309, %broadcast_in_dim3A_3, %broadcast_in_dim3A_1 : vector<16xi1>, vector<16xf32>
      %swap3A_1311 = arith.index_cast %scan3A_373 : i32 to index
      %swap3A_1312 = arith.constant 224 : index
      %swap3A_1313 = tpu.vector_load %arg16[%swap3A_1311, %swap3A_1312] {strides = array<i32>} : memref<17x256xf32, #tpu.memory_space<vmem>>, vector<16xf32>,
      tpu.vector_store %arg16[%swap3A_1311, %swap3A_1312], %select_n3A_1310 {strides = array<i32>} : memref<17x256xf32, #tpu.memory_space<vmem>>, vector<16xf32>,
      %swap3A_1314 = arith.index_cast %scan3A_373 : i32 to index
      %swap3A_1315 = arith.constant 224 : index
      %swap3A_1316 = tpu.vector_load %arg15[%swap3A_1314, %swap3A_1315] {strides = array<i32>} : memref<17x256xf32, #tpu.memory_space<vmem>>, vector<16xf32>,
      tpu.vector_store %arg15[%swap3A_1314, %swap3A_1315], %broadcast_in_dim3A_1 {strides = array<i32>} : memref<17x256xf32, #tpu.memory_space<vmem>>, vector<16xf32>,
      %get3A_1317 = arith.constant 0 : i32
      %get3A_1318 = arith.index_cast %get3A_1317 : i32 to index
      %get3A_1319 = arith.index_cast %scan3A_373 : i32 to index
      %get3A_1320 = arith.constant 240 : index
      %get3A_1321 = tpu.vector_load %arg6[%get3A_1318, %get3A_1319, %get3A_1320] {strides = array<i32>} : memref<8x24x256xf32, #tpu.memory_space<vmem>>, vector<16xf32>,
      %get3A_1322 = arith.constant 1 : i32
      %get3A_1323 = arith.index_cast %get3A_1322 : i32 to index
      %get3A_1324 = arith.index_cast %scan3A_373 : i32 to index
      %get3A_1325 = arith.constant 240 : index
      %get3A_1326 = tpu.vector_load %arg6[%get3A_1323, %get3A_1324, %get3A_1325] {strides = array<i32>} : memref<8x24x256xf32, #tpu.memory_space<vmem>>, vector<16xf32>,
      %add3A_1327 = arith.addf %get3A_1321, %get3A_1326 : vector<16xf32>
      %get3A_1328 = arith.constant 2 : i32
      %get3A_1329 = arith.index_cast %get3A_1328 : i32 to index
      %get3A_1330 = arith.index_cast %scan3A_373 : i32 to index
      %get3A_1331 = arith.constant 240 : index
      %get3A_1332 = tpu.vector_load %arg6[%get3A_1329, %get3A_1330, %get3A_1331] {strides = array<i32>} : memref<8x24x256xf32, #tpu.memory_space<vmem>>, vector<16xf32>,
      %add3A_1333 = arith.addf %add3A_1327, %get3A_1332 : vector<16xf32>
      %get3A_1334 = arith.constant 3 : i32
      %get3A_1335 = arith.index_cast %get3A_1334 : i32 to index
      %get3A_1336 = arith.index_cast %scan3A_373 : i32 to index
      %get3A_1337 = arith.constant 240 : index
      %get3A_1338 = tpu.vector_load %arg6[%get3A_1335, %get3A_1336, %get3A_1337] {strides = array<i32>} : memref<8x24x256xf32, #tpu.memory_space<vmem>>, vector<16xf32>,
      %add3A_1339 = arith.addf %add3A_1333, %get3A_1338 : vector<16xf32>
      %get3A_1340 = arith.constant 4 : i32
      %get3A_1341 = arith.index_cast %get3A_1340 : i32 to index
      %get3A_1342 = arith.index_cast %scan3A_373 : i32 to index
      %get3A_1343 = arith.constant 240 : index
      %get3A_1344 = tpu.vector_load %arg6[%get3A_1341, %get3A_1342, %get3A_1343] {strides = array<i32>} : memref<8x24x256xf32, #tpu.memory_space<vmem>>, vector<16xf32>,
      %get3A_1345 = arith.constant 5 : i32
      %get3A_1346 = arith.index_cast %get3A_1345 : i32 to index
      %get3A_1347 = arith.index_cast %scan3A_373 : i32 to index
      %get3A_1348 = arith.constant 240 : index
      %get3A_1349 = tpu.vector_load %arg6[%get3A_1346, %get3A_1347, %get3A_1348] {strides = array<i32>} : memref<8x24x256xf32, #tpu.memory_space<vmem>>, vector<16xf32>,
      %add3A_1350 = arith.addf %get3A_1344, %get3A_1349 : vector<16xf32>
      %get3A_1351 = arith.constant 6 : i32
      %get3A_1352 = arith.index_cast %get3A_1351 : i32 to index
      %get3A_1353 = arith.index_cast %scan3A_373 : i32 to index
      %get3A_1354 = arith.constant 240 : index
      %get3A_1355 = tpu.vector_load %arg6[%get3A_1352, %get3A_1353, %get3A_1354] {strides = array<i32>} : memref<8x24x256xf32, #tpu.memory_space<vmem>>, vector<16xf32>,
      %add3A_1356 = arith.addf %add3A_1350, %get3A_1355 : vector<16xf32>
      %get3A_1357 = arith.constant 7 : i32
      %get3A_1358 = arith.index_cast %get3A_1357 : i32 to index
      %get3A_1359 = arith.index_cast %scan3A_373 : i32 to index
      %get3A_1360 = arith.constant 240 : index
      %get3A_1361 = tpu.vector_load %arg6[%get3A_1358, %get3A_1359, %get3A_1360] {strides = array<i32>} : memref<8x24x256xf32, #tpu.memory_space<vmem>>, vector<16xf32>,
      %add3A_1362 = arith.addf %add3A_1356, %get3A_1361 : vector<16xf32>
      %ne3A_1363 = arith.constant 0.000000e+00 : f32
      %ne3A_1364 = vector.broadcast %ne3A_1363 : f32 to vector<16xf32>
      %ne3A_1365 = arith.cmpf one, %add3A_1339, %ne3A_1364 : vector<16xf32>
      %select_n3A_1366 = arith.select %ne3A_1365, %broadcast_in_dim3A_3, %broadcast_in_dim3A_1 : vector<16xi1>, vector<16xf32>
      %swap3A_1367 = arith.index_cast %scan3A_373 : i32 to index
      %swap3A_1368 = arith.constant 240 : index
      %swap3A_1369 = tpu.vector_load %arg17[%swap3A_1367, %swap3A_1368] {strides = array<i32>} : memref<17x256xf32, #tpu.memory_space<vmem>>, vector<16xf32>,
      tpu.vector_store %arg17[%swap3A_1367, %swap3A_1368], %select_n3A_1366 {strides = array<i32>} : memref<17x256xf32, #tpu.memory_space<vmem>>, vector<16xf32>,
      %ne3A_1370 = arith.constant 0.000000e+00 : f32
      %ne3A_1371 = vector.broadcast %ne3A_1370 : f32 to vector<16xf32>
      %ne3A_1372 = arith.cmpf one, %add3A_1362, %ne3A_1371 : vector<16xf32>
      %select_n3A_1373 = arith.select %ne3A_1372, %broadcast_in_dim3A_3, %broadcast_in_dim3A_1 : vector<16xi1>, vector<16xf32>
      %swap3A_1374 = arith.index_cast %scan3A_373 : i32 to index
      %swap3A_1375 = arith.constant 240 : index
      %swap3A_1376 = tpu.vector_load %arg16[%swap3A_1374, %swap3A_1375] {strides = array<i32>} : memref<17x256xf32, #tpu.memory_space<vmem>>, vector<16xf32>,
      tpu.vector_store %arg16[%swap3A_1374, %swap3A_1375], %select_n3A_1373 {strides = array<i32>} : memref<17x256xf32, #tpu.memory_space<vmem>>, vector<16xf32>,
      %swap3A_1377 = arith.index_cast %scan3A_373 : i32 to index
      %swap3A_1378 = arith.constant 240 : index
      %swap3A_1379 = tpu.vector_load %arg15[%swap3A_1377, %swap3A_1378] {strides = array<i32>} : memref<17x256xf32, #tpu.memory_space<vmem>>, vector<16xf32>,
      tpu.vector_store %arg15[%swap3A_1377, %swap3A_1378], %broadcast_in_dim3A_1 {strides = array<i32>} : memref<17x256xf32, #tpu.memory_space<vmem>>, vector<16xf32>,
      %scan3A_1380 = arith.constant 0 : i32
      scf.yield %scan3A_1380 : i32
    }
    %scan3A_332 = arith.constant 17 : i32
    %scan3A_333 = arith.constant 0 : i32
    %scan3A_334 = arith.constant 0 : i32
    %scan3A_335 = arith.constant 50 : i32
    %scan3A_336 = arith.addi %scan3A_334, %scan3A_335 : i32
    %scan3A_337 = arith.constant 1 : i32
    %scan3A_338 = scf.for %scan3A_373 = %scan3A_334 to %scan3A_336 step %scan3A_337 iter_args(%scan3A_374 = %scan3A_333) -> (i32)  : i32 {
      %mul3A_375 = arith.constant 96 : i32
      %mul3A_376 = arith.muli %scan3A_373, %mul3A_375 : i32
      %get3A = arith.index_cast %mul3A_376 : i32 to index
      %get3A_377 = tpu.vector_load %arg7[%get3A] {strides = array<i32>} : memref<4800xf32, #tpu.memory_space<vmem>>, vector<16xf32>,
      %add3A_378 = arith.constant 16 : i32
      %add3A_379 = arith.addi %mul3A_376, %add3A_378 : i32
      %get3A_380 = arith.index_cast %add3A_379 : i32 to index
      %get3A_381 = tpu.vector_load %arg7[%get3A_380] {strides = array<i32>} : memref<4800xf32, #tpu.memory_space<vmem>>, vector<16xf32>,
      %add3A_382 = arith.constant 32 : i32
      %add3A_383 = arith.addi %mul3A_376, %add3A_382 : i32
      %get3A_384 = arith.index_cast %add3A_383 : i32 to index
      %get3A_385 = tpu.vector_load %arg7[%get3A_384] {strides = array<i32>} : memref<4800xf32, #tpu.memory_space<vmem>>, vector<16xf32>,
      %add3A_386 = arith.constant 48 : i32
      %add3A_387 = arith.addi %mul3A_376, %add3A_386 : i32
      %get3A_388 = arith.index_cast %add3A_387 : i32 to index
      %get3A_389 = tpu.vector_load %arg7[%get3A_388] {strides = array<i32>} : memref<4800xf32, #tpu.memory_space<vmem>>, vector<16xf32>,
      %add3A_390 = arith.constant 64 : i32
      %add3A_391 = arith.addi %mul3A_376, %add3A_390 : i32
      %get3A_392 = arith.index_cast %add3A_391 : i32 to index
      %get3A_393 = tpu.vector_load %arg7[%get3A_392] {strides = array<i32>} : memref<4800xf32, #tpu.memory_space<vmem>>, vector<16xf32>,
      %add3A_394 = arith.constant 80 : i32
      %add3A_395 = arith.addi %mul3A_376, %add3A_394 : i32
      %get3A_396 = arith.index_cast %add3A_395 : i32 to index
      %get3A_397 = tpu.vector_load %arg7[%get3A_396] {strides = array<i32>} : memref<4800xf32, #tpu.memory_space<vmem>>, vector<16xf32>,
      %mul3A_398 = arith.constant 16 : i32
      %mul3A_399 = arith.muli %scan3A_373, %mul3A_398 : i32
      %get3A_400 = arith.index_cast %mul3A_399 : i32 to index
      %get3A_401 = tpu.vector_load %arg8[%get3A_400] {strides = array<i32>} : memref<800xf32, #tpu.memory_space<vmem>>, vector<16xf32>,
      %bitcast3A = vector.bitcast %get3A_401 : vector<16xf32> to vector<16xi32>
      %slice3A = vector.extract_strided_slice %bitcast3A {offsets = [0], sizes = [1], strides = [1]} : vector<16xi32> to vector<1xi32>
      %squeeze3A = vector.extract %slice3A[0] : i32 from vector<1xi32>
      %sub3A = arith.subi %squeeze3A, %mul3A_0 : i32
      %max3A = arith.constant 0 : i32
      %max3A_402 = arith.maxsi %sub3A, %max3A : i32
      %slice3A_403 = vector.extract_strided_slice %bitcast3A {offsets = [1], sizes = [1], strides = [1]} : vector<16xi32> to vector<1xi32>
      %squeeze3A_404 = vector.extract %slice3A_403[0] : i32 from vector<1xi32>
      %sub3A_405 = arith.subi %squeeze3A_404, %mul3A_0 : i32
      %min3A = arith.constant 17 : i32
      %min3A_406 = arith.minsi %sub3A_405, %min3A : i32
      %slice3A_407 = vector.extract_strided_slice %bitcast3A {offsets = [2], sizes = [1], strides = [1]} : vector<16xi32> to vector<1xi32>
      %squeeze3A_408 = vector.extract %slice3A_407[0] : i32 from vector<1xi32>
      %slice3A_409 = vector.extract_strided_slice %bitcast3A {offsets = [3], sizes = [1], strides = [1]} : vector<16xi32> to vector<1xi32>
      %squeeze3A_410 = vector.extract %slice3A_409[0] : i32 from vector<1xi32>
      %while3A = arith.constant 0 : i32
      %while3A_411 = arith.subi %min3A_406, %max3A_402 : i32
      %while3A_412 = arith.addi %max3A_402, %while3A_411 : i32
      %while3A_413 = arith.constant 1 : i32
      %while3A_414 = arith.divsi %while3A_411, %while3A_413 : i32
      %while3A_415 = arith.muli %while3A_414, %while3A_413 : i32
      %while3A_416 = arith.addi %max3A_402, %while3A_415 : i32
      %while3A_417 = arith.constant 1 : i32
      %while3A_418 = scf.for %while3A_422 = %max3A_402 to %while3A_416 step %while3A_417 iter_args(%while3A_423 = %while3A) -> (i32)  : i32 {
        %mul3A_424 = arith.constant 16 : i32
        %mul3A_425 = arith.muli %while3A_422, %mul3A_424 : i32
        %get3A_426 = arith.index_cast %mul3A_425 : i32 to index
        %get3A_427 = tpu.vector_load %arg9[%get3A_426] {strides = array<i32>} : memref<272xf32, #tpu.memory_space<vmem>>, vector<16xf32>,
        %sub3A_428 = arith.subf %get3A_427, %get3A_377 : vector<16xf32>
        %mul3A_429 = arith.mulf %sub3A_428, %get3A_385 : vector<16xf32>
        %mul3A_430 = arith.mulf %sub3A_428, %get3A_389 : vector<16xf32>
        %while3A_431 = arith.constant 0 : i32
        %while3A_432 = arith.subi %squeeze3A_410, %squeeze3A_408 : i32
        %while3A_433 = arith.addi %squeeze3A_408, %while3A_432 : i32
        %while3A_434 = arith.constant 1 : i32
        %while3A_435 = arith.divsi %while3A_432, %while3A_434 : i32
        %while3A_436 = arith.muli %while3A_435, %while3A_434 : i32
        %while3A_437 = arith.addi %squeeze3A_408, %while3A_436 : i32
        %while3A_438 = arith.constant 1 : i32
        %while3A_439 = scf.for %while3A_443 = %squeeze3A_408 to %while3A_437 step %while3A_438 iter_args(%while3A_444 = %while3A_431) -> (i32)  : i32 {
          %mul3A_445 = arith.constant 16 : i32
          %mul3A_446 = arith.muli %while3A_443, %mul3A_445 : i32
          %get3A_447 = arith.index_cast %mul3A_446 : i32 to index
          %get3A_448 = tpu.vector_load %arg12[%get3A_447] {strides = array<i32>} : memref<256xf32, #tpu.memory_space<vmem>>, vector<16xf32>,
          %sub3A_449 = arith.subf %get3A_448, %get3A_381 : vector<16xf32>
          %mul3A_450 = arith.mulf %sub3A_449, %get3A_389 : vector<16xf32>
          %sub3A_451 = arith.subf %mul3A_429, %mul3A_450 : vector<16xf32>
          %mul3A_452 = arith.mulf %sub3A_449, %get3A_385 : vector<16xf32>
          %add3A_453 = arith.addf %mul3A_430, %mul3A_452 : vector<16xf32>
          %abs3A = math.absf %sub3A_451 : vector<16xf32>
          %lt3A_454 = arith.cmpf olt, %abs3A, %get3A_393 : vector<16xf32>
          %abs3A_455 = math.absf %add3A_453 : vector<16xf32>
          %lt3A_456 = arith.cmpf olt, %abs3A_455, %get3A_397 : vector<16xf32>
          %and3A = arith.andi %lt3A_454, %lt3A_456 : vector<16xi1>
          %get3A_457 = arith.index_cast %while3A_422 : i32 to index
          %get3A_458 = arith.index_cast %mul3A_446 : i32 to index
          %get3A_459 = tpu.vector_load %arg15[%get3A_457, %get3A_458] {strides = array<i32>} : memref<17x256xf32, #tpu.memory_space<vmem>>, vector<16xf32>,
          %select_n3A = arith.select %and3A, %broadcast_in_dim3A_3, %broadcast_in_dim3A_1 : vector<16xi1>, vector<16xf32>
          %max3A_460 = arith.maximumf %get3A_459, %select_n3A : vector<16xf32>
          %swap3A_461 = arith.index_cast %while3A_422 : i32 to index
          %swap3A_462 = arith.index_cast %mul3A_446 : i32 to index
          %swap3A_463 = tpu.vector_load %arg15[%swap3A_461, %swap3A_462] {strides = array<i32>} : memref<17x256xf32, #tpu.memory_space<vmem>>, vector<16xf32>,
          tpu.vector_store %arg15[%swap3A_461, %swap3A_462], %max3A_460 {strides = array<i32>} : memref<17x256xf32, #tpu.memory_space<vmem>>, vector<16xf32>,
          %while3A_464 = arith.constant 0 : i32
          scf.yield %while3A_464 : i32
        }
        %while3A_440 = arith.constant 1 : i32
        %while3A_441 = scf.for %while3A_443 = %while3A_437 to %while3A_433 step %while3A_440 iter_args(%while3A_444 = %while3A_439) -> (i32)  : i32 {
          %mul3A_445 = arith.constant 16 : i32
          %mul3A_446 = arith.muli %while3A_443, %mul3A_445 : i32
          %get3A_447 = arith.index_cast %mul3A_446 : i32 to index
          %get3A_448 = tpu.vector_load %arg12[%get3A_447] {strides = array<i32>} : memref<256xf32, #tpu.memory_space<vmem>>, vector<16xf32>,
          %sub3A_449 = arith.subf %get3A_448, %get3A_381 : vector<16xf32>
          %mul3A_450 = arith.mulf %sub3A_449, %get3A_389 : vector<16xf32>
          %sub3A_451 = arith.subf %mul3A_429, %mul3A_450 : vector<16xf32>
          %mul3A_452 = arith.mulf %sub3A_449, %get3A_385 : vector<16xf32>
          %add3A_453 = arith.addf %mul3A_430, %mul3A_452 : vector<16xf32>
          %abs3A = math.absf %sub3A_451 : vector<16xf32>
          %lt3A_454 = arith.cmpf olt, %abs3A, %get3A_393 : vector<16xf32>
          %abs3A_455 = math.absf %add3A_453 : vector<16xf32>
          %lt3A_456 = arith.cmpf olt, %abs3A_455, %get3A_397 : vector<16xf32>
          %and3A = arith.andi %lt3A_454, %lt3A_456 : vector<16xi1>
          %get3A_457 = arith.index_cast %while3A_422 : i32 to index
          %get3A_458 = arith.index_cast %mul3A_446 : i32 to index
          %get3A_459 = tpu.vector_load %arg15[%get3A_457, %get3A_458] {strides = array<i32>} : memref<17x256xf32, #tpu.memory_space<vmem>>, vector<16xf32>,
          %select_n3A = arith.select %and3A, %broadcast_in_dim3A_3, %broadcast_in_dim3A_1 : vector<16xi1>, vector<16xf32>
          %max3A_460 = arith.maximumf %get3A_459, %select_n3A : vector<16xf32>
          %swap3A_461 = arith.index_cast %while3A_422 : i32 to index
          %swap3A_462 = arith.index_cast %mul3A_446 : i32 to index
          %swap3A_463 = tpu.vector_load %arg15[%swap3A_461, %swap3A_462] {strides = array<i32>} : memref<17x256xf32, #tpu.memory_space<vmem>>, vector<16xf32>,
          tpu.vector_store %arg15[%swap3A_461, %swap3A_462], %max3A_460 {strides = array<i32>} : memref<17x256xf32, #tpu.memory_space<vmem>>, vector<16xf32>,
          %while3A_464 = arith.constant 0 : i32
          scf.yield %while3A_464 : i32
        }
        %while3A_442 = arith.constant 0 : i32
        scf.yield %while3A_442 : i32
      }
      %while3A_419 = arith.constant 1 : i32
      %while3A_420 = scf.for %while3A_422 = %while3A_416 to %while3A_412 step %while3A_419 iter_args(%while3A_423 = %while3A_418) -> (i32)  : i32 {
        %mul3A_424 = arith.constant 16 : i32
        %mul3A_425 = arith.muli %while3A_422, %mul3A_424 : i32
        %get3A_426 = arith.index_cast %mul3A_425 : i32 to index
        %get3A_427 = tpu.vector_load %arg9[%get3A_426] {strides = array<i32>} : memref<272xf32, #tpu.memory_space<vmem>>, vector<16xf32>,
        %sub3A_428 = arith.subf %get3A_427, %get3A_377 : vector<16xf32>
        %mul3A_429 = arith.mulf %sub3A_428, %get3A_385 : vector<16xf32>
        %mul3A_430 = arith.mulf %sub3A_428, %get3A_389 : vector<16xf32>
        %while3A_431 = arith.constant 0 : i32
        %while3A_432 = arith.subi %squeeze3A_410, %squeeze3A_408 : i32
        %while3A_433 = arith.addi %squeeze3A_408, %while3A_432 : i32
        %while3A_434 = arith.constant 1 : i32
        %while3A_435 = arith.divsi %while3A_432, %while3A_434 : i32
        %while3A_436 = arith.muli %while3A_435, %while3A_434 : i32
        %while3A_437 = arith.addi %squeeze3A_408, %while3A_436 : i32
        %while3A_438 = arith.constant 1 : i32
        %while3A_439 = scf.for %while3A_443 = %squeeze3A_408 to %while3A_437 step %while3A_438 iter_args(%while3A_444 = %while3A_431) -> (i32)  : i32 {
          %mul3A_445 = arith.constant 16 : i32
          %mul3A_446 = arith.muli %while3A_443, %mul3A_445 : i32
          %get3A_447 = arith.index_cast %mul3A_446 : i32 to index
          %get3A_448 = tpu.vector_load %arg12[%get3A_447] {strides = array<i32>} : memref<256xf32, #tpu.memory_space<vmem>>, vector<16xf32>,
          %sub3A_449 = arith.subf %get3A_448, %get3A_381 : vector<16xf32>
          %mul3A_450 = arith.mulf %sub3A_449, %get3A_389 : vector<16xf32>
          %sub3A_451 = arith.subf %mul3A_429, %mul3A_450 : vector<16xf32>
          %mul3A_452 = arith.mulf %sub3A_449, %get3A_385 : vector<16xf32>
          %add3A_453 = arith.addf %mul3A_430, %mul3A_452 : vector<16xf32>
          %abs3A = math.absf %sub3A_451 : vector<16xf32>
          %lt3A_454 = arith.cmpf olt, %abs3A, %get3A_393 : vector<16xf32>
          %abs3A_455 = math.absf %add3A_453 : vector<16xf32>
          %lt3A_456 = arith.cmpf olt, %abs3A_455, %get3A_397 : vector<16xf32>
          %and3A = arith.andi %lt3A_454, %lt3A_456 : vector<16xi1>
          %get3A_457 = arith.index_cast %while3A_422 : i32 to index
          %get3A_458 = arith.index_cast %mul3A_446 : i32 to index
          %get3A_459 = tpu.vector_load %arg15[%get3A_457, %get3A_458] {strides = array<i32>} : memref<17x256xf32, #tpu.memory_space<vmem>>, vector<16xf32>,
          %select_n3A = arith.select %and3A, %broadcast_in_dim3A_3, %broadcast_in_dim3A_1 : vector<16xi1>, vector<16xf32>
          %max3A_460 = arith.maximumf %get3A_459, %select_n3A : vector<16xf32>
          %swap3A_461 = arith.index_cast %while3A_422 : i32 to index
          %swap3A_462 = arith.index_cast %mul3A_446 : i32 to index
          %swap3A_463 = tpu.vector_load %arg15[%swap3A_461, %swap3A_462] {strides = array<i32>} : memref<17x256xf32, #tpu.memory_space<vmem>>, vector<16xf32>,
          tpu.vector_store %arg15[%swap3A_461, %swap3A_462], %max3A_460 {strides = array<i32>} : memref<17x256xf32, #tpu.memory_space<vmem>>, vector<16xf32>,
          %while3A_464 = arith.constant 0 : i32
          scf.yield %while3A_464 : i32
        }
        %while3A_440 = arith.constant 1 : i32
        %while3A_441 = scf.for %while3A_443 = %while3A_437 to %while3A_433 step %while3A_440 iter_args(%while3A_444 = %while3A_439) -> (i32)  : i32 {
          %mul3A_445 = arith.constant 16 : i32
          %mul3A_446 = arith.muli %while3A_443, %mul3A_445 : i32
          %get3A_447 = arith.index_cast %mul3A_446 : i32 to index
          %get3A_448 = tpu.vector_load %arg12[%get3A_447] {strides = array<i32>} : memref<256xf32, #tpu.memory_space<vmem>>, vector<16xf32>,
          %sub3A_449 = arith.subf %get3A_448, %get3A_381 : vector<16xf32>
          %mul3A_450 = arith.mulf %sub3A_449, %get3A_389 : vector<16xf32>
          %sub3A_451 = arith.subf %mul3A_429, %mul3A_450 : vector<16xf32>
          %mul3A_452 = arith.mulf %sub3A_449, %get3A_385 : vector<16xf32>
          %add3A_453 = arith.addf %mul3A_430, %mul3A_452 : vector<16xf32>
          %abs3A = math.absf %sub3A_451 : vector<16xf32>
          %lt3A_454 = arith.cmpf olt, %abs3A, %get3A_393 : vector<16xf32>
          %abs3A_455 = math.absf %add3A_453 : vector<16xf32>
          %lt3A_456 = arith.cmpf olt, %abs3A_455, %get3A_397 : vector<16xf32>
          %and3A = arith.andi %lt3A_454, %lt3A_456 : vector<16xi1>
          %get3A_457 = arith.index_cast %while3A_422 : i32 to index
          %get3A_458 = arith.index_cast %mul3A_446 : i32 to index
          %get3A_459 = tpu.vector_load %arg15[%get3A_457, %get3A_458] {strides = array<i32>} : memref<17x256xf32, #tpu.memory_space<vmem>>, vector<16xf32>,
          %select_n3A = arith.select %and3A, %broadcast_in_dim3A_3, %broadcast_in_dim3A_1 : vector<16xi1>, vector<16xf32>
          %max3A_460 = arith.maximumf %get3A_459, %select_n3A : vector<16xf32>
          %swap3A_461 = arith.index_cast %while3A_422 : i32 to index
          %swap3A_462 = arith.index_cast %mul3A_446 : i32 to index
          %swap3A_463 = tpu.vector_load %arg15[%swap3A_461, %swap3A_462] {strides = array<i32>} : memref<17x256xf32, #tpu.memory_space<vmem>>, vector<16xf32>,
          tpu.vector_store %arg15[%swap3A_461, %swap3A_462], %max3A_460 {strides = array<i32>} : memref<17x256xf32, #tpu.memory_space<vmem>>, vector<16xf32>,
          %while3A_464 = arith.constant 0 : i32
          scf.yield %while3A_464 : i32
        }
        %while3A_442 = arith.constant 0 : i32
        scf.yield %while3A_442 : i32
      }
      %scan3A_421 = arith.constant 0 : i32
      scf.yield %scan3A_421 : i32
    }
    %scan3A_339 = arith.constant 50 : i32
    %swap3A = arith.constant 256 : index
    %swap3A_340 = tpu.vector_load %arg18[%swap3A] {strides = array<i32>} : memref<272xf32, #tpu.memory_space<vmem>>, vector<16xf32>,
    tpu.vector_store %arg18[%swap3A], %broadcast_in_dim3A_1 {strides = array<i32>} : memref<272xf32, #tpu.memory_space<vmem>>, vector<16xf32>,
    %swap3A_341 = arith.constant 256 : index
    %swap3A_342 = tpu.vector_load %arg19[%swap3A_341] {strides = array<i32>} : memref<272xf32, #tpu.memory_space<vmem>>, vector<16xf32>,
    tpu.vector_store %arg19[%swap3A_341], %broadcast_in_dim3A_1 {strides = array<i32>} : memref<272xf32, #tpu.memory_space<vmem>>, vector<16xf32>,
    %broadcast_in_dim3A_343 = arith.constant 0 : i32
    %broadcast_in_dim3A_344 = vector.broadcast %broadcast_in_dim3A_343 : i32 to vector<16xi32>
    %scan3A_345 = arith.constant 0 : i32
    %scan3A_346 = arith.constant 16 : i32
    %scan3A_347 = arith.addi %scan3A_345, %scan3A_346 : i32
    %scan3A_348 = arith.constant 1 : i32
    %scan3A_349:2 = scf.for %scan3A_373 = %scan3A_345 to %scan3A_347 step %scan3A_348 iter_args(%scan3A_374 = %broadcast_in_dim3A_344, %scan3A_375 = %broadcast_in_dim3A_344) -> (vector<16xi32>, vector<16xi32>)  : i32 {
      %mul3A_376 = arith.constant 16 : i32
      %mul3A_377 = arith.muli %scan3A_373, %mul3A_376 : i32
      %get3A = arith.index_cast %mul3A_377 : i32 to index
      %get3A_378 = tpu.vector_load %arg10[%get3A] {strides = array<i32>} : memref<272xf32, #tpu.memory_space<vmem>>, vector<16xf32>,
      %mul3A_379 = arith.constant 16 : i32
      %mul3A_380 = arith.muli %scan3A_373, %mul3A_379 : i32
      %add3A_381 = arith.constant 16 : i32
      %add3A_382 = arith.addi %mul3A_380, %add3A_381 : i32
      %get3A_383 = arith.index_cast %add3A_382 : i32 to index
      %get3A_384 = tpu.vector_load %arg11[%get3A_383] {strides = array<i32>} : memref<272xf32, #tpu.memory_space<vmem>>, vector<16xf32>,
      %get3A_385 = arith.index_cast %scan3A_373 : i32 to index
      %get3A_386 = arith.constant 0 : index
      %get3A_387 = tpu.vector_load %arg15[%get3A_385, %get3A_386] {strides = array<i32>} : memref<17x256xf32, #tpu.memory_space<vmem>>, vector<16xf32>,
      %mul3A_388 = arith.mulf %get3A_387, %get3A_378 : vector<16xf32>
      %add3A_389 = arith.constant 1 : i32
      %add3A_390 = arith.addi %scan3A_373, %add3A_389 : i32
      %get3A_391 = arith.index_cast %add3A_390 : i32 to index
      %get3A_392 = arith.constant 0 : index
      %get3A_393 = tpu.vector_load %arg15[%get3A_391, %get3A_392] {strides = array<i32>} : memref<17x256xf32, #tpu.memory_space<vmem>>, vector<16xf32>,
      %mul3A_394 = arith.mulf %get3A_393, %get3A_384 : vector<16xf32>
      %get3A_395 = arith.index_cast %scan3A_373 : i32 to index
      %get3A_396 = arith.constant 0 : index
      %get3A_397 = tpu.vector_load %arg16[%get3A_395, %get3A_396] {strides = array<i32>} : memref<17x256xf32, #tpu.memory_space<vmem>>, vector<16xf32>,
      %mul3A_398 = arith.mulf %mul3A_388, %get3A_397 : vector<16xf32>
      %add3A_399 = arith.constant 1 : i32
      %add3A_400 = arith.addi %scan3A_373, %add3A_399 : i32
      %get3A_401 = arith.index_cast %add3A_400 : i32 to index
      %get3A_402 = arith.constant 0 : index
      %get3A_403 = tpu.vector_load %arg16[%get3A_401, %get3A_402] {strides = array<i32>} : memref<17x256xf32, #tpu.memory_space<vmem>>, vector<16xf32>,
      %mul3A_404 = arith.mulf %mul3A_394, %get3A_403 : vector<16xf32>
      %max3A = arith.maximumf %mul3A_398, %mul3A_404 : vector<16xf32>
      %swap3A_405 = arith.constant 0 : index
      %swap3A_406 = tpu.vector_load %arg18[%swap3A_405] {strides = array<i32>} : memref<272xf32, #tpu.memory_space<vmem>>, vector<16xf32>,
      tpu.vector_store %arg18[%swap3A_405], %max3A {strides = array<i32>} : memref<272xf32, #tpu.memory_space<vmem>>, vector<16xf32>,
      %get3A_407 = arith.index_cast %scan3A_373 : i32 to index
      %get3A_408 = arith.constant 0 : index
      %get3A_409 = tpu.vector_load %arg17[%get3A_407, %get3A_408] {strides = array<i32>} : memref<17x256xf32, #tpu.memory_space<vmem>>, vector<16xf32>,
      %mul3A_410 = arith.mulf %mul3A_388, %get3A_409 : vector<16xf32>
      %add3A_411 = arith.constant 1 : i32
      %add3A_412 = arith.addi %scan3A_373, %add3A_411 : i32
      %get3A_413 = arith.index_cast %add3A_412 : i32 to index
      %get3A_414 = arith.constant 0 : index
      %get3A_415 = tpu.vector_load %arg17[%get3A_413, %get3A_414] {strides = array<i32>} : memref<17x256xf32, #tpu.memory_space<vmem>>, vector<16xf32>,
      %mul3A_416 = arith.mulf %mul3A_394, %get3A_415 : vector<16xf32>
      %max3A_417 = arith.maximumf %mul3A_410, %mul3A_416 : vector<16xf32>
      %swap3A_418 = arith.constant 0 : index
      %swap3A_419 = tpu.vector_load %arg19[%swap3A_418] {strides = array<i32>} : memref<272xf32, #tpu.memory_space<vmem>>, vector<16xf32>,
      tpu.vector_store %arg19[%swap3A_418], %max3A_417 {strides = array<i32>} : memref<272xf32, #tpu.memory_space<vmem>>, vector<16xf32>,
      %get3A_420 = arith.index_cast %scan3A_373 : i32 to index
      %get3A_421 = arith.constant 16 : index
      %get3A_422 = tpu.vector_load %arg15[%get3A_420, %get3A_421] {strides = array<i32>} : memref<17x256xf32, #tpu.memory_space<vmem>>, vector<16xf32>,
      %mul3A_423 = arith.mulf %get3A_422, %get3A_378 : vector<16xf32>
      %add3A_424 = arith.constant 1 : i32
      %add3A_425 = arith.addi %scan3A_373, %add3A_424 : i32
      %get3A_426 = arith.index_cast %add3A_425 : i32 to index
      %get3A_427 = arith.constant 16 : index
      %get3A_428 = tpu.vector_load %arg15[%get3A_426, %get3A_427] {strides = array<i32>} : memref<17x256xf32, #tpu.memory_space<vmem>>, vector<16xf32>,
      %mul3A_429 = arith.mulf %get3A_428, %get3A_384 : vector<16xf32>
      %get3A_430 = arith.index_cast %scan3A_373 : i32 to index
      %get3A_431 = arith.constant 16 : index
      %get3A_432 = tpu.vector_load %arg16[%get3A_430, %get3A_431] {strides = array<i32>} : memref<17x256xf32, #tpu.memory_space<vmem>>, vector<16xf32>,
      %mul3A_433 = arith.mulf %mul3A_423, %get3A_432 : vector<16xf32>
      %add3A_434 = arith.constant 1 : i32
      %add3A_435 = arith.addi %scan3A_373, %add3A_434 : i32
      %get3A_436 = arith.index_cast %add3A_435 : i32 to index
      %get3A_437 = arith.constant 16 : index
      %get3A_438 = tpu.vector_load %arg16[%get3A_436, %get3A_437] {strides = array<i32>} : memref<17x256xf32, #tpu.memory_space<vmem>>, vector<16xf32>,
      %mul3A_439 = arith.mulf %mul3A_429, %get3A_438 : vector<16xf32>
      %max3A_440 = arith.maximumf %mul3A_433, %mul3A_439 : vector<16xf32>
      %swap3A_441 = arith.constant 16 : index
      %swap3A_442 = tpu.vector_load %arg18[%swap3A_441] {strides = array<i32>} : memref<272xf32, #tpu.memory_space<vmem>>, vector<16xf32>,
      tpu.vector_store %arg18[%swap3A_441], %max3A_440 {strides = array<i32>} : memref<272xf32, #tpu.memory_space<vmem>>, vector<16xf32>,
      %get3A_443 = arith.index_cast %scan3A_373 : i32 to index
      %get3A_444 = arith.constant 16 : index
      %get3A_445 = tpu.vector_load %arg17[%get3A_443, %get3A_444] {strides = array<i32>} : memref<17x256xf32, #tpu.memory_space<vmem>>, vector<16xf32>,
      %mul3A_446 = arith.mulf %mul3A_423, %get3A_445 : vector<16xf32>
      %add3A_447 = arith.constant 1 : i32
      %add3A_448 = arith.addi %scan3A_373, %add3A_447 : i32
      %get3A_449 = arith.index_cast %add3A_448 : i32 to index
      %get3A_450 = arith.constant 16 : index
      %get3A_451 = tpu.vector_load %arg17[%get3A_449, %get3A_450] {strides = array<i32>} : memref<17x256xf32, #tpu.memory_space<vmem>>, vector<16xf32>,
      %mul3A_452 = arith.mulf %mul3A_429, %get3A_451 : vector<16xf32>
      %max3A_453 = arith.maximumf %mul3A_446, %mul3A_452 : vector<16xf32>
      %swap3A_454 = arith.constant 16 : index
      %swap3A_455 = tpu.vector_load %arg19[%swap3A_454] {strides = array<i32>} : memref<272xf32, #tpu.memory_space<vmem>>, vector<16xf32>,
      tpu.vector_store %arg19[%swap3A_454], %max3A_453 {strides = array<i32>} : memref<272xf32, #tpu.memory_space<vmem>>, vector<16xf32>,
      %get3A_456 = arith.index_cast %scan3A_373 : i32 to index
      %get3A_457 = arith.constant 32 : index
      %get3A_458 = tpu.vector_load %arg15[%get3A_456, %get3A_457] {strides = array<i32>} : memref<17x256xf32, #tpu.memory_space<vmem>>, vector<16xf32>,
      %mul3A_459 = arith.mulf %get3A_458, %get3A_378 : vector<16xf32>
      %add3A_460 = arith.constant 1 : i32
      %add3A_461 = arith.addi %scan3A_373, %add3A_460 : i32
      %get3A_462 = arith.index_cast %add3A_461 : i32 to index
      %get3A_463 = arith.constant 32 : index
      %get3A_464 = tpu.vector_load %arg15[%get3A_462, %get3A_463] {strides = array<i32>} : memref<17x256xf32, #tpu.memory_space<vmem>>, vector<16xf32>,
      %mul3A_465 = arith.mulf %get3A_464, %get3A_384 : vector<16xf32>
      %get3A_466 = arith.index_cast %scan3A_373 : i32 to index
      %get3A_467 = arith.constant 32 : index
      %get3A_468 = tpu.vector_load %arg16[%get3A_466, %get3A_467] {strides = array<i32>} : memref<17x256xf32, #tpu.memory_space<vmem>>, vector<16xf32>,
      %mul3A_469 = arith.mulf %mul3A_459, %get3A_468 : vector<16xf32>
      %add3A_470 = arith.constant 1 : i32
      %add3A_471 = arith.addi %scan3A_373, %add3A_470 : i32
      %get3A_472 = arith.index_cast %add3A_471 : i32 to index
      %get3A_473 = arith.constant 32 : index
      %get3A_474 = tpu.vector_load %arg16[%get3A_472, %get3A_473] {strides = array<i32>} : memref<17x256xf32, #tpu.memory_space<vmem>>, vector<16xf32>,
      %mul3A_475 = arith.mulf %mul3A_465, %get3A_474 : vector<16xf32>
      %max3A_476 = arith.maximumf %mul3A_469, %mul3A_475 : vector<16xf32>
      %swap3A_477 = arith.constant 32 : index
      %swap3A_478 = tpu.vector_load %arg18[%swap3A_477] {strides = array<i32>} : memref<272xf32, #tpu.memory_space<vmem>>, vector<16xf32>,
      tpu.vector_store %arg18[%swap3A_477], %max3A_476 {strides = array<i32>} : memref<272xf32, #tpu.memory_space<vmem>>, vector<16xf32>,
      %get3A_479 = arith.index_cast %scan3A_373 : i32 to index
      %get3A_480 = arith.constant 32 : index
      %get3A_481 = tpu.vector_load %arg17[%get3A_479, %get3A_480] {strides = array<i32>} : memref<17x256xf32, #tpu.memory_space<vmem>>, vector<16xf32>,
      %mul3A_482 = arith.mulf %mul3A_459, %get3A_481 : vector<16xf32>
      %add3A_483 = arith.constant 1 : i32
      %add3A_484 = arith.addi %scan3A_373, %add3A_483 : i32
      %get3A_485 = arith.index_cast %add3A_484 : i32 to index
      %get3A_486 = arith.constant 32 : index
      %get3A_487 = tpu.vector_load %arg17[%get3A_485, %get3A_486] {strides = array<i32>} : memref<17x256xf32, #tpu.memory_space<vmem>>, vector<16xf32>,
      %mul3A_488 = arith.mulf %mul3A_465, %get3A_487 : vector<16xf32>
      %max3A_489 = arith.maximumf %mul3A_482, %mul3A_488 : vector<16xf32>
      %swap3A_490 = arith.constant 32 : index
      %swap3A_491 = tpu.vector_load %arg19[%swap3A_490] {strides = array<i32>} : memref<272xf32, #tpu.memory_space<vmem>>, vector<16xf32>,
      tpu.vector_store %arg19[%swap3A_490], %max3A_489 {strides = array<i32>} : memref<272xf32, #tpu.memory_space<vmem>>, vector<16xf32>,
      %get3A_492 = arith.index_cast %scan3A_373 : i32 to index
      %get3A_493 = arith.constant 48 : index
      %get3A_494 = tpu.vector_load %arg15[%get3A_492, %get3A_493] {strides = array<i32>} : memref<17x256xf32, #tpu.memory_space<vmem>>, vector<16xf32>,
      %mul3A_495 = arith.mulf %get3A_494, %get3A_378 : vector<16xf32>
      %add3A_496 = arith.constant 1 : i32
      %add3A_497 = arith.addi %scan3A_373, %add3A_496 : i32
      %get3A_498 = arith.index_cast %add3A_497 : i32 to index
      %get3A_499 = arith.constant 48 : index
      %get3A_500 = tpu.vector_load %arg15[%get3A_498, %get3A_499] {strides = array<i32>} : memref<17x256xf32, #tpu.memory_space<vmem>>, vector<16xf32>,
      %mul3A_501 = arith.mulf %get3A_500, %get3A_384 : vector<16xf32>
      %get3A_502 = arith.index_cast %scan3A_373 : i32 to index
      %get3A_503 = arith.constant 48 : index
      %get3A_504 = tpu.vector_load %arg16[%get3A_502, %get3A_503] {strides = array<i32>} : memref<17x256xf32, #tpu.memory_space<vmem>>, vector<16xf32>,
      %mul3A_505 = arith.mulf %mul3A_495, %get3A_504 : vector<16xf32>
      %add3A_506 = arith.constant 1 : i32
      %add3A_507 = arith.addi %scan3A_373, %add3A_506 : i32
      %get3A_508 = arith.index_cast %add3A_507 : i32 to index
      %get3A_509 = arith.constant 48 : index
      %get3A_510 = tpu.vector_load %arg16[%get3A_508, %get3A_509] {strides = array<i32>} : memref<17x256xf32, #tpu.memory_space<vmem>>, vector<16xf32>,
      %mul3A_511 = arith.mulf %mul3A_501, %get3A_510 : vector<16xf32>
      %max3A_512 = arith.maximumf %mul3A_505, %mul3A_511 : vector<16xf32>
      %swap3A_513 = arith.constant 48 : index
      %swap3A_514 = tpu.vector_load %arg18[%swap3A_513] {strides = array<i32>} : memref<272xf32, #tpu.memory_space<vmem>>, vector<16xf32>,
      tpu.vector_store %arg18[%swap3A_513], %max3A_512 {strides = array<i32>} : memref<272xf32, #tpu.memory_space<vmem>>, vector<16xf32>,
      %get3A_515 = arith.index_cast %scan3A_373 : i32 to index
      %get3A_516 = arith.constant 48 : index
      %get3A_517 = tpu.vector_load %arg17[%get3A_515, %get3A_516] {strides = array<i32>} : memref<17x256xf32, #tpu.memory_space<vmem>>, vector<16xf32>,
      %mul3A_518 = arith.mulf %mul3A_495, %get3A_517 : vector<16xf32>
      %add3A_519 = arith.constant 1 : i32
      %add3A_520 = arith.addi %scan3A_373, %add3A_519 : i32
      %get3A_521 = arith.index_cast %add3A_520 : i32 to index
      %get3A_522 = arith.constant 48 : index
      %get3A_523 = tpu.vector_load %arg17[%get3A_521, %get3A_522] {strides = array<i32>} : memref<17x256xf32, #tpu.memory_space<vmem>>, vector<16xf32>,
      %mul3A_524 = arith.mulf %mul3A_501, %get3A_523 : vector<16xf32>
      %max3A_525 = arith.maximumf %mul3A_518, %mul3A_524 : vector<16xf32>
      %swap3A_526 = arith.constant 48 : index
      %swap3A_527 = tpu.vector_load %arg19[%swap3A_526] {strides = array<i32>} : memref<272xf32, #tpu.memory_space<vmem>>, vector<16xf32>,
      tpu.vector_store %arg19[%swap3A_526], %max3A_525 {strides = array<i32>} : memref<272xf32, #tpu.memory_space<vmem>>, vector<16xf32>,
      %get3A_528 = arith.index_cast %scan3A_373 : i32 to index
      %get3A_529 = arith.constant 64 : index
      %get3A_530 = tpu.vector_load %arg15[%get3A_528, %get3A_529] {strides = array<i32>} : memref<17x256xf32, #tpu.memory_space<vmem>>, vector<16xf32>,
      %mul3A_531 = arith.mulf %get3A_530, %get3A_378 : vector<16xf32>
      %add3A_532 = arith.constant 1 : i32
      %add3A_533 = arith.addi %scan3A_373, %add3A_532 : i32
      %get3A_534 = arith.index_cast %add3A_533 : i32 to index
      %get3A_535 = arith.constant 64 : index
      %get3A_536 = tpu.vector_load %arg15[%get3A_534, %get3A_535] {strides = array<i32>} : memref<17x256xf32, #tpu.memory_space<vmem>>, vector<16xf32>,
      %mul3A_537 = arith.mulf %get3A_536, %get3A_384 : vector<16xf32>
      %get3A_538 = arith.index_cast %scan3A_373 : i32 to index
      %get3A_539 = arith.constant 64 : index
      %get3A_540 = tpu.vector_load %arg16[%get3A_538, %get3A_539] {strides = array<i32>} : memref<17x256xf32, #tpu.memory_space<vmem>>, vector<16xf32>,
      %mul3A_541 = arith.mulf %mul3A_531, %get3A_540 : vector<16xf32>
      %add3A_542 = arith.constant 1 : i32
      %add3A_543 = arith.addi %scan3A_373, %add3A_542 : i32
      %get3A_544 = arith.index_cast %add3A_543 : i32 to index
      %get3A_545 = arith.constant 64 : index
      %get3A_546 = tpu.vector_load %arg16[%get3A_544, %get3A_545] {strides = array<i32>} : memref<17x256xf32, #tpu.memory_space<vmem>>, vector<16xf32>,
      %mul3A_547 = arith.mulf %mul3A_537, %get3A_546 : vector<16xf32>
      %max3A_548 = arith.maximumf %mul3A_541, %mul3A_547 : vector<16xf32>
      %swap3A_549 = arith.constant 64 : index
      %swap3A_550 = tpu.vector_load %arg18[%swap3A_549] {strides = array<i32>} : memref<272xf32, #tpu.memory_space<vmem>>, vector<16xf32>,
      tpu.vector_store %arg18[%swap3A_549], %max3A_548 {strides = array<i32>} : memref<272xf32, #tpu.memory_space<vmem>>, vector<16xf32>,
      %get3A_551 = arith.index_cast %scan3A_373 : i32 to index
      %get3A_552 = arith.constant 64 : index
      %get3A_553 = tpu.vector_load %arg17[%get3A_551, %get3A_552] {strides = array<i32>} : memref<17x256xf32, #tpu.memory_space<vmem>>, vector<16xf32>,
      %mul3A_554 = arith.mulf %mul3A_531, %get3A_553 : vector<16xf32>
      %add3A_555 = arith.constant 1 : i32
      %add3A_556 = arith.addi %scan3A_373, %add3A_555 : i32
      %get3A_557 = arith.index_cast %add3A_556 : i32 to index
      %get3A_558 = arith.constant 64 : index
      %get3A_559 = tpu.vector_load %arg17[%get3A_557, %get3A_558] {strides = array<i32>} : memref<17x256xf32, #tpu.memory_space<vmem>>, vector<16xf32>,
      %mul3A_560 = arith.mulf %mul3A_537, %get3A_559 : vector<16xf32>
      %max3A_561 = arith.maximumf %mul3A_554, %mul3A_560 : vector<16xf32>
      %swap3A_562 = arith.constant 64 : index
      %swap3A_563 = tpu.vector_load %arg19[%swap3A_562] {strides = array<i32>} : memref<272xf32, #tpu.memory_space<vmem>>, vector<16xf32>,
      tpu.vector_store %arg19[%swap3A_562], %max3A_561 {strides = array<i32>} : memref<272xf32, #tpu.memory_space<vmem>>, vector<16xf32>,
      %get3A_564 = arith.index_cast %scan3A_373 : i32 to index
      %get3A_565 = arith.constant 80 : index
      %get3A_566 = tpu.vector_load %arg15[%get3A_564, %get3A_565] {strides = array<i32>} : memref<17x256xf32, #tpu.memory_space<vmem>>, vector<16xf32>,
      %mul3A_567 = arith.mulf %get3A_566, %get3A_378 : vector<16xf32>
      %add3A_568 = arith.constant 1 : i32
      %add3A_569 = arith.addi %scan3A_373, %add3A_568 : i32
      %get3A_570 = arith.index_cast %add3A_569 : i32 to index
      %get3A_571 = arith.constant 80 : index
      %get3A_572 = tpu.vector_load %arg15[%get3A_570, %get3A_571] {strides = array<i32>} : memref<17x256xf32, #tpu.memory_space<vmem>>, vector<16xf32>,
      %mul3A_573 = arith.mulf %get3A_572, %get3A_384 : vector<16xf32>
      %get3A_574 = arith.index_cast %scan3A_373 : i32 to index
      %get3A_575 = arith.constant 80 : index
      %get3A_576 = tpu.vector_load %arg16[%get3A_574, %get3A_575] {strides = array<i32>} : memref<17x256xf32, #tpu.memory_space<vmem>>, vector<16xf32>,
      %mul3A_577 = arith.mulf %mul3A_567, %get3A_576 : vector<16xf32>
      %add3A_578 = arith.constant 1 : i32
      %add3A_579 = arith.addi %scan3A_373, %add3A_578 : i32
      %get3A_580 = arith.index_cast %add3A_579 : i32 to index
      %get3A_581 = arith.constant 80 : index
      %get3A_582 = tpu.vector_load %arg16[%get3A_580, %get3A_581] {strides = array<i32>} : memref<17x256xf32, #tpu.memory_space<vmem>>, vector<16xf32>,
      %mul3A_583 = arith.mulf %mul3A_573, %get3A_582 : vector<16xf32>
      %max3A_584 = arith.maximumf %mul3A_577, %mul3A_583 : vector<16xf32>
      %swap3A_585 = arith.constant 80 : index
      %swap3A_586 = tpu.vector_load %arg18[%swap3A_585] {strides = array<i32>} : memref<272xf32, #tpu.memory_space<vmem>>, vector<16xf32>,
      tpu.vector_store %arg18[%swap3A_585], %max3A_584 {strides = array<i32>} : memref<272xf32, #tpu.memory_space<vmem>>, vector<16xf32>,
      %get3A_587 = arith.index_cast %scan3A_373 : i32 to index
      %get3A_588 = arith.constant 80 : index
      %get3A_589 = tpu.vector_load %arg17[%get3A_587, %get3A_588] {strides = array<i32>} : memref<17x256xf32, #tpu.memory_space<vmem>>, vector<16xf32>,
      %mul3A_590 = arith.mulf %mul3A_567, %get3A_589 : vector<16xf32>
      %add3A_591 = arith.constant 1 : i32
      %add3A_592 = arith.addi %scan3A_373, %add3A_591 : i32
      %get3A_593 = arith.index_cast %add3A_592 : i32 to index
      %get3A_594 = arith.constant 80 : index
      %get3A_595 = tpu.vector_load %arg17[%get3A_593, %get3A_594] {strides = array<i32>} : memref<17x256xf32, #tpu.memory_space<vmem>>, vector<16xf32>,
      %mul3A_596 = arith.mulf %mul3A_573, %get3A_595 : vector<16xf32>
      %max3A_597 = arith.maximumf %mul3A_590, %mul3A_596 : vector<16xf32>
      %swap3A_598 = arith.constant 80 : index
      %swap3A_599 = tpu.vector_load %arg19[%swap3A_598] {strides = array<i32>} : memref<272xf32, #tpu.memory_space<vmem>>, vector<16xf32>,
      tpu.vector_store %arg19[%swap3A_598], %max3A_597 {strides = array<i32>} : memref<272xf32, #tpu.memory_space<vmem>>, vector<16xf32>,
      %get3A_600 = arith.index_cast %scan3A_373 : i32 to index
      %get3A_601 = arith.constant 96 : index
      %get3A_602 = tpu.vector_load %arg15[%get3A_600, %get3A_601] {strides = array<i32>} : memref<17x256xf32, #tpu.memory_space<vmem>>, vector<16xf32>,
      %mul3A_603 = arith.mulf %get3A_602, %get3A_378 : vector<16xf32>
      %add3A_604 = arith.constant 1 : i32
      %add3A_605 = arith.addi %scan3A_373, %add3A_604 : i32
      %get3A_606 = arith.index_cast %add3A_605 : i32 to index
      %get3A_607 = arith.constant 96 : index
      %get3A_608 = tpu.vector_load %arg15[%get3A_606, %get3A_607] {strides = array<i32>} : memref<17x256xf32, #tpu.memory_space<vmem>>, vector<16xf32>,
      %mul3A_609 = arith.mulf %get3A_608, %get3A_384 : vector<16xf32>
      %get3A_610 = arith.index_cast %scan3A_373 : i32 to index
      %get3A_611 = arith.constant 96 : index
      %get3A_612 = tpu.vector_load %arg16[%get3A_610, %get3A_611] {strides = array<i32>} : memref<17x256xf32, #tpu.memory_space<vmem>>, vector<16xf32>,
      %mul3A_613 = arith.mulf %mul3A_603, %get3A_612 : vector<16xf32>
      %add3A_614 = arith.constant 1 : i32
      %add3A_615 = arith.addi %scan3A_373, %add3A_614 : i32
      %get3A_616 = arith.index_cast %add3A_615 : i32 to index
      %get3A_617 = arith.constant 96 : index
      %get3A_618 = tpu.vector_load %arg16[%get3A_616, %get3A_617] {strides = array<i32>} : memref<17x256xf32, #tpu.memory_space<vmem>>, vector<16xf32>,
      %mul3A_619 = arith.mulf %mul3A_609, %get3A_618 : vector<16xf32>
      %max3A_620 = arith.maximumf %mul3A_613, %mul3A_619 : vector<16xf32>
      %swap3A_621 = arith.constant 96 : index
      %swap3A_622 = tpu.vector_load %arg18[%swap3A_621] {strides = array<i32>} : memref<272xf32, #tpu.memory_space<vmem>>, vector<16xf32>,
      tpu.vector_store %arg18[%swap3A_621], %max3A_620 {strides = array<i32>} : memref<272xf32, #tpu.memory_space<vmem>>, vector<16xf32>,
      %get3A_623 = arith.index_cast %scan3A_373 : i32 to index
      %get3A_624 = arith.constant 96 : index
      %get3A_625 = tpu.vector_load %arg17[%get3A_623, %get3A_624] {strides = array<i32>} : memref<17x256xf32, #tpu.memory_space<vmem>>, vector<16xf32>,
      %mul3A_626 = arith.mulf %mul3A_603, %get3A_625 : vector<16xf32>
      %add3A_627 = arith.constant 1 : i32
      %add3A_628 = arith.addi %scan3A_373, %add3A_627 : i32
      %get3A_629 = arith.index_cast %add3A_628 : i32 to index
      %get3A_630 = arith.constant 96 : index
      %get3A_631 = tpu.vector_load %arg17[%get3A_629, %get3A_630] {strides = array<i32>} : memref<17x256xf32, #tpu.memory_space<vmem>>, vector<16xf32>,
      %mul3A_632 = arith.mulf %mul3A_609, %get3A_631 : vector<16xf32>
      %max3A_633 = arith.maximumf %mul3A_626, %mul3A_632 : vector<16xf32>
      %swap3A_634 = arith.constant 96 : index
      %swap3A_635 = tpu.vector_load %arg19[%swap3A_634] {strides = array<i32>} : memref<272xf32, #tpu.memory_space<vmem>>, vector<16xf32>,
      tpu.vector_store %arg19[%swap3A_634], %max3A_633 {strides = array<i32>} : memref<272xf32, #tpu.memory_space<vmem>>, vector<16xf32>,
      %get3A_636 = arith.index_cast %scan3A_373 : i32 to index
      %get3A_637 = arith.constant 112 : index
      %get3A_638 = tpu.vector_load %arg15[%get3A_636, %get3A_637] {strides = array<i32>} : memref<17x256xf32, #tpu.memory_space<vmem>>, vector<16xf32>,
      %mul3A_639 = arith.mulf %get3A_638, %get3A_378 : vector<16xf32>
      %add3A_640 = arith.constant 1 : i32
      %add3A_641 = arith.addi %scan3A_373, %add3A_640 : i32
      %get3A_642 = arith.index_cast %add3A_641 : i32 to index
      %get3A_643 = arith.constant 112 : index
      %get3A_644 = tpu.vector_load %arg15[%get3A_642, %get3A_643] {strides = array<i32>} : memref<17x256xf32, #tpu.memory_space<vmem>>, vector<16xf32>,
      %mul3A_645 = arith.mulf %get3A_644, %get3A_384 : vector<16xf32>
      %get3A_646 = arith.index_cast %scan3A_373 : i32 to index
      %get3A_647 = arith.constant 112 : index
      %get3A_648 = tpu.vector_load %arg16[%get3A_646, %get3A_647] {strides = array<i32>} : memref<17x256xf32, #tpu.memory_space<vmem>>, vector<16xf32>,
      %mul3A_649 = arith.mulf %mul3A_639, %get3A_648 : vector<16xf32>
      %add3A_650 = arith.constant 1 : i32
      %add3A_651 = arith.addi %scan3A_373, %add3A_650 : i32
      %get3A_652 = arith.index_cast %add3A_651 : i32 to index
      %get3A_653 = arith.constant 112 : index
      %get3A_654 = tpu.vector_load %arg16[%get3A_652, %get3A_653] {strides = array<i32>} : memref<17x256xf32, #tpu.memory_space<vmem>>, vector<16xf32>,
      %mul3A_655 = arith.mulf %mul3A_645, %get3A_654 : vector<16xf32>
      %max3A_656 = arith.maximumf %mul3A_649, %mul3A_655 : vector<16xf32>
      %swap3A_657 = arith.constant 112 : index
      %swap3A_658 = tpu.vector_load %arg18[%swap3A_657] {strides = array<i32>} : memref<272xf32, #tpu.memory_space<vmem>>, vector<16xf32>,
      tpu.vector_store %arg18[%swap3A_657], %max3A_656 {strides = array<i32>} : memref<272xf32, #tpu.memory_space<vmem>>, vector<16xf32>,
      %get3A_659 = arith.index_cast %scan3A_373 : i32 to index
      %get3A_660 = arith.constant 112 : index
      %get3A_661 = tpu.vector_load %arg17[%get3A_659, %get3A_660] {strides = array<i32>} : memref<17x256xf32, #tpu.memory_space<vmem>>, vector<16xf32>,
      %mul3A_662 = arith.mulf %mul3A_639, %get3A_661 : vector<16xf32>
      %add3A_663 = arith.constant 1 : i32
      %add3A_664 = arith.addi %scan3A_373, %add3A_663 : i32
      %get3A_665 = arith.index_cast %add3A_664 : i32 to index
      %get3A_666 = arith.constant 112 : index
      %get3A_667 = tpu.vector_load %arg17[%get3A_665, %get3A_666] {strides = array<i32>} : memref<17x256xf32, #tpu.memory_space<vmem>>, vector<16xf32>,
      %mul3A_668 = arith.mulf %mul3A_645, %get3A_667 : vector<16xf32>
      %max3A_669 = arith.maximumf %mul3A_662, %mul3A_668 : vector<16xf32>
      %swap3A_670 = arith.constant 112 : index
      %swap3A_671 = tpu.vector_load %arg19[%swap3A_670] {strides = array<i32>} : memref<272xf32, #tpu.memory_space<vmem>>, vector<16xf32>,
      tpu.vector_store %arg19[%swap3A_670], %max3A_669 {strides = array<i32>} : memref<272xf32, #tpu.memory_space<vmem>>, vector<16xf32>,
      %get3A_672 = arith.index_cast %scan3A_373 : i32 to index
      %get3A_673 = arith.constant 128 : index
      %get3A_674 = tpu.vector_load %arg15[%get3A_672, %get3A_673] {strides = array<i32>} : memref<17x256xf32, #tpu.memory_space<vmem>>, vector<16xf32>,
      %mul3A_675 = arith.mulf %get3A_674, %get3A_378 : vector<16xf32>
      %add3A_676 = arith.constant 1 : i32
      %add3A_677 = arith.addi %scan3A_373, %add3A_676 : i32
      %get3A_678 = arith.index_cast %add3A_677 : i32 to index
      %get3A_679 = arith.constant 128 : index
      %get3A_680 = tpu.vector_load %arg15[%get3A_678, %get3A_679] {strides = array<i32>} : memref<17x256xf32, #tpu.memory_space<vmem>>, vector<16xf32>,
      %mul3A_681 = arith.mulf %get3A_680, %get3A_384 : vector<16xf32>
      %get3A_682 = arith.index_cast %scan3A_373 : i32 to index
      %get3A_683 = arith.constant 128 : index
      %get3A_684 = tpu.vector_load %arg16[%get3A_682, %get3A_683] {strides = array<i32>} : memref<17x256xf32, #tpu.memory_space<vmem>>, vector<16xf32>,
      %mul3A_685 = arith.mulf %mul3A_675, %get3A_684 : vector<16xf32>
      %add3A_686 = arith.constant 1 : i32
      %add3A_687 = arith.addi %scan3A_373, %add3A_686 : i32
      %get3A_688 = arith.index_cast %add3A_687 : i32 to index
      %get3A_689 = arith.constant 128 : index
      %get3A_690 = tpu.vector_load %arg16[%get3A_688, %get3A_689] {strides = array<i32>} : memref<17x256xf32, #tpu.memory_space<vmem>>, vector<16xf32>,
      %mul3A_691 = arith.mulf %mul3A_681, %get3A_690 : vector<16xf32>
      %max3A_692 = arith.maximumf %mul3A_685, %mul3A_691 : vector<16xf32>
      %swap3A_693 = arith.constant 128 : index
      %swap3A_694 = tpu.vector_load %arg18[%swap3A_693] {strides = array<i32>} : memref<272xf32, #tpu.memory_space<vmem>>, vector<16xf32>,
      tpu.vector_store %arg18[%swap3A_693], %max3A_692 {strides = array<i32>} : memref<272xf32, #tpu.memory_space<vmem>>, vector<16xf32>,
      %get3A_695 = arith.index_cast %scan3A_373 : i32 to index
      %get3A_696 = arith.constant 128 : index
      %get3A_697 = tpu.vector_load %arg17[%get3A_695, %get3A_696] {strides = array<i32>} : memref<17x256xf32, #tpu.memory_space<vmem>>, vector<16xf32>,
      %mul3A_698 = arith.mulf %mul3A_675, %get3A_697 : vector<16xf32>
      %add3A_699 = arith.constant 1 : i32
      %add3A_700 = arith.addi %scan3A_373, %add3A_699 : i32
      %get3A_701 = arith.index_cast %add3A_700 : i32 to index
      %get3A_702 = arith.constant 128 : index
      %get3A_703 = tpu.vector_load %arg17[%get3A_701, %get3A_702] {strides = array<i32>} : memref<17x256xf32, #tpu.memory_space<vmem>>, vector<16xf32>,
      %mul3A_704 = arith.mulf %mul3A_681, %get3A_703 : vector<16xf32>
      %max3A_705 = arith.maximumf %mul3A_698, %mul3A_704 : vector<16xf32>
      %swap3A_706 = arith.constant 128 : index
      %swap3A_707 = tpu.vector_load %arg19[%swap3A_706] {strides = array<i32>} : memref<272xf32, #tpu.memory_space<vmem>>, vector<16xf32>,
      tpu.vector_store %arg19[%swap3A_706], %max3A_705 {strides = array<i32>} : memref<272xf32, #tpu.memory_space<vmem>>, vector<16xf32>,
      %get3A_708 = arith.index_cast %scan3A_373 : i32 to index
      %get3A_709 = arith.constant 144 : index
      %get3A_710 = tpu.vector_load %arg15[%get3A_708, %get3A_709] {strides = array<i32>} : memref<17x256xf32, #tpu.memory_space<vmem>>, vector<16xf32>,
      %mul3A_711 = arith.mulf %get3A_710, %get3A_378 : vector<16xf32>
      %add3A_712 = arith.constant 1 : i32
      %add3A_713 = arith.addi %scan3A_373, %add3A_712 : i32
      %get3A_714 = arith.index_cast %add3A_713 : i32 to index
      %get3A_715 = arith.constant 144 : index
      %get3A_716 = tpu.vector_load %arg15[%get3A_714, %get3A_715] {strides = array<i32>} : memref<17x256xf32, #tpu.memory_space<vmem>>, vector<16xf32>,
      %mul3A_717 = arith.mulf %get3A_716, %get3A_384 : vector<16xf32>
      %get3A_718 = arith.index_cast %scan3A_373 : i32 to index
      %get3A_719 = arith.constant 144 : index
      %get3A_720 = tpu.vector_load %arg16[%get3A_718, %get3A_719] {strides = array<i32>} : memref<17x256xf32, #tpu.memory_space<vmem>>, vector<16xf32>,
      %mul3A_721 = arith.mulf %mul3A_711, %get3A_720 : vector<16xf32>
      %add3A_722 = arith.constant 1 : i32
      %add3A_723 = arith.addi %scan3A_373, %add3A_722 : i32
      %get3A_724 = arith.index_cast %add3A_723 : i32 to index
      %get3A_725 = arith.constant 144 : index
      %get3A_726 = tpu.vector_load %arg16[%get3A_724, %get3A_725] {strides = array<i32>} : memref<17x256xf32, #tpu.memory_space<vmem>>, vector<16xf32>,
      %mul3A_727 = arith.mulf %mul3A_717, %get3A_726 : vector<16xf32>
      %max3A_728 = arith.maximumf %mul3A_721, %mul3A_727 : vector<16xf32>
      %swap3A_729 = arith.constant 144 : index
      %swap3A_730 = tpu.vector_load %arg18[%swap3A_729] {strides = array<i32>} : memref<272xf32, #tpu.memory_space<vmem>>, vector<16xf32>,
      tpu.vector_store %arg18[%swap3A_729], %max3A_728 {strides = array<i32>} : memref<272xf32, #tpu.memory_space<vmem>>, vector<16xf32>,
      %get3A_731 = arith.index_cast %scan3A_373 : i32 to index
      %get3A_732 = arith.constant 144 : index
      %get3A_733 = tpu.vector_load %arg17[%get3A_731, %get3A_732] {strides = array<i32>} : memref<17x256xf32, #tpu.memory_space<vmem>>, vector<16xf32>,
      %mul3A_734 = arith.mulf %mul3A_711, %get3A_733 : vector<16xf32>
      %add3A_735 = arith.constant 1 : i32
      %add3A_736 = arith.addi %scan3A_373, %add3A_735 : i32
      %get3A_737 = arith.index_cast %add3A_736 : i32 to index
      %get3A_738 = arith.constant 144 : index
      %get3A_739 = tpu.vector_load %arg17[%get3A_737, %get3A_738] {strides = array<i32>} : memref<17x256xf32, #tpu.memory_space<vmem>>, vector<16xf32>,
      %mul3A_740 = arith.mulf %mul3A_717, %get3A_739 : vector<16xf32>
      %max3A_741 = arith.maximumf %mul3A_734, %mul3A_740 : vector<16xf32>
      %swap3A_742 = arith.constant 144 : index
      %swap3A_743 = tpu.vector_load %arg19[%swap3A_742] {strides = array<i32>} : memref<272xf32, #tpu.memory_space<vmem>>, vector<16xf32>,
      tpu.vector_store %arg19[%swap3A_742], %max3A_741 {strides = array<i32>} : memref<272xf32, #tpu.memory_space<vmem>>, vector<16xf32>,
      %get3A_744 = arith.index_cast %scan3A_373 : i32 to index
      %get3A_745 = arith.constant 160 : index
      %get3A_746 = tpu.vector_load %arg15[%get3A_744, %get3A_745] {strides = array<i32>} : memref<17x256xf32, #tpu.memory_space<vmem>>, vector<16xf32>,
      %mul3A_747 = arith.mulf %get3A_746, %get3A_378 : vector<16xf32>
      %add3A_748 = arith.constant 1 : i32
      %add3A_749 = arith.addi %scan3A_373, %add3A_748 : i32
      %get3A_750 = arith.index_cast %add3A_749 : i32 to index
      %get3A_751 = arith.constant 160 : index
      %get3A_752 = tpu.vector_load %arg15[%get3A_750, %get3A_751] {strides = array<i32>} : memref<17x256xf32, #tpu.memory_space<vmem>>, vector<16xf32>,
      %mul3A_753 = arith.mulf %get3A_752, %get3A_384 : vector<16xf32>
      %get3A_754 = arith.index_cast %scan3A_373 : i32 to index
      %get3A_755 = arith.constant 160 : index
      %get3A_756 = tpu.vector_load %arg16[%get3A_754, %get3A_755] {strides = array<i32>} : memref<17x256xf32, #tpu.memory_space<vmem>>, vector<16xf32>,
      %mul3A_757 = arith.mulf %mul3A_747, %get3A_756 : vector<16xf32>
      %add3A_758 = arith.constant 1 : i32
      %add3A_759 = arith.addi %scan3A_373, %add3A_758 : i32
      %get3A_760 = arith.index_cast %add3A_759 : i32 to index
      %get3A_761 = arith.constant 160 : index
      %get3A_762 = tpu.vector_load %arg16[%get3A_760, %get3A_761] {strides = array<i32>} : memref<17x256xf32, #tpu.memory_space<vmem>>, vector<16xf32>,
      %mul3A_763 = arith.mulf %mul3A_753, %get3A_762 : vector<16xf32>
      %max3A_764 = arith.maximumf %mul3A_757, %mul3A_763 : vector<16xf32>
      %swap3A_765 = arith.constant 160 : index
      %swap3A_766 = tpu.vector_load %arg18[%swap3A_765] {strides = array<i32>} : memref<272xf32, #tpu.memory_space<vmem>>, vector<16xf32>,
      tpu.vector_store %arg18[%swap3A_765], %max3A_764 {strides = array<i32>} : memref<272xf32, #tpu.memory_space<vmem>>, vector<16xf32>,
      %get3A_767 = arith.index_cast %scan3A_373 : i32 to index
      %get3A_768 = arith.constant 160 : index
      %get3A_769 = tpu.vector_load %arg17[%get3A_767, %get3A_768] {strides = array<i32>} : memref<17x256xf32, #tpu.memory_space<vmem>>, vector<16xf32>,
      %mul3A_770 = arith.mulf %mul3A_747, %get3A_769 : vector<16xf32>
      %add3A_771 = arith.constant 1 : i32
      %add3A_772 = arith.addi %scan3A_373, %add3A_771 : i32
      %get3A_773 = arith.index_cast %add3A_772 : i32 to index
      %get3A_774 = arith.constant 160 : index
      %get3A_775 = tpu.vector_load %arg17[%get3A_773, %get3A_774] {strides = array<i32>} : memref<17x256xf32, #tpu.memory_space<vmem>>, vector<16xf32>,
      %mul3A_776 = arith.mulf %mul3A_753, %get3A_775 : vector<16xf32>
      %max3A_777 = arith.maximumf %mul3A_770, %mul3A_776 : vector<16xf32>
      %swap3A_778 = arith.constant 160 : index
      %swap3A_779 = tpu.vector_load %arg19[%swap3A_778] {strides = array<i32>} : memref<272xf32, #tpu.memory_space<vmem>>, vector<16xf32>,
      tpu.vector_store %arg19[%swap3A_778], %max3A_777 {strides = array<i32>} : memref<272xf32, #tpu.memory_space<vmem>>, vector<16xf32>,
      %get3A_780 = arith.index_cast %scan3A_373 : i32 to index
      %get3A_781 = arith.constant 176 : index
      %get3A_782 = tpu.vector_load %arg15[%get3A_780, %get3A_781] {strides = array<i32>} : memref<17x256xf32, #tpu.memory_space<vmem>>, vector<16xf32>,
      %mul3A_783 = arith.mulf %get3A_782, %get3A_378 : vector<16xf32>
      %add3A_784 = arith.constant 1 : i32
      %add3A_785 = arith.addi %scan3A_373, %add3A_784 : i32
      %get3A_786 = arith.index_cast %add3A_785 : i32 to index
      %get3A_787 = arith.constant 176 : index
      %get3A_788 = tpu.vector_load %arg15[%get3A_786, %get3A_787] {strides = array<i32>} : memref<17x256xf32, #tpu.memory_space<vmem>>, vector<16xf32>,
      %mul3A_789 = arith.mulf %get3A_788, %get3A_384 : vector<16xf32>
      %get3A_790 = arith.index_cast %scan3A_373 : i32 to index
      %get3A_791 = arith.constant 176 : index
      %get3A_792 = tpu.vector_load %arg16[%get3A_790, %get3A_791] {strides = array<i32>} : memref<17x256xf32, #tpu.memory_space<vmem>>, vector<16xf32>,
      %mul3A_793 = arith.mulf %mul3A_783, %get3A_792 : vector<16xf32>
      %add3A_794 = arith.constant 1 : i32
      %add3A_795 = arith.addi %scan3A_373, %add3A_794 : i32
      %get3A_796 = arith.index_cast %add3A_795 : i32 to index
      %get3A_797 = arith.constant 176 : index
      %get3A_798 = tpu.vector_load %arg16[%get3A_796, %get3A_797] {strides = array<i32>} : memref<17x256xf32, #tpu.memory_space<vmem>>, vector<16xf32>,
      %mul3A_799 = arith.mulf %mul3A_789, %get3A_798 : vector<16xf32>
      %max3A_800 = arith.maximumf %mul3A_793, %mul3A_799 : vector<16xf32>
      %swap3A_801 = arith.constant 176 : index
      %swap3A_802 = tpu.vector_load %arg18[%swap3A_801] {strides = array<i32>} : memref<272xf32, #tpu.memory_space<vmem>>, vector<16xf32>,
      tpu.vector_store %arg18[%swap3A_801], %max3A_800 {strides = array<i32>} : memref<272xf32, #tpu.memory_space<vmem>>, vector<16xf32>,
      %get3A_803 = arith.index_cast %scan3A_373 : i32 to index
      %get3A_804 = arith.constant 176 : index
      %get3A_805 = tpu.vector_load %arg17[%get3A_803, %get3A_804] {strides = array<i32>} : memref<17x256xf32, #tpu.memory_space<vmem>>, vector<16xf32>,
      %mul3A_806 = arith.mulf %mul3A_783, %get3A_805 : vector<16xf32>
      %add3A_807 = arith.constant 1 : i32
      %add3A_808 = arith.addi %scan3A_373, %add3A_807 : i32
      %get3A_809 = arith.index_cast %add3A_808 : i32 to index
      %get3A_810 = arith.constant 176 : index
      %get3A_811 = tpu.vector_load %arg17[%get3A_809, %get3A_810] {strides = array<i32>} : memref<17x256xf32, #tpu.memory_space<vmem>>, vector<16xf32>,
      %mul3A_812 = arith.mulf %mul3A_789, %get3A_811 : vector<16xf32>
      %max3A_813 = arith.maximumf %mul3A_806, %mul3A_812 : vector<16xf32>
      %swap3A_814 = arith.constant 176 : index
      %swap3A_815 = tpu.vector_load %arg19[%swap3A_814] {strides = array<i32>} : memref<272xf32, #tpu.memory_space<vmem>>, vector<16xf32>,
      tpu.vector_store %arg19[%swap3A_814], %max3A_813 {strides = array<i32>} : memref<272xf32, #tpu.memory_space<vmem>>, vector<16xf32>,
      %get3A_816 = arith.index_cast %scan3A_373 : i32 to index
      %get3A_817 = arith.constant 192 : index
      %get3A_818 = tpu.vector_load %arg15[%get3A_816, %get3A_817] {strides = array<i32>} : memref<17x256xf32, #tpu.memory_space<vmem>>, vector<16xf32>,
      %mul3A_819 = arith.mulf %get3A_818, %get3A_378 : vector<16xf32>
      %add3A_820 = arith.constant 1 : i32
      %add3A_821 = arith.addi %scan3A_373, %add3A_820 : i32
      %get3A_822 = arith.index_cast %add3A_821 : i32 to index
      %get3A_823 = arith.constant 192 : index
      %get3A_824 = tpu.vector_load %arg15[%get3A_822, %get3A_823] {strides = array<i32>} : memref<17x256xf32, #tpu.memory_space<vmem>>, vector<16xf32>,
      %mul3A_825 = arith.mulf %get3A_824, %get3A_384 : vector<16xf32>
      %get3A_826 = arith.index_cast %scan3A_373 : i32 to index
      %get3A_827 = arith.constant 192 : index
      %get3A_828 = tpu.vector_load %arg16[%get3A_826, %get3A_827] {strides = array<i32>} : memref<17x256xf32, #tpu.memory_space<vmem>>, vector<16xf32>,
      %mul3A_829 = arith.mulf %mul3A_819, %get3A_828 : vector<16xf32>
      %add3A_830 = arith.constant 1 : i32
      %add3A_831 = arith.addi %scan3A_373, %add3A_830 : i32
      %get3A_832 = arith.index_cast %add3A_831 : i32 to index
      %get3A_833 = arith.constant 192 : index
      %get3A_834 = tpu.vector_load %arg16[%get3A_832, %get3A_833] {strides = array<i32>} : memref<17x256xf32, #tpu.memory_space<vmem>>, vector<16xf32>,
      %mul3A_835 = arith.mulf %mul3A_825, %get3A_834 : vector<16xf32>
      %max3A_836 = arith.maximumf %mul3A_829, %mul3A_835 : vector<16xf32>
      %swap3A_837 = arith.constant 192 : index
      %swap3A_838 = tpu.vector_load %arg18[%swap3A_837] {strides = array<i32>} : memref<272xf32, #tpu.memory_space<vmem>>, vector<16xf32>,
      tpu.vector_store %arg18[%swap3A_837], %max3A_836 {strides = array<i32>} : memref<272xf32, #tpu.memory_space<vmem>>, vector<16xf32>,
      %get3A_839 = arith.index_cast %scan3A_373 : i32 to index
      %get3A_840 = arith.constant 192 : index
      %get3A_841 = tpu.vector_load %arg17[%get3A_839, %get3A_840] {strides = array<i32>} : memref<17x256xf32, #tpu.memory_space<vmem>>, vector<16xf32>,
      %mul3A_842 = arith.mulf %mul3A_819, %get3A_841 : vector<16xf32>
      %add3A_843 = arith.constant 1 : i32
      %add3A_844 = arith.addi %scan3A_373, %add3A_843 : i32
      %get3A_845 = arith.index_cast %add3A_844 : i32 to index
      %get3A_846 = arith.constant 192 : index
      %get3A_847 = tpu.vector_load %arg17[%get3A_845, %get3A_846] {strides = array<i32>} : memref<17x256xf32, #tpu.memory_space<vmem>>, vector<16xf32>,
      %mul3A_848 = arith.mulf %mul3A_825, %get3A_847 : vector<16xf32>
      %max3A_849 = arith.maximumf %mul3A_842, %mul3A_848 : vector<16xf32>
      %swap3A_850 = arith.constant 192 : index
      %swap3A_851 = tpu.vector_load %arg19[%swap3A_850] {strides = array<i32>} : memref<272xf32, #tpu.memory_space<vmem>>, vector<16xf32>,
      tpu.vector_store %arg19[%swap3A_850], %max3A_849 {strides = array<i32>} : memref<272xf32, #tpu.memory_space<vmem>>, vector<16xf32>,
      %get3A_852 = arith.index_cast %scan3A_373 : i32 to index
      %get3A_853 = arith.constant 208 : index
      %get3A_854 = tpu.vector_load %arg15[%get3A_852, %get3A_853] {strides = array<i32>} : memref<17x256xf32, #tpu.memory_space<vmem>>, vector<16xf32>,
      %mul3A_855 = arith.mulf %get3A_854, %get3A_378 : vector<16xf32>
      %add3A_856 = arith.constant 1 : i32
      %add3A_857 = arith.addi %scan3A_373, %add3A_856 : i32
      %get3A_858 = arith.index_cast %add3A_857 : i32 to index
      %get3A_859 = arith.constant 208 : index
      %get3A_860 = tpu.vector_load %arg15[%get3A_858, %get3A_859] {strides = array<i32>} : memref<17x256xf32, #tpu.memory_space<vmem>>, vector<16xf32>,
      %mul3A_861 = arith.mulf %get3A_860, %get3A_384 : vector<16xf32>
      %get3A_862 = arith.index_cast %scan3A_373 : i32 to index
      %get3A_863 = arith.constant 208 : index
      %get3A_864 = tpu.vector_load %arg16[%get3A_862, %get3A_863] {strides = array<i32>} : memref<17x256xf32, #tpu.memory_space<vmem>>, vector<16xf32>,
      %mul3A_865 = arith.mulf %mul3A_855, %get3A_864 : vector<16xf32>
      %add3A_866 = arith.constant 1 : i32
      %add3A_867 = arith.addi %scan3A_373, %add3A_866 : i32
      %get3A_868 = arith.index_cast %add3A_867 : i32 to index
      %get3A_869 = arith.constant 208 : index
      %get3A_870 = tpu.vector_load %arg16[%get3A_868, %get3A_869] {strides = array<i32>} : memref<17x256xf32, #tpu.memory_space<vmem>>, vector<16xf32>,
      %mul3A_871 = arith.mulf %mul3A_861, %get3A_870 : vector<16xf32>
      %max3A_872 = arith.maximumf %mul3A_865, %mul3A_871 : vector<16xf32>
      %swap3A_873 = arith.constant 208 : index
      %swap3A_874 = tpu.vector_load %arg18[%swap3A_873] {strides = array<i32>} : memref<272xf32, #tpu.memory_space<vmem>>, vector<16xf32>,
      tpu.vector_store %arg18[%swap3A_873], %max3A_872 {strides = array<i32>} : memref<272xf32, #tpu.memory_space<vmem>>, vector<16xf32>,
      %get3A_875 = arith.index_cast %scan3A_373 : i32 to index
      %get3A_876 = arith.constant 208 : index
      %get3A_877 = tpu.vector_load %arg17[%get3A_875, %get3A_876] {strides = array<i32>} : memref<17x256xf32, #tpu.memory_space<vmem>>, vector<16xf32>,
      %mul3A_878 = arith.mulf %mul3A_855, %get3A_877 : vector<16xf32>
      %add3A_879 = arith.constant 1 : i32
      %add3A_880 = arith.addi %scan3A_373, %add3A_879 : i32
      %get3A_881 = arith.index_cast %add3A_880 : i32 to index
      %get3A_882 = arith.constant 208 : index
      %get3A_883 = tpu.vector_load %arg17[%get3A_881, %get3A_882] {strides = array<i32>} : memref<17x256xf32, #tpu.memory_space<vmem>>, vector<16xf32>,
      %mul3A_884 = arith.mulf %mul3A_861, %get3A_883 : vector<16xf32>
      %max3A_885 = arith.maximumf %mul3A_878, %mul3A_884 : vector<16xf32>
      %swap3A_886 = arith.constant 208 : index
      %swap3A_887 = tpu.vector_load %arg19[%swap3A_886] {strides = array<i32>} : memref<272xf32, #tpu.memory_space<vmem>>, vector<16xf32>,
      tpu.vector_store %arg19[%swap3A_886], %max3A_885 {strides = array<i32>} : memref<272xf32, #tpu.memory_space<vmem>>, vector<16xf32>,
      %get3A_888 = arith.index_cast %scan3A_373 : i32 to index
      %get3A_889 = arith.constant 224 : index
      %get3A_890 = tpu.vector_load %arg15[%get3A_888, %get3A_889] {strides = array<i32>} : memref<17x256xf32, #tpu.memory_space<vmem>>, vector<16xf32>,
      %mul3A_891 = arith.mulf %get3A_890, %get3A_378 : vector<16xf32>
      %add3A_892 = arith.constant 1 : i32
      %add3A_893 = arith.addi %scan3A_373, %add3A_892 : i32
      %get3A_894 = arith.index_cast %add3A_893 : i32 to index
      %get3A_895 = arith.constant 224 : index
      %get3A_896 = tpu.vector_load %arg15[%get3A_894, %get3A_895] {strides = array<i32>} : memref<17x256xf32, #tpu.memory_space<vmem>>, vector<16xf32>,
      %mul3A_897 = arith.mulf %get3A_896, %get3A_384 : vector<16xf32>
      %get3A_898 = arith.index_cast %scan3A_373 : i32 to index
      %get3A_899 = arith.constant 224 : index
      %get3A_900 = tpu.vector_load %arg16[%get3A_898, %get3A_899] {strides = array<i32>} : memref<17x256xf32, #tpu.memory_space<vmem>>, vector<16xf32>,
      %mul3A_901 = arith.mulf %mul3A_891, %get3A_900 : vector<16xf32>
      %add3A_902 = arith.constant 1 : i32
      %add3A_903 = arith.addi %scan3A_373, %add3A_902 : i32
      %get3A_904 = arith.index_cast %add3A_903 : i32 to index
      %get3A_905 = arith.constant 224 : index
      %get3A_906 = tpu.vector_load %arg16[%get3A_904, %get3A_905] {strides = array<i32>} : memref<17x256xf32, #tpu.memory_space<vmem>>, vector<16xf32>,
      %mul3A_907 = arith.mulf %mul3A_897, %get3A_906 : vector<16xf32>
      %max3A_908 = arith.maximumf %mul3A_901, %mul3A_907 : vector<16xf32>
      %swap3A_909 = arith.constant 224 : index
      %swap3A_910 = tpu.vector_load %arg18[%swap3A_909] {strides = array<i32>} : memref<272xf32, #tpu.memory_space<vmem>>, vector<16xf32>,
      tpu.vector_store %arg18[%swap3A_909], %max3A_908 {strides = array<i32>} : memref<272xf32, #tpu.memory_space<vmem>>, vector<16xf32>,
      %get3A_911 = arith.index_cast %scan3A_373 : i32 to index
      %get3A_912 = arith.constant 224 : index
      %get3A_913 = tpu.vector_load %arg17[%get3A_911, %get3A_912] {strides = array<i32>} : memref<17x256xf32, #tpu.memory_space<vmem>>, vector<16xf32>,
      %mul3A_914 = arith.mulf %mul3A_891, %get3A_913 : vector<16xf32>
      %add3A_915 = arith.constant 1 : i32
      %add3A_916 = arith.addi %scan3A_373, %add3A_915 : i32
      %get3A_917 = arith.index_cast %add3A_916 : i32 to index
      %get3A_918 = arith.constant 224 : index
      %get3A_919 = tpu.vector_load %arg17[%get3A_917, %get3A_918] {strides = array<i32>} : memref<17x256xf32, #tpu.memory_space<vmem>>, vector<16xf32>,
      %mul3A_920 = arith.mulf %mul3A_897, %get3A_919 : vector<16xf32>
      %max3A_921 = arith.maximumf %mul3A_914, %mul3A_920 : vector<16xf32>
      %swap3A_922 = arith.constant 224 : index
      %swap3A_923 = tpu.vector_load %arg19[%swap3A_922] {strides = array<i32>} : memref<272xf32, #tpu.memory_space<vmem>>, vector<16xf32>,
      tpu.vector_store %arg19[%swap3A_922], %max3A_921 {strides = array<i32>} : memref<272xf32, #tpu.memory_space<vmem>>, vector<16xf32>,
      %get3A_924 = arith.index_cast %scan3A_373 : i32 to index
      %get3A_925 = arith.constant 240 : index
      %get3A_926 = tpu.vector_load %arg15[%get3A_924, %get3A_925] {strides = array<i32>} : memref<17x256xf32, #tpu.memory_space<vmem>>, vector<16xf32>,
      %mul3A_927 = arith.mulf %get3A_926, %get3A_378 : vector<16xf32>
      %add3A_928 = arith.constant 1 : i32
      %add3A_929 = arith.addi %scan3A_373, %add3A_928 : i32
      %get3A_930 = arith.index_cast %add3A_929 : i32 to index
      %get3A_931 = arith.constant 240 : index
      %get3A_932 = tpu.vector_load %arg15[%get3A_930, %get3A_931] {strides = array<i32>} : memref<17x256xf32, #tpu.memory_space<vmem>>, vector<16xf32>,
      %mul3A_933 = arith.mulf %get3A_932, %get3A_384 : vector<16xf32>
      %get3A_934 = arith.index_cast %scan3A_373 : i32 to index
      %get3A_935 = arith.constant 240 : index
      %get3A_936 = tpu.vector_load %arg16[%get3A_934, %get3A_935] {strides = array<i32>} : memref<17x256xf32, #tpu.memory_space<vmem>>, vector<16xf32>,
      %mul3A_937 = arith.mulf %mul3A_927, %get3A_936 : vector<16xf32>
      %add3A_938 = arith.constant 1 : i32
      %add3A_939 = arith.addi %scan3A_373, %add3A_938 : i32
      %get3A_940 = arith.index_cast %add3A_939 : i32 to index
      %get3A_941 = arith.constant 240 : index
      %get3A_942 = tpu.vector_load %arg16[%get3A_940, %get3A_941] {strides = array<i32>} : memref<17x256xf32, #tpu.memory_space<vmem>>, vector<16xf32>,
      %mul3A_943 = arith.mulf %mul3A_933, %get3A_942 : vector<16xf32>
      %max3A_944 = arith.maximumf %mul3A_937, %mul3A_943 : vector<16xf32>
      %swap3A_945 = arith.constant 240 : index
      %swap3A_946 = tpu.vector_load %arg18[%swap3A_945] {strides = array<i32>} : memref<272xf32, #tpu.memory_space<vmem>>, vector<16xf32>,
      tpu.vector_store %arg18[%swap3A_945], %max3A_944 {strides = array<i32>} : memref<272xf32, #tpu.memory_space<vmem>>, vector<16xf32>,
      %get3A_947 = arith.index_cast %scan3A_373 : i32 to index
      %get3A_948 = arith.constant 240 : index
      %get3A_949 = tpu.vector_load %arg17[%get3A_947, %get3A_948] {strides = array<i32>} : memref<17x256xf32, #tpu.memory_space<vmem>>, vector<16xf32>,
      %mul3A_950 = arith.mulf %mul3A_927, %get3A_949 : vector<16xf32>
      %add3A_951 = arith.constant 1 : i32
      %add3A_952 = arith.addi %scan3A_373, %add3A_951 : i32
      %get3A_953 = arith.index_cast %add3A_952 : i32 to index
      %get3A_954 = arith.constant 240 : index
      %get3A_955 = tpu.vector_load %arg17[%get3A_953, %get3A_954] {strides = array<i32>} : memref<17x256xf32, #tpu.memory_space<vmem>>, vector<16xf32>,
      %mul3A_956 = arith.mulf %mul3A_933, %get3A_955 : vector<16xf32>
      %max3A_957 = arith.maximumf %mul3A_950, %mul3A_956 : vector<16xf32>
      %swap3A_958 = arith.constant 240 : index
      %swap3A_959 = tpu.vector_load %arg19[%swap3A_958] {strides = array<i32>} : memref<272xf32, #tpu.memory_space<vmem>>, vector<16xf32>,
      tpu.vector_store %arg19[%swap3A_958], %max3A_957 {strides = array<i32>} : memref<272xf32, #tpu.memory_space<vmem>>, vector<16xf32>,
      %get3A_960 = arith.constant 0 : index
      %get3A_961 = tpu.vector_load %arg18[%get3A_960] {strides = array<i32>} : memref<272xf32, #tpu.memory_space<vmem>>, vector<16xf32>,
      %get3A_962 = arith.constant 0 : index
      %get3A_963 = tpu.vector_load %arg13[%get3A_962] {strides = array<i32>} : memref<272xf32, #tpu.memory_space<vmem>>, vector<16xf32>,
      %mul3A_964 = arith.mulf %get3A_961, %get3A_963 : vector<16xf32>
      %get3A_965 = arith.constant 1 : index
      %get3A_966 = tpu.vector_load %arg18[%get3A_965] {strides = array<i32>} : memref<272xf32, #tpu.memory_space<vmem>>, vector<16xf32>,
      %get3A_967 = arith.constant 1 : index
      %get3A_968 = tpu.vector_load %arg14[%get3A_967] {strides = array<i32>} : memref<272xf32, #tpu.memory_space<vmem>>, vector<16xf32>,
      %mul3A_969 = arith.mulf %get3A_966, %get3A_968 : vector<16xf32>
      %max3A_970 = arith.maximumf %mul3A_964, %mul3A_969 : vector<16xf32>
      %get3A_971 = arith.constant 0 : index
      %get3A_972 = tpu.vector_load %arg19[%get3A_971] {strides = array<i32>} : memref<272xf32, #tpu.memory_space<vmem>>, vector<16xf32>,
      %get3A_973 = arith.constant 0 : index
      %get3A_974 = tpu.vector_load %arg13[%get3A_973] {strides = array<i32>} : memref<272xf32, #tpu.memory_space<vmem>>, vector<16xf32>,
      %mul3A_975 = arith.mulf %get3A_972, %get3A_974 : vector<16xf32>
      %get3A_976 = arith.constant 1 : index
      %get3A_977 = tpu.vector_load %arg19[%get3A_976] {strides = array<i32>} : memref<272xf32, #tpu.memory_space<vmem>>, vector<16xf32>,
      %get3A_978 = arith.constant 1 : index
      %get3A_979 = tpu.vector_load %arg14[%get3A_978] {strides = array<i32>} : memref<272xf32, #tpu.memory_space<vmem>>, vector<16xf32>,
      %mul3A_980 = arith.mulf %get3A_977, %get3A_979 : vector<16xf32>
      %max3A_981 = arith.maximumf %mul3A_975, %mul3A_980 : vector<16xf32>
      %mul3A_982 = arith.mulf %max3A_970, %max3A_981 : vector<16xf32>
      %ne3A = arith.constant 0.000000e+00 : f32
      %ne3A_983 = vector.broadcast %ne3A : f32 to vector<16xf32>
      %ne3A_984 = arith.cmpf one, %mul3A_982, %ne3A_983 : vector<16xf32>
      %all_reduce_population_count3A = tpu.all_reduce %ne3A_984 {dim = 0 : i64, kind = #tpu.reduction_kind<sum>} : vector<16xi1> -> vector<16xi32>
      %add3A_985 = arith.addi %scan3A_374, %all_reduce_population_count3A : vector<16xi32>
      %max3A_986 = arith.maximumf %max3A_970, %max3A_981 : vector<16xf32>
      %ne3A_987 = arith.constant 0.000000e+00 : f32
      %ne3A_988 = vector.broadcast %ne3A_987 : f32 to vector<16xf32>
      %ne3A_989 = arith.cmpf one, %max3A_986, %ne3A_988 : vector<16xf32>
      %all_reduce_population_count3A_990 = tpu.all_reduce %ne3A_989 {dim = 0 : i64, kind = #tpu.reduction_kind<sum>} : vector<16xi1> -> vector<16xi32>
      %add3A_991 = arith.addi %scan3A_375, %all_reduce_population_count3A_990 : vector<16xi32>
      %get3A_992 = arith.constant 16 : index
      %get3A_993 = tpu.vector_load %arg18[%get3A_992] {strides = array<i32>} : memref<272xf32, #tpu.memory_space<vmem>>, vector<16xf32>,
      %get3A_994 = arith.constant 16 : index
      %get3A_995 = tpu.vector_load %arg13[%get3A_994] {strides = array<i32>} : memref<272xf32, #tpu.memory_space<vmem>>, vector<16xf32>,
      %mul3A_996 = arith.mulf %get3A_993, %get3A_995 : vector<16xf32>
      %get3A_997 = arith.constant 17 : index
      %get3A_998 = tpu.vector_load %arg18[%get3A_997] {strides = array<i32>} : memref<272xf32, #tpu.memory_space<vmem>>, vector<16xf32>,
      %get3A_999 = arith.constant 17 : index
      %get3A_1000 = tpu.vector_load %arg14[%get3A_999] {strides = array<i32>} : memref<272xf32, #tpu.memory_space<vmem>>, vector<16xf32>,
      %mul3A_1001 = arith.mulf %get3A_998, %get3A_1000 : vector<16xf32>
      %max3A_1002 = arith.maximumf %mul3A_996, %mul3A_1001 : vector<16xf32>
      %get3A_1003 = arith.constant 16 : index
      %get3A_1004 = tpu.vector_load %arg19[%get3A_1003] {strides = array<i32>} : memref<272xf32, #tpu.memory_space<vmem>>, vector<16xf32>,
      %get3A_1005 = arith.constant 16 : index
      %get3A_1006 = tpu.vector_load %arg13[%get3A_1005] {strides = array<i32>} : memref<272xf32, #tpu.memory_space<vmem>>, vector<16xf32>,
      %mul3A_1007 = arith.mulf %get3A_1004, %get3A_1006 : vector<16xf32>
      %get3A_1008 = arith.constant 17 : index
      %get3A_1009 = tpu.vector_load %arg19[%get3A_1008] {strides = array<i32>} : memref<272xf32, #tpu.memory_space<vmem>>, vector<16xf32>,
      %get3A_1010 = arith.constant 17 : index
      %get3A_1011 = tpu.vector_load %arg14[%get3A_1010] {strides = array<i32>} : memref<272xf32, #tpu.memory_space<vmem>>, vector<16xf32>,
      %mul3A_1012 = arith.mulf %get3A_1009, %get3A_1011 : vector<16xf32>
      %max3A_1013 = arith.maximumf %mul3A_1007, %mul3A_1012 : vector<16xf32>
      %mul3A_1014 = arith.mulf %max3A_1002, %max3A_1013 : vector<16xf32>
      %ne3A_1015 = arith.constant 0.000000e+00 : f32
      %ne3A_1016 = vector.broadcast %ne3A_1015 : f32 to vector<16xf32>
      %ne3A_1017 = arith.cmpf one, %mul3A_1014, %ne3A_1016 : vector<16xf32>
      %all_reduce_population_count3A_1018 = tpu.all_reduce %ne3A_1017 {dim = 0 : i64, kind = #tpu.reduction_kind<sum>} : vector<16xi1> -> vector<16xi32>
      %add3A_1019 = arith.addi %add3A_985, %all_reduce_population_count3A_1018 : vector<16xi32>
      %max3A_1020 = arith.maximumf %max3A_1002, %max3A_1013 : vector<16xf32>
      %ne3A_1021 = arith.constant 0.000000e+00 : f32
      %ne3A_1022 = vector.broadcast %ne3A_1021 : f32 to vector<16xf32>
      %ne3A_1023 = arith.cmpf one, %max3A_1020, %ne3A_1022 : vector<16xf32>
      %all_reduce_population_count3A_1024 = tpu.all_reduce %ne3A_1023 {dim = 0 : i64, kind = #tpu.reduction_kind<sum>} : vector<16xi1> -> vector<16xi32>
      %add3A_1025 = arith.addi %add3A_991, %all_reduce_population_count3A_1024 : vector<16xi32>
      %get3A_1026 = arith.constant 32 : index
      %get3A_1027 = tpu.vector_load %arg18[%get3A_1026] {strides = array<i32>} : memref<272xf32, #tpu.memory_space<vmem>>, vector<16xf32>,
      %get3A_1028 = arith.constant 32 : index
      %get3A_1029 = tpu.vector_load %arg13[%get3A_1028] {strides = array<i32>} : memref<272xf32, #tpu.memory_space<vmem>>, vector<16xf32>,
      %mul3A_1030 = arith.mulf %get3A_1027, %get3A_1029 : vector<16xf32>
      %get3A_1031 = arith.constant 33 : index
      %get3A_1032 = tpu.vector_load %arg18[%get3A_1031] {strides = array<i32>} : memref<272xf32, #tpu.memory_space<vmem>>, vector<16xf32>,
      %get3A_1033 = arith.constant 33 : index
      %get3A_1034 = tpu.vector_load %arg14[%get3A_1033] {strides = array<i32>} : memref<272xf32, #tpu.memory_space<vmem>>, vector<16xf32>,
      %mul3A_1035 = arith.mulf %get3A_1032, %get3A_1034 : vector<16xf32>
      %max3A_1036 = arith.maximumf %mul3A_1030, %mul3A_1035 : vector<16xf32>
      %get3A_1037 = arith.constant 32 : index
      %get3A_1038 = tpu.vector_load %arg19[%get3A_1037] {strides = array<i32>} : memref<272xf32, #tpu.memory_space<vmem>>, vector<16xf32>,
      %get3A_1039 = arith.constant 32 : index
      %get3A_1040 = tpu.vector_load %arg13[%get3A_1039] {strides = array<i32>} : memref<272xf32, #tpu.memory_space<vmem>>, vector<16xf32>,
      %mul3A_1041 = arith.mulf %get3A_1038, %get3A_1040 : vector<16xf32>
      %get3A_1042 = arith.constant 33 : index
      %get3A_1043 = tpu.vector_load %arg19[%get3A_1042] {strides = array<i32>} : memref<272xf32, #tpu.memory_space<vmem>>, vector<16xf32>,
      %get3A_1044 = arith.constant 33 : index
      %get3A_1045 = tpu.vector_load %arg14[%get3A_1044] {strides = array<i32>} : memref<272xf32, #tpu.memory_space<vmem>>, vector<16xf32>,
      %mul3A_1046 = arith.mulf %get3A_1043, %get3A_1045 : vector<16xf32>
      %max3A_1047 = arith.maximumf %mul3A_1041, %mul3A_1046 : vector<16xf32>
      %mul3A_1048 = arith.mulf %max3A_1036, %max3A_1047 : vector<16xf32>
      %ne3A_1049 = arith.constant 0.000000e+00 : f32
      %ne3A_1050 = vector.broadcast %ne3A_1049 : f32 to vector<16xf32>
      %ne3A_1051 = arith.cmpf one, %mul3A_1048, %ne3A_1050 : vector<16xf32>
      %all_reduce_population_count3A_1052 = tpu.all_reduce %ne3A_1051 {dim = 0 : i64, kind = #tpu.reduction_kind<sum>} : vector<16xi1> -> vector<16xi32>
      %add3A_1053 = arith.addi %add3A_1019, %all_reduce_population_count3A_1052 : vector<16xi32>
      %max3A_1054 = arith.maximumf %max3A_1036, %max3A_1047 : vector<16xf32>
      %ne3A_1055 = arith.constant 0.000000e+00 : f32
      %ne3A_1056 = vector.broadcast %ne3A_1055 : f32 to vector<16xf32>
      %ne3A_1057 = arith.cmpf one, %max3A_1054, %ne3A_1056 : vector<16xf32>
      %all_reduce_population_count3A_1058 = tpu.all_reduce %ne3A_1057 {dim = 0 : i64, kind = #tpu.reduction_kind<sum>} : vector<16xi1> -> vector<16xi32>
      %add3A_1059 = arith.addi %add3A_1025, %all_reduce_population_count3A_1058 : vector<16xi32>
      %get3A_1060 = arith.constant 48 : index
      %get3A_1061 = tpu.vector_load %arg18[%get3A_1060] {strides = array<i32>} : memref<272xf32, #tpu.memory_space<vmem>>, vector<16xf32>,
      %get3A_1062 = arith.constant 48 : index
      %get3A_1063 = tpu.vector_load %arg13[%get3A_1062] {strides = array<i32>} : memref<272xf32, #tpu.memory_space<vmem>>, vector<16xf32>,
      %mul3A_1064 = arith.mulf %get3A_1061, %get3A_1063 : vector<16xf32>
      %get3A_1065 = arith.constant 49 : index
      %get3A_1066 = tpu.vector_load %arg18[%get3A_1065] {strides = array<i32>} : memref<272xf32, #tpu.memory_space<vmem>>, vector<16xf32>,
      %get3A_1067 = arith.constant 49 : index
      %get3A_1068 = tpu.vector_load %arg14[%get3A_1067] {strides = array<i32>} : memref<272xf32, #tpu.memory_space<vmem>>, vector<16xf32>,
      %mul3A_1069 = arith.mulf %get3A_1066, %get3A_1068 : vector<16xf32>
      %max3A_1070 = arith.maximumf %mul3A_1064, %mul3A_1069 : vector<16xf32>
      %get3A_1071 = arith.constant 48 : index
      %get3A_1072 = tpu.vector_load %arg19[%get3A_1071] {strides = array<i32>} : memref<272xf32, #tpu.memory_space<vmem>>, vector<16xf32>,
      %get3A_1073 = arith.constant 48 : index
      %get3A_1074 = tpu.vector_load %arg13[%get3A_1073] {strides = array<i32>} : memref<272xf32, #tpu.memory_space<vmem>>, vector<16xf32>,
      %mul3A_1075 = arith.mulf %get3A_1072, %get3A_1074 : vector<16xf32>
      %get3A_1076 = arith.constant 49 : index
      %get3A_1077 = tpu.vector_load %arg19[%get3A_1076] {strides = array<i32>} : memref<272xf32, #tpu.memory_space<vmem>>, vector<16xf32>,
      %get3A_1078 = arith.constant 49 : index
      %get3A_1079 = tpu.vector_load %arg14[%get3A_1078] {strides = array<i32>} : memref<272xf32, #tpu.memory_space<vmem>>, vector<16xf32>,
      %mul3A_1080 = arith.mulf %get3A_1077, %get3A_1079 : vector<16xf32>
      %max3A_1081 = arith.maximumf %mul3A_1075, %mul3A_1080 : vector<16xf32>
      %mul3A_1082 = arith.mulf %max3A_1070, %max3A_1081 : vector<16xf32>
      %ne3A_1083 = arith.constant 0.000000e+00 : f32
      %ne3A_1084 = vector.broadcast %ne3A_1083 : f32 to vector<16xf32>
      %ne3A_1085 = arith.cmpf one, %mul3A_1082, %ne3A_1084 : vector<16xf32>
      %all_reduce_population_count3A_1086 = tpu.all_reduce %ne3A_1085 {dim = 0 : i64, kind = #tpu.reduction_kind<sum>} : vector<16xi1> -> vector<16xi32>
      %add3A_1087 = arith.addi %add3A_1053, %all_reduce_population_count3A_1086 : vector<16xi32>
      %max3A_1088 = arith.maximumf %max3A_1070, %max3A_1081 : vector<16xf32>
      %ne3A_1089 = arith.constant 0.000000e+00 : f32
      %ne3A_1090 = vector.broadcast %ne3A_1089 : f32 to vector<16xf32>
      %ne3A_1091 = arith.cmpf one, %max3A_1088, %ne3A_1090 : vector<16xf32>
      %all_reduce_population_count3A_1092 = tpu.all_reduce %ne3A_1091 {dim = 0 : i64, kind = #tpu.reduction_kind<sum>} : vector<16xi1> -> vector<16xi32>
      %add3A_1093 = arith.addi %add3A_1059, %all_reduce_population_count3A_1092 : vector<16xi32>
      %get3A_1094 = arith.constant 64 : index
      %get3A_1095 = tpu.vector_load %arg18[%get3A_1094] {strides = array<i32>} : memref<272xf32, #tpu.memory_space<vmem>>, vector<16xf32>,
      %get3A_1096 = arith.constant 64 : index
      %get3A_1097 = tpu.vector_load %arg13[%get3A_1096] {strides = array<i32>} : memref<272xf32, #tpu.memory_space<vmem>>, vector<16xf32>,
      %mul3A_1098 = arith.mulf %get3A_1095, %get3A_1097 : vector<16xf32>
      %get3A_1099 = arith.constant 65 : index
      %get3A_1100 = tpu.vector_load %arg18[%get3A_1099] {strides = array<i32>} : memref<272xf32, #tpu.memory_space<vmem>>, vector<16xf32>,
      %get3A_1101 = arith.constant 65 : index
      %get3A_1102 = tpu.vector_load %arg14[%get3A_1101] {strides = array<i32>} : memref<272xf32, #tpu.memory_space<vmem>>, vector<16xf32>,
      %mul3A_1103 = arith.mulf %get3A_1100, %get3A_1102 : vector<16xf32>
      %max3A_1104 = arith.maximumf %mul3A_1098, %mul3A_1103 : vector<16xf32>
      %get3A_1105 = arith.constant 64 : index
      %get3A_1106 = tpu.vector_load %arg19[%get3A_1105] {strides = array<i32>} : memref<272xf32, #tpu.memory_space<vmem>>, vector<16xf32>,
      %get3A_1107 = arith.constant 64 : index
      %get3A_1108 = tpu.vector_load %arg13[%get3A_1107] {strides = array<i32>} : memref<272xf32, #tpu.memory_space<vmem>>, vector<16xf32>,
      %mul3A_1109 = arith.mulf %get3A_1106, %get3A_1108 : vector<16xf32>
      %get3A_1110 = arith.constant 65 : index
      %get3A_1111 = tpu.vector_load %arg19[%get3A_1110] {strides = array<i32>} : memref<272xf32, #tpu.memory_space<vmem>>, vector<16xf32>,
      %get3A_1112 = arith.constant 65 : index
      %get3A_1113 = tpu.vector_load %arg14[%get3A_1112] {strides = array<i32>} : memref<272xf32, #tpu.memory_space<vmem>>, vector<16xf32>,
      %mul3A_1114 = arith.mulf %get3A_1111, %get3A_1113 : vector<16xf32>
      %max3A_1115 = arith.maximumf %mul3A_1109, %mul3A_1114 : vector<16xf32>
      %mul3A_1116 = arith.mulf %max3A_1104, %max3A_1115 : vector<16xf32>
      %ne3A_1117 = arith.constant 0.000000e+00 : f32
      %ne3A_1118 = vector.broadcast %ne3A_1117 : f32 to vector<16xf32>
      %ne3A_1119 = arith.cmpf one, %mul3A_1116, %ne3A_1118 : vector<16xf32>
      %all_reduce_population_count3A_1120 = tpu.all_reduce %ne3A_1119 {dim = 0 : i64, kind = #tpu.reduction_kind<sum>} : vector<16xi1> -> vector<16xi32>
      %add3A_1121 = arith.addi %add3A_1087, %all_reduce_population_count3A_1120 : vector<16xi32>
      %max3A_1122 = arith.maximumf %max3A_1104, %max3A_1115 : vector<16xf32>
      %ne3A_1123 = arith.constant 0.000000e+00 : f32
      %ne3A_1124 = vector.broadcast %ne3A_1123 : f32 to vector<16xf32>
      %ne3A_1125 = arith.cmpf one, %max3A_1122, %ne3A_1124 : vector<16xf32>
      %all_reduce_population_count3A_1126 = tpu.all_reduce %ne3A_1125 {dim = 0 : i64, kind = #tpu.reduction_kind<sum>} : vector<16xi1> -> vector<16xi32>
      %add3A_1127 = arith.addi %add3A_1093, %all_reduce_population_count3A_1126 : vector<16xi32>
      %get3A_1128 = arith.constant 80 : index
      %get3A_1129 = tpu.vector_load %arg18[%get3A_1128] {strides = array<i32>} : memref<272xf32, #tpu.memory_space<vmem>>, vector<16xf32>,
      %get3A_1130 = arith.constant 80 : index
      %get3A_1131 = tpu.vector_load %arg13[%get3A_1130] {strides = array<i32>} : memref<272xf32, #tpu.memory_space<vmem>>, vector<16xf32>,
      %mul3A_1132 = arith.mulf %get3A_1129, %get3A_1131 : vector<16xf32>
      %get3A_1133 = arith.constant 81 : index
      %get3A_1134 = tpu.vector_load %arg18[%get3A_1133] {strides = array<i32>} : memref<272xf32, #tpu.memory_space<vmem>>, vector<16xf32>,
      %get3A_1135 = arith.constant 81 : index
      %get3A_1136 = tpu.vector_load %arg14[%get3A_1135] {strides = array<i32>} : memref<272xf32, #tpu.memory_space<vmem>>, vector<16xf32>,
      %mul3A_1137 = arith.mulf %get3A_1134, %get3A_1136 : vector<16xf32>
      %max3A_1138 = arith.maximumf %mul3A_1132, %mul3A_1137 : vector<16xf32>
      %get3A_1139 = arith.constant 80 : index
      %get3A_1140 = tpu.vector_load %arg19[%get3A_1139] {strides = array<i32>} : memref<272xf32, #tpu.memory_space<vmem>>, vector<16xf32>,
      %get3A_1141 = arith.constant 80 : index
      %get3A_1142 = tpu.vector_load %arg13[%get3A_1141] {strides = array<i32>} : memref<272xf32, #tpu.memory_space<vmem>>, vector<16xf32>,
      %mul3A_1143 = arith.mulf %get3A_1140, %get3A_1142 : vector<16xf32>
      %get3A_1144 = arith.constant 81 : index
      %get3A_1145 = tpu.vector_load %arg19[%get3A_1144] {strides = array<i32>} : memref<272xf32, #tpu.memory_space<vmem>>, vector<16xf32>,
      %get3A_1146 = arith.constant 81 : index
      %get3A_1147 = tpu.vector_load %arg14[%get3A_1146] {strides = array<i32>} : memref<272xf32, #tpu.memory_space<vmem>>, vector<16xf32>,
      %mul3A_1148 = arith.mulf %get3A_1145, %get3A_1147 : vector<16xf32>
      %max3A_1149 = arith.maximumf %mul3A_1143, %mul3A_1148 : vector<16xf32>
      %mul3A_1150 = arith.mulf %max3A_1138, %max3A_1149 : vector<16xf32>
      %ne3A_1151 = arith.constant 0.000000e+00 : f32
      %ne3A_1152 = vector.broadcast %ne3A_1151 : f32 to vector<16xf32>
      %ne3A_1153 = arith.cmpf one, %mul3A_1150, %ne3A_1152 : vector<16xf32>
      %all_reduce_population_count3A_1154 = tpu.all_reduce %ne3A_1153 {dim = 0 : i64, kind = #tpu.reduction_kind<sum>} : vector<16xi1> -> vector<16xi32>
      %add3A_1155 = arith.addi %add3A_1121, %all_reduce_population_count3A_1154 : vector<16xi32>
      %max3A_1156 = arith.maximumf %max3A_1138, %max3A_1149 : vector<16xf32>
      %ne3A_1157 = arith.constant 0.000000e+00 : f32
      %ne3A_1158 = vector.broadcast %ne3A_1157 : f32 to vector<16xf32>
      %ne3A_1159 = arith.cmpf one, %max3A_1156, %ne3A_1158 : vector<16xf32>
      %all_reduce_population_count3A_1160 = tpu.all_reduce %ne3A_1159 {dim = 0 : i64, kind = #tpu.reduction_kind<sum>} : vector<16xi1> -> vector<16xi32>
      %add3A_1161 = arith.addi %add3A_1127, %all_reduce_population_count3A_1160 : vector<16xi32>
      %get3A_1162 = arith.constant 96 : index
      %get3A_1163 = tpu.vector_load %arg18[%get3A_1162] {strides = array<i32>} : memref<272xf32, #tpu.memory_space<vmem>>, vector<16xf32>,
      %get3A_1164 = arith.constant 96 : index
      %get3A_1165 = tpu.vector_load %arg13[%get3A_1164] {strides = array<i32>} : memref<272xf32, #tpu.memory_space<vmem>>, vector<16xf32>,
      %mul3A_1166 = arith.mulf %get3A_1163, %get3A_1165 : vector<16xf32>
      %get3A_1167 = arith.constant 97 : index
      %get3A_1168 = tpu.vector_load %arg18[%get3A_1167] {strides = array<i32>} : memref<272xf32, #tpu.memory_space<vmem>>, vector<16xf32>,
      %get3A_1169 = arith.constant 97 : index
      %get3A_1170 = tpu.vector_load %arg14[%get3A_1169] {strides = array<i32>} : memref<272xf32, #tpu.memory_space<vmem>>, vector<16xf32>,
      %mul3A_1171 = arith.mulf %get3A_1168, %get3A_1170 : vector<16xf32>
      %max3A_1172 = arith.maximumf %mul3A_1166, %mul3A_1171 : vector<16xf32>
      %get3A_1173 = arith.constant 96 : index
      %get3A_1174 = tpu.vector_load %arg19[%get3A_1173] {strides = array<i32>} : memref<272xf32, #tpu.memory_space<vmem>>, vector<16xf32>,
      %get3A_1175 = arith.constant 96 : index
      %get3A_1176 = tpu.vector_load %arg13[%get3A_1175] {strides = array<i32>} : memref<272xf32, #tpu.memory_space<vmem>>, vector<16xf32>,
      %mul3A_1177 = arith.mulf %get3A_1174, %get3A_1176 : vector<16xf32>
      %get3A_1178 = arith.constant 97 : index
      %get3A_1179 = tpu.vector_load %arg19[%get3A_1178] {strides = array<i32>} : memref<272xf32, #tpu.memory_space<vmem>>, vector<16xf32>,
      %get3A_1180 = arith.constant 97 : index
      %get3A_1181 = tpu.vector_load %arg14[%get3A_1180] {strides = array<i32>} : memref<272xf32, #tpu.memory_space<vmem>>, vector<16xf32>,
      %mul3A_1182 = arith.mulf %get3A_1179, %get3A_1181 : vector<16xf32>
      %max3A_1183 = arith.maximumf %mul3A_1177, %mul3A_1182 : vector<16xf32>
      %mul3A_1184 = arith.mulf %max3A_1172, %max3A_1183 : vector<16xf32>
      %ne3A_1185 = arith.constant 0.000000e+00 : f32
      %ne3A_1186 = vector.broadcast %ne3A_1185 : f32 to vector<16xf32>
      %ne3A_1187 = arith.cmpf one, %mul3A_1184, %ne3A_1186 : vector<16xf32>
      %all_reduce_population_count3A_1188 = tpu.all_reduce %ne3A_1187 {dim = 0 : i64, kind = #tpu.reduction_kind<sum>} : vector<16xi1> -> vector<16xi32>
      %add3A_1189 = arith.addi %add3A_1155, %all_reduce_population_count3A_1188 : vector<16xi32>
      %max3A_1190 = arith.maximumf %max3A_1172, %max3A_1183 : vector<16xf32>
      %ne3A_1191 = arith.constant 0.000000e+00 : f32
      %ne3A_1192 = vector.broadcast %ne3A_1191 : f32 to vector<16xf32>
      %ne3A_1193 = arith.cmpf one, %max3A_1190, %ne3A_1192 : vector<16xf32>
      %all_reduce_population_count3A_1194 = tpu.all_reduce %ne3A_1193 {dim = 0 : i64, kind = #tpu.reduction_kind<sum>} : vector<16xi1> -> vector<16xi32>
      %add3A_1195 = arith.addi %add3A_1161, %all_reduce_population_count3A_1194 : vector<16xi32>
      %get3A_1196 = arith.constant 112 : index
      %get3A_1197 = tpu.vector_load %arg18[%get3A_1196] {strides = array<i32>} : memref<272xf32, #tpu.memory_space<vmem>>, vector<16xf32>,
      %get3A_1198 = arith.constant 112 : index
      %get3A_1199 = tpu.vector_load %arg13[%get3A_1198] {strides = array<i32>} : memref<272xf32, #tpu.memory_space<vmem>>, vector<16xf32>,
      %mul3A_1200 = arith.mulf %get3A_1197, %get3A_1199 : vector<16xf32>
      %get3A_1201 = arith.constant 113 : index
      %get3A_1202 = tpu.vector_load %arg18[%get3A_1201] {strides = array<i32>} : memref<272xf32, #tpu.memory_space<vmem>>, vector<16xf32>,
      %get3A_1203 = arith.constant 113 : index
      %get3A_1204 = tpu.vector_load %arg14[%get3A_1203] {strides = array<i32>} : memref<272xf32, #tpu.memory_space<vmem>>, vector<16xf32>,
      %mul3A_1205 = arith.mulf %get3A_1202, %get3A_1204 : vector<16xf32>
      %max3A_1206 = arith.maximumf %mul3A_1200, %mul3A_1205 : vector<16xf32>
      %get3A_1207 = arith.constant 112 : index
      %get3A_1208 = tpu.vector_load %arg19[%get3A_1207] {strides = array<i32>} : memref<272xf32, #tpu.memory_space<vmem>>, vector<16xf32>,
      %get3A_1209 = arith.constant 112 : index
      %get3A_1210 = tpu.vector_load %arg13[%get3A_1209] {strides = array<i32>} : memref<272xf32, #tpu.memory_space<vmem>>, vector<16xf32>,
      %mul3A_1211 = arith.mulf %get3A_1208, %get3A_1210 : vector<16xf32>
      %get3A_1212 = arith.constant 113 : index
      %get3A_1213 = tpu.vector_load %arg19[%get3A_1212] {strides = array<i32>} : memref<272xf32, #tpu.memory_space<vmem>>, vector<16xf32>,
      %get3A_1214 = arith.constant 113 : index
      %get3A_1215 = tpu.vector_load %arg14[%get3A_1214] {strides = array<i32>} : memref<272xf32, #tpu.memory_space<vmem>>, vector<16xf32>,
      %mul3A_1216 = arith.mulf %get3A_1213, %get3A_1215 : vector<16xf32>
      %max3A_1217 = arith.maximumf %mul3A_1211, %mul3A_1216 : vector<16xf32>
      %mul3A_1218 = arith.mulf %max3A_1206, %max3A_1217 : vector<16xf32>
      %ne3A_1219 = arith.constant 0.000000e+00 : f32
      %ne3A_1220 = vector.broadcast %ne3A_1219 : f32 to vector<16xf32>
      %ne3A_1221 = arith.cmpf one, %mul3A_1218, %ne3A_1220 : vector<16xf32>
      %all_reduce_population_count3A_1222 = tpu.all_reduce %ne3A_1221 {dim = 0 : i64, kind = #tpu.reduction_kind<sum>} : vector<16xi1> -> vector<16xi32>
      %add3A_1223 = arith.addi %add3A_1189, %all_reduce_population_count3A_1222 : vector<16xi32>
      %max3A_1224 = arith.maximumf %max3A_1206, %max3A_1217 : vector<16xf32>
      %ne3A_1225 = arith.constant 0.000000e+00 : f32
      %ne3A_1226 = vector.broadcast %ne3A_1225 : f32 to vector<16xf32>
      %ne3A_1227 = arith.cmpf one, %max3A_1224, %ne3A_1226 : vector<16xf32>
      %all_reduce_population_count3A_1228 = tpu.all_reduce %ne3A_1227 {dim = 0 : i64, kind = #tpu.reduction_kind<sum>} : vector<16xi1> -> vector<16xi32>
      %add3A_1229 = arith.addi %add3A_1195, %all_reduce_population_count3A_1228 : vector<16xi32>
      %get3A_1230 = arith.constant 128 : index
      %get3A_1231 = tpu.vector_load %arg18[%get3A_1230] {strides = array<i32>} : memref<272xf32, #tpu.memory_space<vmem>>, vector<16xf32>,
      %get3A_1232 = arith.constant 128 : index
      %get3A_1233 = tpu.vector_load %arg13[%get3A_1232] {strides = array<i32>} : memref<272xf32, #tpu.memory_space<vmem>>, vector<16xf32>,
      %mul3A_1234 = arith.mulf %get3A_1231, %get3A_1233 : vector<16xf32>
      %get3A_1235 = arith.constant 129 : index
      %get3A_1236 = tpu.vector_load %arg18[%get3A_1235] {strides = array<i32>} : memref<272xf32, #tpu.memory_space<vmem>>, vector<16xf32>,
      %get3A_1237 = arith.constant 129 : index
      %get3A_1238 = tpu.vector_load %arg14[%get3A_1237] {strides = array<i32>} : memref<272xf32, #tpu.memory_space<vmem>>, vector<16xf32>,
      %mul3A_1239 = arith.mulf %get3A_1236, %get3A_1238 : vector<16xf32>
      %max3A_1240 = arith.maximumf %mul3A_1234, %mul3A_1239 : vector<16xf32>
      %get3A_1241 = arith.constant 128 : index
      %get3A_1242 = tpu.vector_load %arg19[%get3A_1241] {strides = array<i32>} : memref<272xf32, #tpu.memory_space<vmem>>, vector<16xf32>,
      %get3A_1243 = arith.constant 128 : index
      %get3A_1244 = tpu.vector_load %arg13[%get3A_1243] {strides = array<i32>} : memref<272xf32, #tpu.memory_space<vmem>>, vector<16xf32>,
      %mul3A_1245 = arith.mulf %get3A_1242, %get3A_1244 : vector<16xf32>
      %get3A_1246 = arith.constant 129 : index
      %get3A_1247 = tpu.vector_load %arg19[%get3A_1246] {strides = array<i32>} : memref<272xf32, #tpu.memory_space<vmem>>, vector<16xf32>,
      %get3A_1248 = arith.constant 129 : index
      %get3A_1249 = tpu.vector_load %arg14[%get3A_1248] {strides = array<i32>} : memref<272xf32, #tpu.memory_space<vmem>>, vector<16xf32>,
      %mul3A_1250 = arith.mulf %get3A_1247, %get3A_1249 : vector<16xf32>
      %max3A_1251 = arith.maximumf %mul3A_1245, %mul3A_1250 : vector<16xf32>
      %mul3A_1252 = arith.mulf %max3A_1240, %max3A_1251 : vector<16xf32>
      %ne3A_1253 = arith.constant 0.000000e+00 : f32
      %ne3A_1254 = vector.broadcast %ne3A_1253 : f32 to vector<16xf32>
      %ne3A_1255 = arith.cmpf one, %mul3A_1252, %ne3A_1254 : vector<16xf32>
      %all_reduce_population_count3A_1256 = tpu.all_reduce %ne3A_1255 {dim = 0 : i64, kind = #tpu.reduction_kind<sum>} : vector<16xi1> -> vector<16xi32>
      %add3A_1257 = arith.addi %add3A_1223, %all_reduce_population_count3A_1256 : vector<16xi32>
      %max3A_1258 = arith.maximumf %max3A_1240, %max3A_1251 : vector<16xf32>
      %ne3A_1259 = arith.constant 0.000000e+00 : f32
      %ne3A_1260 = vector.broadcast %ne3A_1259 : f32 to vector<16xf32>
      %ne3A_1261 = arith.cmpf one, %max3A_1258, %ne3A_1260 : vector<16xf32>
      %all_reduce_population_count3A_1262 = tpu.all_reduce %ne3A_1261 {dim = 0 : i64, kind = #tpu.reduction_kind<sum>} : vector<16xi1> -> vector<16xi32>
      %add3A_1263 = arith.addi %add3A_1229, %all_reduce_population_count3A_1262 : vector<16xi32>
      %get3A_1264 = arith.constant 144 : index
      %get3A_1265 = tpu.vector_load %arg18[%get3A_1264] {strides = array<i32>} : memref<272xf32, #tpu.memory_space<vmem>>, vector<16xf32>,
      %get3A_1266 = arith.constant 144 : index
      %get3A_1267 = tpu.vector_load %arg13[%get3A_1266] {strides = array<i32>} : memref<272xf32, #tpu.memory_space<vmem>>, vector<16xf32>,
      %mul3A_1268 = arith.mulf %get3A_1265, %get3A_1267 : vector<16xf32>
      %get3A_1269 = arith.constant 145 : index
      %get3A_1270 = tpu.vector_load %arg18[%get3A_1269] {strides = array<i32>} : memref<272xf32, #tpu.memory_space<vmem>>, vector<16xf32>,
      %get3A_1271 = arith.constant 145 : index
      %get3A_1272 = tpu.vector_load %arg14[%get3A_1271] {strides = array<i32>} : memref<272xf32, #tpu.memory_space<vmem>>, vector<16xf32>,
      %mul3A_1273 = arith.mulf %get3A_1270, %get3A_1272 : vector<16xf32>
      %max3A_1274 = arith.maximumf %mul3A_1268, %mul3A_1273 : vector<16xf32>
      %get3A_1275 = arith.constant 144 : index
      %get3A_1276 = tpu.vector_load %arg19[%get3A_1275] {strides = array<i32>} : memref<272xf32, #tpu.memory_space<vmem>>, vector<16xf32>,
      %get3A_1277 = arith.constant 144 : index
      %get3A_1278 = tpu.vector_load %arg13[%get3A_1277] {strides = array<i32>} : memref<272xf32, #tpu.memory_space<vmem>>, vector<16xf32>,
      %mul3A_1279 = arith.mulf %get3A_1276, %get3A_1278 : vector<16xf32>
      %get3A_1280 = arith.constant 145 : index
      %get3A_1281 = tpu.vector_load %arg19[%get3A_1280] {strides = array<i32>} : memref<272xf32, #tpu.memory_space<vmem>>, vector<16xf32>,
      %get3A_1282 = arith.constant 145 : index
      %get3A_1283 = tpu.vector_load %arg14[%get3A_1282] {strides = array<i32>} : memref<272xf32, #tpu.memory_space<vmem>>, vector<16xf32>,
      %mul3A_1284 = arith.mulf %get3A_1281, %get3A_1283 : vector<16xf32>
      %max3A_1285 = arith.maximumf %mul3A_1279, %mul3A_1284 : vector<16xf32>
      %mul3A_1286 = arith.mulf %max3A_1274, %max3A_1285 : vector<16xf32>
      %ne3A_1287 = arith.constant 0.000000e+00 : f32
      %ne3A_1288 = vector.broadcast %ne3A_1287 : f32 to vector<16xf32>
      %ne3A_1289 = arith.cmpf one, %mul3A_1286, %ne3A_1288 : vector<16xf32>
      %all_reduce_population_count3A_1290 = tpu.all_reduce %ne3A_1289 {dim = 0 : i64, kind = #tpu.reduction_kind<sum>} : vector<16xi1> -> vector<16xi32>
      %add3A_1291 = arith.addi %add3A_1257, %all_reduce_population_count3A_1290 : vector<16xi32>
      %max3A_1292 = arith.maximumf %max3A_1274, %max3A_1285 : vector<16xf32>
      %ne3A_1293 = arith.constant 0.000000e+00 : f32
      %ne3A_1294 = vector.broadcast %ne3A_1293 : f32 to vector<16xf32>
      %ne3A_1295 = arith.cmpf one, %max3A_1292, %ne3A_1294 : vector<16xf32>
      %all_reduce_population_count3A_1296 = tpu.all_reduce %ne3A_1295 {dim = 0 : i64, kind = #tpu.reduction_kind<sum>} : vector<16xi1> -> vector<16xi32>
      %add3A_1297 = arith.addi %add3A_1263, %all_reduce_population_count3A_1296 : vector<16xi32>
      %get3A_1298 = arith.constant 160 : index
      %get3A_1299 = tpu.vector_load %arg18[%get3A_1298] {strides = array<i32>} : memref<272xf32, #tpu.memory_space<vmem>>, vector<16xf32>,
      %get3A_1300 = arith.constant 160 : index
      %get3A_1301 = tpu.vector_load %arg13[%get3A_1300] {strides = array<i32>} : memref<272xf32, #tpu.memory_space<vmem>>, vector<16xf32>,
      %mul3A_1302 = arith.mulf %get3A_1299, %get3A_1301 : vector<16xf32>
      %get3A_1303 = arith.constant 161 : index
      %get3A_1304 = tpu.vector_load %arg18[%get3A_1303] {strides = array<i32>} : memref<272xf32, #tpu.memory_space<vmem>>, vector<16xf32>,
      %get3A_1305 = arith.constant 161 : index
      %get3A_1306 = tpu.vector_load %arg14[%get3A_1305] {strides = array<i32>} : memref<272xf32, #tpu.memory_space<vmem>>, vector<16xf32>,
      %mul3A_1307 = arith.mulf %get3A_1304, %get3A_1306 : vector<16xf32>
      %max3A_1308 = arith.maximumf %mul3A_1302, %mul3A_1307 : vector<16xf32>
      %get3A_1309 = arith.constant 160 : index
      %get3A_1310 = tpu.vector_load %arg19[%get3A_1309] {strides = array<i32>} : memref<272xf32, #tpu.memory_space<vmem>>, vector<16xf32>,
      %get3A_1311 = arith.constant 160 : index
      %get3A_1312 = tpu.vector_load %arg13[%get3A_1311] {strides = array<i32>} : memref<272xf32, #tpu.memory_space<vmem>>, vector<16xf32>,
      %mul3A_1313 = arith.mulf %get3A_1310, %get3A_1312 : vector<16xf32>
      %get3A_1314 = arith.constant 161 : index
      %get3A_1315 = tpu.vector_load %arg19[%get3A_1314] {strides = array<i32>} : memref<272xf32, #tpu.memory_space<vmem>>, vector<16xf32>,
      %get3A_1316 = arith.constant 161 : index
      %get3A_1317 = tpu.vector_load %arg14[%get3A_1316] {strides = array<i32>} : memref<272xf32, #tpu.memory_space<vmem>>, vector<16xf32>,
      %mul3A_1318 = arith.mulf %get3A_1315, %get3A_1317 : vector<16xf32>
      %max3A_1319 = arith.maximumf %mul3A_1313, %mul3A_1318 : vector<16xf32>
      %mul3A_1320 = arith.mulf %max3A_1308, %max3A_1319 : vector<16xf32>
      %ne3A_1321 = arith.constant 0.000000e+00 : f32
      %ne3A_1322 = vector.broadcast %ne3A_1321 : f32 to vector<16xf32>
      %ne3A_1323 = arith.cmpf one, %mul3A_1320, %ne3A_1322 : vector<16xf32>
      %all_reduce_population_count3A_1324 = tpu.all_reduce %ne3A_1323 {dim = 0 : i64, kind = #tpu.reduction_kind<sum>} : vector<16xi1> -> vector<16xi32>
      %add3A_1325 = arith.addi %add3A_1291, %all_reduce_population_count3A_1324 : vector<16xi32>
      %max3A_1326 = arith.maximumf %max3A_1308, %max3A_1319 : vector<16xf32>
      %ne3A_1327 = arith.constant 0.000000e+00 : f32
      %ne3A_1328 = vector.broadcast %ne3A_1327 : f32 to vector<16xf32>
      %ne3A_1329 = arith.cmpf one, %max3A_1326, %ne3A_1328 : vector<16xf32>
      %all_reduce_population_count3A_1330 = tpu.all_reduce %ne3A_1329 {dim = 0 : i64, kind = #tpu.reduction_kind<sum>} : vector<16xi1> -> vector<16xi32>
      %add3A_1331 = arith.addi %add3A_1297, %all_reduce_population_count3A_1330 : vector<16xi32>
      %get3A_1332 = arith.constant 176 : index
      %get3A_1333 = tpu.vector_load %arg18[%get3A_1332] {strides = array<i32>} : memref<272xf32, #tpu.memory_space<vmem>>, vector<16xf32>,
      %get3A_1334 = arith.constant 176 : index
      %get3A_1335 = tpu.vector_load %arg13[%get3A_1334] {strides = array<i32>} : memref<272xf32, #tpu.memory_space<vmem>>, vector<16xf32>,
      %mul3A_1336 = arith.mulf %get3A_1333, %get3A_1335 : vector<16xf32>
      %get3A_1337 = arith.constant 177 : index
      %get3A_1338 = tpu.vector_load %arg18[%get3A_1337] {strides = array<i32>} : memref<272xf32, #tpu.memory_space<vmem>>, vector<16xf32>,
      %get3A_1339 = arith.constant 177 : index
      %get3A_1340 = tpu.vector_load %arg14[%get3A_1339] {strides = array<i32>} : memref<272xf32, #tpu.memory_space<vmem>>, vector<16xf32>,
      %mul3A_1341 = arith.mulf %get3A_1338, %get3A_1340 : vector<16xf32>
      %max3A_1342 = arith.maximumf %mul3A_1336, %mul3A_1341 : vector<16xf32>
      %get3A_1343 = arith.constant 176 : index
      %get3A_1344 = tpu.vector_load %arg19[%get3A_1343] {strides = array<i32>} : memref<272xf32, #tpu.memory_space<vmem>>, vector<16xf32>,
      %get3A_1345 = arith.constant 176 : index
      %get3A_1346 = tpu.vector_load %arg13[%get3A_1345] {strides = array<i32>} : memref<272xf32, #tpu.memory_space<vmem>>, vector<16xf32>,
      %mul3A_1347 = arith.mulf %get3A_1344, %get3A_1346 : vector<16xf32>
      %get3A_1348 = arith.constant 177 : index
      %get3A_1349 = tpu.vector_load %arg19[%get3A_1348] {strides = array<i32>} : memref<272xf32, #tpu.memory_space<vmem>>, vector<16xf32>,
      %get3A_1350 = arith.constant 177 : index
      %get3A_1351 = tpu.vector_load %arg14[%get3A_1350] {strides = array<i32>} : memref<272xf32, #tpu.memory_space<vmem>>, vector<16xf32>,
      %mul3A_1352 = arith.mulf %get3A_1349, %get3A_1351 : vector<16xf32>
      %max3A_1353 = arith.maximumf %mul3A_1347, %mul3A_1352 : vector<16xf32>
      %mul3A_1354 = arith.mulf %max3A_1342, %max3A_1353 : vector<16xf32>
      %ne3A_1355 = arith.constant 0.000000e+00 : f32
      %ne3A_1356 = vector.broadcast %ne3A_1355 : f32 to vector<16xf32>
      %ne3A_1357 = arith.cmpf one, %mul3A_1354, %ne3A_1356 : vector<16xf32>
      %all_reduce_population_count3A_1358 = tpu.all_reduce %ne3A_1357 {dim = 0 : i64, kind = #tpu.reduction_kind<sum>} : vector<16xi1> -> vector<16xi32>
      %add3A_1359 = arith.addi %add3A_1325, %all_reduce_population_count3A_1358 : vector<16xi32>
      %max3A_1360 = arith.maximumf %max3A_1342, %max3A_1353 : vector<16xf32>
      %ne3A_1361 = arith.constant 0.000000e+00 : f32
      %ne3A_1362 = vector.broadcast %ne3A_1361 : f32 to vector<16xf32>
      %ne3A_1363 = arith.cmpf one, %max3A_1360, %ne3A_1362 : vector<16xf32>
      %all_reduce_population_count3A_1364 = tpu.all_reduce %ne3A_1363 {dim = 0 : i64, kind = #tpu.reduction_kind<sum>} : vector<16xi1> -> vector<16xi32>
      %add3A_1365 = arith.addi %add3A_1331, %all_reduce_population_count3A_1364 : vector<16xi32>
      %get3A_1366 = arith.constant 192 : index
      %get3A_1367 = tpu.vector_load %arg18[%get3A_1366] {strides = array<i32>} : memref<272xf32, #tpu.memory_space<vmem>>, vector<16xf32>,
      %get3A_1368 = arith.constant 192 : index
      %get3A_1369 = tpu.vector_load %arg13[%get3A_1368] {strides = array<i32>} : memref<272xf32, #tpu.memory_space<vmem>>, vector<16xf32>,
      %mul3A_1370 = arith.mulf %get3A_1367, %get3A_1369 : vector<16xf32>
      %get3A_1371 = arith.constant 193 : index
      %get3A_1372 = tpu.vector_load %arg18[%get3A_1371] {strides = array<i32>} : memref<272xf32, #tpu.memory_space<vmem>>, vector<16xf32>,
      %get3A_1373 = arith.constant 193 : index
      %get3A_1374 = tpu.vector_load %arg14[%get3A_1373] {strides = array<i32>} : memref<272xf32, #tpu.memory_space<vmem>>, vector<16xf32>,
      %mul3A_1375 = arith.mulf %get3A_1372, %get3A_1374 : vector<16xf32>
      %max3A_1376 = arith.maximumf %mul3A_1370, %mul3A_1375 : vector<16xf32>
      %get3A_1377 = arith.constant 192 : index
      %get3A_1378 = tpu.vector_load %arg19[%get3A_1377] {strides = array<i32>} : memref<272xf32, #tpu.memory_space<vmem>>, vector<16xf32>,
      %get3A_1379 = arith.constant 192 : index
      %get3A_1380 = tpu.vector_load %arg13[%get3A_1379] {strides = array<i32>} : memref<272xf32, #tpu.memory_space<vmem>>, vector<16xf32>,
      %mul3A_1381 = arith.mulf %get3A_1378, %get3A_1380 : vector<16xf32>
      %get3A_1382 = arith.constant 193 : index
      %get3A_1383 = tpu.vector_load %arg19[%get3A_1382] {strides = array<i32>} : memref<272xf32, #tpu.memory_space<vmem>>, vector<16xf32>,
      %get3A_1384 = arith.constant 193 : index
      %get3A_1385 = tpu.vector_load %arg14[%get3A_1384] {strides = array<i32>} : memref<272xf32, #tpu.memory_space<vmem>>, vector<16xf32>,
      %mul3A_1386 = arith.mulf %get3A_1383, %get3A_1385 : vector<16xf32>
      %max3A_1387 = arith.maximumf %mul3A_1381, %mul3A_1386 : vector<16xf32>
      %mul3A_1388 = arith.mulf %max3A_1376, %max3A_1387 : vector<16xf32>
      %ne3A_1389 = arith.constant 0.000000e+00 : f32
      %ne3A_1390 = vector.broadcast %ne3A_1389 : f32 to vector<16xf32>
      %ne3A_1391 = arith.cmpf one, %mul3A_1388, %ne3A_1390 : vector<16xf32>
      %all_reduce_population_count3A_1392 = tpu.all_reduce %ne3A_1391 {dim = 0 : i64, kind = #tpu.reduction_kind<sum>} : vector<16xi1> -> vector<16xi32>
      %add3A_1393 = arith.addi %add3A_1359, %all_reduce_population_count3A_1392 : vector<16xi32>
      %max3A_1394 = arith.maximumf %max3A_1376, %max3A_1387 : vector<16xf32>
      %ne3A_1395 = arith.constant 0.000000e+00 : f32
      %ne3A_1396 = vector.broadcast %ne3A_1395 : f32 to vector<16xf32>
      %ne3A_1397 = arith.cmpf one, %max3A_1394, %ne3A_1396 : vector<16xf32>
      %all_reduce_population_count3A_1398 = tpu.all_reduce %ne3A_1397 {dim = 0 : i64, kind = #tpu.reduction_kind<sum>} : vector<16xi1> -> vector<16xi32>
      %add3A_1399 = arith.addi %add3A_1365, %all_reduce_population_count3A_1398 : vector<16xi32>
      %get3A_1400 = arith.constant 208 : index
      %get3A_1401 = tpu.vector_load %arg18[%get3A_1400] {strides = array<i32>} : memref<272xf32, #tpu.memory_space<vmem>>, vector<16xf32>,
      %get3A_1402 = arith.constant 208 : index
      %get3A_1403 = tpu.vector_load %arg13[%get3A_1402] {strides = array<i32>} : memref<272xf32, #tpu.memory_space<vmem>>, vector<16xf32>,
      %mul3A_1404 = arith.mulf %get3A_1401, %get3A_1403 : vector<16xf32>
      %get3A_1405 = arith.constant 209 : index
      %get3A_1406 = tpu.vector_load %arg18[%get3A_1405] {strides = array<i32>} : memref<272xf32, #tpu.memory_space<vmem>>, vector<16xf32>,
      %get3A_1407 = arith.constant 209 : index
      %get3A_1408 = tpu.vector_load %arg14[%get3A_1407] {strides = array<i32>} : memref<272xf32, #tpu.memory_space<vmem>>, vector<16xf32>,
      %mul3A_1409 = arith.mulf %get3A_1406, %get3A_1408 : vector<16xf32>
      %max3A_1410 = arith.maximumf %mul3A_1404, %mul3A_1409 : vector<16xf32>
      %get3A_1411 = arith.constant 208 : index
      %get3A_1412 = tpu.vector_load %arg19[%get3A_1411] {strides = array<i32>} : memref<272xf32, #tpu.memory_space<vmem>>, vector<16xf32>,
      %get3A_1413 = arith.constant 208 : index
      %get3A_1414 = tpu.vector_load %arg13[%get3A_1413] {strides = array<i32>} : memref<272xf32, #tpu.memory_space<vmem>>, vector<16xf32>,
      %mul3A_1415 = arith.mulf %get3A_1412, %get3A_1414 : vector<16xf32>
      %get3A_1416 = arith.constant 209 : index
      %get3A_1417 = tpu.vector_load %arg19[%get3A_1416] {strides = array<i32>} : memref<272xf32, #tpu.memory_space<vmem>>, vector<16xf32>,
      %get3A_1418 = arith.constant 209 : index
      %get3A_1419 = tpu.vector_load %arg14[%get3A_1418] {strides = array<i32>} : memref<272xf32, #tpu.memory_space<vmem>>, vector<16xf32>,
      %mul3A_1420 = arith.mulf %get3A_1417, %get3A_1419 : vector<16xf32>
      %max3A_1421 = arith.maximumf %mul3A_1415, %mul3A_1420 : vector<16xf32>
      %mul3A_1422 = arith.mulf %max3A_1410, %max3A_1421 : vector<16xf32>
      %ne3A_1423 = arith.constant 0.000000e+00 : f32
      %ne3A_1424 = vector.broadcast %ne3A_1423 : f32 to vector<16xf32>
      %ne3A_1425 = arith.cmpf one, %mul3A_1422, %ne3A_1424 : vector<16xf32>
      %all_reduce_population_count3A_1426 = tpu.all_reduce %ne3A_1425 {dim = 0 : i64, kind = #tpu.reduction_kind<sum>} : vector<16xi1> -> vector<16xi32>
      %add3A_1427 = arith.addi %add3A_1393, %all_reduce_population_count3A_1426 : vector<16xi32>
      %max3A_1428 = arith.maximumf %max3A_1410, %max3A_1421 : vector<16xf32>
      %ne3A_1429 = arith.constant 0.000000e+00 : f32
      %ne3A_1430 = vector.broadcast %ne3A_1429 : f32 to vector<16xf32>
      %ne3A_1431 = arith.cmpf one, %max3A_1428, %ne3A_1430 : vector<16xf32>
      %all_reduce_population_count3A_1432 = tpu.all_reduce %ne3A_1431 {dim = 0 : i64, kind = #tpu.reduction_kind<sum>} : vector<16xi1> -> vector<16xi32>
      %add3A_1433 = arith.addi %add3A_1399, %all_reduce_population_count3A_1432 : vector<16xi32>
      %get3A_1434 = arith.constant 224 : index
      %get3A_1435 = tpu.vector_load %arg18[%get3A_1434] {strides = array<i32>} : memref<272xf32, #tpu.memory_space<vmem>>, vector<16xf32>,
      %get3A_1436 = arith.constant 224 : index
      %get3A_1437 = tpu.vector_load %arg13[%get3A_1436] {strides = array<i32>} : memref<272xf32, #tpu.memory_space<vmem>>, vector<16xf32>,
      %mul3A_1438 = arith.mulf %get3A_1435, %get3A_1437 : vector<16xf32>
      %get3A_1439 = arith.constant 225 : index
      %get3A_1440 = tpu.vector_load %arg18[%get3A_1439] {strides = array<i32>} : memref<272xf32, #tpu.memory_space<vmem>>, vector<16xf32>,
      %get3A_1441 = arith.constant 225 : index
      %get3A_1442 = tpu.vector_load %arg14[%get3A_1441] {strides = array<i32>} : memref<272xf32, #tpu.memory_space<vmem>>, vector<16xf32>,
      %mul3A_1443 = arith.mulf %get3A_1440, %get3A_1442 : vector<16xf32>
      %max3A_1444 = arith.maximumf %mul3A_1438, %mul3A_1443 : vector<16xf32>
      %get3A_1445 = arith.constant 224 : index
      %get3A_1446 = tpu.vector_load %arg19[%get3A_1445] {strides = array<i32>} : memref<272xf32, #tpu.memory_space<vmem>>, vector<16xf32>,
      %get3A_1447 = arith.constant 224 : index
      %get3A_1448 = tpu.vector_load %arg13[%get3A_1447] {strides = array<i32>} : memref<272xf32, #tpu.memory_space<vmem>>, vector<16xf32>,
      %mul3A_1449 = arith.mulf %get3A_1446, %get3A_1448 : vector<16xf32>
      %get3A_1450 = arith.constant 225 : index
      %get3A_1451 = tpu.vector_load %arg19[%get3A_1450] {strides = array<i32>} : memref<272xf32, #tpu.memory_space<vmem>>, vector<16xf32>,
      %get3A_1452 = arith.constant 225 : index
      %get3A_1453 = tpu.vector_load %arg14[%get3A_1452] {strides = array<i32>} : memref<272xf32, #tpu.memory_space<vmem>>, vector<16xf32>,
      %mul3A_1454 = arith.mulf %get3A_1451, %get3A_1453 : vector<16xf32>
      %max3A_1455 = arith.maximumf %mul3A_1449, %mul3A_1454 : vector<16xf32>
      %mul3A_1456 = arith.mulf %max3A_1444, %max3A_1455 : vector<16xf32>
      %ne3A_1457 = arith.constant 0.000000e+00 : f32
      %ne3A_1458 = vector.broadcast %ne3A_1457 : f32 to vector<16xf32>
      %ne3A_1459 = arith.cmpf one, %mul3A_1456, %ne3A_1458 : vector<16xf32>
      %all_reduce_population_count3A_1460 = tpu.all_reduce %ne3A_1459 {dim = 0 : i64, kind = #tpu.reduction_kind<sum>} : vector<16xi1> -> vector<16xi32>
      %add3A_1461 = arith.addi %add3A_1427, %all_reduce_population_count3A_1460 : vector<16xi32>
      %max3A_1462 = arith.maximumf %max3A_1444, %max3A_1455 : vector<16xf32>
      %ne3A_1463 = arith.constant 0.000000e+00 : f32
      %ne3A_1464 = vector.broadcast %ne3A_1463 : f32 to vector<16xf32>
      %ne3A_1465 = arith.cmpf one, %max3A_1462, %ne3A_1464 : vector<16xf32>
      %all_reduce_population_count3A_1466 = tpu.all_reduce %ne3A_1465 {dim = 0 : i64, kind = #tpu.reduction_kind<sum>} : vector<16xi1> -> vector<16xi32>
      %add3A_1467 = arith.addi %add3A_1433, %all_reduce_population_count3A_1466 : vector<16xi32>
      %get3A_1468 = arith.constant 240 : index
      %get3A_1469 = tpu.vector_load %arg18[%get3A_1468] {strides = array<i32>} : memref<272xf32, #tpu.memory_space<vmem>>, vector<16xf32>,
      %get3A_1470 = arith.constant 240 : index
      %get3A_1471 = tpu.vector_load %arg13[%get3A_1470] {strides = array<i32>} : memref<272xf32, #tpu.memory_space<vmem>>, vector<16xf32>,
      %mul3A_1472 = arith.mulf %get3A_1469, %get3A_1471 : vector<16xf32>
      %get3A_1473 = arith.constant 241 : index
      %get3A_1474 = tpu.vector_load %arg18[%get3A_1473] {strides = array<i32>} : memref<272xf32, #tpu.memory_space<vmem>>, vector<16xf32>,
      %get3A_1475 = arith.constant 241 : index
      %get3A_1476 = tpu.vector_load %arg14[%get3A_1475] {strides = array<i32>} : memref<272xf32, #tpu.memory_space<vmem>>, vector<16xf32>,
      %mul3A_1477 = arith.mulf %get3A_1474, %get3A_1476 : vector<16xf32>
      %max3A_1478 = arith.maximumf %mul3A_1472, %mul3A_1477 : vector<16xf32>
      %get3A_1479 = arith.constant 240 : index
      %get3A_1480 = tpu.vector_load %arg19[%get3A_1479] {strides = array<i32>} : memref<272xf32, #tpu.memory_space<vmem>>, vector<16xf32>,
      %get3A_1481 = arith.constant 240 : index
      %get3A_1482 = tpu.vector_load %arg13[%get3A_1481] {strides = array<i32>} : memref<272xf32, #tpu.memory_space<vmem>>, vector<16xf32>,
      %mul3A_1483 = arith.mulf %get3A_1480, %get3A_1482 : vector<16xf32>
      %get3A_1484 = arith.constant 241 : index
      %get3A_1485 = tpu.vector_load %arg19[%get3A_1484] {strides = array<i32>} : memref<272xf32, #tpu.memory_space<vmem>>, vector<16xf32>,
      %get3A_1486 = arith.constant 241 : index
      %get3A_1487 = tpu.vector_load %arg14[%get3A_1486] {strides = array<i32>} : memref<272xf32, #tpu.memory_space<vmem>>, vector<16xf32>,
      %mul3A_1488 = arith.mulf %get3A_1485, %get3A_1487 : vector<16xf32>
      %max3A_1489 = arith.maximumf %mul3A_1483, %mul3A_1488 : vector<16xf32>
      %mul3A_1490 = arith.mulf %max3A_1478, %max3A_1489 : vector<16xf32>
      %ne3A_1491 = arith.constant 0.000000e+00 : f32
      %ne3A_1492 = vector.broadcast %ne3A_1491 : f32 to vector<16xf32>
      %ne3A_1493 = arith.cmpf one, %mul3A_1490, %ne3A_1492 : vector<16xf32>
      %all_reduce_population_count3A_1494 = tpu.all_reduce %ne3A_1493 {dim = 0 : i64, kind = #tpu.reduction_kind<sum>} : vector<16xi1> -> vector<16xi32>
      %add3A_1495 = arith.addi %add3A_1461, %all_reduce_population_count3A_1494 : vector<16xi32>
      %max3A_1496 = arith.maximumf %max3A_1478, %max3A_1489 : vector<16xf32>
      %ne3A_1497 = arith.constant 0.000000e+00 : f32
      %ne3A_1498 = vector.broadcast %ne3A_1497 : f32 to vector<16xf32>
      %ne3A_1499 = arith.cmpf one, %max3A_1496, %ne3A_1498 : vector<16xf32>
      %all_reduce_population_count3A_1500 = tpu.all_reduce %ne3A_1499 {dim = 0 : i64, kind = #tpu.reduction_kind<sum>} : vector<16xi1> -> vector<16xi32>
      %add3A_1501 = arith.addi %add3A_1467, %all_reduce_population_count3A_1500 : vector<16xi32>
      scf.yield %add3A_1495, %add3A_1501 : vector<16xi32>, vector<16xi32>
    }
    %scan3A_350 = arith.constant 16 : i32
    %convert_element_type3A_351 = arith.sitofp %scan3A_349#0 : vector<16xi32> to vector<16xf32>
    %swap3A_352 = arith.constant 0 : index
    %swap3A_353 = tpu.vector_load %arg20[%swap3A_352] {strides = array<i32>} : memref<16xf32, #tpu.memory_space<vmem>>, vector<16xf32>,
    tpu.vector_store %arg20[%swap3A_352], %convert_element_type3A_351 {strides = array<i32>} : memref<16xf32, #tpu.memory_space<vmem>>, vector<16xf32>,
    %convert_element_type3A_354 = arith.sitofp %scan3A_349#1 : vector<16xi32> to vector<16xf32>
    %swap3A_355 = arith.constant 0 : index
    %swap3A_356 = tpu.vector_load %arg21[%swap3A_355] {strides = array<i32>} : memref<16xf32, #tpu.memory_space<vmem>>, vector<16xf32>,
    tpu.vector_store %arg21[%swap3A_355], %convert_element_type3A_354 {strides = array<i32>} : memref<16xf32, #tpu.memory_space<vmem>>, vector<16xf32>,
    %mul3A_357 = arith.constant 16 : i32
    %mul3A_358 = arith.muli %arg0, %mul3A_357 : i32
    %add3A_359 = arith.addi %mul3A_358, %arg1 : i32
    %mul3A_360 = arith.constant 2 : i32
    %mul3A_361 = arith.muli %add3A_359, %mul3A_360 : i32
    %mul3A_362 = arith.constant 16 : i32
    %mul3A_363 = arith.muli %mul3A_361, %mul3A_362 : i32
    %add3A_364 = arith.constant 32 : i32
    %add3A_365 = arith.addi %add3A_364, %mul3A_363 : i32
    "tpu.region"() ({
      %run_scoped3A = tpu.sem_alloc : memref<!tpu.dma_semaphore, #tpu.memory_space<semaphore_mem>>
      %dma_start3A_373 = tpu.memref_slice %arg5[%add3A_365] : memref<1056xf32, #tpu.memory_space<hbm>> -> memref<16xf32, #tpu.memory_space<hbm>>
      %dma_start3A_374 = tpu.memref_slice %arg5[%add3A_365] : memref<1056xf32, #tpu.memory_space<hbm>> -> memref<16xf32, #tpu.memory_space<hbm>>
      tpu.enqueue_dma source(%arg20 : memref<16xf32, #tpu.memory_space<vmem>>) target(%dma_start3A_374 : memref<16xf32, #tpu.memory_space<hbm>>) target_semaphore(%run_scoped3A : memref<!tpu.dma_semaphore, #tpu.memory_space<semaphore_mem>>)
      %dma_wait3A_375 = tpu.memref_slice %arg5[%add3A_365] : memref<1056xf32, #tpu.memory_space<hbm>> -> memref<16xf32, #tpu.memory_space<hbm>>
      %dma_wait3A_376 = tpu.memref_slice %arg5[%add3A_365] : memref<1056xf32, #tpu.memory_space<hbm>> -> memref<16xf32, #tpu.memory_space<hbm>>
      tpu.wait_dma2 semaphore(%run_scoped3A : memref<!tpu.dma_semaphore, #tpu.memory_space<semaphore_mem>>) src(%arg20 : memref<16xf32, #tpu.memory_space<vmem>>) dst(%dma_wait3A_376 : memref<16xf32, #tpu.memory_space<hbm>>)
      tpu.yield
    }) : () -> ()
    %add3A_366 = arith.constant 16 : i32
    %add3A_367 = arith.addi %add3A_365, %add3A_366 : i32
    "tpu.region"() ({
      %run_scoped3A = tpu.sem_alloc : memref<!tpu.dma_semaphore, #tpu.memory_space<semaphore_mem>>
      %dma_start3A_373 = tpu.memref_slice %arg5[%add3A_367] : memref<1056xf32, #tpu.memory_space<hbm>> -> memref<16xf32, #tpu.memory_space<hbm>>
      %dma_start3A_374 = tpu.memref_slice %arg5[%add3A_367] : memref<1056xf32, #tpu.memory_space<hbm>> -> memref<16xf32, #tpu.memory_space<hbm>>
      tpu.enqueue_dma source(%arg21 : memref<16xf32, #tpu.memory_space<vmem>>) target(%dma_start3A_374 : memref<16xf32, #tpu.memory_space<hbm>>) target_semaphore(%run_scoped3A : memref<!tpu.dma_semaphore, #tpu.memory_space<semaphore_mem>>)
      %dma_wait3A_375 = tpu.memref_slice %arg5[%add3A_367] : memref<1056xf32, #tpu.memory_space<hbm>> -> memref<16xf32, #tpu.memory_space<hbm>>
      %dma_wait3A_376 = tpu.memref_slice %arg5[%add3A_367] : memref<1056xf32, #tpu.memory_space<hbm>> -> memref<16xf32, #tpu.memory_space<hbm>>
      tpu.wait_dma2 semaphore(%run_scoped3A : memref<!tpu.dma_semaphore, #tpu.memory_space<semaphore_mem>>) src(%arg21 : memref<16xf32, #tpu.memory_space<vmem>>) dst(%dma_wait3A_376 : memref<16xf32, #tpu.memory_space<hbm>>)
      tpu.yield
    }) : () -> ()
    %barrier3A = arith.constant 0 : index
    tpu.barrier barrier_id(%barrier3A)
    %eq3A_368 = arith.constant 0 : i32
    %eq3A_369 = arith.cmpi eq, %arg1, %eq3A_368 : i32
    %convert_element_type3A_370 = arith.extui %eq3A_369 : i1 to i32
    %cond3A_371 = arith.constant 0 : i32
    %cond3A_372 = arith.cmpi ne, %convert_element_type3A_370, %cond3A_371 : i32
    scf.if %cond3A_372 {
      %mul3A_373 = arith.constant 16 : i32
      %mul3A_374 = arith.muli %arg0, %mul3A_373 : i32
      %mul3A_375 = arith.constant 2 : i32
      %mul3A_376 = arith.muli %mul3A_374, %mul3A_375 : i32
      %mul3A_377 = arith.constant 16 : i32
      %mul3A_378 = arith.muli %mul3A_376, %mul3A_377 : i32
      %add3A_379 = arith.constant 32 : i32
      %add3A_380 = arith.addi %add3A_379, %mul3A_378 : i32
      "tpu.region"() ({
        %run_scoped3A = tpu.sem_alloc : memref<!tpu.dma_semaphore, #tpu.memory_space<semaphore_mem>>
        %dma_start3A_478 = tpu.memref_slice %arg5[%add3A_380] : memref<1056xf32, #tpu.memory_space<hbm>> -> memref<512xf32, #tpu.memory_space<hbm>>
        %dma_start3A_479 = tpu.memref_slice %arg5[%add3A_380] : memref<1056xf32, #tpu.memory_space<hbm>> -> memref<512xf32, #tpu.memory_space<hbm>>
        tpu.enqueue_dma source(%dma_start3A_479 : memref<512xf32, #tpu.memory_space<hbm>>) target(%arg22 : memref<512xf32, #tpu.memory_space<vmem>>) target_semaphore(%run_scoped3A : memref<!tpu.dma_semaphore, #tpu.memory_space<semaphore_mem>>)
        %dma_wait3A_480 = tpu.memref_slice %arg5[%add3A_380] : memref<1056xf32, #tpu.memory_space<hbm>> -> memref<512xf32, #tpu.memory_space<hbm>>
        %dma_wait3A_481 = tpu.memref_slice %arg5[%add3A_380] : memref<1056xf32, #tpu.memory_space<hbm>> -> memref<512xf32, #tpu.memory_space<hbm>>
        tpu.wait_dma2 semaphore(%run_scoped3A : memref<!tpu.dma_semaphore, #tpu.memory_space<semaphore_mem>>) src(%dma_wait3A_481 : memref<512xf32, #tpu.memory_space<hbm>>) dst(%arg22 : memref<512xf32, #tpu.memory_space<vmem>>)
        tpu.yield
      }) : () -> ()
      %get3A = arith.constant 0 : index
      %get3A_381 = tpu.vector_load %arg22[%get3A] {strides = array<i32>} : memref<512xf32, #tpu.memory_space<vmem>>, vector<16xf32>,
      %get3A_382 = arith.constant 16 : index
      %get3A_383 = tpu.vector_load %arg22[%get3A_382] {strides = array<i32>} : memref<512xf32, #tpu.memory_space<vmem>>, vector<16xf32>,
      %get3A_384 = arith.constant 32 : index
      %get3A_385 = tpu.vector_load %arg22[%get3A_384] {strides = array<i32>} : memref<512xf32, #tpu.memory_space<vmem>>, vector<16xf32>,
      %add3A_386 = arith.addf %get3A_381, %get3A_385 : vector<16xf32>
      %get3A_387 = arith.constant 48 : index
      %get3A_388 = tpu.vector_load %arg22[%get3A_387] {strides = array<i32>} : memref<512xf32, #tpu.memory_space<vmem>>, vector<16xf32>,
      %add3A_389 = arith.addf %get3A_383, %get3A_388 : vector<16xf32>
      %get3A_390 = arith.constant 64 : index
      %get3A_391 = tpu.vector_load %arg22[%get3A_390] {strides = array<i32>} : memref<512xf32, #tpu.memory_space<vmem>>, vector<16xf32>,
      %add3A_392 = arith.addf %add3A_386, %get3A_391 : vector<16xf32>
      %get3A_393 = arith.constant 80 : index
      %get3A_394 = tpu.vector_load %arg22[%get3A_393] {strides = array<i32>} : memref<512xf32, #tpu.memory_space<vmem>>, vector<16xf32>,
      %add3A_395 = arith.addf %add3A_389, %get3A_394 : vector<16xf32>
      %get3A_396 = arith.constant 96 : index
      %get3A_397 = tpu.vector_load %arg22[%get3A_396] {strides = array<i32>} : memref<512xf32, #tpu.memory_space<vmem>>, vector<16xf32>,
      %add3A_398 = arith.addf %add3A_392, %get3A_397 : vector<16xf32>
      %get3A_399 = arith.constant 112 : index
      %get3A_400 = tpu.vector_load %arg22[%get3A_399] {strides = array<i32>} : memref<512xf32, #tpu.memory_space<vmem>>, vector<16xf32>,
      %add3A_401 = arith.addf %add3A_395, %get3A_400 : vector<16xf32>
      %get3A_402 = arith.constant 128 : index
      %get3A_403 = tpu.vector_load %arg22[%get3A_402] {strides = array<i32>} : memref<512xf32, #tpu.memory_space<vmem>>, vector<16xf32>,
      %add3A_404 = arith.addf %add3A_398, %get3A_403 : vector<16xf32>
      %get3A_405 = arith.constant 144 : index
      %get3A_406 = tpu.vector_load %arg22[%get3A_405] {strides = array<i32>} : memref<512xf32, #tpu.memory_space<vmem>>, vector<16xf32>,
      %add3A_407 = arith.addf %add3A_401, %get3A_406 : vector<16xf32>
      %get3A_408 = arith.constant 160 : index
      %get3A_409 = tpu.vector_load %arg22[%get3A_408] {strides = array<i32>} : memref<512xf32, #tpu.memory_space<vmem>>, vector<16xf32>,
      %add3A_410 = arith.addf %add3A_404, %get3A_409 : vector<16xf32>
      %get3A_411 = arith.constant 176 : index
      %get3A_412 = tpu.vector_load %arg22[%get3A_411] {strides = array<i32>} : memref<512xf32, #tpu.memory_space<vmem>>, vector<16xf32>,
      %add3A_413 = arith.addf %add3A_407, %get3A_412 : vector<16xf32>
      %get3A_414 = arith.constant 192 : index
      %get3A_415 = tpu.vector_load %arg22[%get3A_414] {strides = array<i32>} : memref<512xf32, #tpu.memory_space<vmem>>, vector<16xf32>,
      %add3A_416 = arith.addf %add3A_410, %get3A_415 : vector<16xf32>
      %get3A_417 = arith.constant 208 : index
      %get3A_418 = tpu.vector_load %arg22[%get3A_417] {strides = array<i32>} : memref<512xf32, #tpu.memory_space<vmem>>, vector<16xf32>,
      %add3A_419 = arith.addf %add3A_413, %get3A_418 : vector<16xf32>
      %get3A_420 = arith.constant 224 : index
      %get3A_421 = tpu.vector_load %arg22[%get3A_420] {strides = array<i32>} : memref<512xf32, #tpu.memory_space<vmem>>, vector<16xf32>,
      %add3A_422 = arith.addf %add3A_416, %get3A_421 : vector<16xf32>
      %get3A_423 = arith.constant 240 : index
      %get3A_424 = tpu.vector_load %arg22[%get3A_423] {strides = array<i32>} : memref<512xf32, #tpu.memory_space<vmem>>, vector<16xf32>,
      %add3A_425 = arith.addf %add3A_419, %get3A_424 : vector<16xf32>
      %get3A_426 = arith.constant 256 : index
      %get3A_427 = tpu.vector_load %arg22[%get3A_426] {strides = array<i32>} : memref<512xf32, #tpu.memory_space<vmem>>, vector<16xf32>,
      %add3A_428 = arith.addf %add3A_422, %get3A_427 : vector<16xf32>
      %get3A_429 = arith.constant 272 : index
      %get3A_430 = tpu.vector_load %arg22[%get3A_429] {strides = array<i32>} : memref<512xf32, #tpu.memory_space<vmem>>, vector<16xf32>,
      %add3A_431 = arith.addf %add3A_425, %get3A_430 : vector<16xf32>
      %get3A_432 = arith.constant 288 : index
      %get3A_433 = tpu.vector_load %arg22[%get3A_432] {strides = array<i32>} : memref<512xf32, #tpu.memory_space<vmem>>, vector<16xf32>,
      %add3A_434 = arith.addf %add3A_428, %get3A_433 : vector<16xf32>
      %get3A_435 = arith.constant 304 : index
      %get3A_436 = tpu.vector_load %arg22[%get3A_435] {strides = array<i32>} : memref<512xf32, #tpu.memory_space<vmem>>, vector<16xf32>,
      %add3A_437 = arith.addf %add3A_431, %get3A_436 : vector<16xf32>
      %get3A_438 = arith.constant 320 : index
      %get3A_439 = tpu.vector_load %arg22[%get3A_438] {strides = array<i32>} : memref<512xf32, #tpu.memory_space<vmem>>, vector<16xf32>,
      %add3A_440 = arith.addf %add3A_434, %get3A_439 : vector<16xf32>
      %get3A_441 = arith.constant 336 : index
      %get3A_442 = tpu.vector_load %arg22[%get3A_441] {strides = array<i32>} : memref<512xf32, #tpu.memory_space<vmem>>, vector<16xf32>,
      %add3A_443 = arith.addf %add3A_437, %get3A_442 : vector<16xf32>
      %get3A_444 = arith.constant 352 : index
      %get3A_445 = tpu.vector_load %arg22[%get3A_444] {strides = array<i32>} : memref<512xf32, #tpu.memory_space<vmem>>, vector<16xf32>,
      %add3A_446 = arith.addf %add3A_440, %get3A_445 : vector<16xf32>
      %get3A_447 = arith.constant 368 : index
      %get3A_448 = tpu.vector_load %arg22[%get3A_447] {strides = array<i32>} : memref<512xf32, #tpu.memory_space<vmem>>, vector<16xf32>,
      %add3A_449 = arith.addf %add3A_443, %get3A_448 : vector<16xf32>
      %get3A_450 = arith.constant 384 : index
      %get3A_451 = tpu.vector_load %arg22[%get3A_450] {strides = array<i32>} : memref<512xf32, #tpu.memory_space<vmem>>, vector<16xf32>,
      %add3A_452 = arith.addf %add3A_446, %get3A_451 : vector<16xf32>
      %get3A_453 = arith.constant 400 : index
      %get3A_454 = tpu.vector_load %arg22[%get3A_453] {strides = array<i32>} : memref<512xf32, #tpu.memory_space<vmem>>, vector<16xf32>,
      %add3A_455 = arith.addf %add3A_449, %get3A_454 : vector<16xf32>
      %get3A_456 = arith.constant 416 : index
      %get3A_457 = tpu.vector_load %arg22[%get3A_456] {strides = array<i32>} : memref<512xf32, #tpu.memory_space<vmem>>, vector<16xf32>,
      %add3A_458 = arith.addf %add3A_452, %get3A_457 : vector<16xf32>
      %get3A_459 = arith.constant 432 : index
      %get3A_460 = tpu.vector_load %arg22[%get3A_459] {strides = array<i32>} : memref<512xf32, #tpu.memory_space<vmem>>, vector<16xf32>,
      %add3A_461 = arith.addf %add3A_455, %get3A_460 : vector<16xf32>
      %get3A_462 = arith.constant 448 : index
      %get3A_463 = tpu.vector_load %arg22[%get3A_462] {strides = array<i32>} : memref<512xf32, #tpu.memory_space<vmem>>, vector<16xf32>,
      %add3A_464 = arith.addf %add3A_458, %get3A_463 : vector<16xf32>
      %get3A_465 = arith.constant 464 : index
      %get3A_466 = tpu.vector_load %arg22[%get3A_465] {strides = array<i32>} : memref<512xf32, #tpu.memory_space<vmem>>, vector<16xf32>,
      %add3A_467 = arith.addf %add3A_461, %get3A_466 : vector<16xf32>
      %get3A_468 = arith.constant 480 : index
      %get3A_469 = tpu.vector_load %arg22[%get3A_468] {strides = array<i32>} : memref<512xf32, #tpu.memory_space<vmem>>, vector<16xf32>,
      %add3A_470 = arith.addf %add3A_464, %get3A_469 : vector<16xf32>
      %get3A_471 = arith.constant 496 : index
      %get3A_472 = tpu.vector_load %arg22[%get3A_471] {strides = array<i32>} : memref<512xf32, #tpu.memory_space<vmem>>, vector<16xf32>,
      %add3A_473 = arith.addf %add3A_467, %get3A_472 : vector<16xf32>
      %max3A = arith.maximumf %add3A_473, %broadcast_in_dim3A_3 : vector<16xf32>
      %div3A = arith.divf %add3A_470, %max3A : vector<16xf32>
      %swap3A_474 = arith.constant 0 : index
      %swap3A_475 = tpu.vector_load %arg23[%swap3A_474] {strides = array<i32>} : memref<16xf32, #tpu.memory_space<vmem>>, vector<16xf32>,
      tpu.vector_store %arg23[%swap3A_474], %div3A {strides = array<i32>} : memref<16xf32, #tpu.memory_space<vmem>>, vector<16xf32>,
      %mul3A_476 = arith.constant 16 : i32
      %mul3A_477 = arith.muli %arg0, %mul3A_476 : i32
      "tpu.region"() ({
        %run_scoped3A = tpu.sem_alloc : memref<!tpu.dma_semaphore, #tpu.memory_space<semaphore_mem>>
        %dma_start3A_478 = tpu.memref_slice %arg5[%mul3A_477] : memref<1056xf32, #tpu.memory_space<hbm>> -> memref<16xf32, #tpu.memory_space<hbm>>
        %dma_start3A_479 = tpu.memref_slice %arg5[%mul3A_477] : memref<1056xf32, #tpu.memory_space<hbm>> -> memref<16xf32, #tpu.memory_space<hbm>>
        tpu.enqueue_dma source(%arg23 : memref<16xf32, #tpu.memory_space<vmem>>) target(%dma_start3A_479 : memref<16xf32, #tpu.memory_space<hbm>>) target_semaphore(%run_scoped3A : memref<!tpu.dma_semaphore, #tpu.memory_space<semaphore_mem>>)
        %dma_wait3A_480 = tpu.memref_slice %arg5[%mul3A_477] : memref<1056xf32, #tpu.memory_space<hbm>> -> memref<16xf32, #tpu.memory_space<hbm>>
        %dma_wait3A_481 = tpu.memref_slice %arg5[%mul3A_477] : memref<1056xf32, #tpu.memory_space<hbm>> -> memref<16xf32, #tpu.memory_space<hbm>>
        tpu.wait_dma2 semaphore(%run_scoped3A : memref<!tpu.dma_semaphore, #tpu.memory_space<semaphore_mem>>) src(%arg23 : memref<16xf32, #tpu.memory_space<vmem>>) dst(%dma_wait3A_481 : memref<16xf32, #tpu.memory_space<hbm>>)
        tpu.yield
      }) : () -> ()
    } else {
    }
    return
  }
}

</mosaic_0001>

<sc_bundles>
// kernel: kernel.3.cloned.1.call-start
scs
__scs_entry_jumppad:
0x0: {  	(pc) =	sbr.rel $0x88, $3  }
0x1: {  	(tag) =	ssettag $0x0;
	lr =	simm.s32 $0x1  }
0x2: {  	[smem:$0x3F9D] =	sst lr;
	_ =	strace $0xD0000000  }
0x3: {  	_ = 	snop  }
0x4: {  	_ = 	snop  }
0x5: {  	_ = 	snop  }
0x6: {  	_ = 	snop  }
0x7: {  	_ = 	snop  }
__scs_overlays_trampoline_lowered:
0x8: {  	[smem:$0x3FAC] =	sst s0  }
0x9: {  	[smem:$0x3FAD] =	sst s1  }
0xa: {  	[smem:$0x3FAE] =	sst s2  }
0xb: {  	[smem:$0x3FAF] =	sst s3  }
0xc: {  	[smem:$0x3FB0] =	sst s4  }
0xd: {  	[smem:$0x3FB1] =	sst s5  }
0xe: {  	[smem:$0x3FB2] =	sst s6  }
0xf: {  	[smem:$0x3FB3] =	sst s7  }
0x10: {  	[smem:$0x3FB4] =	sst s8  }
0x11: {  	[smem:$0x3FB5] =	sst s9;
	s0 =	simm.s32 @!p0 $0x0  }
0x12: {  	s1 =	sld [smem:$0x3F9B];
	s0 =	simm.s32 @p0 $0x1  }
0x13: {  	[smem:$0x3FB6] =	sst s0;
	s0 =	simm.s32 @!p1 $0x0  }
0x14: {  	s2 =	sld [smem:$0x3F9A];
	s0 =	simm.s32 @p1 $0x1  }
0x15: {  	[smem:$0x3FB7] =	sst s0;
	s0 =	simm.s32 @!p2 $0x0  }
0x16: {  	s3 =	sld [smem:$0x3FDB];
	s0 =	simm.s32 @p2 $0x1  }
0x17: {  	s4 =	simm.s32 $0x1BF5;
	[smem:$0x3FB9] =	sst s0  }
0x18: {  	s0 =	sld [smem:$0x3F9C];
	_ =	swait.ge [sflag:s4], $0x0  }
0x19: {  	s7 =	sld [smem:$0x3F9D]  }
0x1a: {  	s8 =	sadd.s32 $0xFFFFE003, lr  }
0x1b: {  	s9 =	sadd.s32 $0xFFFFFEF7, lr;
	s5 =	simm.s32 $0xFFFFFFFF;
	p2 =	slt.u32 s8, $0xFFFFF086  }
0x1c: {  	p1 =	slt.u32 s9, $0xF7A;
	s5 =	simm.s32 @!p2 $0x0  }
0x1d: {  	s5 =	simm.s32 @p1 $0x1;
	p0 =	seq.s32 s7, s2  }
0x1e: {  	s7 =	smul.u32 @!p0 $0xF7A, s2;
	p2 =	seq.s32 @!p0 s5, $0x0  }
0x1f: {  	s9 =	smul.u32 $0xF7A, s1;
	s8 =	simm.s32 @!p0 $0x1BF5;
	p2 =	por !p2, p0  }
0x20: {  	[sflag:s8] =	ssyncset.s32 @!p0 $0xFFFFF086;
	s6 =	sadd.s32 @!p0 s3, s7;
	s7 =	simm.s32 @!p0 $0x108  }
0x21: {  	s3 =	sadd.s32 s3, s9;
	s6 =	sadd.s32 @!p0 $0x88, s6;
	s7 =	simm.s32 @p2 $0x1082  }
0x22: {  	[simem:s7], [sflag:s8] =	dma.local @!p0 [hbm:s6], $0xF7A  }
0x23: {  	s9 =	sor.u32 $0xD0000000, s2;
	s6 =	simm.s32 $0x108;
	_ =	swait.ge @!p0 [sflag:s8], $0x0  }
0x24: {  	s3 =	sadd.s32 $0x88, s3;
	s6 =	simm.s32 @!p1 $0x1082;
	[sflag:s4] =	ssyncset.s32 $0xFFFFF086  }
0x25: {  	[simem:s6], [sflag:s4] =	dma.local [hbm:s3], $0xF7A  }
0x26: {  	[smem:$0x3F9D] =	sst s1;
	(tag) =	ssettag s2;
	_ =	strace s9  }
0x27: {  	s1 =	sld [smem:$0x3FAD]  }
0x28: {  	s2 =	sld [smem:$0x3FAE]  }
0x29: {  	s4 =	sld [smem:$0x3FB0]  }
0x2a: {  	p0 =	seq.s32 s5, $0x0;
	s5 =	sld [smem:$0x3FB1]  }
0x2b: {  	s6 =	sld [smem:$0x3FB2]  }
0x2c: {  	s7 =	sld [smem:$0x3FB3]  }
0x2d: {  	s3 =	simm.s32 $0x108;
	s8 =	sld [smem:$0x3FB4]  }
0x2e: {  	s3 =	simm.s32 @!p0 $0x1082;
	s9 =	sld [smem:$0x3FB5]  }
0x2f: {  	lr =	sadd.s32 s0, s3;
	s0 =	sld [smem:$0x3FAC]  }
0x30: {  	s3 =	sld [smem:$0x3FAF]  }
0x31: {  	[smem:$0x3FB8] =	sst s10  }
0x32: {  	s10 =	sld [smem:$0x3FB6];
	_ =	sdelay $0x3  }
0x33: {  	p0 =	seq.s32 s10, $0x1;
	s10 =	sld [smem:$0x3FB8];
	_ =	sdelay $0x3  }
0x34: {  	[smem:$0x3FB8] =	sst s10  }
0x35: {  	s10 =	sld [smem:$0x3FB7];
	_ =	sdelay $0x3  }
0x36: {  	p1 =	seq.s32 s10, $0x1;
	s10 =	sld [smem:$0x3FB8];
	_ =	sdelay $0x3  }
0x37: {  	[smem:$0x3FB8] =	sst s10  }
0x38: {  	s10 =	sld [smem:$0x3FB9]  }
0x39: {  	_ = 	snop;
	(pc) =	sbr.ind lr, $3  }
0x3a: {  	_ = 	snop  }
0x3b: {  	_ = 	snop  }
0x3c: {  	p2 =	seq.s32 s10, $0x1;
	s10 =	sld [smem:$0x3FB8]  }
0x3d: {  	_ =	shalt  }
0x3e: {  	_ =	shalt  }
0x3f: {  	_ =	shalt  }
0x40: {  	_ =	shalt  }
0x41: {  	_ =	shalt  }
0x42: {  	_ =	shalt  }
0x43: {  	_ =	shalt  }
0x44: {  	_ =	shalt  }
0x45: {  	_ =	shalt  }
0x46: {  	_ =	shalt  }
0x47: {  	_ =	shalt  }
0x48: {  	_ =	shalt  }
0x49: {  	_ =	shalt  }
0x4a: {  	_ =	shalt  }
0x4b: {  	_ =	shalt  }
0x4c: {  	_ =	shalt  }
0x4d: {  	_ =	shalt  }
0x4e: {  	_ =	shalt  }
0x4f: {  	_ =	shalt  }
0x50: {  	_ =	shalt  }
0x51: {  	_ =	shalt  }
0x52: {  	_ =	shalt  }
0x53: {  	_ =	shalt  }
0x54: {  	_ =	shalt  }
0x55: {  	_ =	shalt  }
0x56: {  	_ =	shalt  }
0x57: {  	_ =	shalt  }
0x58: {  	_ =	shalt  }
0x59: {  	_ =	shalt  }
0x5a: {  	_ =	shalt  }
0x5b: {  	_ =	shalt  }
0x5c: {  	_ =	shalt  }
0x5d: {  	_ =	shalt  }
0x5e: {  	_ =	shalt  }
0x5f: {  	_ =	shalt  }
0x60: {  	_ =	shalt  }
0x61: {  	_ =	shalt  }
0x62: {  	_ =	shalt  }
0x63: {  	_ =	shalt  }
0x64: {  	_ =	shalt  }
0x65: {  	_ =	shalt  }
0x66: {  	_ =	shalt  }
0x67: {  	_ =	shalt  }
0x68: {  	_ =	shalt  }
0x69: {  	_ =	shalt  }
0x6a: {  	_ =	shalt  }
0x6b: {  	_ =	shalt  }
0x6c: {  	_ =	shalt  }
0x6d: {  	_ =	shalt  }
0x6e: {  	_ =	shalt  }
0x6f: {  	_ =	shalt  }
0x70: {  	_ =	shalt  }
0x71: {  	_ =	shalt  }
0x72: {  	_ =	shalt  }
0x73: {  	_ =	shalt  }
0x74: {  	_ =	shalt  }
0x75: {  	_ =	shalt  }
0x76: {  	_ =	shalt  }
0x77: {  	_ =	shalt  }
0x78: {  	_ =	shalt  }
0x79: {  	_ =	shalt  }
0x7a: {  	_ =	shalt  }
0x7b: {  	_ =	shalt  }
0x7c: {  	_ =	shalt  }
0x7d: {  	_ =	shalt  }
0x7e: {  	_ =	shalt  }
0x7f: {  	_ =	shalt  }
0x80: {  	_ =	shalt  }
0x81: {  	_ =	shalt  }
0x82: {  	_ =	shalt  }
0x83: {  	_ =	shalt  }
0x84: {  	_ =	shalt  }
0x85: {  	_ =	shalt  }
0x86: {  	_ =	shalt  }
0x87: {  	_ =	shalt  }
.Lfunc_end0:
.L_simem_size_0:
called_computation_lowered:
.L_overlay_start_0:
0x88: {  	s2 =	sld [smem:$0x3FD9]  }
0x89: {  	s3 =	sld [smem:$0x3FFE];
	_ =	sdelay $0x1  }
0x8a: {  	s1 =	srdreg.scid  }
0x8b: {  	s0 =	sand.u32 $0x1, s1  }
0x8c: {  	s17 =	sshll.u32 s0, $0xA;
	s2 =	sadd.s32 s3, s2  }
0x8d: {  	s2 =	sadd.s32 s2, s17  }
0x8e: {  	[smem:$0x3FC4] =	sst s2  }
0x8f: {  	_ = 	snop  }
0x90: {  	s2 =	sld [smem:$0x3FC9]  }
0x91: {  	s18 =	sld [smem:$0x3FC8];
	(tm) =	ssettm $0x1  }
0x92: {  	s4 =	sld [smem:$0x3FFB];
	_ =	sdelay $0x3  }
0x93: {  	_ =	strace s4  }
0x94: {  	s4 =	sld [smem:$0x3FFC];
	_ =	sdelay $0x3  }
0x95: {  	_ =	strace s4  }
0x96: {  	s4 =	sld [smem:$0x3FFD];
	_ =	sdelay $0x3  }
0x97: {  	_ =	strace s4  }
0x98: {  	_ =	strace $0x8FFFFFFF  }
0x99: {  	s19 =	sld [smem:$0x3FDB];
	_ =	sdelay $0x1  }
0x9a: {  	s5 =	simm.s32 $_scs_section_size  }
0x9b: {  	s6 =	simm.s32 $_size__tile_overlayer_lowered;
	s7 =	simm.s32 $_tile_overlayer_lowered  }
0x9c: {  	s22 =	simm.s32 $0x1BFF;
	s21 =	sshll.u32 s7, $0x1;
	s4 =	sadd.s32 s5, s19  }
0x9d: {  	s8 =	simm.s32 $0x0;
	s20 =	sshll.u32 s6, $0x1;
	s6 =	sadd.s32 s21, s4  }
0x9e: {  	[timem:s8], [sflag:s22] =	dma.local [hbm:s6], s20  }
0x9f: {  	_ =	swait.ge [sflag:s22], s20  }
0xa0: {  	s5 =	ssub.s32 $0x0, s20;
	[sflag:s22] =	ssyncset.done $0x0  }
0xa1: {  	[sflag:s22] =	ssyncadd.s32 s5;
	_ =	sdelay $0x1  }
0xa2: {  	s23 =	simm.s32 $0x1B8B  }
0xa3: {  	_ =	swait.ge [sflag:s23], $0x1  }
0xa4: {  	[sflag:s23] =	ssyncset.done $0x0  }
0xa5: {  	s25 =	simm.s32 $0x1B8E;
	s24 =	sld [smem:$0x3FFE];
	[sflag:s23] =	ssyncadd.s32 $0xFFFFFFFF  }
0xa6: {  	s26 =	simm.s32 $execute0_lowered;
	[smem:$0x3FD2] =	sst s25  }
0xa7: {  	s6 =	sshll.u32 s26, $0x1;
	_ =	strace $0x80000046;
	[dreg:$0x1] =	wrdreg $0xFFFFFFFF  }
0xa8: {  	s28 =	simm.s32 $_size_execute0_lowered;
	s4 =	sadd.s32 s4, s6;
	[dreg:$0x0] =	wrdreg $0x0  }
0xa9: {  	s6 =	sshll.u32 s28, $0x1;
	[dreg:$0x2] =	wrdreg s4  }
0xaa: {  	[dreg:$0x3] =	wrdreg s6  }
0xab: {  	[dreg:$0x4] =	wrdreg $0xC0  }
0xac: {  	_ =	task [dreg:s8], $0x5FFFF  }
0xad: {  	[dreg:$0x1] =	wrdreg $0xFFFFFFFF  }
0xae: {  	[dreg:$0x0] =	wrdreg $0x60  }
0xaf: {  	[dreg:$0x2] =	wrdreg s2  }
0xb0: {  	[dreg:$0x3] =	wrdreg s18  }
0xb1: {  	[dreg:$0x4] =	wrdreg s24  }
0xb2: {  	[dreg:$0x5] =	wrdreg $0x9  }
0xb3: {  	_ =	task.clear_ibuf [dreg:s8], $0x6FFFF;
	_ =	strace $0x90000046  }
0xb4: {  	s29 =	simm.s32 $0x9;
	_ =	strace $0x80000048  }
0xb5: {  	_ =	swait.ge [sflag:s29], $0x1  }
0xb6: {  	[sflag:s29] =	ssyncadd.s32 $0xFFFFFFFF  }
0xb7: {  	_ =	strace $0x90000048  }
0xb8: {  	_ =	sfence  }
0xb9: {  	s30 =	sld [smem:$0x0];
	_ =	sdelay $0x2  }
0xba: {  	s31 =	sshll.u32 s1, $0xD;
	s1 =	sshrl.u32 s1, $0x2  }
0xbb: {  	s3 =	sand.u32 $0x4000, s31;
	s1 =	sadd.s32 s1, s30  }
0xbc: {  	s0 =	sor.u32 s3, s0;
	s1 =	sshll.u32 s1, $0x11  }
0xbd: {  	s0 =	sor.u32 s1, s0  }
0xbe: {  	s0 =	sadd.s32 $0x8F2B, s0  }
0xbf: {  	[sflag:s0] =	ssyncadd.remote.s32 $0x1  }
0xc0: {  	_ =	sfence.sel $0xFFFF  }
0xc1: {  	[dreg:$0x0] =	wrdreg $0xFFFFFFFF;
	(pc) =	sbr.abs _section_cstart, $3  }
0xc2: {  	[dreg:$0x1] =	wrdreg $0xFFFFFFFF  }
0xc3: {  	_ =	task.clear_ibuf [dreg:s8], $0x2FFFF;
	_ =	strace $0x9FFFFFFF  }
0xc4: {  	(tm) =	ssettm $0x7FFFFFFF  }
0xc5: {  	_ =	shalt  }
tec
execute0_lowered:
.L_overlay_start_1:
0x0: {  	(tag) =	ssettag $0x1  }
0x1: {  	s0 =	rddreg [dreg:$0x0]  }
0x2: {  	s3 =	rddreg [dreg:$0x1]  }
0x3: {  	s4 =	rddreg [dreg:$0x2]  }
0x4: {  	s1 =	simm.s32 $0x0;
	s2 =	srdreg.scid;
	s6 =	stileid.u32  }
0x5: {  	[smem:$0x7FF] =	sst s1;
	s5 =	sand.u32 $0x1, s2;
	s9 =	sshll.u32 s6, $0xC  }
0x6: {  	s18 =	sadd.s32 $0xC00, s4;
	s13 =	sshll.u32 s6, $0x4;
	s15 =	sadd.s32 $0x4000, s0  }
0x7: {  	s16 =	sshll.u32 s6, $0x5;
	p1 =	seq.s32 s6, $0xF;
	s14 =	smul.u32 $0x50000, s5  }
0x8: {  	p0 =	sne.s32 s6, $0x0;
	_ =	strace $0x80000047;
	s10 =	smul.u32 $0x258, s5  }
0x9: {  	s2 =	ssub.s32 $0x2, s5;
	s11 =	sshll.u32 s5, $0x12;
	s12 =	smul.u32 $0x320, s5  }
0xa: {  	s17 =	sadd.s32 $0x1000, s9;
	s7 =	sshrl.u32 s2, $0x1;
	s8 =	sor.u32 s9, s11  }
0xb: {  	s20 =	sor.u32 s11, s17;
	s19 =	ssub.s32 s2, s7;
	s21 =	sshrl.u32 s8, $0x3  }
0xc: {  	s22 =	sor.u32 s9, s14;
	s30 =	sadd.s32 s4, s10;
	s31 =	sshrl.u32 s12, $0x3  }
0xd: {  	s20 =	sshrl.u32 s20, $0x3;
	s14 =	sadd.s32 s14, s17;
	s17 =	sadd.s32 $0xAF8, s4  }
0xe: {  	s2 =	sadd.s32 s0, s21;
	s8 =	sshrl.u32 s22, $0x3;
	s7 =	sadd.s32 s21, s15  }
0xf: {  	[dreg:$0x9] =	wrdreg s30;
	s10 =	sadd.s32 s4, s31;
	s15 =	sadd.s32 s20, s15  }
0x10: {  	s21 =	sshrl.u32 s14, $0x3;
	s22 =	sshll.u32 s5, $0x6;
	s8 =	sadd.s32 s3, s8  }
0x11: {  	[dreg:$0x4] =	wrdreg s7;
	s7 =	sadd.s32 s4, s16;
	s9 =	sadd.s32 $0xB1A, s10  }
0x12: {  	[dreg:$0xb] =	wrdreg s15;
	s15 =	sadd.s32 $0xAB6, s4;
	s3 =	sadd.s32 s3, s21  }
0x13: {  	s28 =	sadd.s32 $0x2000, s2;
	s29 =	sadd.s32 $0x6000, s2;
	s23 =	sadd.s32 $0x2000, s8  }
0x14: {  	s24 =	sadd.s32 $0x4000, s8;
	s25 =	sadd.s32 $0x6000, s8;
	[dreg:$0x5] =	wrdreg s23  }
0x15: {  	s26 =	sadd.s32 $0x8000, s8;
	s10 =	sadd.s32 $0x4B0, s7;
	[dreg:$0x6] =	wrdreg s24  }
0x16: {  	s11 =	sadd.s32 $0x6B2, s7;
	s8 =	sadd.s32 s0, s20;
	[dreg:$0x7] =	wrdreg s25  }
0x17: {  	s20 =	sshll.u32 s5, $0x9;
	s5 =	sshll.u32 s5, $0x1;
	[dreg:$0x8] =	wrdreg s26  }
0x18: {  	s12 =	sadd.s32 $0x8B4, s7;
	s5 =	sadd.s32 s18, s5;
	[dreg:$0xa] =	wrdreg s8  }
0x19: {  	s0 =	sor.u32 s16, s20;
	s23 =	sadd.s32 $0x2000, s3;
	[dreg:$0xc] =	wrdreg s5  }
0x1a: {  	s16 =	sadd.s32 $0xAD6, s4;
	s24 =	sadd.s32 $0x4000, s3;
	[dreg:$0xd] =	wrdreg s23  }
0x1b: {  	s4 =	sadd.s32 s22, s18;
	s25 =	sadd.s32 $0x6000, s3;
	[dreg:$0xe] =	wrdreg s24  }
0x1c: {  	s3 =	sadd.s32 $0x8000, s3;
	s30 =	sadd.s32 $0x2000, s8;
	[dreg:$0xf] =	wrdreg s25  }
.Ltmp0:
0x1d: {  	s31 =	sadd.s32 $0x6000, s8;
	[dreg:$0x10] =	wrdreg s3;
	(pc) =	sbr.rel .LBB2_1-.Ltmp0, $4  }
0x1e: {  	s0 =	sshrl.u32 s0, $0x3;
	s26 =	sadd.s32 $0x4, s4;
	[dreg:$0x12] =	wrdreg s30  }
0x1f: {  	[dreg:$0x13] =	wrdreg s31;
	s25 =	simm.s32 $0x2;
	s0 =	sadd.s32 s18, s0  }
0x20: {  	v0 =	vmov s13;
	[dreg:$0x11] =	wrdreg s26;
	s26 =	smax.u32 s19, $0x1;
	s18 =	simm.s32 $0x0  }
0x21: {  	v1 =	vimm.f32 $0.0e+00;
	[tilespmem:$0x1FFF0] =	vst v0;
	s23 =	sadd.s32 $0x4, s0;
	s24 =	sadd.s32 $0x6, s0;
	s0 =	simm.s32 $0x1  }
.LBB2_20:
0x22: {  	s18 =	sadd.s32 $0x1, s18  }
0x23: {  	p2 =	sne.s32 s18, s26  }
.Ltmp1:
0x24: {  	_ = 	snop;
	(pc) =	sbr.rel @!p2 .LBB2_21-.Ltmp1, $1  }
0x25: {  	_ =	sdelay $0x3  }
.LBB2_1:
0x26: {  	[tilespmem:s1], [sflag:$0x1] =	stream.linear.gather [hbm4b:s2+s1], $0x1000, $0x38;
	[tilespmem:$0x12D80] =	vst v63  }
0x27: {  	s3 =	simm.s32 $0x1800  }
0x28: {  	[tilespmem:s3], [sflag:$0x1] =	stream.linear.gather [hbm4b:s28+s1], $0x1000, $0x38;
	[tilespmem:$0x12D80] =	vst v63  }
0x29: {  	s19 =	rddreg [dreg:$0x4];
	s4 =	simm.s32 $0x3000  }
0x2a: {  	[tilespmem:s4], [sflag:$0x1] =	stream.linear.gather [hbm4b:s19+s1], $0x1000, $0x38;
	[tilespmem:$0x12D80] =	vst v63  }
0x2b: {  	s20 =	simm.s32 $0x4800  }
0x2c: {  	[tilespmem:s20], [sflag:$0x1] =	stream.linear.gather [hbm4b:s29+s1], $0x1000, $0x38;
	[tilespmem:$0x12D80] =	vst v63  }
0x2d: {  	s21 =	rddreg [dreg:$0x5];
	s22 =	simm.s32 $0x6000  }
0x2e: {  	[tilespmem:s22], [sflag:$0x1] =	stream.linear.gather [hbm4b:s21+s1], $0x1000, $0x38;
	[tilespmem:$0x12D80] =	vst v63  }
0x2f: {  	s30 =	rddreg [dreg:$0x6];
	s31 =	simm.s32 $0x7800  }
0x30: {  	[tilespmem:s31], [sflag:$0x1] =	stream.linear.gather [hbm4b:s30+s1], $0x1000, $0x38;
	[tilespmem:$0x12D80] =	vst v63  }
0x31: {  	s5 =	simm.s32 $0x9000;
	s4 =	rddreg [dreg:$0x7]  }
0x32: {  	[tilespmem:s5], [sflag:$0x1] =	stream.linear.gather [hbm4b:s4+s1], $0x1000, $0x38;
	[tilespmem:$0x12D80] =	vst v63  }
0x33: {  	s6 =	rddreg [dreg:$0x8];
	s7 =	simm.s32 $0xA800  }
0x34: {  	[tilespmem:s7], [sflag:$0x1] =	stream.linear.gather [hbm4b:s6+s1], $0x1000, $0x38;
	[tilespmem:$0x12D80] =	vst v63  }
0x35: {  	s8 =	rddreg [dreg:$0x9];
	s13 =	simm.s32 $0xC000  }
0x36: {  	[tilespmem:s13], [sflag:$0x1] =	stream.linear.gather [hbm4b:s8+s1], $0x12C0, $0x38;
	[tilespmem:$0x12D80] =	vst v63  }
0x37: {  	s14 =	simm.s32 $0xD300  }
0x38: {  	[tilespmem:s14], [sflag:$0x1] =	stream.linear.gather [hbm4b:s9+s1], $0x320, $0x38;
	[tilespmem:$0x12D80] =	vst v63  }
0x39: {  	s19 =	simm.s32 $0xD680  }
0x3a: {  	[tilespmem:s19], [sflag:$0x1] =	stream.linear.gather [hbm4b:s10+s1], $0x110, $0x38;
	[tilespmem:$0x12D80] =	vst v63  }
0x3b: {  	s20 =	simm.s32 $0xD800  }
0x3c: {  	[tilespmem:s20], [sflag:$0x1] =	stream.linear.gather [hbm4b:s11+s1], $0x110, $0x38;
	[tilespmem:$0x12D80] =	vst v63  }
0x3d: {  	s21 =	simm.s32 $0xD980  }
0x3e: {  	[tilespmem:s21], [sflag:$0x1] =	stream.linear.gather [hbm4b:s12+s1], $0x110, $0x38;
	[tilespmem:$0x12D80] =	vst v63  }
0x3f: {  	s22 =	simm.s32 $0xDB00  }
0x40: {  	[tilespmem:s22], [sflag:$0x1] =	stream.linear.gather [hbm4b:s15+s1], $0x100, $0x38;
	[tilespmem:$0x12D80] =	vst v63  }
.Ltmp2:
0x41: {  	_ = 	snop;
	(pc) =	sbr.rel @!p1 .LBB2_2-.Ltmp2, $4  }
0x42: {  	s30 =	simm.s32 $0xDC00  }
0x43: {  	[tilespmem:s30], [sflag:$0x1] =	stream.linear.gather [hbm4b:s16+s1], $0x110, $0x38;
	[tilespmem:$0x12D80] =	vst v63  }
0x44: {  	s31 =	simm.s32 $0xDD80  }
0x45: {  	[tilespmem:s31], [sflag:$0x1] =	stream.linear.gather [hbm4b:s17+s1], $0x110, $0x38;
	[tilespmem:$0x12D80] =	vst v63  }
0x46: {  	[tilespmem:$0x1000] =	vst v1  }
0x47: {  	[tilespmem:$0x1010] =	vst v1  }
0x48: {  	[tilespmem:$0x1020] =	vst v1  }
0x49: {  	[tilespmem:$0x1030] =	vst v1  }
0x4a: {  	[tilespmem:$0x1040] =	vst v1  }
0x4b: {  	[tilespmem:$0x1050] =	vst v1  }
0x4c: {  	[tilespmem:$0x1060] =	vst v1  }
0x4d: {  	[tilespmem:$0x1070] =	vst v1  }
0x4e: {  	[tilespmem:$0x1400] =	vst v1  }
0x4f: {  	[tilespmem:$0x1410] =	vst v1  }
0x50: {  	[tilespmem:$0x1420] =	vst v1  }
0x51: {  	[tilespmem:$0x1430] =	vst v1  }
0x52: {  	[tilespmem:$0x1440] =	vst v1  }
0x53: {  	[tilespmem:$0x1450] =	vst v1  }
0x54: {  	[tilespmem:$0x1460] =	vst v1  }
0x55: {  	[tilespmem:$0x1470] =	vst v1  }
0x56: {  	[tilespmem:$0x2800] =	vst v1  }
0x57: {  	[tilespmem:$0x2810] =	vst v1  }
0x58: {  	[tilespmem:$0x2820] =	vst v1  }
0x59: {  	[tilespmem:$0x2830] =	vst v1  }
0x5a: {  	[tilespmem:$0x2840] =	vst v1  }
0x5b: {  	[tilespmem:$0x2850] =	vst v1  }
0x5c: {  	[tilespmem:$0x2860] =	vst v1  }
0x5d: {  	[tilespmem:$0x2870] =	vst v1  }
0x5e: {  	[tilespmem:$0x2C00] =	vst v1  }
0x5f: {  	[tilespmem:$0x2C10] =	vst v1  }
0x60: {  	[tilespmem:$0x2C20] =	vst v1  }
0x61: {  	[tilespmem:$0x2C30] =	vst v1  }
0x62: {  	[tilespmem:$0x2C40] =	vst v1  }
0x63: {  	[tilespmem:$0x2C50] =	vst v1  }
0x64: {  	[tilespmem:$0x2C60] =	vst v1  }
0x65: {  	[tilespmem:$0x2C70] =	vst v1  }
0x66: {  	[tilespmem:$0x4000] =	vst v1  }
0x67: {  	[tilespmem:$0x4010] =	vst v1  }
0x68: {  	[tilespmem:$0x4020] =	vst v1  }
0x69: {  	[tilespmem:$0x4030] =	vst v1  }
0x6a: {  	[tilespmem:$0x4040] =	vst v1  }
0x6b: {  	[tilespmem:$0x4050] =	vst v1  }
0x6c: {  	[tilespmem:$0x4060] =	vst v1  }
0x6d: {  	[tilespmem:$0x4070] =	vst v1  }
0x6e: {  	[tilespmem:$0x4400] =	vst v1  }
0x6f: {  	[tilespmem:$0x4410] =	vst v1  }
0x70: {  	[tilespmem:$0x4420] =	vst v1  }
0x71: {  	[tilespmem:$0x4430] =	vst v1  }
0x72: {  	[tilespmem:$0x4440] =	vst v1  }
0x73: {  	[tilespmem:$0x4450] =	vst v1  }
0x74: {  	[tilespmem:$0x4460] =	vst v1  }
0x75: {  	[tilespmem:$0x4470] =	vst v1  }
0x76: {  	[tilespmem:$0x5800] =	vst v1  }
0x77: {  	[tilespmem:$0x5810] =	vst v1  }
0x78: {  	[tilespmem:$0x5820] =	vst v1  }
0x79: {  	[tilespmem:$0x5830] =	vst v1  }
0x7a: {  	[tilespmem:$0x5840] =	vst v1  }
0x7b: {  	[tilespmem:$0x5850] =	vst v1  }
0x7c: {  	[tilespmem:$0x5860] =	vst v1  }
0x7d: {  	[tilespmem:$0x5870] =	vst v1  }
0x7e: {  	[tilespmem:$0x5C00] =	vst v1  }
0x7f: {  	[tilespmem:$0x5C10] =	vst v1  }
0x80: {  	[tilespmem:$0x5C20] =	vst v1  }
0x81: {  	[tilespmem:$0x5C30] =	vst v1  }
0x82: {  	[tilespmem:$0x5C40] =	vst v1  }
0x83: {  	[tilespmem:$0x5C50] =	vst v1  }
0x84: {  	[tilespmem:$0x5C60] =	vst v1  }
0x85: {  	[tilespmem:$0x5C70] =	vst v1  }
0x86: {  	[tilespmem:$0x7000] =	vst v1  }
0x87: {  	[tilespmem:$0x7010] =	vst v1  }
0x88: {  	[tilespmem:$0x7020] =	vst v1  }
0x89: {  	[tilespmem:$0x7030] =	vst v1  }
0x8a: {  	[tilespmem:$0x7040] =	vst v1  }
0x8b: {  	[tilespmem:$0x7050] =	vst v1  }
0x8c: {  	[tilespmem:$0x7060] =	vst v1  }
0x8d: {  	[tilespmem:$0x7070] =	vst v1  }
0x8e: {  	[tilespmem:$0x7400] =	vst v1  }
0x8f: {  	[tilespmem:$0x7410] =	vst v1  }
0x90: {  	[tilespmem:$0x7420] =	vst v1  }
0x91: {  	[tilespmem:$0x7430] =	vst v1  }
0x92: {  	[tilespmem:$0x7440] =	vst v1  }
0x93: {  	[tilespmem:$0x7450] =	vst v1  }
0x94: {  	[tilespmem:$0x7460] =	vst v1  }
0x95: {  	[tilespmem:$0x7470] =	vst v1  }
0x96: {  	[tilespmem:$0x8800] =	vst v1  }
0x97: {  	[tilespmem:$0x8810] =	vst v1  }
0x98: {  	[tilespmem:$0x8820] =	vst v1  }
0x99: {  	[tilespmem:$0x8830] =	vst v1  }
0x9a: {  	[tilespmem:$0x8840] =	vst v1  }
0x9b: {  	[tilespmem:$0x8850] =	vst v1  }
0x9c: {  	[tilespmem:$0x8860] =	vst v1  }
0x9d: {  	[tilespmem:$0x8870] =	vst v1  }
0x9e: {  	[tilespmem:$0x8C00] =	vst v1  }
0x9f: {  	[tilespmem:$0x8C10] =	vst v1  }
0xa0: {  	[tilespmem:$0x8C20] =	vst v1  }
0xa1: {  	[tilespmem:$0x8C30] =	vst v1  }
0xa2: {  	[tilespmem:$0x8C40] =	vst v1  }
0xa3: {  	[tilespmem:$0x8C50] =	vst v1  }
0xa4: {  	[tilespmem:$0x8C60] =	vst v1  }
0xa5: {  	[tilespmem:$0x8C70] =	vst v1  }
0xa6: {  	[tilespmem:$0xA000] =	vst v1  }
0xa7: {  	[tilespmem:$0xA010] =	vst v1  }
0xa8: {  	[tilespmem:$0xA020] =	vst v1  }
0xa9: {  	[tilespmem:$0xA030] =	vst v1  }
0xaa: {  	[tilespmem:$0xA040] =	vst v1  }
0xab: {  	[tilespmem:$0xA050] =	vst v1  }
0xac: {  	[tilespmem:$0xA060] =	vst v1  }
0xad: {  	[tilespmem:$0xA070] =	vst v1  }
0xae: {  	[tilespmem:$0xA400] =	vst v1  }
0xaf: {  	[tilespmem:$0xA410] =	vst v1  }
0xb0: {  	[tilespmem:$0xA420] =	vst v1  }
0xb1: {  	[tilespmem:$0xA430] =	vst v1  }
0xb2: {  	[tilespmem:$0xA440] =	vst v1  }
0xb3: {  	[tilespmem:$0xA450] =	vst v1  }
0xb4: {  	[tilespmem:$0xA460] =	vst v1  }
0xb5: {  	[tilespmem:$0xA470] =	vst v1  }
0xb6: {  	[tilespmem:$0xB800] =	vst v1  }
0xb7: {  	[tilespmem:$0xB810] =	vst v1  }
0xb8: {  	[tilespmem:$0xB820] =	vst v1  }
0xb9: {  	[tilespmem:$0xB830] =	vst v1  }
0xba: {  	[tilespmem:$0xB840] =	vst v1  }
0xbb: {  	[tilespmem:$0xB850] =	vst v1  }
0xbc: {  	[tilespmem:$0xB860] =	vst v1  }
0xbd: {  	[tilespmem:$0xB870] =	vst v1  }
0xbe: {  	[tilespmem:$0xBC00] =	vst v1  }
0xbf: {  	[tilespmem:$0xBC10] =	vst v1  }
0xc0: {  	[tilespmem:$0xBC20] =	vst v1  }
.Ltmp3:
0xc1: {  	[tilespmem:$0xBC30] =	vst v1;
	(pc) =	sbr.rel .LBB2_4-.Ltmp3, $4  }
0xc2: {  	[tilespmem:$0xBC40] =	vst v1  }
0xc3: {  	[tilespmem:$0xBC50] =	vst v1  }
0xc4: {  	[tilespmem:$0xBC60] =	vst v1  }
0xc5: {  	[tilespmem:$0xBC70] =	vst v1  }
.LBB2_2:
0xc6: {  	s3 =	rddreg [dreg:$0xa];
	s4 =	simm.s32 $0x1000  }
0xc7: {  	[tilespmem:s4], [sflag:$0x1] =	stream.linear.gather [hbm4b:s3+s1], $0x800, $0x38;
	[tilespmem:$0x12D80] =	vst v63  }
0xc8: {  	s30 =	rddreg [dreg:$0x12];
	s31 =	simm.s32 $0x2800  }
0xc9: {  	[tilespmem:s31], [sflag:$0x1] =	stream.linear.gather [hbm4b:s30+s1], $0x800, $0x38;
	[tilespmem:$0x12D80] =	vst v63  }
0xca: {  	s5 =	rddreg [dreg:$0xb];
	s6 =	simm.s32 $0x4000  }
0xcb: {  	[tilespmem:s6], [sflag:$0x1] =	stream.linear.gather [hbm4b:s5+s1], $0x800, $0x38;
	[tilespmem:$0x12D80] =	vst v63  }
0xcc: {  	s7 =	rddreg [dreg:$0x13];
	s8 =	simm.s32 $0x5800  }
0xcd: {  	[tilespmem:s8], [sflag:$0x1] =	stream.linear.gather [hbm4b:s7+s1], $0x800, $0x38;
	[tilespmem:$0x12D80] =	vst v63  }
0xce: {  	s13 =	rddreg [dreg:$0xd];
	s14 =	simm.s32 $0x7000  }
0xcf: {  	[tilespmem:s14], [sflag:$0x1] =	stream.linear.gather [hbm4b:s13+s1], $0x800, $0x38;
	[tilespmem:$0x12D80] =	vst v63  }
0xd0: {  	s19 =	rddreg [dreg:$0xe];
	s20 =	simm.s32 $0x8800  }
0xd1: {  	[tilespmem:s20], [sflag:$0x1] =	stream.linear.gather [hbm4b:s19+s1], $0x800, $0x38;
	[tilespmem:$0x12D80] =	vst v63  }
0xd2: {  	s21 =	rddreg [dreg:$0xf];
	s22 =	simm.s32 $0xA000  }
0xd3: {  	[tilespmem:s22], [sflag:$0x1] =	stream.linear.gather [hbm4b:s21+s1], $0x800, $0x38;
	[tilespmem:$0x12D80] =	vst v63  }
0xd4: {  	s30 =	rddreg [dreg:$0x10];
	s31 =	simm.s32 $0xB800  }
0xd5: {  	[tilespmem:s31], [sflag:$0x1] =	stream.linear.gather [hbm4b:s30+s1], $0x800, $0x38;
	[tilespmem:$0x12D80] =	vst v63  }
0xd6: {  	_ =	swait.ge [sflag:s0], $0x800  }
0xd7: {  	[sflag:s0] =	ssyncset.done $0x0  }
0xd8: {  	[sflag:s0] =	ssyncadd.s32 $0xFFFFF800  }
0xd9: {  	_ =	swait.ge [sflag:s0], $0x800  }
0xda: {  	[sflag:s0] =	ssyncset.done $0x0  }
0xdb: {  	[sflag:s0] =	ssyncadd.s32 $0xFFFFF800  }
0xdc: {  	_ =	swait.ge [sflag:s0], $0x800  }
0xdd: {  	[sflag:s0] =	ssyncset.done $0x0  }
0xde: {  	[sflag:s0] =	ssyncadd.s32 $0xFFFFF800  }
0xdf: {  	_ =	swait.ge [sflag:s0], $0x800  }
0xe0: {  	[sflag:s0] =	ssyncset.done $0x0  }
0xe1: {  	[sflag:s0] =	ssyncadd.s32 $0xFFFFF800  }
0xe2: {  	_ =	swait.ge [sflag:s0], $0x800  }
0xe3: {  	[sflag:s0] =	ssyncset.done $0x0  }
0xe4: {  	[sflag:s0] =	ssyncadd.s32 $0xFFFFF800  }
0xe5: {  	_ =	swait.ge [sflag:s0], $0x800  }
0xe6: {  	[sflag:s0] =	ssyncset.done $0x0  }
0xe7: {  	[sflag:s0] =	ssyncadd.s32 $0xFFFFF800  }
0xe8: {  	_ =	swait.ge [sflag:s0], $0x800  }
0xe9: {  	[sflag:s0] =	ssyncset.done $0x0  }
0xea: {  	[sflag:s0] =	ssyncadd.s32 $0xFFFFF800  }
0xeb: {  	_ =	swait.ge [sflag:s0], $0x800  }
0xec: {  	[sflag:s0] =	ssyncset.done $0x0  }
0xed: {  	[sflag:s0] =	ssyncadd.s32 $0xFFFFF800  }
.LBB2_4:
0xee: {  	_ =	swait.ge [sflag:s0], $0x1000  }
0xef: {  	[sflag:s0] =	ssyncset.done $0x0  }
0xf0: {  	[sflag:s0] =	ssyncadd.s32 $0xFFFFF000  }
0xf1: {  	_ =	swait.ge [sflag:s0], $0x1000  }
0xf2: {  	[sflag:s0] =	ssyncset.done $0x0  }
0xf3: {  	[sflag:s0] =	ssyncadd.s32 $0xFFFFF000  }
0xf4: {  	_ =	swait.ge [sflag:s0], $0x1000  }
0xf5: {  	[sflag:s0] =	ssyncset.done $0x0  }
0xf6: {  	[sflag:s0] =	ssyncadd.s32 $0xFFFFF000  }
0xf7: {  	_ =	swait.ge [sflag:s0], $0x1000  }
0xf8: {  	[sflag:s0] =	ssyncset.done $0x0  }
0xf9: {  	[sflag:s0] =	ssyncadd.s32 $0xFFFFF000  }
0xfa: {  	_ =	swait.ge [sflag:s0], $0x1000  }
0xfb: {  	[sflag:s0] =	ssyncset.done $0x0  }
0xfc: {  	[sflag:s0] =	ssyncadd.s32 $0xFFFFF000  }
0xfd: {  	_ =	swait.ge [sflag:s0], $0x1000  }
0xfe: {  	[sflag:s0] =	ssyncset.done $0x0  }
0xff: {  	[sflag:s0] =	ssyncadd.s32 $0xFFFFF000  }
0x100: {  	_ =	swait.ge [sflag:s0], $0x1000  }
0x101: {  	[sflag:s0] =	ssyncset.done $0x0  }
0x102: {  	[sflag:s0] =	ssyncadd.s32 $0xFFFFF000  }
0x103: {  	_ =	swait.ge [sflag:s0], $0x1000  }
0x104: {  	[sflag:s0] =	ssyncset.done $0x0  }
0x105: {  	[sflag:s0] =	ssyncadd.s32 $0xFFFFF000  }
0x106: {  	_ =	swait.ge [sflag:s0], $0x12C0  }
0x107: {  	[sflag:s0] =	ssyncset.done $0x0  }
0x108: {  	[sflag:s0] =	ssyncadd.s32 $0xFFFFED40  }
0x109: {  	_ =	swait.ge [sflag:s0], $0x320  }
0x10a: {  	[sflag:s0] =	ssyncset.done $0x0  }
0x10b: {  	[sflag:s0] =	ssyncadd.s32 $0xFFFFFCE0  }
0x10c: {  	_ =	swait.ge [sflag:s0], $0x110  }
0x10d: {  	[sflag:s0] =	ssyncset.done $0x0  }
0x10e: {  	[sflag:s0] =	ssyncadd.s32 $0xFFFFFEF0  }
0x10f: {  	_ =	swait.ge [sflag:s0], $0x110  }
0x110: {  	[sflag:s0] =	ssyncset.done $0x0  }
0x111: {  	[sflag:s0] =	ssyncadd.s32 $0xFFFFFEF0  }
0x112: {  	_ =	swait.ge [sflag:s0], $0x110  }
0x113: {  	[sflag:s0] =	ssyncset.done $0x0  }
0x114: {  	[sflag:s0] =	ssyncadd.s32 $0xFFFFFEF0  }
0x115: {  	_ =	swait.ge [sflag:s0], $0x100  }
0x116: {  	[sflag:s0] =	ssyncset.done $0x0  }
0x117: {  	[sflag:s0] =	ssyncadd.s32 $0xFFFFFF00  }
0x118: {  	_ =	swait.ge [sflag:s0], $0x110  }
0x119: {  	[sflag:s0] =	ssyncset.done $0x0  }
0x11a: {  	[sflag:s0] =	ssyncadd.s32 $0xFFFFFEF0  }
0x11b: {  	s14 =	simm.s32 $0x0;
	_ =	swait.ge [sflag:s0], $0x110  }
0x11c: {  	s3 =	sand.u32 $0x1800, s14;
	s4 =	sand.u32 $0x380, s14;
	[sflag:s0] =	ssyncset.done $0x0  }
0x11d: {  	s19 =	sor.u32 s4, s3;
	[sflag:s0] =	ssyncadd.s32 $0xFFFFFEF0  }
0x11e: {  	v2 =	vld [tilespmem:s19+$0x6470]  }
0x11f: {  	v3 =	vld [tilespmem:s19+$0x7C70];
	_ =	sdelay $0x1  }
0x120: {  	v5 =	vld [tilespmem:s19+$0x9470];
	_ =	sdelay $0x1  }
0x121: {  	v7 =	vld [tilespmem:s19+$0xAC70]  }
0x122: {  	v2 =	vadd.f32 v3, v2;
	_ =	sdelay $0x1  }
0x123: {  	v2 =	vadd.f32 v5, v2;
	_ =	sdelay $0x1  }
0x124: {  	v2 =	vadd.f32 v7, v2;
	_ =	sdelay $0x1  }
0x125: {  	vm0 =	vlt.f32 v2, $0.0e+00;
	vm1 =	vgt.f32 v2, $0.0e+00;
	v2 =	vld [tilespmem:s19+$0x7840];
	_ =	sdelay $0x4  }
0x126: {  	[tilespmem:$0x1FC70] =	vst v2;
	v2 =	vld [tilespmem:s19+$0x50];
	_ =	sdelay $0x4  }
0x127: {  	[tilespmem:$0x1FC80] =	vst v2;
	v2 =	vld [tilespmem:s19+$0x1850];
	_ =	sdelay $0x4  }
0x128: {  	[tilespmem:$0x1FC90] =	vst v2;
	v2 =	vld [tilespmem:s19+$0x6050];
	_ =	sdelay $0x4  }
0x129: {  	[tilespmem:$0x1FCA0] =	vst v2;
	v2 =	vld [tilespmem:s19+$0x7850];
	_ =	sdelay $0x4  }
0x12a: {  	[tilespmem:$0x1FCB0] =	vst v2;
	v2 =	vld [tilespmem:s19+$0x60];
	_ =	sdelay $0x4  }
0x12b: {  	[tilespmem:$0x1FCC0] =	vst v2;
	v2 =	vld [tilespmem:s19+$0x1860];
	_ =	sdelay $0x4  }
0x12c: {  	[tilespmem:$0x1FCD0] =	vst v2;
	v2 =	vld [tilespmem:s19+$0x6060];
	_ =	sdelay $0x4  }
0x12d: {  	[tilespmem:$0x1FCE0] =	vst v2;
	v2 =	vld [tilespmem:s19+$0x7860];
	_ =	sdelay $0x2  }
0x12e: {  	v0 =	vld [tilespmem:s19+$0x0]  }
0x12f: {  	v4 =	vld [tilespmem:s19+$0x1800]  }
0x130: {  	[tilespmem:$0x1FCF0] =	vst v2;
	v2 =	vld [tilespmem:s19+$0x70]  }
0x131: {  	v6 =	vld [tilespmem:s19+$0x6000]  }
0x132: {  	v8 =	vld [tilespmem:s19+$0x7800]  }
0x133: {  	v9 =	vld [tilespmem:s19+$0x10]  }
0x134: {  	v10 =	vld [tilespmem:s19+$0x1810]  }
0x135: {  	[tilespmem:$0x1FD00] =	vst v2;
	v2 =	vld [tilespmem:s19+$0x1870]  }
0x136: {  	v11 =	vld [tilespmem:s19+$0x6010]  }
0x137: {  	v12 =	vld [tilespmem:s19+$0x6020]  }
0x138: {  	v14 =	vld [tilespmem:s19+$0x7820]  }
0x139: {  	v15 =	vld [tilespmem:s19+$0x30]  }
0x13a: {  	[tilespmem:$0x1FD10] =	vst v2;
	v2 =	vld [tilespmem:s19+$0x6070]  }
0x13b: {  	v16 =	vld [tilespmem:s19+$0x1830]  }
0x13c: {  	v18 =	vld [tilespmem:s19+$0x6030]  }
0x13d: {  	v20 =	vld [tilespmem:s19+$0x7830]  }
0x13e: {  	v19 =	vld [tilespmem:s19+$0x40]  }
0x13f: {  	[tilespmem:$0x1FD20] =	vst v2;
	v2 =	vld [tilespmem:s19+$0x7870]  }
0x140: {  	v21 =	vld [tilespmem:s19+$0x1840]  }
0x141: {  	v22 =	vld [tilespmem:s19+$0x6040]  }
0x142: {  	v40 =	vld [tilespmem:s19+$0x6410]  }
0x143: {  	v41 =	vld [tilespmem:s19+$0x7C10]  }
0x144: {  	[tilespmem:$0x1FD30] =	vst v2;
	v2 =	vld [tilespmem:s19+$0x400]  }
0x145: {  	v42 =	vld [tilespmem:s19+$0x420]  }
0x146: {  	v43 =	vld [tilespmem:s19+$0x1C20]  }
0x147: {  	v44 =	vld [tilespmem:s19+$0x6420]  }
0x148: {  	v45 =	vld [tilespmem:s19+$0x7C20]  }
0x149: {  	[tilespmem:$0x1FD40] =	vst v2;
	v2 =	vld [tilespmem:s19+$0x1C00]  }
0x14a: {  	v46 =	vld [tilespmem:s19+$0x430]  }
0x14b: {  	v47 =	vld [tilespmem:s19+$0x1C30]  }
0x14c: {  	v48 =	vld [tilespmem:s19+$0x6430]  }
0x14d: {  	v49 =	vld [tilespmem:s19+$0x7C30]  }
0x14e: {  	[tilespmem:$0x1FD50] =	vst v2;
	v2 =	vld [tilespmem:s19+$0x6400]  }
0x14f: {  	v50 =	vld [tilespmem:s19+$0x440]  }
0x150: {  	v51 =	vld [tilespmem:s19+$0x1C40]  }
0x151: {  	v52 =	vld [tilespmem:s19+$0x6440]  }
0x152: {  	v53 =	vld [tilespmem:s19+$0x7C40]  }
0x153: {  	[tilespmem:$0x1FD60] =	vst v2;
	v2 =	vld [tilespmem:s19+$0x410]  }
0x154: {  	v54 =	vld [tilespmem:s19+$0x450]  }
0x155: {  	v55 =	vld [tilespmem:s19+$0x1C50]  }
0x156: {  	v56 =	vld [tilespmem:s19+$0x6450]  }
0x157: {  	v57 =	vld [tilespmem:s19+$0x7C50]  }
0x158: {  	[tilespmem:$0x1FD70] =	vst v2;
	v2 =	vld [tilespmem:s19+$0x9050]  }
0x159: {  	v58 =	vld [tilespmem:s19+$0x460]  }
0x15a: {  	v59 =	vld [tilespmem:s19+$0x1C60]  }
0x15b: {  	v60 =	vld [tilespmem:s19+$0x6460]  }
0x15c: {  	v61 =	vld [tilespmem:s19+$0x7C60]  }
0x15d: {  	[tilespmem:$0x1FD80] =	vst v2;
	v2 =	vld [tilespmem:s19+$0x3060]  }
0x15e: {  	v62 =	vld [tilespmem:s19+$0x470]  }
0x15f: {  	v63 =	vld [tilespmem:s19+$0x1C70]  }
0x160: {  	v23 =	vld [tilespmem:s19+$0x3000]  }
0x161: {  	v24 =	vld [tilespmem:s19+$0x9000]  }
0x162: {  	[tilespmem:$0x1FD90] =	vst v2;
	v2 =	vld [tilespmem:s19+$0x9060]  }
0x163: {  	v25 =	vld [tilespmem:s19+$0x3010]  }
0x164: {  	v27 =	vld [tilespmem:s19+$0x9010]  }
0x165: {  	v28 =	vld [tilespmem:s19+$0x3020]  }
0x166: {  	v30 =	vld [tilespmem:s19+$0x9020]  }
0x167: {  	[tilespmem:$0x1FDA0] =	vst v2;
	v2 =	vld [tilespmem:s19+$0x3070]  }
0x168: {  	v31 =	vld [tilespmem:s19+$0x3030]  }
0x169: {  	v32 =	vld [tilespmem:s19+$0x9030]  }
0x16a: {  	v33 =	vld [tilespmem:s19+$0x3040]  }
0x16b: {  	v35 =	vld [tilespmem:s19+$0x9040]  }
0x16c: {  	[tilespmem:$0x1FDB0] =	vst v2;
	v2 =	vld [tilespmem:s19+$0x9070]  }
0x16d: {  	v3 =	vld [tilespmem:s19+$0x7810]  }
0x16e: {  	v5 =	vld [tilespmem:s19+$0x20]  }
0x16f: {  	v0 =	vadd.f32 v4, v0;
	v17 =	vadd.f32 v8, v6;
	v7 =	vld [tilespmem:s19+$0x1820]  }
0x170: {  	v4 =	vadd.f32 v16, v15;
	v15 =	vadd.f32 v20, v18;
	v6 =	vld [tilespmem:$0x1FC70]  }
0x171: {  	v42 =	vadd.f32 v43, v42;
	v43 =	vadd.f32 v45, v44;
	[tilespmem:$0x1FDC0] =	vst v2;
	v2 =	vld [tilespmem:s19+$0x3400]  }
0x172: {  	v36 =	vld [tilespmem:s19+$0x3050];
	v45 =	vadd.f32 v47, v46;
	v46 =	vadd.f32 v49, v48  }
0x173: {  	v18 =	vld [tilespmem:s19+$0x3440];
	v48 =	vadd.f32 v51, v50;
	v49 =	vadd.f32 v53, v52;
	vm0 =	vmor vm1, vm0  }
0x174: {  	v51 =	vadd.f32 v55, v54;
	v54 =	vadd.f32 v59, v58;
	v59 =	vld [tilespmem:s19+$0xA830];
	v13 =	vsel vm0, $0x3F800000, v1  }
0x175: {  	[tilespmem:s19+$0xFB70] =	vst v13;
	v13 =	vadd.f32 v3, v11;
	v3 =	vadd.f32 v7, v5;
	v7 =	vld [tilespmem:$0x1FC90]  }
0x176: {  	[tilespmem:$0x1FDD0] =	vst v2;
	v2 =	vadd.f32 v10, v9;
	v10 =	vadd.f32 v6, v22;
	v6 =	vld [tilespmem:$0x1FC80]  }
0x177: {  	v52 =	vadd.f32 v57, v56;
	v55 =	vadd.f32 v61, v60;
	v60 =	vld [tilespmem:s19+$0x4840]  }
0x178: {  	v57 =	vadd.f32 v63, v62;
	v0 =	vadd.f32 v23, v0;
	v23 =	vld [tilespmem:s19+$0x4800]  }
0x179: {  	v13 =	vadd.f32 v27, v13;
	v27 =	vadd.f32 v28, v3;
	v28 =	vld [tilespmem:s19+$0x4810]  }
0x17a: {  	v17 =	vadd.f32 v24, v17;
	v5 =	vadd.f32 v21, v19;
	v8 =	vld [tilespmem:$0x1FCB0]  }
0x17b: {  	[tilespmem:s19+$0xDF00] =	vst v1;
	v15 =	vadd.f32 v32, v15;
	v6 =	vadd.f32 v7, v6;
	v7 =	vld [tilespmem:$0x1FCA0]  }
0x17c: {  	[tilespmem:s19+$0xDF10] =	vst v1;
	v11 =	vadd.f32 v14, v12;
	v32 =	vadd.f32 v33, v5;
	v33 =	vld [tilespmem:s19+$0x4820]  }
0x17d: {  	[tilespmem:s19+$0xDF20] =	vst v1;
	v0 =	vadd.f32 v23, v0;
	v24 =	vadd.f32 v25, v2;
	v2 =	vld [tilespmem:$0x1FD80]  }
0x17e: {  	[tilespmem:s19+$0xDF30] =	vst v1;
	v11 =	vadd.f32 v30, v11;
	v30 =	vadd.f32 v31, v4;
	v31 =	vld [tilespmem:s19+$0xA810]  }
0x17f: {  	[tilespmem:s19+$0xDF40] =	vst v1;
	v63 =	vld [tilespmem:s19+$0xA850];
	vm6 =	vlt.f32 v0, $0.0e+00;
	vm7 =	vgt.f32 v0, $0.0e+00;
	v0 =	vadd.f32 v28, v24  }
0x180: {  	[tilespmem:s19+$0xDF50] =	vst v1;
	v61 =	vld [tilespmem:s19+$0xA840];
	v12 =	vadd.f32 v8, v7  }
0x181: {  	[tilespmem:s19+$0xDF60] =	vst v1;
	v19 =	vld [tilespmem:s19+$0x9430];
	vm4 =	vlt.f32 v0, $0.0e+00  }
0x182: {  	[tilespmem:s19+$0xDF70] =	vst v1;
	vm5 =	vgt.f32 v0, $0.0e+00;
	v0 =	vadd.f32 v33, v27;
	v7 =	vld [tilespmem:$0x1FCC0];
	v12 =	vadd.f32 v2, v12  }
0x183: {  	[tilespmem:s19+$0xE300] =	vst v1;
	v40 =	vadd.f32 v41, v40;
	v13 =	vadd.f32 v31, v13;
	v8 =	vld [tilespmem:$0x1FCD0]  }
0x184: {  	vm10 =	vlt.f32 v0, $0.0e+00;
	vm11 =	vgt.f32 v0, $0.0e+00;
	v0 =	vadd.f32 v63, v12;
	v12 =	vld [tilespmem:s19+$0xAC30]  }
0x185: {  	v62 =	vld [tilespmem:s19+$0x4850];
	vm8 =	vlt.f32 v13, $0.0e+00;
	vm9 =	vgt.f32 v13, $0.0e+00;
	v13 =	vadd.f32 v59, v15  }
0x186: {  	v19 =	vadd.f32 v19, v46;
	v15 =	vadd.f32 v60, v32;
	v9 =	vld [tilespmem:$0x1FCF0]  }
0x187: {  	vm1 =	vlt.f32 v13, $0.0e+00;
	vm0 =	vgt.f32 v13, $0.0e+00;
	v13 =	vimm.s32 $0x0;
	v2 =	vld [tilespmem:$0x1FD90]  }
0x188: {  	v13 =	vsel vm0, $0xFFFFFFFF, v13;
	vm0 =	vlt.f32 v15, $0.0e+00;
	v7 =	vadd.f32 v8, v7;
	v8 =	vld [tilespmem:$0x1FCE0]  }
0x189: {  	v10 =	vadd.f32 v35, v10;
	v19 =	vadd.f32 v12, v19;
	v12 =	vimm.s32 $0x0  }
0x18a: {  	v18 =	vadd.f32 v18, v48;
	v35 =	vadd.f32 v36, v6;
	v12 =	vsel vm0, $0xFFFFFFFF, v12  }
0x18b: {  	v41 =	vld [tilespmem:s19+$0x9440];
	v10 =	vadd.f32 v61, v10;
	vm0 =	vgt.f32 v15, $0.0e+00;
	[tilespmem:$0x1FDF0] =	vst v12;
	v12 =	vimm.s32 $0x0  }
0x18c: {  	v48 =	vld [tilespmem:s19+$0x4860];
	v59 =	vadd.f32 v62, v35;
	v7 =	vadd.f32 v2, v7;
	v12 =	vsel vm0, $0xFFFFFFFF, v12  }
0x18d: {  	v2 =	vld [tilespmem:$0x1FDA0];
	v14 =	vadd.f32 v9, v8;
	vm0 =	vlt.f32 v10, $0.0e+00;
	[tilespmem:$0x1FE00] =	vst v12;
	v12 =	vimm.s32 $0x0  }
0x18e: {  	v8 =	vld [tilespmem:$0x1FD00];
	v12 =	vsel vm0, $0xFFFFFFFF, v12;
	vm0 =	vgt.f32 v10, $0.0e+00;
	v10 =	vimm.s32 $0x0  }
0x18f: {  	v9 =	vld [tilespmem:$0x1FD10];
	v10 =	vsel vm0, $0xFFFFFFFF, v10  }
0x190: {  	v50 =	vld [tilespmem:s19+$0x3460];
	vm0 =	vlt.f32 v59, $0.0e+00;
	[tilespmem:$0x1FE20] =	vst v10;
	v10 =	vimm.s32 $0x0  }
0x191: {  	v41 =	vadd.f32 v41, v49;
	v49 =	vld [tilespmem:s19+$0xA860];
	v10 =	vsel vm0, $0xFFFFFFFF, v10  }
0x192: {  	v38 =	vld [tilespmem:$0x1FD30];
	vm0 =	vgt.f32 v59, $0.0e+00;
	[tilespmem:$0x1FE30] =	vst v10;
	v10 =	vimm.s32 $0x0  }
0x193: {  	v7 =	vadd.f32 v48, v7;
	v14 =	vadd.f32 v2, v14;
	v2 =	vld [tilespmem:$0x1FDB0];
	v10 =	vsel vm0, $0xFFFFFFFF, v10  }
0x194: {  	v8 =	vadd.f32 v9, v8;
	v9 =	vld [tilespmem:$0x1FD20];
	vm0 =	vlt.f32 v0, $0.0e+00;
	[tilespmem:$0x1FE40] =	vst v10;
	v10 =	vimm.s32 $0x0  }
0x195: {  	v37 =	vld [tilespmem:s19+$0x7C00];
	v10 =	vsel vm0, $0xFFFFFFFF, v10;
	vm0 =	vgt.f32 v0, $0.0e+00;
	v0 =	vimm.s32 $0x0  }
0x196: {  	v44 =	vld [tilespmem:s19+$0x3450];
	v0 =	vsel vm0, $0xFFFFFFFF, v0  }
0x197: {  	v4 =	vadd.f32 v50, v54;
	v50 =	vld [tilespmem:s19+$0x4870];
	vm0 =	vlt.f32 v7, $0.0e+00;
	[tilespmem:$0x1FE60] =	vst v0;
	v0 =	vimm.s32 $0x0  }
0x198: {  	v14 =	vadd.f32 v49, v14;
	v8 =	vadd.f32 v2, v8;
	v2 =	vld [tilespmem:$0x1FDC0];
	v0 =	vsel vm0, $0xFFFFFFFF, v0  }
0x199: {  	v16 =	vadd.f32 v38, v9;
	v9 =	vld [tilespmem:$0x1FD40];
	vm0 =	vgt.f32 v7, $0.0e+00;
	[tilespmem:$0x1FE70] =	vst v0;
	v0 =	vimm.s32 $0x0  }
0x19a: {  	v38 =	vld [tilespmem:$0x1FD50];
	v0 =	vsel vm0, $0xFFFFFFFF, v0  }
0x19b: {  	v47 =	vld [tilespmem:s19+$0x9450];
	vm0 =	vlt.f32 v14, $0.0e+00;
	[tilespmem:$0x1FE80] =	vst v0;
	v0 =	vimm.s32 $0x0  }
0x19c: {  	v6 =	vadd.f32 v44, v51;
	v51 =	vld [tilespmem:s19+$0xA870];
	v0 =	vsel vm0, $0xFFFFFFFF, v0  }
0x19d: {  	v53 =	vld [tilespmem:s19+$0x9460];
	v8 =	vadd.f32 v50, v8;
	vm0 =	vgt.f32 v14, $0.0e+00;
	[tilespmem:$0x1FE90] =	vst v0;
	v0 =	vimm.s32 $0x0  }
0x19e: {  	v16 =	vadd.f32 v2, v16;
	v2 =	vld [tilespmem:$0x1FDD0];
	v0 =	vsel vm0, $0xFFFFFFFF, v0  }
0x19f: {  	v9 =	vadd.f32 v38, v9;
	v38 =	vld [tilespmem:$0x1FD60];
	vm0 =	vlt.f32 v8, $0.0e+00;
	[tilespmem:$0x1FEA0] =	vst v0;
	v0 =	vimm.s32 $0x0  }
0x1a0: {  	v5 =	vadd.f32 v47, v52;
	v52 =	vld [tilespmem:s19+$0x4C00];
	v0 =	vsel vm0, $0xFFFFFFFF, v0  }
0x1a1: {  	v34 =	vld [tilespmem:s19+$0x9400];
	v16 =	vadd.f32 v51, v16;
	vm0 =	vgt.f32 v8, $0.0e+00;
	[tilespmem:$0x1FEB0] =	vst v0;
	v0 =	vimm.s32 $0x0  }
0x1a2: {  	v39 =	vld [tilespmem:s19+$0x1C10];
	v3 =	vadd.f32 v53, v55;
	v0 =	vsel vm0, $0xFFFFFFFF, v0  }
0x1a3: {  	v53 =	vld [tilespmem:s19+$0xAC00];
	v9 =	vadd.f32 v2, v9;
	vm0 =	vlt.f32 v16, $0.0e+00;
	[tilespmem:$0x1FEC0] =	vst v0;
	v0 =	vimm.s32 $0x0  }
0x1a4: {  	v37 =	vadd.f32 v37, v38;
	v38 =	vld [tilespmem:$0x1FD70];
	v0 =	vsel vm0, $0xFFFFFFFF, v0  }
0x1a5: {  	v25 =	vld [tilespmem:s19+$0xA800];
	v9 =	vadd.f32 v52, v9;
	vm0 =	vgt.f32 v16, $0.0e+00;
	[tilespmem:$0x1FED0] =	vst v0;
	v0 =	vimm.s32 $0x0  }
0x1a6: {  	v29 =	vld [tilespmem:s19+$0x3410];
	v34 =	vadd.f32 v34, v37;
	v0 =	vsel vm0, $0xFFFFFFFF, v0  }
0x1a7: {  	vm0 =	vlt.f32 v9, $0.0e+00;
	[tilespmem:$0x1FEE0] =	vst v0;
	v0 =	vimm.s32 $0x0  }
0x1a8: {  	v54 =	vld [tilespmem:s19+$0x4C10];
	v62 =	vadd.f32 v53, v34;
	v0 =	vsel vm0, $0xFFFFFFFF, v0  }
0x1a9: {  	v39 =	vadd.f32 v39, v38;
	vm0 =	vgt.f32 v9, $0.0e+00;
	[tilespmem:$0x1FEF0] =	vst v0;
	v0 =	vimm.s32 $0x0  }
0x1aa: {  	v26 =	vld [tilespmem:s19+$0x9410];
	v17 =	vadd.f32 v25, v17;
	v0 =	vsel vm0, $0xFFFFFFFF, v0  }
0x1ab: {  	v56 =	vld [tilespmem:s19+$0x3470];
	v29 =	vadd.f32 v29, v39;
	vm0 =	vlt.f32 v62, $0.0e+00;
	[tilespmem:$0x1FF00] =	vst v0;
	v0 =	vimm.s32 $0x0  }
0x1ac: {  	v55 =	vld [tilespmem:s19+$0xAC10];
	vm2 =	vlt.f32 v17, $0.0e+00;
	vm3 =	vgt.f32 v17, $0.0e+00;
	v0 =	vsel vm0, $0xFFFFFFFF, v0  }
0x1ad: {  	v17 =	vadd.f32 v54, v29;
	vm0 =	vgt.f32 v62, $0.0e+00;
	[tilespmem:$0x1FF10] =	vst v0;
	v0 =	vimm.s32 $0x0  }
0x1ae: {  	v22 =	vld [tilespmem:s19+$0x3420];
	v0 =	vsel vm0, $0xFFFFFFFF, v0  }
0x1af: {  	v58 =	vld [tilespmem:s19+$0x4830];
	v26 =	vadd.f32 v26, v40;
	vm0 =	vlt.f32 v17, $0.0e+00;
	[tilespmem:$0x1FF20] =	vst v0;
	v0 =	vimm.s32 $0x0  }
0x1b0: {  	v2 =	vadd.f32 v56, v57;
	v57 =	vld [tilespmem:s19+$0x4C20];
	v0 =	vsel vm0, $0xFFFFFFFF, v0  }
0x1b1: {  	v63 =	vadd.f32 v55, v26;
	vm0 =	vgt.f32 v17, $0.0e+00;
	[tilespmem:$0x1FF30] =	vst v0;
	v0 =	vimm.s32 $0x0  }
0x1b2: {  	v21 =	vld [tilespmem:s19+$0x9420];
	v0 =	vsel vm0, $0xFFFFFFFF, v0  }
0x1b3: {  	v22 =	vadd.f32 v22, v42;
	vm0 =	vlt.f32 v63, $0.0e+00;
	[tilespmem:$0x1FF40] =	vst v0;
	v0 =	vimm.s32 $0x0  }
0x1b4: {  	[tilespmem:s19+$0xE310] =	vst v1;
	v56 =	vadd.f32 v58, v30;
	v58 =	vld [tilespmem:s19+$0xAC20];
	v0 =	vsel vm0, $0xFFFFFFFF, v0  }
0x1b5: {  	v22 =	vadd.f32 v57, v22;
	vm0 =	vgt.f32 v63, $0.0e+00;
	[tilespmem:$0x1FF50] =	vst v0;
	v0 =	vimm.s32 $0x0  }
0x1b6: {  	[tilespmem:s19+$0xE320] =	vst v1;
	v20 =	vld [tilespmem:s19+$0x3430];
	v0 =	vsel vm0, $0xFFFFFFFF, v0  }
0x1b7: {  	v21 =	vadd.f32 v21, v43;
	vm0 =	vlt.f32 v22, $0.0e+00;
	[tilespmem:$0x1FF60] =	vst v0;
	v0 =	vimm.s32 $0x0  }
0x1b8: {  	[tilespmem:s19+$0xE330] =	vst v1;
	v60 =	vld [tilespmem:s19+$0x4C30];
	v0 =	vsel vm0, $0xFFFFFFFF, v0  }
0x1b9: {  	v21 =	vadd.f32 v58, v21;
	vm0 =	vgt.f32 v22, $0.0e+00;
	[tilespmem:$0x1FF70] =	vst v0;
	v0 =	vimm.s32 $0x0  }
0x1ba: {  	[tilespmem:s19+$0xE340] =	vst v1;
	v0 =	vsel vm0, $0xFFFFFFFF, v0  }
0x1bb: {  	v20 =	vadd.f32 v20, v45;
	v36 =	vld [tilespmem:s19+$0xA820];
	vm0 =	vlt.f32 v21, $0.0e+00;
	[tilespmem:$0x1FF80] =	vst v0;
	v0 =	vimm.s32 $0x0  }
0x1bc: {  	[tilespmem:s19+$0xE350] =	vst v1;
	v0 =	vsel vm0, $0xFFFFFFFF, v0  }
0x1bd: {  	v20 =	vadd.f32 v60, v20;
	vm0 =	vgt.f32 v21, $0.0e+00;
	[tilespmem:$0x1FF90] =	vst v0;
	v0 =	vimm.s32 $0x0  }
0x1be: {  	[tilespmem:s19+$0xE360] =	vst v1;
	v0 =	vsel vm0, $0xFFFFFFFF, v0  }
0x1bf: {  	vm0 =	vlt.f32 v20, $0.0e+00;
	[tilespmem:$0x1FFA0] =	vst v0;
	v0 =	vimm.s32 $0x0  }
0x1c0: {  	[tilespmem:s19+$0xE370] =	vst v1;
	v11 =	vadd.f32 v36, v11;
	v0 =	vsel vm0, $0xFFFFFFFF, v0  }
0x1c1: {  	v61 =	vld [tilespmem:s19+$0x4C40];
	vm0 =	vgt.f32 v20, $0.0e+00;
	[tilespmem:$0x1FFB0] =	vst v0;
	v0 =	vimm.s32 $0x0  }
0x1c2: {  	vm12 =	vlt.f32 v11, $0.0e+00;
	vm14 =	vgt.f32 v11, $0.0e+00;
	v11 =	vld [tilespmem:s19+$0xAC40];
	[tilespmem:$0x1FE10] =	vst v12;
	v0 =	vsel vm0, $0xFFFFFFFF, v0  }
0x1c3: {  	v12 =	vld [tilespmem:s19+$0x4C50];
	vm0 =	vlt.f32 v19, $0.0e+00;
	[tilespmem:$0x1FFC0] =	vst v0;
	v0 =	vimm.s32 $0x0  }
0x1c4: {  	[tilespmem:$0x1FE50] =	vst v10;
	v10 =	vld [tilespmem:s19+$0xAC50];
	v0 =	vsel vm0, $0xFFFFFFFF, v0  }
0x1c5: {  	s30 =	simm.s32 $0x100;
	s21 =	simm.s32 $0x80;
	v7 =	vld [tilespmem:s19+$0x4C60];
	vm0 =	vgt.f32 v19, $0.0e+00;
	[tilespmem:$0x1FFD0] =	vst v0;
	v0 =	vimm.s32 $0x0  }
0x1c6: {  	s31 =	sand.u32 $0x380, s21;
	s3 =	sand.u32 $0x1800, s30;
	[tilespmem:$0x1FDE0] =	vst v13;
	v13 =	vadd.f32 v61, v18;
	v8 =	vld [tilespmem:s19+$0xAC60];
	v0 =	vsel vm0, $0xFFFFFFFF, v0  }
0x1c7: {  	s22 =	simm.s32 $0x200;
	s20 =	sor.u32 s31, s3;
	v11 =	vadd.f32 v11, v41;
	vm13 =	vlt.f32 v56, $0.0e+00;
	vm15 =	vgt.f32 v56, $0.0e+00;
	v9 =	vld [tilespmem:s19+$0x4C70];
	[tilespmem:$0x1FFE0] =	vst v0  }
.LBB2_5:
0x1c8: {  	v14 =	vimm.s32 $0x0;
	vm0 =	vlt.f32 v13, $0.0e+00  }
0x1c9: {  	v14 =	vsel vm0, $0xFFFFFFFF, v14;
	vm0 =	vgt.f32 v13, $0.0e+00;
	v13 =	vimm.s32 $0x0  }
0x1ca: {  	v13 =	vsel vm0, $0xFFFFFFFF, v13  }
0x1cb: {  	vm0 =	vlt.f32 v11, $0.0e+00;
	[tilespmem:$0x1FAA0] =	vst v13;
	v6 =	vadd.f32 v12, v6;
	v13 =	vimm.s32 $0x0  }
0x1cc: {  	v13 =	vsel vm0, $0xFFFFFFFF, v13;
	vm0 =	vgt.f32 v11, $0.0e+00;
	v11 =	vimm.s32 $0x0  }
0x1cd: {  	v5 =	vadd.f32 v10, v5;
	v4 =	vadd.f32 v7, v4;
	v11 =	vsel vm0, $0xFFFFFFFF, v11  }
0x1ce: {  	v7 =	vimm.s32 $0x0;
	vm0 =	vlt.f32 v6, $0.0e+00;
	[tilespmem:$0x1FAC0] =	vst v11;
	v11 =	vimm.s32 $0x0  }
0x1cf: {  	v11 =	vsel vm0, $0xFFFFFFFF, v11;
	vm0 =	vgt.f32 v6, $0.0e+00;
	v6 =	vimm.s32 $0x0  }
0x1d0: {  	v3 =	vadd.f32 v8, v3;
	v6 =	vsel vm0, $0xFFFFFFFF, v6;
	vm0 =	vlt.f32 v5, $0.0e+00  }
0x1d1: {  	v7 =	vsel vm0, $0xFFFFFFFF, v7;
	vm0 =	vgt.f32 v5, $0.0e+00;
	v5 =	vimm.s32 $0x0  }
0x1d2: {  	[tilespmem:$0x1FAF0] =	vst v7;
	v5 =	vsel vm0, $0xFFFFFFFF, v5;
	vm0 =	vlt.f32 v4, $0.0e+00;
	v7 =	vimm.s32 $0x0  }
0x1d3: {  	v7 =	vsel vm0, $0xFFFFFFFF, v7;
	vm0 =	vgt.f32 v4, $0.0e+00;
	v4 =	vimm.s32 $0x0  }
0x1d4: {  	[tilespmem:$0x1FB10] =	vst v7;
	v4 =	vsel vm0, $0xFFFFFFFF, v4;
	vm0 =	vmor vm7, vm6;
	v7 =	vimm.s32 $0x0  }
0x1d5: {  	v7 =	vsel vm0, $0xFFFFFFFF, v7  }
0x1d6: {  	v2 =	vadd.f32 v9, v2;
	vm0 =	vlt.f32 v3, $0.0e+00;
	[tilespmem:$0x1FB70] =	vst v7;
	v7 =	vimm.s32 $0x0  }
0x1d7: {  	v7 =	vsel vm0, $0xFFFFFFFF, v7;
	vm0 =	vgt.f32 v3, $0.0e+00;
	v3 =	vimm.s32 $0x0  }
0x1d8: {  	[tilespmem:$0x1FB30] =	vst v7;
	v3 =	vsel vm0, $0xFFFFFFFF, v3;
	vm0 =	vlt.f32 v2, $0.0e+00;
	v7 =	vimm.s32 $0x0  }
0x1d9: {  	v7 =	vsel vm0, $0xFFFFFFFF, v7;
	vm0 =	vgt.f32 v2, $0.0e+00;
	v2 =	vimm.s32 $0x0  }
0x1da: {  	v2 =	vsel vm0, $0xFFFFFFFF, v2  }
0x1db: {  	v0 =	vld [tilespmem:s20+$0x6470];
	vm0 =	vmor vm3, vm2;
	[tilespmem:$0x1FB60] =	vst v2;
	v2 =	vimm.s32 $0x0  }
0x1dc: {  	v12 =	vld [tilespmem:s20+$0x7C70];
	v2 =	vsel vm0, $0xFFFFFFFF, v2  }
0x1dd: {  	vm0 =	vmor vm5, vm4;
	[tilespmem:$0x1FB80] =	vst v2;
	v2 =	vimm.s32 $0x0  }
0x1de: {  	[tilespmem:$0x1FAE0] =	vst v6;
	v6 =	vld [tilespmem:s20+$0x9470];
	v2 =	vsel vm0, $0xFFFFFFFF, v2  }
0x1df: {  	vm0 =	vmor vm9, vm8;
	[tilespmem:$0x1FB90] =	vst v2;
	v2 =	vimm.s32 $0x0  }
0x1e0: {  	v2 =	vsel vm0, $0xFFFFFFFF, v2  }
0x1e1: {  	v0 =	vadd.f32 v12, v0;
	vm0 =	vmor vm11, vm10;
	[tilespmem:$0x1FBA0] =	vst v2;
	v2 =	vimm.s32 $0x0  }
0x1e2: {  	[tilespmem:$0x1FB20] =	vst v4;
	v2 =	vsel vm0, $0xFFFFFFFF, v2  }
0x1e3: {  	v4 =	vld [tilespmem:s20+$0xAC70];
	v0 =	vadd.f32 v6, v0;
	vm0 =	vmor vm14, vm12;
	[tilespmem:$0x1FBB0] =	vst v2;
	v2 =	vimm.s32 $0x0  }
0x1e4: {  	v6 =	vimm.s32 $0x0;
	v2 =	vsel vm0, $0xFFFFFFFF, v2;
	vm0 =	vmor vm15, vm13  }
0x1e5: {  	v6 =	vsel vm0, $0xFFFFFFFF, v6  }
0x1e6: {  	[tilespmem:$0x1FBD0] =	vst v6;
	v6 =	vld [tilespmem:$0x1FDE0];
	_ =	sdelay $0x1  }
0x1e7: {  	v0 =	vadd.f32 v4, v0;
	v4 =	vld [tilespmem:$0x1FDF0];
	_ =	sdelay $0x2  }
0x1e8: {  	vm0 =	vnez.u8 v6  }
0x1e9: {  	v6 =	vimm.s32 $0x0;
	vm0 =	vmor vm0, vm1  }
0x1ea: {  	v6 =	vsel vm0, $0xFFFFFFFF, v6;
	vm0 =	vnez.u8 v4;
	v4 =	vld [tilespmem:$0x1FE00];
	_ =	sdelay $0x4  }
0x1eb: {  	vm1 =	vnez.u8 v4  }
0x1ec: {  	v4 =	vimm.s32 $0x0;
	vm0 =	vmor vm1, vm0  }
0x1ed: {  	v4 =	vsel vm0, $0xFFFFFFFF, v4  }
0x1ee: {  	[tilespmem:$0x1FBF0] =	vst v4;
	v4 =	vld [tilespmem:$0x1FE10];
	_ =	sdelay $0x4  }
0x1ef: {  	vm0 =	vnez.u8 v4;
	v4 =	vld [tilespmem:$0x1FE20];
	_ =	sdelay $0x4  }
0x1f0: {  	vm1 =	vnez.u8 v4  }
0x1f1: {  	v4 =	vimm.s32 $0x0;
	vm0 =	vmor vm1, vm0  }
0x1f2: {  	v4 =	vsel vm0, $0xFFFFFFFF, v4  }
0x1f3: {  	[tilespmem:$0x1FC00] =	vst v4;
	v4 =	vld [tilespmem:$0x1FE30];
	_ =	sdelay $0x4  }
0x1f4: {  	vm0 =	vnez.u8 v4;
	v4 =	vld [tilespmem:$0x1FE40];
	_ =	sdelay $0x4  }
0x1f5: {  	vm1 =	vnez.u8 v4  }
0x1f6: {  	v4 =	vimm.s32 $0x0;
	vm0 =	vmor vm1, vm0  }
0x1f7: {  	v4 =	vsel vm0, $0xFFFFFFFF, v4  }
0x1f8: {  	[tilespmem:$0x1FC10] =	vst v4;
	v4 =	vld [tilespmem:$0x1FE50];
	_ =	sdelay $0x4  }
0x1f9: {  	vm0 =	vnez.u8 v4;
	v4 =	vld [tilespmem:$0x1FE60];
	_ =	sdelay $0x4  }
0x1fa: {  	vm1 =	vnez.u8 v4  }
0x1fb: {  	v4 =	vimm.s32 $0x0;
	vm0 =	vmor vm1, vm0  }
0x1fc: {  	v4 =	vsel vm0, $0xFFFFFFFF, v4  }
0x1fd: {  	[tilespmem:$0x1FC20] =	vst v4;
	v4 =	vld [tilespmem:$0x1FE70];
	_ =	sdelay $0x4  }
0x1fe: {  	vm0 =	vnez.u8 v4;
	v4 =	vld [tilespmem:$0x1FE80];
	_ =	sdelay $0x4  }
0x1ff: {  	vm1 =	vnez.u8 v4  }
0x200: {  	v4 =	vimm.s32 $0x0;
	vm0 =	vmor vm1, vm0  }
0x201: {  	v4 =	vsel vm0, $0xFFFFFFFF, v4  }
0x202: {  	[tilespmem:$0x1FC30] =	vst v4;
	v4 =	vld [tilespmem:$0x1FE90];
	_ =	sdelay $0x3  }
0x203: {  	vm1 =	vgt.f32 v0, $0.0e+00;
	vm0 =	vlt.f32 v0, $0.0e+00  }
0x204: {  	vm0 =	vmor vm1, vm0;
	vm1 =	vnez.u8 v4;
	v4 =	vld [tilespmem:$0x1FEA0];
	_ =	sdelay $0x4  }
0x205: {  	vm2 =	vnez.u8 v4  }
0x206: {  	v4 =	vimm.s32 $0x0;
	vm1 =	vmor vm2, vm1  }
0x207: {  	v4 =	vsel vm1, $0xFFFFFFFF, v4  }
0x208: {  	[tilespmem:$0x1FC40] =	vst v4;
	v4 =	vld [tilespmem:$0x1FEB0]  }
0x209: {  	v10 =	vld [tilespmem:s20+$0x0]  }
0x20a: {  	[tilespmem:$0x1FB00] =	vst v5;
	v5 =	vld [tilespmem:s20+$0x1800];
	_ =	sdelay $0x2  }
0x20b: {  	vm1 =	vnez.u8 v4;
	v4 =	vld [tilespmem:$0x1FEC0]  }
0x20c: {  	v8 =	vld [tilespmem:s20+$0x10]  }
0x20d: {  	[tilespmem:$0x1FBC0] =	vst v2;
	v2 =	vadd.f32 v5, v10;
	v5 =	vld [tilespmem:s20+$0x1810]  }
0x20e: {  	v10 =	vld [tilespmem:$0x1FED0];
	_ =	sdelay $0x1  }
0x20f: {  	vm2 =	vnez.u8 v4  }
0x210: {  	v4 =	vimm.s32 $0x0;
	vm1 =	vmor vm2, vm1  }
0x211: {  	v4 =	vsel vm1, $0xFFFFFFFF, v4  }
0x212: {  	[tilespmem:$0x1FC50] =	vst v4;
	v4 =	vadd.f32 v5, v8;
	v5 =	vsel vm0, $0x3F800000, v1;
	vm0 =	vnez.u8 v10;
	v10 =	vld [tilespmem:$0x1FEE0]  }
0x213: {  	[tilespmem:s20+$0xFB70] =	vst v5;
	v5 =	vld [tilespmem:$0x1FEF0];
	_ =	sdelay $0x3  }
0x214: {  	vm1 =	vnez.u8 v10  }
0x215: {  	vm8 =	vmor vm1, vm0;
	vm0 =	vnez.u8 v5;
	v5 =	vld [tilespmem:$0x1FF00];
	_ =	sdelay $0x4  }
0x216: {  	vm1 =	vnez.u8 v5;
	v5 =	vld [tilespmem:$0x1FF10];
	_ =	sdelay $0x4  }
0x217: {  	vm0 =	vmor vm1, vm0;
	vm1 =	vnez.u8 v5;
	v5 =	vld [tilespmem:$0x1FF20];
	_ =	sdelay $0x4  }
0x218: {  	vm2 =	vnez.u8 v5;
	v5 =	vld [tilespmem:$0x1FF30];
	_ =	sdelay $0x2  }
0x219: {  	v9 =	vld [tilespmem:s20+$0x7810]  }
0x21a: {  	[tilespmem:$0x1FBE0] =	vst v6;
	v6 =	vld [tilespmem:s20+$0x6010]  }
0x21b: {  	vm1 =	vmor vm2, vm1;
	vm2 =	vnez.u8 v5;
	v5 =	vld [tilespmem:$0x1FF40];
	_ =	sdelay $0x4  }
0x21c: {  	vm3 =	vnez.u8 v5;
	v5 =	vadd.f32 v9, v6;
	v6 =	vld [tilespmem:$0x1FF50];
	_ =	sdelay $0x4  }
0x21d: {  	vm10 =	vmor vm3, vm2;
	vm2 =	vnez.u8 v6;
	v6 =	vld [tilespmem:$0x1FF60];
	_ =	sdelay $0x4  }
0x21e: {  	vm3 =	vnez.u8 v6;
	v6 =	vld [tilespmem:$0x1FF70];
	_ =	sdelay $0x4  }
0x21f: {  	vm2 =	vmor vm3, vm2;
	vm3 =	vnez.u8 v6;
	v6 =	vld [tilespmem:$0x1FF80];
	_ =	sdelay $0x4  }
0x220: {  	vm4 =	vnez.u8 v6;
	v6 =	vld [tilespmem:$0x1FF90];
	_ =	sdelay $0x4  }
0x221: {  	vm9 =	vmor vm4, vm3;
	vm3 =	vnez.u8 v6;
	v6 =	vld [tilespmem:$0x1FFA0];
	_ =	sdelay $0x4  }
0x222: {  	vm4 =	vnez.u8 v6;
	v6 =	vld [tilespmem:$0x1FFB0];
	_ =	sdelay $0x4  }
0x223: {  	vm4 =	vmor vm4, vm3;
	vm3 =	vnez.u8 v6;
	v6 =	vld [tilespmem:$0x1FFC0];
	_ =	sdelay $0x1  }
0x224: {  	[tilespmem:$0x1FB40] =	vst v3;
	v3 =	vld [tilespmem:s20+$0x6000]  }
0x225: {  	[tilespmem:$0x1FB50] =	vst v7;
	v7 =	vld [tilespmem:s20+$0x7800];
	_ =	sdelay $0x1  }
0x226: {  	vm5 =	vnez.u8 v6;
	v6 =	vld [tilespmem:$0x1FFD0];
	_ =	sdelay $0x2  }
0x227: {  	v3 =	vadd.f32 v7, v3;
	v7 =	vld [tilespmem:s20+$0x20]  }
0x228: {  	v0 =	vld [tilespmem:s20+$0x1820]  }
0x229: {  	vm3 =	vmor vm5, vm3;
	vm5 =	vnez.u8 v6;
	v6 =	vld [tilespmem:$0x1FFE0];
	_ =	sdelay $0x3  }
0x22a: {  	[tilespmem:$0x1FA90] =	vst v14  }
0x22b: {  	vm6 =	vnez.u8 v6;
	v6 =	vadd.f32 v0, v7;
	v7 =	vld [tilespmem:$0x1FA90];
	_ =	sdelay $0x4  }
0x22c: {  	vm14 =	vmor vm6, vm5;
	vm5 =	vnez.u8 v7;
	v7 =	vld [tilespmem:$0x1FAA0];
	_ =	sdelay $0x3  }
0x22d: {  	[tilespmem:$0x1FAB0] =	vst v13  }
0x22e: {  	vm6 =	vnez.u8 v7;
	v7 =	vld [tilespmem:$0x1FAB0];
	_ =	sdelay $0x4  }
0x22f: {  	vm5 =	vmor vm6, vm5;
	vm6 =	vnez.u8 v7;
	v7 =	vld [tilespmem:$0x1FAC0];
	_ =	sdelay $0x3  }
0x230: {  	[tilespmem:$0x1FAD0] =	vst v11  }
0x231: {  	vm7 =	vnez.u8 v7;
	v7 =	vld [tilespmem:$0x1FAD0];
	_ =	sdelay $0x4  }
0x232: {  	vm15 =	vmor vm7, vm6;
	vm6 =	vnez.u8 v7;
	v7 =	vld [tilespmem:$0x1FAE0];
	_ =	sdelay $0x4  }
0x233: {  	vm7 =	vnez.u8 v7;
	v7 =	vld [tilespmem:$0x1FAF0];
	_ =	sdelay $0x4  }
0x234: {  	vm6 =	vmor vm7, vm6;
	vm7 =	vnez.u8 v7;
	v7 =	vld [tilespmem:$0x1FB00];
	_ =	sdelay $0x4  }
0x235: {  	vm11 =	vnez.u8 v7;
	v7 =	vld [tilespmem:$0x1FB10];
	_ =	sdelay $0x4  }
0x236: {  	vm7 =	vmor vm11, vm7;
	vm11 =	vnez.u8 v7;
	v7 =	vld [tilespmem:$0x1FB20];
	_ =	sdelay $0x1  }
0x237: {  	v8 =	vld [tilespmem:s20+$0x6020]  }
0x238: {  	v10 =	vld [tilespmem:s20+$0x7820];
	_ =	sdelay $0x1  }
0x239: {  	vm12 =	vnez.u8 v7  }
0x23a: {  	v7 =	vimm.s32 $0x0;
	vm11 =	vmor vm12, vm11  }
0x23b: {  	v7 =	vsel vm11, $0xFFFFFFFF, v7  }
0x23c: {  	[tilespmem:$0x1FC60] =	vst v7;
	v7 =	vadd.f32 v10, v8;
	v8 =	vld [tilespmem:$0x1FB30];
	_ =	sdelay $0x4  }
0x23d: {  	vm11 =	vnez.u8 v8;
	v8 =	vld [tilespmem:$0x1FB40];
	_ =	sdelay $0x4  }
0x23e: {  	vm12 =	vnez.u8 v8;
	v8 =	vld [tilespmem:$0x1FB50];
	_ =	sdelay $0x4  }
0x23f: {  	vm11 =	vmor vm12, vm11;
	vm12 =	vnez.u8 v8;
	v8 =	vld [tilespmem:$0x1FB60];
	_ =	sdelay $0x4  }
0x240: {  	vm13 =	vnez.u8 v8;
	v8 =	vld [tilespmem:$0x1FB70];
	_ =	sdelay $0x4  }
0x241: {  	vm13 =	vmor vm13, vm12;
	vm12 =	vnez.u8 v8;
	v8 =	vld [tilespmem:$0x1FB80];
	_ =	sdelay $0x2  }
0x242: {  	v11 =	vld [tilespmem:s20+$0x1830]  }
0x243: {  	[tilespmem:s20+$0xDF00] =	vst v1;
	v9 =	vld [tilespmem:s20+$0x30]  }
0x244: {  	[tilespmem:s20+$0xDF10] =	vst v1;
	v14 =	vsel vm12, $0x3F800000, v1;
	vm12 =	vnez.u8 v8;
	v8 =	vld [tilespmem:$0x1FB90]  }
0x245: {  	[tilespmem:s20+$0xDF20] =	vst v1  }
0x246: {  	[tilespmem:s20+$0xDF30] =	vst v1  }
0x247: {  	[tilespmem:s20+$0xDF40] =	vst v1  }
0x248: {  	[tilespmem:s20+$0xDF50] =	vst v1  }
0x249: {  	[tilespmem:s20+$0xDF60] =	vst v1;
	v15 =	vsel vm12, $0x3F800000, v1;
	vm12 =	vnez.u8 v8;
	v8 =	vadd.f32 v11, v9;
	v9 =	vld [tilespmem:$0x1FBA0]  }
0x24a: {  	[tilespmem:s20+$0xDF70] =	vst v1  }
0x24b: {  	[tilespmem:s20+$0xE300] =	vst v1  }
0x24c: {  	[tilespmem:s20+$0xE310] =	vst v1  }
0x24d: {  	[tilespmem:s20+$0xE320] =	vst v1;
	v13 =	vld [tilespmem:s20+$0x1840]  }
0x24e: {  	[tilespmem:s20+$0xE330] =	vst v1;
	v16 =	vsel vm12, $0x3F800000, v1;
	vm12 =	vnez.u8 v9;
	v9 =	vld [tilespmem:$0x1FBB0]  }
0x24f: {  	[tilespmem:s20+$0xE340] =	vst v1;
	v12 =	vld [tilespmem:s20+$0x7830]  }
0x250: {  	[tilespmem:s20+$0xE350] =	vst v1;
	v0 =	vld [tilespmem:s20+$0x6030]  }
0x251: {  	[tilespmem:s20+$0xE360] =	vst v1;
	v10 =	vld [tilespmem:s20+$0x40]  }
0x252: {  	[tilespmem:s20+$0xE370] =	vst v1;
	v11 =	vld [tilespmem:s20+$0x6040]  }
0x253: {  	[tilespmem:s19+$0x10F00] =	vst v14;
	v14 =	vsel vm12, $0x3F800000, v1;
	vm12 =	vnez.u8 v9;
	v9 =	vld [tilespmem:$0x1FBC0];
	_ =	sdelay $0x4  }
0x254: {  	v17 =	vsel vm12, $0x3F800000, v1;
	vm12 =	vnez.u8 v9;
	v9 =	vld [tilespmem:$0x1FBD0];
	_ =	sdelay $0x3  }
0x255: {  	v18 =	vld [tilespmem:s20+$0x7840]  }
0x256: {  	[tilespmem:s19+$0xF700] =	vst v15;
	v15 =	vsel vm12, $0x3F800000, v1;
	vm12 =	vnez.u8 v9;
	v9 =	vld [tilespmem:$0x1FBE0];
	_ =	sdelay $0x4  }
0x257: {  	v19 =	vsel vm12, $0x3F800000, v1;
	vm12 =	vnez.u8 v9;
	v9 =	vadd.f32 v12, v0;
	v12 =	vld [tilespmem:$0x1FBF0];
	_ =	sdelay $0x3  }
0x258: {  	v22 =	vld [tilespmem:$0x1FC20]  }
0x259: {  	v20 =	vsel vm12, $0x3F800000, v1;
	vm12 =	vnez.u8 v12;
	v12 =	vld [tilespmem:$0x1FC00]  }
0x25a: {  	v23 =	vld [tilespmem:$0x1FC30]  }
0x25b: {  	v50 =	vld [tilespmem:$0x1FC40]  }
0x25c: {  	v24 =	vld [tilespmem:$0x1FC50]  }
0x25d: {  	v0 =	vld [tilespmem:s20+$0x50];
	[tilespmem:s19+$0x10F10] =	vst v16  }
0x25e: {  	v49 =	vsel vm12, $0x3F800000, v1;
	vm12 =	vnez.u8 v12;
	v12 =	vld [tilespmem:s20+$0x1850]  }
0x25f: {  	[tilespmem:s19+$0xF710] =	vst v14;
	v14 =	vld [tilespmem:$0x1FC10]  }
0x260: {  	v10 =	vadd.f32 v13, v10;
	v13 =	vld [tilespmem:s20+$0x6050];
	[tilespmem:s19+$0x10F20] =	vst v17  }
0x261: {  	v25 =	vld [tilespmem:s20+$0x7850];
	[tilespmem:s19+$0xF720] =	vst v15  }
0x262: {  	v15 =	vld [tilespmem:s20+$0x60];
	[tilespmem:s19+$0x10F30] =	vst v19  }
0x263: {  	v29 =	vld [tilespmem:s20+$0x1860];
	[tilespmem:s19+$0xF730] =	vst v20  }
0x264: {  	v21 =	vsel vm12, $0x3F800000, v1;
	v12 =	vadd.f32 v12, v0;
	v0 =	vld [tilespmem:s20+$0x6060];
	[tilespmem:s19+$0x10F40] =	vst v49  }
0x265: {  	vm12 =	vnez.u8 v14;
	v16 =	vld [tilespmem:s20+$0x7860];
	[tilespmem:s19+$0xF740] =	vst v21  }
0x266: {  	v14 =	vsel vm12, $0x3F800000, v1;
	v55 =	vld [tilespmem:s20+$0x70]  }
0x267: {  	vm12 =	vnez.u8 v22;
	[tilespmem:s19+$0x10F50] =	vst v14;
	v14 =	vld [tilespmem:$0x1FC60]  }
0x268: {  	v22 =	vsel vm12, $0x3F800000, v1;
	vm12 =	vnez.u8 v23  }
0x269: {  	v23 =	vsel vm12, $0x3F800000, v1;
	vm12 =	vnez.u8 v50;
	v38 =	vld [tilespmem:s20+$0x1870];
	[tilespmem:s19+$0xF750] =	vst v22  }
0x26a: {  	v17 =	vsel vm12, $0x3F800000, v1;
	vm12 =	vnez.u8 v24;
	v57 =	vld [tilespmem:s20+$0x6070];
	[tilespmem:s19+$0x10F60] =	vst v23  }
0x26b: {  	v26 =	vsel vm8, $0x3F800000, v1;
	v27 =	vsel vm0, $0x3F800000, v1;
	v24 =	vsel vm12, $0x3F800000, v1;
	v23 =	vld [tilespmem:s20+$0x7870];
	[tilespmem:s19+$0xF760] =	vst v17  }
0x26c: {  	vm0 =	vnez.u8 v14;
	v14 =	vadd.f32 v29, v15;
	v15 =	vadd.f32 v16, v0;
	v0 =	vld [tilespmem:s20+$0x400];
	[tilespmem:s19+$0x10F70] =	vst v24  }
0x26d: {  	v24 =	vld [tilespmem:s20+$0x1C00];
	[tilespmem:s19+$0xF770] =	vst v26  }
0x26e: {  	v28 =	vsel vm1, $0x3F800000, v1;
	v59 =	vld [tilespmem:s20+$0x6400];
	[tilespmem:s19+$0x11300] =	vst v27  }
0x26f: {  	v51 =	vsel vm10, $0x3F800000, v1;
	v26 =	vld [tilespmem:s20+$0x7C00];
	[tilespmem:s19+$0xFB00] =	vst v28  }
0x270: {  	v52 =	vsel vm2, $0x3F800000, v1;
	v61 =	vld [tilespmem:s20+$0x410];
	[tilespmem:s19+$0x11310] =	vst v51  }
0x271: {  	v53 =	vsel vm9, $0x3F800000, v1;
	v27 =	vld [tilespmem:s20+$0x1C10];
	[tilespmem:s19+$0xFB10] =	vst v52  }
0x272: {  	v30 =	vsel vm4, $0x3F800000, v1;
	v62 =	vadd.f32 v24, v0;
	v0 =	vld [tilespmem:s20+$0x6410];
	[tilespmem:s19+$0x11320] =	vst v53  }
0x273: {  	v31 =	vsel vm3, $0x3F800000, v1;
	v20 =	vld [tilespmem:s20+$0x7C10];
	[tilespmem:s19+$0xFB20] =	vst v30  }
0x274: {  	v32 =	vsel vm14, $0x3F800000, v1;
	v30 =	vld [tilespmem:s20+$0x420];
	[tilespmem:s19+$0x11330] =	vst v31  }
0x275: {  	v33 =	vsel vm5, $0x3F800000, v1;
	v31 =	vld [tilespmem:s20+$0x1C20];
	[tilespmem:s19+$0xFB30] =	vst v32  }
0x276: {  	v54 =	vsel vm15, $0x3F800000, v1;
	v58 =	vadd.f32 v38, v55;
	v38 =	vld [tilespmem:s20+$0x6420];
	[tilespmem:s19+$0x11340] =	vst v33  }
0x277: {  	v34 =	vsel vm6, $0x3F800000, v1;
	v39 =	vld [tilespmem:s20+$0x7C20];
	[tilespmem:s19+$0xFB40] =	vst v54  }
0x278: {  	v35 =	vsel vm7, $0x3F800000, v1;
	v40 =	vld [tilespmem:s20+$0x430];
	[tilespmem:s19+$0x11350] =	vst v34  }
0x279: {  	v36 =	vsel vm0, $0x3F800000, v1;
	v21 =	vld [tilespmem:s20+$0x1C30];
	[tilespmem:s19+$0xFB50] =	vst v35  }
0x27a: {  	v37 =	vsel vm11, $0x3F800000, v1;
	v41 =	vld [tilespmem:s20+$0x6430];
	[tilespmem:s19+$0x11360] =	vst v36  }
0x27b: {  	v56 =	vsel vm13, $0x3F800000, v1;
	v28 =	vld [tilespmem:s20+$0x7C30];
	[tilespmem:s19+$0xFB60] =	vst v37  }
0x27c: {  	v42 =	vld [tilespmem:s20+$0x440];
	[tilespmem:s19+$0x11370] =	vst v56;
	s19 =	smov.u32 s20  }
0x27d: {  	v22 =	vld [tilespmem:s19+$0x1C40]  }
0x27e: {  	v43 =	vld [tilespmem:s19+$0x6440]  }
0x27f: {  	v44 =	vld [tilespmem:s19+$0x7C40]  }
0x280: {  	v45 =	vld [tilespmem:s19+$0x450]  }
0x281: {  	v24 =	vadd.f32 v31, v30;
	v30 =	vld [tilespmem:s19+$0x1C50]  }
0x282: {  	v46 =	vld [tilespmem:s19+$0x6450]  }
0x283: {  	v31 =	vld [tilespmem:s19+$0x7C50]  }
0x284: {  	v47 =	vld [tilespmem:s19+$0x460]  }
0x285: {  	v32 =	vld [tilespmem:s19+$0x1C60]  }
0x286: {  	v48 =	vld [tilespmem:s19+$0x6460]  }
0x287: {  	v33 =	vld [tilespmem:s19+$0x7C60]  }
0x288: {  	v35 =	vld [tilespmem:s19+$0x3000]  }
0x289: {  	v50 =	vld [tilespmem:s19+$0x9000]  }
0x28a: {  	v36 =	vld [tilespmem:s19+$0x3010]  }
0x28b: {  	v37 =	vld [tilespmem:s19+$0x3020]  }
0x28c: {  	v51 =	vld [tilespmem:s19+$0x9010]  }
0x28d: {  	v60 =	vadd.f32 v23, v57;
	v57 =	vld [tilespmem:s19+$0x3460]  }
0x28e: {  	v13 =	vadd.f32 v25, v13;
	v52 =	vadd.f32 v35, v2;
	v2 =	vld [tilespmem:s19+$0x9020]  }
0x28f: {  	v29 =	vadd.f32 v32, v47;
	v32 =	vadd.f32 v50, v3;
	v3 =	vld [tilespmem:s19+$0x3030]  }
0x290: {  	v25 =	vadd.f32 v28, v41;
	v54 =	vadd.f32 v37, v6;
	v6 =	vld [tilespmem:s19+$0x9040]  }
0x291: {  	v28 =	vadd.f32 v30, v45;
	v53 =	vadd.f32 v36, v4;
	v4 =	vld [tilespmem:s19+$0x9030]  }
0x292: {  	v30 =	vadd.f32 v33, v48;
	v33 =	vadd.f32 v51, v5;
	v5 =	vld [tilespmem:s19+$0x3040]  }
0x293: {  	v11 =	vadd.f32 v18, v11;
	v55 =	vadd.f32 v2, v7;
	v2 =	vld [tilespmem:s19+$0x3050]  }
0x294: {  	v63 =	vadd.f32 v26, v59;
	v56 =	vadd.f32 v3, v8;
	v3 =	vld [tilespmem:s19+$0x9050]  }
0x295: {  	v0 =	vadd.f32 v20, v0;
	v41 =	vadd.f32 v6, v11;
	v6 =	vld [tilespmem:s19+$0x3070]  }
0x296: {  	v26 =	vadd.f32 v39, v38;
	v39 =	vadd.f32 v4, v9;
	v4 =	vld [tilespmem:s19+$0x3060]  }
0x297: {  	v20 =	vadd.f32 v21, v40;
	v40 =	vadd.f32 v5, v10;
	v5 =	vld [tilespmem:s19+$0x9060]  }
0x298: {  	v22 =	vadd.f32 v22, v42;
	v42 =	vadd.f32 v2, v12;
	v2 =	vld [tilespmem:s19+$0x9070]  }
0x299: {  	v21 =	vadd.f32 v44, v43;
	v43 =	vadd.f32 v3, v13;
	v3 =	vld [tilespmem:s19+$0x3400]  }
0x29a: {  	v16 =	vadd.f32 v6, v58;
	v6 =	vld [tilespmem:s19+$0x9410]  }
0x29b: {  	v14 =	vadd.f32 v4, v14;
	v4 =	vld [tilespmem:s19+$0x9400]  }
0x29c: {  	v15 =	vadd.f32 v5, v15;
	v5 =	vld [tilespmem:s19+$0x3410]  }
0x29d: {  	v17 =	vadd.f32 v2, v60;
	v2 =	vld [tilespmem:s19+$0x3420]  }
0x29e: {  	v18 =	vadd.f32 v3, v62;
	v3 =	vld [tilespmem:s19+$0x9420]  }
0x29f: {  	v23 =	vadd.f32 v27, v61;
	v13 =	vadd.f32 v6, v0;
	v0 =	vld [tilespmem:s19+$0x3440]  }
0x2a0: {  	v19 =	vadd.f32 v4, v63;
	v4 =	vld [tilespmem:s19+$0x3430]  }
0x2a1: {  	v23 =	vadd.f32 v5, v23;
	v5 =	vld [tilespmem:s19+$0x9430]  }
0x2a2: {  	v12 =	vadd.f32 v2, v24;
	v2 =	vld [tilespmem:s19+$0x9440]  }
0x2a3: {  	v11 =	vadd.f32 v3, v26;
	v3 =	vld [tilespmem:s19+$0x3450]  }
0x2a4: {  	v8 =	vadd.f32 v0, v22;
	v0 =	vld [tilespmem:s19+$0x9460]  }
0x2a5: {  	v10 =	vadd.f32 v4, v20;
	v4 =	vld [tilespmem:s19+$0x9450]  }
0x2a6: {  	v49 =	vld [tilespmem:s19+$0x470]  }
0x2a7: {  	v34 =	vld [tilespmem:s19+$0x1C70];
	v27 =	vadd.f32 v31, v46  }
0x2a8: {  	v7 =	vadd.f32 v5, v25;
	v9 =	vadd.f32 v2, v21;
	v2 =	vld [tilespmem:s19+$0x3470]  }
0x2a9: {  	v6 =	vadd.f32 v3, v28;
	v3 =	vadd.f32 v0, v30;
	v0 =	vld [tilespmem:s19+$0x4820]  }
0x2aa: {  	v5 =	vadd.f32 v4, v27;
	v4 =	vadd.f32 v57, v29;
	v29 =	vld [tilespmem:s19+$0xA830]  }
0x2ab: {  	v63 =	vld [tilespmem:s19+$0x4830]  }
0x2ac: {  	v61 =	vld [tilespmem:s19+$0xA810]  }
0x2ad: {  	v31 =	vadd.f32 v34, v49;
	v30 =	vld [tilespmem:s19+$0x4840]  }
0x2ae: {  	v38 =	vimm.s32 $0x0;
	v0 =	vadd.f32 v0, v54  }
0x2af: {  	v44 =	vimm.s32 $0x0;
	v2 =	vadd.f32 v2, v31;
	v31 =	vld [tilespmem:s19+$0xA840];
	v35 =	vadd.f32 v29, v39  }
0x2b0: {  	vm10 =	vlt.f32 v0, $0.0e+00;
	vm11 =	vgt.f32 v0, $0.0e+00;
	v0 =	vadd.f32 v63, v56  }
0x2b1: {  	v45 =	vimm.s32 $0x0;
	v20 =	vadd.f32 v61, v33;
	vm0 =	vgt.f32 v35, $0.0e+00  }
0x2b2: {  	v33 =	vld [tilespmem:s19+$0x4850];
	vm13 =	vlt.f32 v0, $0.0e+00;
	vm15 =	vgt.f32 v0, $0.0e+00;
	v0 =	vadd.f32 v30, v40  }
0x2b3: {  	v34 =	vld [tilespmem:s19+$0xA850];
	vm8 =	vlt.f32 v20, $0.0e+00;
	vm9 =	vgt.f32 v20, $0.0e+00;
	v20 =	vsel vm0, $0xFFFFFFFF, v38  }
0x2b4: {  	v59 =	vld [tilespmem:s19+$0xA800];
	v39 =	vadd.f32 v31, v41;
	v41 =	vimm.s32 $0x0;
	vm0 =	vlt.f32 v0, $0.0e+00  }
0x2b5: {  	v27 =	vsel vm0, $0xFFFFFFFF, v41;
	vm0 =	vgt.f32 v0, $0.0e+00;
	v0 =	vimm.s32 $0x0  }
0x2b6: {  	v37 =	vld [tilespmem:s19+$0xA860];
	v48 =	vimm.s32 $0x0;
	v49 =	vimm.s32 $0x0;
	v0 =	vsel vm0, $0xFFFFFFFF, v0  }
0x2b7: {  	v36 =	vld [tilespmem:s19+$0x4860];
	v50 =	vimm.s32 $0x0;
	vm0 =	vlt.f32 v39, $0.0e+00;
	[tilespmem:$0x1FE00] =	vst v0;
	v0 =	vadd.f32 v33, v42  }
0x2b8: {  	v58 =	vld [tilespmem:s19+$0x4800];
	v46 =	vadd.f32 v34, v43;
	[tilespmem:$0x1FDF0] =	vst v27;
	v27 =	vsel vm0, $0xFFFFFFFF, v44;
	vm0 =	vgt.f32 v39, $0.0e+00  }
0x2b9: {  	v22 =	vadd.f32 v59, v32;
	[tilespmem:$0x1FDE0] =	vst v20;
	v20 =	vsel vm0, $0xFFFFFFFF, v45;
	vm0 =	vlt.f32 v0, $0.0e+00  }
0x2ba: {  	[tilespmem:$0x1FE10] =	vst v27;
	v27 =	vsel vm0, $0xFFFFFFFF, v48;
	vm0 =	vgt.f32 v0, $0.0e+00;
	v0 =	vimm.s32 $0x0  }
0x2bb: {  	v15 =	vadd.f32 v37, v15;
	vm2 =	vlt.f32 v22, $0.0e+00;
	v0 =	vsel vm0, $0xFFFFFFFF, v0  }
0x2bc: {  	vm3 =	vgt.f32 v22, $0.0e+00;
	v40 =	vld [tilespmem:s19+$0x4870];
	vm0 =	vlt.f32 v46, $0.0e+00;
	[tilespmem:$0x1FE40] =	vst v0;
	v0 =	vadd.f32 v36, v14  }
0x2bd: {  	v21 =	vadd.f32 v58, v52;
	v24 =	vsel vm0, $0xFFFFFFFF, v49;
	vm0 =	vgt.f32 v46, $0.0e+00  }
0x2be: {  	v52 =	vimm.s32 $0x0;
	[tilespmem:$0x1FE20] =	vst v20;
	v20 =	vsel vm0, $0xFFFFFFFF, v50;
	vm0 =	vlt.f32 v0, $0.0e+00  }
0x2bf: {  	v42 =	vld [tilespmem:s19+$0xA870];
	v22 =	vsel vm0, $0xFFFFFFFF, v52;
	vm0 =	vgt.f32 v0, $0.0e+00;
	v0 =	vimm.s32 $0x0  }
0x2c0: {  	vm6 =	vlt.f32 v21, $0.0e+00;
	vm7 =	vgt.f32 v21, $0.0e+00;
	v0 =	vsel vm0, $0xFFFFFFFF, v0  }
0x2c1: {  	v60 =	vld [tilespmem:s19+$0x4810];
	v54 =	vimm.s32 $0x0;
	vm0 =	vlt.f32 v15, $0.0e+00;
	[tilespmem:$0x1FE80] =	vst v0;
	v0 =	vadd.f32 v40, v16  }
0x2c2: {  	v47 =	vld [tilespmem:s19+$0x4C00];
	v21 =	vsel vm0, $0xFFFFFFFF, v54;
	vm0 =	vgt.f32 v15, $0.0e+00;
	v15 =	vimm.s32 $0x0  }
0x2c3: {  	v15 =	vsel vm0, $0xFFFFFFFF, v15  }
0x2c4: {  	v56 =	vimm.s32 $0x0;
	v14 =	vld [tilespmem:s19+$0xAC00];
	[tilespmem:$0x1FEA0] =	vst v15;
	v15 =	vadd.f32 v42, v17;
	vm0 =	vlt.f32 v0, $0.0e+00  }
0x2c5: {  	[tilespmem:$0x1FE90] =	vst v21;
	v21 =	vsel vm0, $0xFFFFFFFF, v56;
	vm0 =	vgt.f32 v0, $0.0e+00;
	v0 =	vimm.s32 $0x0  }
0x2c6: {  	v62 =	vld [tilespmem:s19+$0xA820];
	v59 =	vimm.s32 $0x0;
	v28 =	vadd.f32 v60, v53;
	v0 =	vsel vm0, $0xFFFFFFFF, v0  }
0x2c7: {  	v51 =	vld [tilespmem:s19+$0x4C10];
	v58 =	vimm.s32 $0x0;
	vm0 =	vlt.f32 v15, $0.0e+00;
	[tilespmem:$0x1FEC0] =	vst v0;
	v0 =	vadd.f32 v47, v18  }
0x2c8: {  	[tilespmem:$0x1FEB0] =	vst v21;
	v21 =	vsel vm0, $0xFFFFFFFF, v58;
	vm0 =	vgt.f32 v15, $0.0e+00;
	v15 =	vimm.s32 $0x0  }
0x2c9: {  	v53 =	vld [tilespmem:s19+$0xAC10];
	v14 =	vadd.f32 v14, v19;
	v15 =	vsel vm0, $0xFFFFFFFF, v15;
	vm0 =	vlt.f32 v0, $0.0e+00  }
0x2ca: {  	v19 =	vsel vm0, $0xFFFFFFFF, v59;
	vm0 =	vgt.f32 v0, $0.0e+00;
	v0 =	vimm.s32 $0x0  }
0x2cb: {  	v32 =	vadd.f32 v62, v55;
	v61 =	vimm.s32 $0x0;
	v0 =	vsel vm0, $0xFFFFFFFF, v0  }
0x2cc: {  	v55 =	vld [tilespmem:s19+$0x4C20];
	v62 =	vimm.s32 $0x0;
	vm0 =	vlt.f32 v14, $0.0e+00;
	[tilespmem:$0x1FF00] =	vst v0;
	v0 =	vadd.f32 v51, v23  }
0x2cd: {  	[tilespmem:$0x1FE60] =	vst v20;
	v20 =	vsel vm0, $0xFFFFFFFF, v61;
	vm0 =	vgt.f32 v14, $0.0e+00;
	v14 =	vimm.s32 $0x0  }
0x2ce: {  	v57 =	vld [tilespmem:s19+$0xAC20];
	v13 =	vadd.f32 v53, v13;
	[tilespmem:$0x1FE30] =	vst v27;
	v14 =	vsel vm0, $0xFFFFFFFF, v14;
	vm0 =	vlt.f32 v0, $0.0e+00  }
0x2cf: {  	[tilespmem:$0x1FE50] =	vst v24;
	v16 =	vsel vm0, $0xFFFFFFFF, v62;
	vm0 =	vgt.f32 v0, $0.0e+00;
	v0 =	vimm.s32 $0x0  }
0x2d0: {  	[tilespmem:$0x1FE70] =	vst v22;
	v0 =	vsel vm0, $0xFFFFFFFF, v0  }
0x2d1: {  	vm0 =	vlt.f32 v13, $0.0e+00;
	[tilespmem:$0x1FF40] =	vst v0;
	v0 =	vadd.f32 v55, v12;
	v12 =	vimm.s32 $0x0  }
0x2d2: {  	[tilespmem:$0x1FEE0] =	vst v15;
	v15 =	vld [tilespmem:s19+$0x4C30];
	v12 =	vsel vm0, $0xFFFFFFFF, v12  }
0x2d3: {  	v11 =	vadd.f32 v57, v11;
	vm0 =	vgt.f32 v13, $0.0e+00;
	[tilespmem:$0x1FF50] =	vst v12;
	v12 =	vimm.s32 $0x0  }
0x2d4: {  	[tilespmem:$0x1FED0] =	vst v21;
	v13 =	vimm.s32 $0x0;
	v12 =	vsel vm0, $0xFFFFFFFF, v12;
	vm0 =	vlt.f32 v0, $0.0e+00  }
0x2d5: {  	v60 =	vld [tilespmem:s19+$0xAC30];
	[tilespmem:$0x1FEF0] =	vst v19;
	v13 =	vsel vm0, $0xFFFFFFFF, v13;
	vm0 =	vgt.f32 v0, $0.0e+00;
	v0 =	vimm.s32 $0x0  }
0x2d6: {  	[tilespmem:$0x1FF70] =	vst v13;
	v0 =	vsel vm0, $0xFFFFFFFF, v0  }
0x2d7: {  	vm0 =	vlt.f32 v11, $0.0e+00;
	v13 =	vimm.s32 $0x0;
	[tilespmem:$0x1FF80] =	vst v0;
	v0 =	vadd.f32 v15, v10  }
0x2d8: {  	[tilespmem:$0x1FF10] =	vst v20;
	v13 =	vsel vm0, $0xFFFFFFFF, v13;
	vm0 =	vgt.f32 v11, $0.0e+00;
	v11 =	vimm.s32 $0x0  }
0x2d9: {  	[tilespmem:$0x1FF90] =	vst v13;
	v11 =	vsel vm0, $0xFFFFFFFF, v11  }
0x2da: {  	v13 =	vimm.s32 $0x0;
	[tilespmem:$0x1FFA0] =	vst v11;
	v11 =	vadd.f32 v60, v7;
	vm0 =	vlt.f32 v0, $0.0e+00  }
0x2db: {  	[tilespmem:$0x1FF20] =	vst v14;
	v14 =	vld [tilespmem:s19+$0x4C40];
	v13 =	vsel vm0, $0xFFFFFFFF, v13;
	vm0 =	vgt.f32 v0, $0.0e+00;
	v0 =	vimm.s32 $0x0  }
0x2dc: {  	p2 =	sne.s32 s22, $0x1000;
	v63 =	vld [tilespmem:s19+$0xAC40];
	[tilespmem:$0x1FF60] =	vst v12;
	v0 =	vsel vm0, $0xFFFFFFFF, v0  }
.Ltmp4:
0x2dd: {  	v12 =	vld [tilespmem:s19+$0x4C50];
	vm0 =	vlt.f32 v11, $0.0e+00;
	[tilespmem:$0x1FFC0] =	vst v0;
	v0 =	vimm.s32 $0x0;
	(pc) =	sbr.rel @p2 .LBB2_5-.Ltmp4, $4  }
0x2de: {  	vm12 =	vlt.f32 v32, $0.0e+00;
	[tilespmem:$0x1FF30] =	vst v16;
	v10 =	vld [tilespmem:s19+$0xAC50];
	v0 =	vsel vm0, $0xFFFFFFFF, v0  }
0x2df: {  	s21 =	sadd.s32 $0x80, s21;
	vm14 =	vgt.f32 v32, $0.0e+00;
	v7 =	vld [tilespmem:s19+$0x4C60];
	vm0 =	vgt.f32 v11, $0.0e+00;
	[tilespmem:$0x1FFD0] =	vst v0;
	v0 =	vimm.s32 $0x0  }
0x2e0: {  	s3 =	sand.u32 $0x1800, s22;
	s4 =	sand.u32 $0x380, s21;
	vm4 =	vlt.f32 v28, $0.0e+00;
	[tilespmem:$0x1FFB0] =	vst v13;
	v13 =	vadd.f32 v14, v8;
	v8 =	vld [tilespmem:s19+$0xAC60];
	v0 =	vsel vm0, $0xFFFFFFFF, v0  }
0x2e1: {  	s22 =	sadd.s32 $0x100, s22;
	s20 =	sor.u32 s4, s3;
	vm5 =	vgt.f32 v28, $0.0e+00;
	vm1 =	vlt.f32 v35, $0.0e+00;
	v11 =	vadd.f32 v63, v9;
	v9 =	vld [tilespmem:s19+$0x4C70];
	[tilespmem:$0x1FFE0] =	vst v0  }
0x2e2: {  	v0 =	vld [tilespmem:s20+$0x6470]  }
0x2e3: {  	v14 =	vld [tilespmem:s20+$0x7C70];
	_ =	sdelay $0x4  }
0x2e4: {  	v0 =	vadd.f32 v14, v0;
	v14 =	vimm.s32 $0x0  }
0x2e5: {  	v22 =	vld [tilespmem:s20+$0x0];
	v14 =	vsel vm1, $0xFFFFFFFF, v14  }
0x2e6: {  	[tilespmem:$0x1F960] =	vst v14;
	v14 =	vld [tilespmem:$0x1FDE0]  }
0x2e7: {  	v15 =	vld [tilespmem:s20+$0x9470]  }
0x2e8: {  	v23 =	vld [tilespmem:s20+$0x1800]  }
0x2e9: {  	v16 =	vld [tilespmem:s20+$0xAC70]  }
0x2ea: {  	v24 =	vld [tilespmem:s20+$0x6000]  }
0x2eb: {  	vm12 =	vmor vm14, vm12;
	vm14 =	vnez.u8 v14;
	v14 =	vld [tilespmem:$0x1F960]  }
0x2ec: {  	v25 =	vld [tilespmem:s20+$0x7800]  }
0x2ed: {  	v26 =	vld [tilespmem:s20+$0x10]  }
0x2ee: {  	[tilespmem:s20+$0xDF00] =	vst v1;
	v27 =	vld [tilespmem:s20+$0x1810];
	v0 =	vadd.f32 v15, v0  }
0x2ef: {  	[tilespmem:s20+$0xDF10] =	vst v1;
	v28 =	vld [tilespmem:s20+$0x6010]  }
0x2f0: {  	[tilespmem:s20+$0xDF20] =	vst v1;
	vm13 =	vmor vm15, vm13;
	v0 =	vadd.f32 v16, v0;
	vm15 =	vnez.u8 v14;
	v14 =	vld [tilespmem:$0x1FDF0]  }
0x2f1: {  	[tilespmem:s20+$0xDF30] =	vst v1;
	v29 =	vld [tilespmem:s20+$0x7810]  }
0x2f2: {  	[tilespmem:s20+$0xDF40] =	vst v1;
	v30 =	vld [tilespmem:s20+$0x20];
	vm0 =	vlt.f32 v0, $0.0e+00;
	vm1 =	vgt.f32 v0, $0.0e+00  }
0x2f3: {  	[tilespmem:s20+$0xDF50] =	vst v1;
	v31 =	vld [tilespmem:s20+$0x1820];
	vm0 =	vmor vm1, vm0  }
0x2f4: {  	[tilespmem:s20+$0xDF60] =	vst v1;
	v32 =	vld [tilespmem:s20+$0x6020];
	vm7 =	vmor vm7, vm6;
	v0 =	vsel vm0, $0x3F800000, v1  }
0x2f5: {  	[tilespmem:s20+$0xFB70] =	vst v0;
	v0 =	vsel vm7, $0x3F800000, v1;
	vm7 =	vmor vm5, vm4;
	vm4 =	vnez.u8 v14;
	v14 =	vld [tilespmem:$0x1FE00]  }
0x2f6: {  	[tilespmem:s20+$0xDF70] =	vst v1;
	v33 =	vld [tilespmem:s20+$0x7820]  }
0x2f7: {  	[tilespmem:s20+$0xE300] =	vst v1;
	v34 =	vld [tilespmem:s20+$0x30]  }
0x2f8: {  	[tilespmem:s20+$0xE310] =	vst v1;
	v35 =	vld [tilespmem:s20+$0x1830]  }
0x2f9: {  	[tilespmem:s20+$0xE320] =	vst v1;
	v36 =	vld [tilespmem:s20+$0x6030]  }
0x2fa: {  	[tilespmem:s20+$0xE330] =	vst v1;
	vm5 =	vnez.u8 v14;
	v14 =	vld [tilespmem:$0x1FE10]  }
0x2fb: {  	[tilespmem:s20+$0xE340] =	vst v1;
	v38 =	vld [tilespmem:s20+$0x7830]  }
0x2fc: {  	[tilespmem:s20+$0xE350] =	vst v1;
	v37 =	vld [tilespmem:s20+$0x40]  }
0x2fd: {  	[tilespmem:s20+$0xE360] =	vst v1;
	v39 =	vld [tilespmem:s20+$0x1840]  }
0x2fe: {  	[tilespmem:s20+$0xE370] =	vst v1;
	v40 =	vld [tilespmem:s20+$0x6040];
	vm6 =	vmor vm3, vm2  }
0x2ff: {  	[tilespmem:s19+$0x10F00] =	vst v0;
	v0 =	vsel vm6, $0x3F800000, v1;
	vm6 =	vnez.u8 v14;
	v14 =	vld [tilespmem:$0x1FE20];
	_ =	sdelay $0x3  }
0x300: {  	v41 =	vld [tilespmem:s20+$0x7840]  }
0x301: {  	[tilespmem:s19+$0xF700] =	vst v0;
	v0 =	vsel vm7, $0x3F800000, v1;
	vm7 =	vnez.u8 v14;
	v14 =	vld [tilespmem:$0x1FE30];
	_ =	sdelay $0x4  }
0x302: {  	vm9 =	vmor vm9, vm8;
	vm8 =	vnez.u8 v14;
	v14 =	vld [tilespmem:$0x1FE40];
	_ =	sdelay $0x3  }
0x303: {  	v42 =	vld [tilespmem:s20+$0x50]  }
0x304: {  	[tilespmem:s19+$0x10F10] =	vst v0;
	v0 =	vsel vm9, $0x3F800000, v1;
	vm9 =	vnez.u8 v14;
	v14 =	vld [tilespmem:$0x1FE50];
	_ =	sdelay $0x4  }
0x305: {  	vm11 =	vmor vm11, vm10;
	vm10 =	vnez.u8 v14;
	v14 =	vld [tilespmem:$0x1FE60];
	_ =	sdelay $0x3  }
0x306: {  	v43 =	vld [tilespmem:s20+$0x1850]  }
0x307: {  	[tilespmem:s19+$0xF710] =	vst v0;
	v0 =	vsel vm11, $0x3F800000, v1;
	vm11 =	vnez.u8 v14;
	v14 =	vld [tilespmem:$0x1FE70];
	_ =	sdelay $0x3  }
0x308: {  	v44 =	vld [tilespmem:s20+$0x6050]  }
0x309: {  	[tilespmem:s19+$0x10F20] =	vst v0;
	v0 =	vsel vm12, $0x3F800000, v1;
	vm12 =	vnez.u8 v14;
	v14 =	vld [tilespmem:$0x1FE80];
	_ =	sdelay $0x3  }
0x30a: {  	v45 =	vld [tilespmem:s20+$0x7850]  }
0x30b: {  	[tilespmem:s19+$0xF720] =	vst v0;
	v0 =	vsel vm13, $0x3F800000, v1;
	vm13 =	vnez.u8 v14;
	v14 =	vld [tilespmem:$0x1FE90];
	_ =	sdelay $0x4  }
0x30c: {  	vm0 =	vmor vm14, vm15;
	vm14 =	vnez.u8 v14;
	v14 =	vld [tilespmem:$0x1FEA0];
	_ =	sdelay $0x4  }
0x30d: {  	vm15 =	vnez.u8 v14;
	v14 =	vld [tilespmem:$0x1FEB0];
	_ =	sdelay $0x3  }
0x30e: {  	v46 =	vld [tilespmem:s20+$0x60]  }
0x30f: {  	[tilespmem:s19+$0x10F30] =	vst v0;
	v0 =	vsel vm0, $0x3F800000, v1;
	vm0 =	vmor vm5, vm4;
	vm4 =	vnez.u8 v14;
	v14 =	vld [tilespmem:$0x1FEC0];
	_ =	sdelay $0x4  }
0x310: {  	vm5 =	vnez.u8 v14;
	v14 =	vld [tilespmem:$0x1FED0];
	_ =	sdelay $0x3  }
0x311: {  	v47 =	vld [tilespmem:s20+$0x1860]  }
0x312: {  	[tilespmem:s19+$0xF730] =	vst v0;
	v0 =	vsel vm0, $0x3F800000, v1;
	vm0 =	vmor vm7, vm6;
	vm6 =	vnez.u8 v14;
	v14 =	vld [tilespmem:$0x1FEE0];
	_ =	sdelay $0x4  }
0x313: {  	vm7 =	vnez.u8 v14;
	v14 =	vld [tilespmem:$0x1FEF0];
	_ =	sdelay $0x3  }
0x314: {  	v48 =	vld [tilespmem:s20+$0x6060]  }
0x315: {  	[tilespmem:s19+$0x10F40] =	vst v0;
	v0 =	vsel vm0, $0x3F800000, v1;
	vm0 =	vmor vm9, vm8;
	vm8 =	vnez.u8 v14;
	v14 =	vld [tilespmem:$0x1FF00];
	_ =	sdelay $0x4  }
0x316: {  	vm9 =	vnez.u8 v14;
	v14 =	vld [tilespmem:$0x1FF10];
	_ =	sdelay $0x3  }
0x317: {  	v49 =	vld [tilespmem:s20+$0x7860]  }
0x318: {  	[tilespmem:s19+$0xF740] =	vst v0;
	v0 =	vsel vm0, $0x3F800000, v1;
	vm0 =	vmor vm11, vm10;
	vm10 =	vnez.u8 v14;
	v14 =	vld [tilespmem:$0x1FF20];
	_ =	sdelay $0x4  }
0x319: {  	vm11 =	vnez.u8 v14;
	v14 =	vld [tilespmem:$0x1FF30];
	_ =	sdelay $0x3  }
0x31a: {  	v50 =	vld [tilespmem:s20+$0x70]  }
0x31b: {  	[tilespmem:s19+$0x10F50] =	vst v0;
	v0 =	vsel vm0, $0x3F800000, v1;
	vm0 =	vmor vm13, vm12;
	vm12 =	vnez.u8 v14;
	v14 =	vld [tilespmem:$0x1FF40];
	_ =	sdelay $0x4  }
0x31c: {  	vm13 =	vnez.u8 v14;
	v14 =	vld [tilespmem:$0x1FF50];
	_ =	sdelay $0x3  }
0x31d: {  	v51 =	vld [tilespmem:s20+$0x1870]  }
0x31e: {  	[tilespmem:s19+$0xF750] =	vst v0;
	v0 =	vsel vm0, $0x3F800000, v1;
	vm0 =	vmor vm15, vm14;
	vm14 =	vnez.u8 v14;
	v14 =	vld [tilespmem:$0x1FF60];
	_ =	sdelay $0x4  }
0x31f: {  	vm15 =	vnez.u8 v14;
	v14 =	vld [tilespmem:$0x1FF70];
	_ =	sdelay $0x3  }
0x320: {  	v52 =	vld [tilespmem:s20+$0x6070]  }
0x321: {  	[tilespmem:s19+$0x10F60] =	vst v0;
	v0 =	vsel vm0, $0x3F800000, v1;
	vm0 =	vmor vm5, vm4;
	vm4 =	vnez.u8 v14;
	v14 =	vld [tilespmem:$0x1FF80];
	_ =	sdelay $0x4  }
0x322: {  	vm5 =	vnez.u8 v14;
	v14 =	vld [tilespmem:$0x1FF90];
	_ =	sdelay $0x3  }
0x323: {  	v53 =	vld [tilespmem:s20+$0x7870]  }
0x324: {  	[tilespmem:s19+$0xF760] =	vst v0;
	v0 =	vsel vm0, $0x3F800000, v1;
	vm0 =	vmor vm7, vm6;
	vm6 =	vnez.u8 v14;
	v14 =	vld [tilespmem:$0x1FFA0];
	_ =	sdelay $0x4  }
0x325: {  	vm7 =	vnez.u8 v14;
	v14 =	vld [tilespmem:$0x1FFB0];
	_ =	sdelay $0x3  }
0x326: {  	v54 =	vld [tilespmem:s20+$0x400]  }
0x327: {  	[tilespmem:s19+$0x10F70] =	vst v0;
	v0 =	vsel vm0, $0x3F800000, v1;
	vm0 =	vmor vm9, vm8;
	vm8 =	vnez.u8 v14;
	v14 =	vld [tilespmem:$0x1FFC0];
	_ =	sdelay $0x4  }
0x328: {  	vm9 =	vnez.u8 v14;
	v14 =	vld [tilespmem:$0x1FFD0];
	_ =	sdelay $0x1  }
0x329: {  	v6 =	vadd.f32 v12, v6;
	v5 =	vadd.f32 v10, v5  }
0x32a: {  	v4 =	vadd.f32 v7, v4;
	v55 =	vld [tilespmem:s20+$0x1C00];
	[tilespmem:s19+$0xF770] =	vst v0;
	v0 =	vsel vm0, $0x3F800000, v1;
	vm0 =	vmor vm11, vm10  }
0x32b: {  	v3 =	vadd.f32 v8, v3;
	v2 =	vadd.f32 v9, v2;
	v56 =	vld [tilespmem:s20+$0x6400];
	[tilespmem:s19+$0x11300] =	vst v0;
	v0 =	vsel vm0, $0x3F800000, v1  }
0x32c: {  	vm0 =	vmor vm13, vm12;
	vm12 =	vlt.f32 v13, $0.0e+00;
	vm10 =	vnez.u8 v14;
	v14 =	vld [tilespmem:$0x1FFE0]  }
0x32d: {  	v57 =	vld [tilespmem:s20+$0x7C00];
	[tilespmem:s19+$0xFB00] =	vst v0;
	vm13 =	vgt.f32 v13, $0.0e+00;
	v0 =	vsel vm0, $0x3F800000, v1;
	vm0 =	vmor vm15, vm14  }
0x32e: {  	vm14 =	vmor vm13, vm12;
	vm15 =	vlt.f32 v11, $0.0e+00;
	vm12 =	vlt.f32 v4, $0.0e+00  }
0x32f: {  	v58 =	vld [tilespmem:s20+$0x410];
	[tilespmem:s19+$0x11310] =	vst v0;
	vm13 =	vgt.f32 v4, $0.0e+00;
	v0 =	vsel vm0, $0x3F800000, v1;
	vm0 =	vmor vm5, vm4  }
0x330: {  	v59 =	vld [tilespmem:s20+$0x1C10];
	[tilespmem:s19+$0xFB10] =	vst v0;
	vm4 =	vgt.f32 v11, $0.0e+00;
	v0 =	vsel vm0, $0x3F800000, v1;
	vm0 =	vmor vm7, vm6  }
0x331: {  	v60 =	vld [tilespmem:s20+$0x6410];
	[tilespmem:s19+$0x11320] =	vst v0;
	v0 =	vsel vm0, $0x3F800000, v1;
	vm0 =	vmor vm9, vm8;
	vm11 =	vnez.u8 v14  }
0x332: {  	vm5 =	vmor vm4, vm15;
	v61 =	vld [tilespmem:s20+$0x7C10];
	[tilespmem:s19+$0xFB20] =	vst v0;
	v0 =	vsel vm0, $0x3F800000, v1;
	vm0 =	vmor vm11, vm10  }
0x333: {  	vm6 =	vlt.f32 v6, $0.0e+00;
	vm7 =	vgt.f32 v6, $0.0e+00;
	v62 =	vld [tilespmem:s20+$0x420];
	[tilespmem:s19+$0x11330] =	vst v0;
	v0 =	vsel vm0, $0x3F800000, v1  }
0x334: {  	vm15 =	vlt.f32 v3, $0.0e+00;
	vm8 =	vmor vm7, vm6;
	v63 =	vld [tilespmem:s20+$0x1C20];
	[tilespmem:s19+$0xFB30] =	vst v0;
	v0 =	vsel vm14, $0x3F800000, v1  }
0x335: {  	vm9 =	vlt.f32 v5, $0.0e+00;
	vm10 =	vgt.f32 v5, $0.0e+00;
	v18 =	vld [tilespmem:s20+$0x6420];
	[tilespmem:s19+$0x11340] =	vst v0;
	v0 =	vsel vm5, $0x3F800000, v1  }
0x336: {  	vm4 =	vgt.f32 v3, $0.0e+00;
	vm11 =	vmor vm10, vm9;
	v21 =	vld [tilespmem:s20+$0x7C20];
	[tilespmem:s19+$0xFB40] =	vst v0;
	v0 =	vsel vm8, $0x3F800000, v1  }
0x337: {  	vm6 =	vlt.f32 v2, $0.0e+00;
	vm14 =	vmor vm13, vm12;
	v17 =	vld [tilespmem:s20+$0x430];
	[tilespmem:s19+$0x11350] =	vst v0;
	v0 =	vsel vm11, $0x3F800000, v1  }
0x338: {  	vm7 =	vgt.f32 v2, $0.0e+00;
	vm5 =	vmor vm4, vm15;
	v20 =	vld [tilespmem:s20+$0x1C30];
	[tilespmem:s19+$0xFB50] =	vst v0;
	v0 =	vsel vm14, $0x3F800000, v1  }
0x339: {  	vm8 =	vmor vm7, vm6;
	v16 =	vld [tilespmem:s20+$0x6430];
	[tilespmem:s19+$0x11360] =	vst v0;
	v0 =	vsel vm5, $0x3F800000, v1  }
0x33a: {  	v19 =	vld [tilespmem:s20+$0x7C30];
	[tilespmem:s19+$0xFB60] =	vst v0;
	v0 =	vsel vm8, $0x3F800000, v1  }
0x33b: {  	v2 =	vld [tilespmem:s20+$0x440];
	[tilespmem:s19+$0x11370] =	vst v0  }
0x33c: {  	v0 =	vld [tilespmem:s20+$0x450];
	_ =	sdelay $0x4  }
0x33d: {  	[tilespmem:$0x1F9A0] =	vst v0;
	v0 =	vld [tilespmem:s20+$0x1C50];
	_ =	sdelay $0x4  }
0x33e: {  	[tilespmem:$0x1F9B0] =	vst v0;
	v0 =	vld [tilespmem:s20+$0x6450];
	_ =	sdelay $0x4  }
0x33f: {  	[tilespmem:$0x1F9D0] =	vst v0;
	v0 =	vld [tilespmem:s20+$0x7C50];
	_ =	sdelay $0x3  }
0x340: {  	v3 =	vld [tilespmem:s20+$0x3010]  }
0x341: {  	[tilespmem:$0x1F9E0] =	vst v0;
	v0 =	vld [tilespmem:s20+$0x460]  }
0x342: {  	v4 =	vld [tilespmem:s20+$0x9010]  }
0x343: {  	v5 =	vld [tilespmem:s20+$0x3020]  }
0x344: {  	v6 =	vld [tilespmem:s20+$0x9020]  }
0x345: {  	v7 =	vld [tilespmem:s20+$0x3030]  }
0x346: {  	[tilespmem:$0x1FA30] =	vst v0;
	v0 =	vld [tilespmem:s20+$0x1C60]  }
0x347: {  	v8 =	vld [tilespmem:s20+$0x9030]  }
0x348: {  	v9 =	vld [tilespmem:s20+$0x3040]  }
0x349: {  	v10 =	vld [tilespmem:s20+$0x9040]  }
0x34a: {  	v22 =	vadd.f32 v23, v22;
	v11 =	vld [tilespmem:s20+$0x3050]  }
0x34b: {  	v23 =	vadd.f32 v25, v24;
	v25 =	vadd.f32 v27, v26;
	[tilespmem:$0x1FA40] =	vst v0;
	v0 =	vld [tilespmem:s20+$0x6460]  }
0x34c: {  	v26 =	vadd.f32 v29, v28;
	v29 =	vadd.f32 v31, v30;
	v12 =	vld [tilespmem:s20+$0x9050]  }
0x34d: {  	v30 =	vadd.f32 v33, v32;
	v34 =	vadd.f32 v35, v34;
	v24 =	vld [tilespmem:s20+$0x3060]  }
0x34e: {  	v35 =	vadd.f32 v38, v36;
	v37 =	vadd.f32 v39, v37;
	v28 =	vld [tilespmem:s20+$0x9060]  }
0x34f: {  	v38 =	vadd.f32 v41, v40;
	v40 =	vadd.f32 v43, v42;
	v33 =	vld [tilespmem:s20+$0x3070]  }
0x350: {  	v41 =	vadd.f32 v45, v44;
	v43 =	vadd.f32 v47, v46;
	[tilespmem:$0x1FA50] =	vst v0;
	v0 =	vld [tilespmem:s20+$0x7C60]  }
0x351: {  	v44 =	vadd.f32 v49, v48;
	v46 =	vadd.f32 v51, v50;
	v36 =	vld [tilespmem:s20+$0x9070]  }
0x352: {  	v47 =	vadd.f32 v53, v52;
	v49 =	vadd.f32 v55, v54;
	v39 =	vld [tilespmem:s20+$0x3400]  }
0x353: {  	v50 =	vadd.f32 v57, v56;
	v51 =	vadd.f32 v59, v58;
	v42 =	vld [tilespmem:s20+$0x9400]  }
0x354: {  	v52 =	vadd.f32 v61, v60;
	v53 =	vadd.f32 v63, v62;
	[tilespmem:$0x1F980] =	vst v2;
	v2 =	vld [tilespmem:s20+$0x9000]  }
0x355: {  	v3 =	vadd.f32 v3, v25;
	v4 =	vadd.f32 v4, v26;
	[tilespmem:$0x1FA60] =	vst v0;
	v0 =	vld [tilespmem:s20+$0x470]  }
0x356: {  	v45 =	vld [tilespmem:s20+$0x3410];
	v5 =	vadd.f32 v5, v29;
	v6 =	vadd.f32 v6, v30  }
0x357: {  	v63 =	vld [tilespmem:s20+$0xA800];
	v7 =	vadd.f32 v7, v34;
	v8 =	vadd.f32 v8, v35  }
0x358: {  	v54 =	vld [tilespmem:s20+$0x4810];
	v9 =	vadd.f32 v9, v37;
	v10 =	vadd.f32 v10, v38  }
0x359: {  	v58 =	vld [tilespmem:s20+$0x4820];
	v11 =	vadd.f32 v11, v40;
	v12 =	vadd.f32 v12, v41  }
0x35a: {  	v55 =	vadd.f32 v24, v43;
	v2 =	vadd.f32 v2, v23;
	[tilespmem:$0x1FA70] =	vst v0;
	v0 =	vld [tilespmem:s20+$0x1C70]  }
0x35b: {  	v60 =	vld [tilespmem:s20+$0xA820];
	v57 =	vadd.f32 v28, v44;
	v33 =	vadd.f32 v33, v46  }
0x35c: {  	v59 =	vadd.f32 v36, v47;
	v2 =	vadd.f32 v63, v2;
	v63 =	vld [tilespmem:s20+$0xA830]  }
0x35d: {  	v61 =	vadd.f32 v39, v49;
	v37 =	vadd.f32 v42, v50;
	v40 =	vld [tilespmem:s20+$0x4850];
	v42 =	vimm.s32 $0x0  }
0x35e: {  	v38 =	vld [tilespmem:s20+$0x4840];
	v47 =	vimm.s32 $0x0;
	v50 =	vimm.s32 $0x0;
	v3 =	vadd.f32 v54, v3  }
0x35f: {  	vm0 =	vlt.f32 v2, $0.0e+00;
	vm12 =	vgt.f32 v2, $0.0e+00;
	v2 =	vadd.f32 v58, v5;
	[tilespmem:$0x1FA80] =	vst v0;
	v0 =	vld [tilespmem:s20+$0x3000]  }
0x360: {  	vm14 =	vlt.f32 v3, $0.0e+00;
	vm15 =	vgt.f32 v3, $0.0e+00;
	v3 =	vadd.f32 v60, v6  }
0x361: {  	v62 =	vld [tilespmem:s20+$0x4800];
	vm8 =	vlt.f32 v2, $0.0e+00;
	vm9 =	vgt.f32 v2, $0.0e+00;
	v2 =	vadd.f32 v63, v8  }
0x362: {  	v60 =	vadd.f32 v45, v51;
	v43 =	vadd.f32 v40, v11;
	vm15 =	vmor vm15, vm14  }
0x363: {  	vm10 =	vlt.f32 v3, $0.0e+00;
	vm4 =	vlt.f32 v2, $0.0e+00;
	vm5 =	vgt.f32 v2, $0.0e+00;
	v2 =	vld [tilespmem:s20+$0x4860]  }
0x364: {  	v56 =	vld [tilespmem:s20+$0xA810];
	vm11 =	vgt.f32 v3, $0.0e+00;
	v3 =	vadd.f32 v38, v9;
	v0 =	vadd.f32 v0, v22  }
0x365: {  	v49 =	vld [tilespmem:s20+$0xAC00];
	vm10 =	vmor vm11, vm10;
	v58 =	vimm.s32 $0x0;
	vm12 =	vmor vm12, vm0  }
0x366: {  	v13 =	vld [tilespmem:s20+$0x1C40];
	vm14 =	vmor vm9, vm8;
	vm4 =	vmor vm5, vm4;
	v0 =	vadd.f32 v62, v0  }
0x367: {  	vm8 =	vlt.f32 v43, $0.0e+00;
	vm9 =	vgt.f32 v43, $0.0e+00;
	v6 =	vsel vm4, $0xFFFFFFFF, v47;
	v62 =	vld [tilespmem:s20+$0x4830]  }
0x368: {  	v46 =	vld [tilespmem:s20+$0xA870];
	v2 =	vadd.f32 v2, v55;
	v55 =	vimm.s32 $0x0;
	vm2 =	vlt.f32 v0, $0.0e+00  }
0x369: {  	v39 =	vld [tilespmem:s20+$0xA840];
	vm1 =	vgt.f32 v0, $0.0e+00;
	v0 =	vadd.f32 v56, v4;
	v56 =	vimm.s32 $0x0  }
0x36a: {  	v14 =	vld [tilespmem:s20+$0x6440];
	v4 =	vadd.f32 v49, v37;
	vm1 =	vmor vm1, vm2;
	vm2 =	vlt.f32 v3, $0.0e+00  }
0x36b: {  	v41 =	vld [tilespmem:s20+$0xA850];
	vm13 =	vlt.f32 v0, $0.0e+00;
	vm7 =	vgt.f32 v0, $0.0e+00;
	v5 =	vsel vm1, $0xFFFFFFFF, v42  }
0x36c: {  	vm1 =	vgt.f32 v3, $0.0e+00;
	v3 =	vld [tilespmem:s20+$0xA860];
	v0 =	vadd.f32 v62, v7;
	vm7 =	vmor vm7, vm13  }
0x36d: {  	v44 =	vld [tilespmem:s20+$0x4870];
	[tilespmem:$0x1F970] =	vst v5;
	vm5 =	vmor vm1, vm2;
	vm1 =	vlt.f32 v2, $0.0e+00;
	v5 =	vadd.f32 v46, v59  }
0x36e: {  	v15 =	vld [tilespmem:s20+$0x7C40];
	vm6 =	vlt.f32 v0, $0.0e+00;
	vm3 =	vgt.f32 v0, $0.0e+00;
	v0 =	vadd.f32 v39, v10  }
0x36f: {  	v48 =	vld [tilespmem:s20+$0x9410];
	v59 =	vimm.s32 $0x0;
	vm11 =	vmor vm3, vm6;
	vm6 =	vmor vm9, vm8  }
0x370: {  	v32 =	vld [tilespmem:s20+$0x3420];
	vm0 =	vlt.f32 v0, $0.0e+00;
	vm13 =	vgt.f32 v0, $0.0e+00;
	v0 =	vadd.f32 v41, v12  }
0x371: {  	v31 =	vld [tilespmem:s20+$0x9420];
	v3 =	vadd.f32 v3, v57;
	vm13 =	vmor vm13, vm0;
	vm0 =	vgt.f32 v2, $0.0e+00  }
0x372: {  	v2 =	vadd.f32 v44, v33;
	vm3 =	vlt.f32 v0, $0.0e+00;
	vm4 =	vgt.f32 v0, $0.0e+00;
	v0 =	vld [tilespmem:s20+$0x4C00]  }
0x373: {  	vm2 =	vlt.f32 v3, $0.0e+00;
	vm9 =	vgt.f32 v3, $0.0e+00;
	v3 =	vld [tilespmem:s20+$0x4C10];
	vm0 =	vmor vm0, vm1  }
0x374: {  	vm3 =	vmor vm4, vm3;
	vm8 =	vlt.f32 v2, $0.0e+00;
	vm4 =	vgt.f32 v2, $0.0e+00;
	v2 =	vld [tilespmem:s20+$0x4C20]  }
0x375: {  	v27 =	vld [tilespmem:s20+$0x3430];
	v33 =	vadd.f32 v32, v53;
	v7 =	vsel vm0, $0xFFFFFFFF, v55;
	vm9 =	vmor vm9, vm2  }
0x376: {  	v28 =	vld [tilespmem:s20+$0x9440];
	[tilespmem:$0x1F9F0] =	vst v7;
	v7 =	vsel vm9, $0xFFFFFFFF, v56;
	vm0 =	vmor vm4, vm8;
	vm8 =	vlt.f32 v5, $0.0e+00  }
0x377: {  	v29 =	vld [tilespmem:s20+$0x3450];
	vm9 =	vgt.f32 v5, $0.0e+00;
	v8 =	vsel vm0, $0xFFFFFFFF, v58;
	v0 =	vadd.f32 v0, v61  }
0x378: {  	v54 =	vld [tilespmem:s20+$0xAC10];
	vm0 =	vmor vm9, vm8;
	v61 =	vadd.f32 v48, v52;
	v3 =	vadd.f32 v3, v60  }
0x379: {  	v24 =	vld [tilespmem:s20+$0x9450];
	v2 =	vadd.f32 v2, v33;
	vm4 =	vlt.f32 v0, $0.0e+00;
	vm8 =	vgt.f32 v0, $0.0e+00  }
0x37a: {  	v26 =	vld [tilespmem:s20+$0x9460];
	vm2 =	vlt.f32 v3, $0.0e+00;
	vm9 =	vgt.f32 v3, $0.0e+00;
	vm8 =	vmor vm8, vm4  }
0x37b: {  	vm9 =	vmor vm9, vm2;
	vm2 =	vlt.f32 v2, $0.0e+00;
	vm4 =	vgt.f32 v2, $0.0e+00;
	v2 =	vld [tilespmem:$0x1F970]  }
0x37c: {  	v30 =	vld [tilespmem:s20+$0x3470];
	[tilespmem:$0x1F990] =	vst v6;
	vm1 =	vgt.f32 v4, $0.0e+00;
	v6 =	vsel vm3, $0xFFFFFFFF, v50;
	v5 =	vsel vm0, $0xFFFFFFFF, v59  }
0x37d: {  	v57 =	vld [tilespmem:s20+$0xAC20];
	[tilespmem:$0x1F9C0] =	vst v6;
	vm0 =	vlt.f32 v4, $0.0e+00;
	v0 =	vadd.f32 v21, v18;
	v6 =	vadd.f32 v54, v61  }
0x37e: {  	v23 =	vld [tilespmem:s20+$0x9430];
	vm3 =	vmor vm1, vm0  }
0x37f: {  	v34 =	vld [tilespmem:s20+$0xAC40];
	v0 =	vadd.f32 v31, v0;
	vm0 =	vlt.f32 v6, $0.0e+00;
	vm1 =	vgt.f32 v6, $0.0e+00  }
0x380: {  	v63 =	vld [tilespmem:s20+$0xAC30];
	vm0 =	vmor vm1, vm0;
	vm1 =	vmor vm4, vm2;
	vm4 =	vnez.u8 v2  }
0x381: {  	v16 =	vadd.f32 v19, v16;
	v45 =	vld [tilespmem:$0x1F9A0];
	v2 =	vsel vm4, $0x3F800000, v1  }
0x382: {  	v47 =	vld [tilespmem:$0x1F9D0];
	v0 =	vadd.f32 v57, v0;
	[tilespmem:s20+$0x10F00] =	vst v2;
	v2 =	vsel vm15, $0x3F800000, v1  }
0x383: {  	v22 =	vld [tilespmem:s20+$0x3440];
	[tilespmem:s20+$0x10F10] =	vst v2;
	v2 =	vadd.f32 v23, v16  }
0x384: {  	v42 =	vld [tilespmem:$0x1F980];
	v39 =	vsel vm12, $0x3F800000, v1;
	vm12 =	vlt.f32 v0, $0.0e+00  }
0x385: {  	v62 =	vld [tilespmem:s20+$0x4C30];
	vm15 =	vgt.f32 v0, $0.0e+00;
	v0 =	vsel vm14, $0x3F800000, v1;
	v2 =	vadd.f32 v63, v2  }
0x386: {  	v35 =	vadd.f32 v20, v17;
	v46 =	vld [tilespmem:$0x1F9B0];
	vm2 =	vmor vm15, vm12;
	[tilespmem:s20+$0x10F20] =	vst v0;
	v0 =	vsel vm11, $0x3F800000, v1  }
0x387: {  	v12 =	vld [tilespmem:s20+$0x4C50];
	vm15 =	vlt.f32 v2, $0.0e+00;
	vm11 =	vgt.f32 v2, $0.0e+00;
	v2 =	vsel vm13, $0x3F800000, v1  }
0x388: {  	v40 =	vsel vm7, $0x3F800000, v1;
	v4 =	vadd.f32 v27, v35;
	[tilespmem:s20+$0xF740] =	vst v2;
	v2 =	vld [tilespmem:$0x1F9C0]  }
0x389: {  	v43 =	vadd.f32 v15, v14;
	[tilespmem:s20+$0xF710] =	vst v40;
	v44 =	vld [tilespmem:$0x1F990]  }
0x38a: {  	[tilespmem:s20+$0xF700] =	vst v39;
	v58 =	vld [tilespmem:$0x1FA80];
	v4 =	vadd.f32 v62, v4  }
0x38b: {  	v41 =	vsel vm10, $0x3F800000, v1;
	[tilespmem:$0x1FA00] =	vst v7;
	v7 =	vadd.f32 v28, v43;
	v57 =	vld [tilespmem:$0x1FA70]  }
0x38c: {  	[tilespmem:s20+$0xF720] =	vst v41;
	v49 =	vld [tilespmem:$0x1F9F0];
	vm10 =	vlt.f32 v4, $0.0e+00;
	vm12 =	vgt.f32 v4, $0.0e+00  }
0x38d: {  	[tilespmem:$0x1FA10] =	vst v8;
	v48 =	vadd.f32 v34, v7;
	v21 =	vld [tilespmem:s20+$0x4C40];
	vm10 =	vmor vm12, vm10;
	vm12 =	vnez.u8 v2  }
0x38e: {  	vm14 =	vnez.u8 v44;
	v4 =	vadd.f32 v13, v42;
	v13 =	vld [tilespmem:$0x1F9E0];
	[tilespmem:s20+$0x10F30] =	vst v0;
	v2 =	vsel vm12, $0x3F800000, v1  }
0x38f: {  	vm7 =	vlt.f32 v48, $0.0e+00;
	v51 =	vsel vm8, $0x3F800000, v1;
	v9 =	vsel vm14, $0x3F800000, v1;
	[tilespmem:s20+$0xF750] =	vst v2;
	v2 =	vld [tilespmem:$0x1FA00]  }
0x390: {  	v55 =	vld [tilespmem:$0x1FA50];
	v8 =	vadd.f32 v58, v57;
	v0 =	vsel vm5, $0x3F800000, v1;
	[tilespmem:s20+$0xF730] =	vst v9;
	v9 =	vadd.f32 v46, v45  }
0x391: {  	v56 =	vld [tilespmem:$0x1FA60];
	vm4 =	vgt.f32 v48, $0.0e+00;
	v4 =	vadd.f32 v22, v4;
	[tilespmem:s20+$0x10F40] =	vst v0;
	v0 =	vsel vm6, $0x3F800000, v1  }
0x392: {  	v50 =	vld [tilespmem:$0x1FA10];
	v60 =	vadd.f32 v30, v8;
	v61 =	vsel vm10, $0x3F800000, v1;
	[tilespmem:s20+$0x10F50] =	vst v0;
	v0 =	vadd.f32 v29, v9  }
0x393: {  	v53 =	vld [tilespmem:$0x1FA40];
	[tilespmem:$0x1FA20] =	vst v5;
	v4 =	vadd.f32 v21, v4;
	vm13 =	vnez.u8 v49;
	vm5 =	vmor vm11, vm15  }
0x394: {  	v3 =	vld [tilespmem:s20+$0xAC50];
	[tilespmem:s20+$0x11300] =	vst v51;
	v10 =	vadd.f32 v13, v47;
	v7 =	vsel vm13, $0x3F800000, v1;
	vm15 =	vnez.u8 v2  }
0x395: {  	v52 =	vld [tilespmem:$0x1FA30];
	vm14 =	vlt.f32 v4, $0.0e+00;
	vm11 =	vgt.f32 v4, $0.0e+00;
	[tilespmem:s20+$0x10F60] =	vst v7;
	v2 =	vsel vm15, $0x3F800000, v1  }
0x396: {  	v0 =	vadd.f32 v12, v0;
	v7 =	vadd.f32 v56, v55;
	vm6 =	vmor vm11, vm14;
	[tilespmem:s20+$0xF760] =	vst v2;
	v2 =	vld [tilespmem:$0x1FA20]  }
0x397: {  	v25 =	vld [tilespmem:s20+$0x3460];
	[tilespmem:s20+$0x11330] =	vst v61;
	v54 =	vadd.f32 v24, v10;
	v62 =	vsel vm6, $0x3F800000, v1;
	vm12 =	vnez.u8 v50  }
0x398: {  	v37 =	vld [tilespmem:s20+$0xAC60];
	vm11 =	vlt.f32 v0, $0.0e+00;
	vm14 =	vmor vm4, vm7;
	[tilespmem:s20+$0x11340] =	vst v62;
	v4 =	vsel vm12, $0x3F800000, v1  }
0x399: {  	v3 =	vadd.f32 v3, v54;
	vm12 =	vgt.f32 v0, $0.0e+00;
	v0 =	vsel vm3, $0x3F800000, v1;
	[tilespmem:s20+$0x10F70] =	vst v4  }
0x39a: {  	v36 =	vld [tilespmem:s20+$0x4C60];
	v59 =	vadd.f32 v26, v7;
	v4 =	vadd.f32 v53, v52;
	[tilespmem:s20+$0xFB00] =	vst v0;
	v0 =	vsel vm0, $0x3F800000, v1  }
0x39b: {  	v38 =	vld [tilespmem:s20+$0x4C70];
	vm4 =	vlt.f32 v3, $0.0e+00;
	[tilespmem:s20+$0xFB10] =	vst v0;
	v0 =	vsel vm2, $0x3F800000, v1;
	vm13 =	vnez.u8 v2  }
0x39c: {  	v4 =	vadd.f32 v25, v4;
	[tilespmem:s20+$0xFB20] =	vst v0;
	v0 =	vsel vm5, $0x3F800000, v1;
	v2 =	vsel vm13, $0x3F800000, v1  }
0x39d: {  	vm5 =	vgt.f32 v3, $0.0e+00;
	v3 =	vadd.f32 v37, v59;
	[tilespmem:s20+$0xF770] =	vst v2;
	v2 =	vsel vm9, $0x3F800000, v1  }
0x39e: {  	vm0 =	vmor vm5, vm4;
	vm15 =	vmor vm12, vm11;
	[tilespmem:s20+$0x11310] =	vst v2;
	v2 =	vsel vm1, $0x3F800000, v1  }
0x39f: {  	vm11 =	vlt.f32 v3, $0.0e+00;
	vm12 =	vgt.f32 v3, $0.0e+00;
	[tilespmem:s20+$0x11320] =	vst v2;
	v2 =	vadd.f32 v36, v4  }
0x3a0: {  	[tilespmem:s20+$0xFB30] =	vst v0;
	v0 =	vadd.f32 v38, v60;
	v63 =	vsel vm15, $0x3F800000, v1;
	vm13 =	vmor vm12, vm11  }
0x3a1: {  	[tilespmem:s20+$0x11350] =	vst v63;
	vm9 =	vlt.f32 v2, $0.0e+00;
	vm10 =	vgt.f32 v2, $0.0e+00;
	v2 =	vsel vm14, $0x3F800000, v1  }
.Ltmp5:
0x3a2: {  	vm15 =	vgt.f32 v0, $0.0e+00;
	vm14 =	vlt.f32 v0, $0.0e+00;
	v0 =	vsel vm13, $0x3F800000, v1;
	[tilespmem:s20+$0xFB40] =	vst v2;
	(pc) =	sbr.rel .LBB2_7-.Ltmp5, $4  }
0x3a3: {  	vm1 =	vmor vm10, vm9;
	v2 =	vsel vm0, $0x3F800000, v1;
	[tilespmem:s20+$0xFB60] =	vst v0  }
0x3a4: {  	vm0 =	vmor vm15, vm14;
	v3 =	vsel vm1, $0x3F800000, v1;
	[tilespmem:s20+$0xFB50] =	vst v2  }
0x3a5: {  	v2 =	vsel vm0, $0x3F800000, v1;
	[tilespmem:s20+$0x11360] =	vst v3  }
0x3a6: {  	v12 =	vld [tilespmem:$0x1FFF0];
	[tilespmem:s20+$0x11370] =	vst v2  }
.LBB2_15:
0x3a7: {  	s14 =	sadd.s32 $0x1, s14  }
0x3a8: {  	p2 =	sne.s32 s14, $0x32  }
.Ltmp6:
0x3a9: {  	_ = 	snop;
	(pc) =	sbr.rel @!p2 .LBB2_16-.Ltmp6, $1  }
0x3aa: {  	_ =	sdelay $0x3  }
.LBB2_7:
0x3ab: {  	s3 =	sshll.u32 s14, $0x4  }
0x3ac: {  	s3 =	sand.u32 $0x3FFFFFF0, s3  }
0x3ad: {  	v0 =	vld [tilespmem:s3+$0xD300];
	_ =	sdelay $0x4  }
0x3ae: {  	v2 =	vsub.s32 v0, v12  }
0x3af: {  	(v2sf) =	vpush v2, $0x0  }
0x3b0: {  	(v2sf) =	vpush v2, $0x1;
	_ =	sdelay $0x1  }
0x3b1: {  	(v2sf) =	vpush v0, $0x2  }
0x3b2: {  	(v2sf) =	vpush v0, $0x3;
	_ =	sdelay $0xa  }
0x3b3: {  	s19 =	spop (v2sf)  }
0x3b4: {  	s20 =	spop (v2sf)  }
0x3b5: {  	s31 =	smul.u32 $0x180, s14;
	p2 =	sgt.s32 s19, $0x0;
	p3 =	slt.s32 s20, $0x11  }
0x3b6: {  	s4 =	spop (v2sf);
	s19 =	simm.s32 @!p2 $0x0;
	s20 =	simm.s32 @!p3 $0x11  }
0x3b7: {  	s3 =	spop (v2sf);
	p2 =	sge.s32 s19, s20  }
0x3b8: {  	s5 =	sshra.s32 s31, $0x2;
	p3 =	sle.s32 @!p2 s3, s4  }
0x3b9: {  	v3 =	vld [tilespmem:s5+$0xC010];
	p2 =	por p2, p3  }
.Ltmp7:
0x3ba: {  	v4 =	vld [tilespmem:s5+$0xC020];
	(pc) =	sbr.rel @p2 .LBB2_15-.Ltmp7, $4  }
0x3bb: {  	v5 =	vld [tilespmem:s5+$0xC030]  }
0x3bc: {  	v6 =	vld [tilespmem:s5+$0xC040]  }
0x3bd: {  	v7 =	vld [tilespmem:s5+$0xC050]  }
0x3be: {  	v2 =	vld [tilespmem:s5+$0xC000]  }
0x3bf: {  	s5 =	sshll.u32 s4, $0x6  }
0x3c0: {  	s21 =	ssub.s32 s3, s4;
	s5 =	sshra.s32 s5, $0x2  }
0x3c1: {  	s3 =	sshll.u32 s4, $0x7;
	s4 =	sshll.u32 s4, $0x4;
	s30 =	sadd.s32 $0xDB00, s5  }
.LBB2_9:
0x3c2: {  	s5 =	sshll.u32 s19, $0x4  }
0x3c3: {  	s5 =	sand.u32 $0x3FFFFFF0, s5  }
0x3c4: {  	v0 =	vld [tilespmem:s5+$0xD680];
	_ =	sdelay $0x1  }
0x3c5: {  	p3 =	sne.s32 s21, $0x1  }
.Ltmp8:
0x3c6: {  	_ = 	snop;
	(pc) =	sbr.rel @!p3 .LBB2_10-.Ltmp8, $4  }
0x3c7: {  	s31 =	sshll.u32 s19, $0x8;
	s6 =	sshll.u32 s19, $0x7  }
0x3c8: {  	s6 =	sand.u32 $0x380, s6;
	s5 =	sand.u32 $0x7FFFF800, s31;
	v0 =	vsub.f32 v0, v2  }
0x3c9: {  	s5 =	sor.u32 s6, s5  }
0x3ca: {  	v10 =	vld [tilespmem:s30+$0x0];
	p2 =	por $0x0, $0x0;
	s6 =	sadd.s32 $0xFFFFFFFF, s21;
	s13 =	sadd.s32 $0xDF00, s5;
	v8 =	vmul.f32 v0, v4;
	v9 =	vmul.f32 v0, v5  }
0x3cb: {  	_ =	sdelay $0x3  }
0x3cc: {  	v0 =	vsub.f32 v10, v3;
	_ =	sdelay $0x1  }
0x3cd: {  	s5 =	sand.u32 $0xFFFFFC00, s3;
	v10 =	vmul.f32 v0, v5;
	v0 =	vmul.f32 v0, v4  }
0x3ce: {  	s22 =	sand.u32 $0x70, s4;
	s5 =	sadd.s32 s5, s13  }
0x3cf: {  	s5 =	sadd.s32 s22, s5;
	v10 =	vsub.f32 v8, v10;
	v0 =	vadd.f32 v0, v9  }
0x3d0: {  	v11 =	vld [tilespmem:s5+$0x0]  }
0x3d1: {  	v10 =	vand.u32 $0x7FFFFFFF, v10;
	v0 =	vand.u32 $0x7FFFFFFF, v0  }
0x3d2: {  	p3 =	sne.s32 s6, $0x1;
	vm0 =	vlt.f32 v10, v6;
	vm1 =	vlt.f32 v0, v7  }
.Ltmp9:
0x3d3: {  	vm0 =	vmand vm0, vm1;
	(pc) =	sbr.rel @!p3 .LBB2_12-.Ltmp9, $4  }
0x3d4: {  	v0 =	vsel vm0, $0x3F800000, v1  }
0x3d5: {  	v0 =	vmax.f32 v11, v0  }
0x3d6: {  	s6 =	sadd.s32 $0xFFFFFFFF, s6;
	[tilespmem:s5+$0x0] =	vst v0;
	s5 =	sadd.s32 $0x10, s30  }
0x3d7: {  	p2 =	por $0x1, $0x1;
	s31 =	smov.u32 s4;
	s22 =	smov.u32 s3;
	v10 =	vld [tilespmem:s5+$0x0]  }
.LBB2_13:
0x3d8: {  	p3 =	sne.s32 s6, $0x1;
	_ =	sdelay $0x3  }
0x3d9: {  	v0 =	vsub.f32 v10, v3  }
0x3da: {  	s22 =	sadd.s32 $0x80, s22  }
0x3db: {  	s31 =	sadd.s32 $0x10, s31;
	s7 =	sand.u32 $0xFFFFFC00, s22;
	v10 =	vmul.f32 v0, v5;
	v0 =	vmul.f32 v0, v4  }
0x3dc: {  	s8 =	sand.u32 $0x70, s31;
	s7 =	sadd.s32 s7, s13  }
0x3dd: {  	s7 =	sadd.s32 s8, s7;
	v10 =	vsub.f32 v8, v10;
	v0 =	vadd.f32 v0, v9  }
0x3de: {  	v11 =	vld [tilespmem:s7+$0x0]  }
0x3df: {  	v10 =	vand.u32 $0x7FFFFFFF, v10;
	v0 =	vand.u32 $0x7FFFFFFF, v0  }
0x3e0: {  	vm0 =	vlt.f32 v10, v6;
	vm1 =	vlt.f32 v0, v7  }
.Ltmp10:
0x3e1: {  	vm0 =	vmand vm0, vm1;
	(pc) =	sbr.rel @p3 .LBB2_13-.Ltmp10, $4  }
0x3e2: {  	v0 =	vsel vm0, $0x3F800000, v1  }
0x3e3: {  	v0 =	vmax.f32 v11, v0  }
0x3e4: {  	s5 =	sadd.s32 $0x10, s5;
	[tilespmem:s7+$0x0] =	vst v0  }
0x3e5: {  	s6 =	sadd.s32 $0xFFFFFFFF, s6;
	v10 =	vld [tilespmem:s5+$0x0]  }
.LBB2_14:
0x3e6: {  	_ =	sdelay $0x3  }
0x3e7: {  	s5 =	sadd.s32 @p2 $0x80, s22;
	s6 =	smov.u32 s3;
	v0 =	vsub.f32 v10, v3  }
0x3e8: {  	s7 =	smov.u32 s4;
	s6 =	smov.u32 @p2 s5;
	s5 =	sadd.s32 @p2 $0x10, s31  }
0x3e9: {  	s6 =	sand.u32 $0xFFFFFC00, s6;
	s7 =	smov.u32 @p2 s5;
	v10 =	vmul.f32 v0, v5;
	v0 =	vmul.f32 v0, v4  }
0x3ea: {  	s5 =	sand.u32 $0x70, s7;
	s6 =	sadd.s32 s6, s13  }
0x3eb: {  	s5 =	sadd.s32 s5, s6;
	v8 =	vsub.f32 v8, v10;
	v0 =	vadd.f32 v0, v9  }
0x3ec: {  	s19 =	sadd.s32 $0x1, s19;
	v63 =	vld [tilespmem:s5+$0x0]  }
0x3ed: {  	p2 =	sne.s32 s19, s20;
	v8 =	vand.u32 $0x7FFFFFFF, v8;
	v0 =	vand.u32 $0x7FFFFFFF, v0  }
.Ltmp11:
0x3ee: {  	vm0 =	vlt.f32 v8, v6;
	vm1 =	vlt.f32 v0, v7;
	(pc) =	sbr.rel @p2 .LBB2_9-.Ltmp11, $4  }
.Ltmp12:
0x3ef: {  	vm0 =	vmand vm0, vm1;
	(pc) =	sbr.rel @!p2 .LBB2_15-.Ltmp12, $4  }
0x3f0: {  	v0 =	vsel vm0, $0x3F800000, v1  }
0x3f1: {  	v0 =	vmax.f32 v63, v0  }
0x3f2: {  	[tilespmem:s5+$0x0] =	vst v0  }
0x3f3: {  	_ = 	snop  }
.LBB2_10:
.Ltmp13:
0x3f4: {  	(pc) =	sbr.rel .LBB2_14-.Ltmp13, $2  }
0x3f5: {  	_ =	sdelay $0x2  }
0x3f6: {  	s22 =	smov.u32 s3;
	s31 =	smov.u32 s4  }
.LBB2_12:
.Ltmp14:
0x3f7: {  	(pc) =	sbr.rel .LBB2_14-.Ltmp14, $2  }
0x3f8: {  	_ =	sdelay $0x2  }
0x3f9: {  	s22 =	smov.u32 s3;
	s31 =	smov.u32 s4  }
.LBB2_16:
0x3fa: {  	[tilespmem:$0x12800] =	vst v1;
	s14 =	simm.s32 $0x80  }
0x3fb: {  	[tilespmem:$0x12980] =	vst v1;
	v2 =	vimm.s32 $0x0;
	s19 =	simm.s32 $0x0;
	s20 =	simm.s32 $0xD990;
	s21 =	simm.s32 $0xD800;
	v3 =	vimm.s32 $0x0  }
.LBB2_17:
0x3fc: {  	s4 =	sadd.s32 $0xFFFFFF80, s14  }
0x3fd: {  	s3 =	sand.u32 $0x800, s19;
	v4 =	vld [tilespmem:s21+$0x0];
	s19 =	sadd.s32 $0x100, s19;
	s4 =	sand.u32 $0x380, s4  }
0x3fe: {  	v5 =	vld [tilespmem:s20+$0x0];
	s31 =	sand.u32 $0x380, s14;
	s30 =	sand.u32 $0x1800, s19;
	s22 =	sor.u32 s4, s3  }
0x3ff: {  	s30 =	sor.u32 s31, s30;
	v0 =	vld [tilespmem:s22+$0xDF00]  }
0x400: {  	v6 =	vld [tilespmem:s30+$0xDF00]  }
0x401: {  	v7 =	vld [tilespmem:s22+$0xF700]  }
0x402: {  	v8 =	vld [tilespmem:s30+$0xF700];
	_ =	sdelay $0x2  }
0x403: {  	v0 =	vmul.f32 v0, v4;
	v6 =	vmul.f32 v6, v5;
	_ =	sdelay $0x1  }
0x404: {  	v7 =	vmul.f32 v7, v0;
	v8 =	vmul.f32 v8, v6;
	_ =	sdelay $0x1  }
0x405: {  	v7 =	vmax.f32 v7, v8  }
0x406: {  	[tilespmem:$0x12700] =	vst v7  }
0x407: {  	v7 =	vld [tilespmem:s22+$0x10F00]  }
0x408: {  	v43 =	vld [tilespmem:s30+$0x10F00];
	_ =	sdelay $0x4  }
0x409: {  	v0 =	vmul.f32 v7, v0;
	v6 =	vmul.f32 v43, v6;
	_ =	sdelay $0x1  }
0x40a: {  	v0 =	vmax.f32 v0, v6  }
0x40b: {  	[tilespmem:$0x12880] =	vst v0  }
0x40c: {  	v0 =	vld [tilespmem:s22+$0xDF10]  }
0x40d: {  	v44 =	vld [tilespmem:s30+$0xDF10]  }
0x40e: {  	v45 =	vld [tilespmem:s22+$0xF710]  }
0x40f: {  	v46 =	vld [tilespmem:s30+$0xF710];
	_ =	sdelay $0x2  }
0x410: {  	v0 =	vmul.f32 v0, v4;
	v6 =	vmul.f32 v44, v5;
	_ =	sdelay $0x1  }
0x411: {  	v7 =	vmul.f32 v45, v0;
	v8 =	vmul.f32 v46, v6;
	_ =	sdelay $0x1  }
0x412: {  	v7 =	vmax.f32 v7, v8  }
0x413: {  	[tilespmem:$0x12710] =	vst v7  }
0x414: {  	v7 =	vld [tilespmem:s22+$0x10F10]  }
0x415: {  	v47 =	vld [tilespmem:s30+$0x10F10];
	_ =	sdelay $0x4  }
0x416: {  	v0 =	vmul.f32 v7, v0;
	v6 =	vmul.f32 v47, v6;
	_ =	sdelay $0x1  }
0x417: {  	v0 =	vmax.f32 v0, v6  }
0x418: {  	[tilespmem:$0x12890] =	vst v0  }
0x419: {  	v0 =	vld [tilespmem:s22+$0xDF20]  }
0x41a: {  	v48 =	vld [tilespmem:s30+$0xDF20]  }
0x41b: {  	v49 =	vld [tilespmem:s22+$0xF720]  }
0x41c: {  	v50 =	vld [tilespmem:s30+$0xF720];
	_ =	sdelay $0x2  }
0x41d: {  	v0 =	vmul.f32 v0, v4;
	v6 =	vmul.f32 v48, v5;
	_ =	sdelay $0x1  }
0x41e: {  	v7 =	vmul.f32 v49, v0;
	v8 =	vmul.f32 v50, v6;
	_ =	sdelay $0x1  }
0x41f: {  	v7 =	vmax.f32 v7, v8  }
0x420: {  	[tilespmem:$0x12720] =	vst v7  }
0x421: {  	v7 =	vld [tilespmem:s22+$0x10F20]  }
0x422: {  	v51 =	vld [tilespmem:s30+$0x10F20];
	_ =	sdelay $0x4  }
0x423: {  	v0 =	vmul.f32 v7, v0;
	v6 =	vmul.f32 v51, v6;
	_ =	sdelay $0x1  }
0x424: {  	v0 =	vmax.f32 v0, v6  }
0x425: {  	[tilespmem:$0x128A0] =	vst v0  }
0x426: {  	v0 =	vld [tilespmem:s22+$0xDF30]  }
0x427: {  	v52 =	vld [tilespmem:s30+$0xDF30]  }
0x428: {  	v53 =	vld [tilespmem:s22+$0xF730]  }
0x429: {  	v54 =	vld [tilespmem:s30+$0xF730];
	_ =	sdelay $0x2  }
0x42a: {  	v0 =	vmul.f32 v0, v4;
	v6 =	vmul.f32 v52, v5;
	_ =	sdelay $0x1  }
0x42b: {  	v7 =	vmul.f32 v53, v0;
	v8 =	vmul.f32 v54, v6;
	_ =	sdelay $0x1  }
0x42c: {  	v7 =	vmax.f32 v7, v8  }
0x42d: {  	[tilespmem:$0x12730] =	vst v7  }
0x42e: {  	v7 =	vld [tilespmem:s22+$0x10F30]  }
0x42f: {  	v55 =	vld [tilespmem:s30+$0x10F30];
	_ =	sdelay $0x4  }
0x430: {  	v0 =	vmul.f32 v7, v0;
	v6 =	vmul.f32 v55, v6;
	_ =	sdelay $0x1  }
0x431: {  	v0 =	vmax.f32 v0, v6  }
0x432: {  	[tilespmem:$0x128B0] =	vst v0  }
0x433: {  	v0 =	vld [tilespmem:s22+$0xDF40]  }
0x434: {  	v56 =	vld [tilespmem:s30+$0xDF40]  }
0x435: {  	v57 =	vld [tilespmem:s22+$0xF740]  }
0x436: {  	v58 =	vld [tilespmem:s30+$0xF740];
	_ =	sdelay $0x2  }
0x437: {  	v0 =	vmul.f32 v0, v4;
	v6 =	vmul.f32 v56, v5;
	_ =	sdelay $0x1  }
0x438: {  	v7 =	vmul.f32 v57, v0;
	v8 =	vmul.f32 v58, v6;
	_ =	sdelay $0x1  }
0x439: {  	v7 =	vmax.f32 v7, v8  }
0x43a: {  	[tilespmem:$0x12740] =	vst v7  }
0x43b: {  	v7 =	vld [tilespmem:s22+$0x10F40]  }
0x43c: {  	v59 =	vld [tilespmem:s30+$0x10F40];
	_ =	sdelay $0x4  }
0x43d: {  	v0 =	vmul.f32 v7, v0;
	v6 =	vmul.f32 v59, v6;
	_ =	sdelay $0x1  }
0x43e: {  	v0 =	vmax.f32 v0, v6  }
0x43f: {  	[tilespmem:$0x128C0] =	vst v0  }
0x440: {  	v0 =	vld [tilespmem:s22+$0xDF50]  }
0x441: {  	v60 =	vld [tilespmem:s30+$0xDF50]  }
0x442: {  	v61 =	vld [tilespmem:s22+$0xF750]  }
0x443: {  	v62 =	vld [tilespmem:s30+$0xF750];
	_ =	sdelay $0x2  }
0x444: {  	v0 =	vmul.f32 v0, v4;
	v6 =	vmul.f32 v60, v5;
	_ =	sdelay $0x1  }
0x445: {  	v7 =	vmul.f32 v61, v0;
	v8 =	vmul.f32 v62, v6;
	_ =	sdelay $0x1  }
0x446: {  	v7 =	vmax.f32 v7, v8  }
0x447: {  	[tilespmem:$0x12750] =	vst v7  }
0x448: {  	v7 =	vld [tilespmem:s22+$0x10F50]  }
0x449: {  	v63 =	vld [tilespmem:s30+$0x10F50];
	_ =	sdelay $0x4  }
0x44a: {  	v0 =	vmul.f32 v7, v0;
	v6 =	vmul.f32 v63, v6;
	_ =	sdelay $0x1  }
0x44b: {  	v0 =	vmax.f32 v0, v6  }
0x44c: {  	[tilespmem:$0x128D0] =	vst v0  }
0x44d: {  	v0 =	vld [tilespmem:s22+$0xDF60]  }
0x44e: {  	v12 =	vld [tilespmem:s30+$0xDF60]  }
0x44f: {  	v13 =	vld [tilespmem:s22+$0xF760]  }
0x450: {  	v14 =	vld [tilespmem:s30+$0xF760];
	_ =	sdelay $0x2  }
0x451: {  	v0 =	vmul.f32 v0, v4;
	v6 =	vmul.f32 v12, v5;
	_ =	sdelay $0x1  }
0x452: {  	v7 =	vmul.f32 v13, v0;
	v8 =	vmul.f32 v14, v6;
	_ =	sdelay $0x1  }
0x453: {  	v7 =	vmax.f32 v7, v8  }
0x454: {  	[tilespmem:$0x12760] =	vst v7  }
0x455: {  	v7 =	vld [tilespmem:s22+$0x10F60]  }
0x456: {  	v15 =	vld [tilespmem:s30+$0x10F60];
	_ =	sdelay $0x4  }
0x457: {  	v0 =	vmul.f32 v7, v0;
	v6 =	vmul.f32 v15, v6;
	_ =	sdelay $0x1  }
0x458: {  	v0 =	vmax.f32 v0, v6  }
0x459: {  	[tilespmem:$0x128E0] =	vst v0  }
0x45a: {  	v0 =	vld [tilespmem:s22+$0xDF70]  }
0x45b: {  	v16 =	vld [tilespmem:s30+$0xDF70]  }
0x45c: {  	v17 =	vld [tilespmem:s22+$0xF770]  }
0x45d: {  	v18 =	vld [tilespmem:s30+$0xF770];
	_ =	sdelay $0x2  }
0x45e: {  	v0 =	vmul.f32 v0, v4;
	v6 =	vmul.f32 v16, v5;
	_ =	sdelay $0x1  }
0x45f: {  	v7 =	vmul.f32 v17, v0;
	v8 =	vmul.f32 v18, v6;
	_ =	sdelay $0x1  }
0x460: {  	v7 =	vmax.f32 v7, v8  }
0x461: {  	[tilespmem:$0x12770] =	vst v7  }
0x462: {  	v7 =	vld [tilespmem:s22+$0x10F70]  }
0x463: {  	v19 =	vld [tilespmem:s30+$0x10F70];
	_ =	sdelay $0x4  }
0x464: {  	v0 =	vmul.f32 v7, v0;
	v6 =	vmul.f32 v19, v6;
	_ =	sdelay $0x1  }
0x465: {  	v0 =	vmax.f32 v0, v6  }
0x466: {  	[tilespmem:$0x128F0] =	vst v0  }
0x467: {  	v0 =	vld [tilespmem:s22+$0xE300]  }
0x468: {  	v20 =	vld [tilespmem:s30+$0xE300]  }
0x469: {  	v21 =	vld [tilespmem:s22+$0xFB00]  }
0x46a: {  	v22 =	vld [tilespmem:s30+$0xFB00];
	_ =	sdelay $0x2  }
0x46b: {  	v0 =	vmul.f32 v0, v4;
	v6 =	vmul.f32 v20, v5;
	_ =	sdelay $0x1  }
0x46c: {  	v7 =	vmul.f32 v21, v0;
	v8 =	vmul.f32 v22, v6;
	_ =	sdelay $0x1  }
0x46d: {  	v7 =	vmax.f32 v7, v8  }
0x46e: {  	[tilespmem:$0x12780] =	vst v7  }
0x46f: {  	v7 =	vld [tilespmem:s22+$0x11300]  }
0x470: {  	v23 =	vld [tilespmem:s30+$0x11300];
	_ =	sdelay $0x4  }
0x471: {  	v0 =	vmul.f32 v7, v0;
	v6 =	vmul.f32 v23, v6;
	_ =	sdelay $0x1  }
0x472: {  	v0 =	vmax.f32 v0, v6  }
0x473: {  	[tilespmem:$0x12900] =	vst v0  }
0x474: {  	v0 =	vld [tilespmem:s22+$0xE310]  }
0x475: {  	v24 =	vld [tilespmem:s30+$0xE310]  }
0x476: {  	v25 =	vld [tilespmem:s22+$0xFB10]  }
0x477: {  	v26 =	vld [tilespmem:s30+$0xFB10];
	_ =	sdelay $0x2  }
0x478: {  	v0 =	vmul.f32 v0, v4;
	v6 =	vmul.f32 v24, v5;
	_ =	sdelay $0x1  }
0x479: {  	v7 =	vmul.f32 v25, v0;
	v8 =	vmul.f32 v26, v6;
	_ =	sdelay $0x1  }
0x47a: {  	v7 =	vmax.f32 v7, v8  }
0x47b: {  	[tilespmem:$0x12790] =	vst v7  }
0x47c: {  	v7 =	vld [tilespmem:s22+$0x11310]  }
0x47d: {  	v27 =	vld [tilespmem:s30+$0x11310];
	_ =	sdelay $0x4  }
0x47e: {  	v0 =	vmul.f32 v7, v0;
	v6 =	vmul.f32 v27, v6;
	_ =	sdelay $0x1  }
0x47f: {  	v0 =	vmax.f32 v0, v6  }
0x480: {  	[tilespmem:$0x12910] =	vst v0  }
0x481: {  	v0 =	vld [tilespmem:s22+$0xE320]  }
0x482: {  	v28 =	vld [tilespmem:s30+$0xE320]  }
0x483: {  	v29 =	vld [tilespmem:s22+$0xFB20]  }
0x484: {  	v30 =	vld [tilespmem:s30+$0xFB20];
	_ =	sdelay $0x2  }
0x485: {  	v0 =	vmul.f32 v0, v4;
	v6 =	vmul.f32 v28, v5;
	_ =	sdelay $0x1  }
0x486: {  	v7 =	vmul.f32 v29, v0;
	v8 =	vmul.f32 v30, v6;
	_ =	sdelay $0x1  }
0x487: {  	v7 =	vmax.f32 v7, v8  }
0x488: {  	[tilespmem:$0x127A0] =	vst v7  }
0x489: {  	v7 =	vld [tilespmem:s22+$0x11320]  }
0x48a: {  	v31 =	vld [tilespmem:s30+$0x11320];
	_ =	sdelay $0x4  }
0x48b: {  	v0 =	vmul.f32 v7, v0;
	v6 =	vmul.f32 v31, v6;
	_ =	sdelay $0x1  }
0x48c: {  	v0 =	vmax.f32 v0, v6  }
0x48d: {  	[tilespmem:$0x12920] =	vst v0  }
0x48e: {  	v0 =	vld [tilespmem:s22+$0xE330]  }
0x48f: {  	v32 =	vld [tilespmem:s30+$0xE330]  }
0x490: {  	v33 =	vld [tilespmem:s22+$0xFB30]  }
0x491: {  	v34 =	vld [tilespmem:s30+$0xFB30];
	_ =	sdelay $0x2  }
0x492: {  	v0 =	vmul.f32 v0, v4;
	v6 =	vmul.f32 v32, v5;
	_ =	sdelay $0x1  }
0x493: {  	v7 =	vmul.f32 v33, v0;
	v8 =	vmul.f32 v34, v6;
	_ =	sdelay $0x1  }
0x494: {  	v7 =	vmax.f32 v7, v8  }
0x495: {  	[tilespmem:$0x127B0] =	vst v7  }
0x496: {  	v7 =	vld [tilespmem:s22+$0x11330]  }
0x497: {  	v35 =	vld [tilespmem:s30+$0x11330];
	_ =	sdelay $0x4  }
0x498: {  	v0 =	vmul.f32 v7, v0;
	v6 =	vmul.f32 v35, v6;
	_ =	sdelay $0x1  }
0x499: {  	v0 =	vmax.f32 v0, v6  }
0x49a: {  	[tilespmem:$0x12930] =	vst v0  }
0x49b: {  	v0 =	vld [tilespmem:s22+$0xE340]  }
0x49c: {  	v36 =	vld [tilespmem:s30+$0xE340]  }
0x49d: {  	v37 =	vld [tilespmem:s22+$0xFB40]  }
0x49e: {  	v38 =	vld [tilespmem:s30+$0xFB40];
	_ =	sdelay $0x2  }
0x49f: {  	v0 =	vmul.f32 v0, v4;
	v6 =	vmul.f32 v36, v5;
	_ =	sdelay $0x1  }
0x4a0: {  	v7 =	vmul.f32 v37, v0;
	v8 =	vmul.f32 v38, v6;
	_ =	sdelay $0x1  }
0x4a1: {  	v7 =	vmax.f32 v7, v8  }
0x4a2: {  	v10 =	vld [tilespmem:$0xDD81];
	[tilespmem:$0x127C0] =	vst v7  }
0x4a3: {  	v7 =	vld [tilespmem:s22+$0x11340]  }
0x4a4: {  	v39 =	vld [tilespmem:s30+$0x11340]  }
0x4a5: {  	v11 =	vld [tilespmem:$0x12880]  }
0x4a6: {  	v9 =	vld [tilespmem:$0x12701]  }
0x4a7: {  	v52 =	vld [tilespmem:$0x12700]  }
0x4a8: {  	v53 =	vld [tilespmem:$0xDC00]  }
0x4a9: {  	v54 =	vld [tilespmem:$0x12891];
	v0 =	vmul.f32 v7, v0;
	v6 =	vmul.f32 v39, v6  }
0x4aa: {  	v55 =	vld [tilespmem:$0x12720]  }
0x4ab: {  	v56 =	vld [tilespmem:$0xDC20];
	v0 =	vmax.f32 v0, v6  }
0x4ac: {  	v58 =	vld [tilespmem:$0x128A1];
	[tilespmem:$0x12940] =	vst v0  }
0x4ad: {  	v0 =	vld [tilespmem:s22+$0xE350]  }
0x4ae: {  	v40 =	vld [tilespmem:s30+$0xE350]  }
0x4af: {  	v41 =	vld [tilespmem:s22+$0xFB50]  }
0x4b0: {  	v42 =	vld [tilespmem:s30+$0xFB50]  }
0x4b1: {  	v60 =	vld [tilespmem:$0xDC30]  }
0x4b2: {  	v62 =	vld [tilespmem:$0x12731]  }
0x4b3: {  	v12 =	vld [tilespmem:$0x12881];
	v0 =	vmul.f32 v0, v4;
	v6 =	vmul.f32 v40, v5  }
0x4b4: {  	v13 =	vld [tilespmem:$0x12710]  }
0x4b5: {  	v14 =	vld [tilespmem:$0xDC10];
	v7 =	vmul.f32 v41, v0;
	v8 =	vmul.f32 v42, v6  }
0x4b6: {  	v15 =	vld [tilespmem:$0x12711]  }
0x4b7: {  	v16 =	vld [tilespmem:$0xDD91];
	v7 =	vmax.f32 v7, v8  }
0x4b8: {  	v21 =	vld [tilespmem:$0xDDB1];
	[tilespmem:$0x127D0] =	vst v7  }
0x4b9: {  	v7 =	vld [tilespmem:s22+$0x11350]  }
0x4ba: {  	v43 =	vld [tilespmem:s30+$0x11350]  }
0x4bb: {  	v17 =	vld [tilespmem:$0x12890]  }
0x4bc: {  	v13 =	vmul.f32 v14, v13;
	v18 =	vld [tilespmem:$0x12721];
	v15 =	vmul.f32 v16, v15  }
0x4bd: {  	v19 =	vld [tilespmem:$0xDDA1]  }
0x4be: {  	v59 =	vmax.f32 v13, v15;
	v20 =	vld [tilespmem:$0x128A0];
	v13 =	vmul.f32 v21, v62  }
0x4bf: {  	v62 =	vld [tilespmem:$0x12771];
	v0 =	vmul.f32 v7, v0;
	v6 =	vmul.f32 v43, v6  }
0x4c0: {  	v23 =	vld [tilespmem:$0x128B0]  }
0x4c1: {  	v31 =	vld [tilespmem:$0x12741];
	v0 =	vmax.f32 v0, v6  }
0x4c2: {  	v33 =	vld [tilespmem:$0xDDC1];
	[tilespmem:$0x12950] =	vst v0  }
0x4c3: {  	v0 =	vld [tilespmem:s22+$0xE360]  }
0x4c4: {  	v44 =	vld [tilespmem:s30+$0xE360]  }
0x4c5: {  	v45 =	vld [tilespmem:s22+$0xFB60]  }
0x4c6: {  	v46 =	vld [tilespmem:s30+$0xFB60]  }
0x4c7: {  	v9 =	vmul.f32 v10, v9;
	v10 =	vmul.f32 v12, v10;
	v26 =	vld [tilespmem:$0x128B1]  }
0x4c8: {  	v12 =	vmul.f32 v56, v55;
	v22 =	vmul.f32 v19, v18;
	v27 =	vld [tilespmem:$0x12740]  }
0x4c9: {  	v29 =	vld [tilespmem:$0xDC40];
	v0 =	vmul.f32 v0, v4;
	v6 =	vmul.f32 v44, v5  }
0x4ca: {  	v28 =	vmax.f32 v12, v22;
	v34 =	vld [tilespmem:$0x128C0];
	v12 =	vmul.f32 v33, v31  }
0x4cb: {  	v31 =	vld [tilespmem:$0xDE01];
	v7 =	vmul.f32 v45, v0;
	v8 =	vmul.f32 v46, v6  }
0x4cc: {  	v36 =	vmul.f32 v26, v21;
	v21 =	vld [tilespmem:$0xDDF1]  }
0x4cd: {  	v26 =	vld [tilespmem:$0x12780];
	v7 =	vmax.f32 v7, v8  }
0x4ce: {  	v37 =	vld [tilespmem:$0x128C1];
	[tilespmem:$0x127E0] =	vst v7  }
0x4cf: {  	v7 =	vld [tilespmem:s22+$0x11360]  }
0x4d0: {  	v47 =	vld [tilespmem:s30+$0x11360]  }
0x4d1: {  	v38 =	vld [tilespmem:$0x12750]  }
0x4d2: {  	v39 =	vld [tilespmem:$0xDC50]  }
0x4d3: {  	v41 =	vld [tilespmem:$0x12751]  }
0x4d4: {  	v57 =	vmul.f32 v17, v14;
	v43 =	vld [tilespmem:$0xDDD1];
	v46 =	vmul.f32 v34, v29  }
0x4d5: {  	v34 =	vld [tilespmem:$0x12901];
	v0 =	vmul.f32 v7, v0;
	v6 =	vmul.f32 v47, v6  }
0x4d6: {  	v8 =	vmul.f32 v11, v53;
	v11 =	vmul.f32 v54, v16;
	v54 =	vld [tilespmem:$0xDDE1]  }
0x4d7: {  	v24 =	vmul.f32 v20, v56;
	v7 =	vmul.f32 v53, v52;
	v52 =	vld [tilespmem:$0x12761];
	v0 =	vmax.f32 v0, v6  }
0x4d8: {  	v25 =	vmul.f32 v58, v19;
	v47 =	vmul.f32 v37, v33;
	v37 =	vld [tilespmem:$0xDC90];
	[tilespmem:$0x12960] =	vst v0  }
0x4d9: {  	v35 =	vmul.f32 v23, v60;
	v8 =	vmax.f32 v8, v10;
	v7 =	vmax.f32 v7, v9;
	v0 =	vld [tilespmem:s22+$0xE370]  }
0x4da: {  	v15 =	vmul.f32 v39, v38;
	v10 =	vmul.f32 v8, v7;
	v7 =	vmax.f32 v7, v8;
	v48 =	vld [tilespmem:s30+$0xE370]  }
0x4db: {  	v49 =	vld [tilespmem:s22+$0xFB70];
	vm5 =	vlt.f32 v7, $0.0e+00;
	vm2 =	vgt.f32 v7, $0.0e+00;
	v7 =	vmax.f32 v24, v25  }
0x4dc: {  	v50 =	vld [tilespmem:s30+$0xFB70];
	vm0 =	vlt.f32 v10, $0.0e+00;
	vm1 =	vgt.f32 v10, $0.0e+00;
	v10 =	vmax.f32 v57, v11  }
0x4dd: {  	v25 =	vld [tilespmem:$0x128F1];
	v30 =	vmul.f32 v7, v28;
	v7 =	vmax.f32 v28, v7;
	v8 =	vmax.f32 v59, v10  }
0x4de: {  	v11 =	vmul.f32 v43, v41;
	v57 =	vld [tilespmem:$0x128E1];
	v61 =	vmul.f32 v10, v59;
	vm10 =	vlt.f32 v8, $0.0e+00  }
0x4df: {  	v28 =	vld [tilespmem:$0xDC80];
	vm11 =	vgt.f32 v8, $0.0e+00;
	v0 =	vmul.f32 v0, v4;
	v4 =	vmul.f32 v48, v5  }
0x4e0: {  	v8 =	vmax.f32 v35, v36;
	v59 =	vmax.f32 v15, v11;
	v11 =	vmul.f32 v21, v62;
	v35 =	vld [tilespmem:$0x12790]  }
0x4e1: {  	v62 =	vld [tilespmem:$0x12930];
	v5 =	vmul.f32 v49, v0;
	v6 =	vmul.f32 v50, v4  }
0x4e2: {  	v48 =	vld [tilespmem:$0x128D1]  }
0x4e3: {  	v24 =	vmul.f32 v57, v54;
	v57 =	vld [tilespmem:$0xDCB0];
	v5 =	vmax.f32 v5, v6  }
0x4e4: {  	vm0 =	vmor vm1, vm0;
	vm7 =	vlt.f32 v61, $0.0e+00;
	vm8 =	vgt.f32 v61, $0.0e+00;
	v49 =	vld [tilespmem:$0x12760];
	[tilespmem:$0x127F0] =	vst v5  }
0x4e5: {  	v44 =	vmul.f32 v29, v27;
	v63 =	vmpcnt.ones.xlane vm0;
	vm9 =	vmor vm8, vm7;
	v5 =	vld [tilespmem:s22+$0x11370]  }
0x4e6: {  	vm6 =	vmor vm2, vm5;
	v32 =	vmpcnt.ones.xlane vm9;
	v51 =	vld [tilespmem:s30+$0x11370]  }
0x4e7: {  	v3 =	vadd.s32 v3, v63;
	v50 =	vmax.f32 v44, v12;
	v12 =	vmul.f32 v54, v52;
	v52 =	vld [tilespmem:$0x12920]  }
0x4e8: {  	vm13 =	vlt.f32 v30, $0.0e+00;
	vm14 =	vgt.f32 v30, $0.0e+00;
	v3 =	vadd.s32 v32, v3;
	v32 =	vld [tilespmem:$0x12900]  }
0x4e9: {  	vm4 =	vlt.f32 v7, $0.0e+00;
	vm15 =	vmor vm14, vm13;
	v56 =	vmul.f32 v48, v43;
	v48 =	vld [tilespmem:$0xDCA0]  }
0x4ea: {  	vm5 =	vgt.f32 v7, $0.0e+00;
	v42 =	vmpcnt.ones.xlane vm15;
	v0 =	vmul.f32 v5, v0;
	v5 =	vld [tilespmem:$0x12730]  }
0x4eb: {  	v7 =	vmax.f32 v46, v47;
	v33 =	vmul.f32 v25, v21;
	v4 =	vmul.f32 v51, v4;
	v51 =	vld [tilespmem:$0xDC60]  }
0x4ec: {  	v55 =	vld [tilespmem:$0x128E0];
	vm12 =	vmor vm11, vm10;
	v17 =	vmul.f32 v28, v26;
	v44 =	vmul.f32 v34, v31  }
0x4ed: {  	v29 =	vld [tilespmem:$0x12781];
	v15 =	vmul.f32 v37, v35;
	v4 =	vmax.f32 v0, v4;
	v0 =	vmpcnt.ones.xlane vm6  }
0x4ee: {  	v3 =	vadd.s32 v42, v3;
	v10 =	vmul.f32 v62, v57;
	v43 =	vmul.f32 v32, v28  }
0x4ef: {  	v58 =	vld [tilespmem:$0x12770];
	v9 =	vmul.f32 v52, v48;
	v0 =	vadd.s32 v2, v0;
	v2 =	vmpcnt.ones.xlane vm12  }
0x4f0: {  	v54 =	vld [tilespmem:$0x12921];
	vm6 =	vmor vm5, vm4;
	v5 =	vmul.f32 v60, v5;
	v16 =	vmul.f32 v51, v49  }
0x4f1: {  	v60 =	vld [tilespmem:$0xDC70];
	v23 =	vmul.f32 v55, v51;
	v0 =	vadd.s32 v2, v0;
	v2 =	vmpcnt.ones.xlane vm6  }
0x4f2: {  	v49 =	vld [tilespmem:$0x127A1];
	v5 =	vmax.f32 v5, v13;
	v27 =	vmax.f32 v16, v12;
	v12 =	vmul.f32 v31, v29  }
0x4f3: {  	v51 =	vld [tilespmem:$0xDE21];
	v40 =	vmul.f32 v8, v5;
	v5 =	vmax.f32 v5, v8;
	v0 =	vadd.s32 v2, v0  }
0x4f4: {  	v45 =	vld [tilespmem:$0x128D0];
	vm10 =	vlt.f32 v5, $0.0e+00;
	vm11 =	vgt.f32 v5, $0.0e+00;
	v5 =	vmul.f32 v7, v50  }
0x4f5: {  	v7 =	vmax.f32 v50, v7;
	v47 =	vmax.f32 v17, v12;
	vm7 =	vlt.f32 v40, $0.0e+00  }
0x4f6: {  	v32 =	vld [tilespmem:$0xDCD0];
	vm8 =	vgt.f32 v40, $0.0e+00;
	vm12 =	vmor vm11, vm10;
	vm4 =	vlt.f32 v7, $0.0e+00  }
0x4f7: {  	v31 =	vld [tilespmem:$0x127D0];
	vm5 =	vgt.f32 v7, $0.0e+00;
	v7 =	vmax.f32 v23, v24;
	v14 =	vmul.f32 v60, v58  }
0x4f8: {  	v46 =	vld [tilespmem:$0x127A0];
	v12 =	vmul.f32 v51, v49;
	v13 =	vmul.f32 v54, v51;
	vm9 =	vmor vm8, vm7  }
0x4f9: {  	v21 =	vld [tilespmem:$0x127C0];
	vm13 =	vlt.f32 v5, $0.0e+00;
	vm14 =	vgt.f32 v5, $0.0e+00;
	v5 =	vmul.f32 v45, v39  }
0x4fa: {  	v28 =	vld [tilespmem:$0x12940];
	v2 =	vmpcnt.ones.xlane vm12;
	vm6 =	vmor vm5, vm4;
	v53 =	vmpcnt.ones.xlane vm9  }
0x4fb: {  	v23 =	vld [tilespmem:$0xDCC0];
	vm15 =	vmor vm14, vm13;
	v36 =	vmax.f32 v14, v11;
	v24 =	vmax.f32 v9, v13  }
0x4fc: {  	v49 =	vld [tilespmem:$0xDCF0];
	v6 =	vmul.f32 v32, v31;
	v5 =	vmax.f32 v5, v56;
	v63 =	vmpcnt.ones.xlane vm15  }
0x4fd: {  	v41 =	vld [tilespmem:$0xDE11];
	v0 =	vadd.s32 v2, v0;
	v61 =	vmul.f32 v5, v59;
	v5 =	vmax.f32 v59, v5  }
0x4fe: {  	v39 =	vld [tilespmem:$0x12791];
	v2 =	vmpcnt.ones.xlane vm6;
	v3 =	vadd.s32 v53, v3;
	vm10 =	vlt.f32 v5, $0.0e+00  }
0x4ff: {  	v45 =	vld [tilespmem:$0x12911];
	vm11 =	vgt.f32 v5, $0.0e+00;
	v5 =	vmul.f32 v7, v27;
	v3 =	vadd.s32 v63, v3  }
0x500: {  	v22 =	vld [tilespmem:$0x128F0];
	v0 =	vadd.s32 v2, v0;
	v63 =	vmul.f32 v48, v46;
	v34 =	vmul.f32 v23, v21  }
0x501: {  	[tilespmem:$0x12970] =	vst v4;
	v7 =	vmax.f32 v27, v7;
	v13 =	vmul.f32 v28, v23;
	v4 =	vmul.f32 v49, v4  }
0x502: {  	vm7 =	vlt.f32 v61, $0.0e+00;
	vm8 =	vgt.f32 v61, $0.0e+00;
	vm12 =	vmor vm11, vm10  }
0x503: {  	vm4 =	vlt.f32 v7, $0.0e+00;
	vm5 =	vgt.f32 v7, $0.0e+00;
	v7 =	vmax.f32 v43, v44  }
0x504: {  	v25 =	vld [tilespmem:$0x127C1];
	v11 =	vmul.f32 v41, v39;
	v53 =	vmul.f32 v45, v41;
	vm9 =	vmor vm8, vm7  }
0x505: {  	v27 =	vld [tilespmem:$0xDE41];
	vm13 =	vlt.f32 v5, $0.0e+00;
	vm14 =	vgt.f32 v5, $0.0e+00;
	v5 =	vmul.f32 v22, v60  }
0x506: {  	v2 =	vmpcnt.ones.xlane vm12;
	vm6 =	vmor vm5, vm4;
	v30 =	vmpcnt.ones.xlane vm9  }
0x507: {  	vm15 =	vmor vm14, vm13;
	v56 =	vmax.f32 v15, v11;
	v5 =	vmax.f32 v5, v33  }
0x508: {  	v40 =	vmpcnt.ones.xlane vm15;
	v0 =	vadd.s32 v2, v0;
	v2 =	vmpcnt.ones.xlane vm6  }
0x509: {  	v29 =	vld [tilespmem:$0x12941];
	v38 =	vmul.f32 v5, v36;
	v3 =	vadd.s32 v30, v3;
	v5 =	vmax.f32 v36, v5  }
0x50a: {  	v42 =	vld [tilespmem:$0x12910];
	v9 =	vmul.f32 v27, v25;
	vm10 =	vlt.f32 v5, $0.0e+00;
	vm11 =	vgt.f32 v5, $0.0e+00  }
0x50b: {  	v5 =	vmul.f32 v7, v47;
	v3 =	vadd.s32 v40, v3;
	v0 =	vadd.s32 v2, v0  }
0x50c: {  	v20 =	vld [tilespmem:$0x12931];
	v7 =	vmax.f32 v47, v7;
	vm7 =	vlt.f32 v38, $0.0e+00;
	vm8 =	vgt.f32 v38, $0.0e+00  }
0x50d: {  	v35 =	vld [tilespmem:$0xDE51];
	vm12 =	vmor vm11, vm10;
	vm4 =	vlt.f32 v7, $0.0e+00;
	vm5 =	vgt.f32 v7, $0.0e+00  }
0x50e: {  	v55 =	vld [tilespmem:$0x127B0];
	v7 =	vmax.f32 v63, v12;
	v12 =	vmul.f32 v29, v27;
	vm9 =	vmor vm8, vm7  }
0x50f: {  	v51 =	vld [tilespmem:$0x127F1];
	vm13 =	vlt.f32 v5, $0.0e+00;
	vm14 =	vgt.f32 v5, $0.0e+00;
	v5 =	vmul.f32 v42, v37  }
0x510: {  	v36 =	vld [tilespmem:$0x12950];
	v2 =	vmpcnt.ones.xlane vm12;
	vm1 =	vmor vm5, vm4;
	v26 =	vmul.f32 v24, v7  }
0x511: {  	v59 =	vld [tilespmem:$0x127B1];
	v7 =	vmax.f32 v7, v24;
	v50 =	vmpcnt.ones.xlane vm9;
	vm15 =	vmor vm14, vm13  }
0x512: {  	v39 =	vld [tilespmem:$0x12951];
	v61 =	vmpcnt.ones.xlane vm1;
	vm12 =	vlt.f32 v7, $0.0e+00;
	vm13 =	vgt.f32 v7, $0.0e+00  }
0x513: {  	v48 =	vld [tilespmem:$0x127F0];
	v7 =	vmax.f32 v34, v9;
	v40 =	vmax.f32 v13, v12;
	v5 =	vmax.f32 v5, v53  }
0x514: {  	v45 =	vld [tilespmem:$0x12960];
	v0 =	vadd.s32 v2, v0;
	v60 =	vmpcnt.ones.xlane vm15;
	vm10 =	vlt.f32 v26, $0.0e+00  }
0x515: {  	v42 =	vld [tilespmem:$0xDCE0];
	vm11 =	vgt.f32 v26, $0.0e+00;
	vm1 =	vmor vm13, vm12;
	v8 =	vmul.f32 v36, v32  }
0x516: {  	v2 =	vld [tilespmem:$0xDE31];
	v58 =	vmul.f32 v5, v56;
	v3 =	vadd.s32 v50, v3;
	v0 =	vadd.s32 v61, v0  }
0x517: {  	v53 =	vld [tilespmem:$0xDE71];
	v5 =	vmax.f32 v56, v5;
	v38 =	vmpcnt.ones.xlane vm1;
	v50 =	vmul.f32 v39, v35  }
0x518: {  	v54 =	vld [tilespmem:$0x12971];
	v56 =	vmul.f32 v49, v48;
	v3 =	vadd.s32 v60, v3;
	vm8 =	vlt.f32 v5, $0.0e+00  }
0x519: {  	vm9 =	vgt.f32 v5, $0.0e+00;
	vm6 =	vlt.f32 v58, $0.0e+00;
	vm7 =	vgt.f32 v58, $0.0e+00  }
0x51a: {  	v33 =	vld [tilespmem:$0x127D1];
	v5 =	vmul.f32 v57, v55;
	v52 =	vmul.f32 v45, v42;
	vm0 =	vmor vm7, vm6  }
0x51b: {  	v8 =	vmax.f32 v8, v50;
	v22 =	vmpcnt.ones.xlane vm0;
	v11 =	vmul.f32 v2, v59  }
0x51c: {  	vm0 =	vmor vm9, vm8;
	v2 =	vmul.f32 v20, v2;
	v58 =	vmul.f32 v53, v51  }
0x51d: {  	v59 =	vmul.f32 v54, v53;
	v30 =	vmpcnt.ones.xlane vm0;
	vm0 =	vmor vm11, vm10  }
0x51e: {  	v3 =	vadd.s32 v22, v3;
	v5 =	vmax.f32 v5, v11;
	v2 =	vmax.f32 v10, v2  }
0x51f: {  	v37 =	vmpcnt.ones.xlane vm0;
	v11 =	vmul.f32 v35, v33;
	v4 =	vmax.f32 v4, v59  }
0x520: {  	v41 =	vld [tilespmem:$0x127E0];
	v10 =	vmul.f32 v2, v5;
	v2 =	vmax.f32 v5, v2;
	v5 =	vmul.f32 v40, v7  }
0x521: {  	v0 =	vadd.s32 v30, v0;
	v7 =	vmax.f32 v7, v40;
	vm4 =	vlt.f32 v2, $0.0e+00  }
0x522: {  	vm5 =	vgt.f32 v2, $0.0e+00;
	v3 =	vadd.s32 v37, v3;
	v0 =	vadd.s32 v38, v0  }
0x523: {  	v6 =	vmax.f32 v6, v11;
	vm9 =	vlt.f32 v7, $0.0e+00;
	vm10 =	vgt.f32 v7, $0.0e+00  }
0x524: {  	v47 =	vld [tilespmem:$0x12961];
	vm14 =	vlt.f32 v10, $0.0e+00;
	vm15 =	vgt.f32 v10, $0.0e+00;
	vm6 =	vlt.f32 v5, $0.0e+00  }
0x525: {  	v2 =	vld [tilespmem:$0x127E1];
	vm7 =	vgt.f32 v5, $0.0e+00;
	v10 =	vmul.f32 v42, v41;
	v55 =	vmul.f32 v8, v6  }
0x526: {  	v5 =	vld [tilespmem:$0xDE61];
	v6 =	vmax.f32 v6, v8;
	vm0 =	vmor vm15, vm14;
	vm8 =	vmor vm7, vm6  }
0x527: {  	vm14 =	vlt.f32 v6, $0.0e+00;
	vm15 =	vgt.f32 v6, $0.0e+00;
	v43 =	vmpcnt.ones.xlane vm0  }
0x528: {  	vm0 =	vmor vm5, vm4;
	v46 =	vmpcnt.ones.xlane vm8;
	vm11 =	vlt.f32 v55, $0.0e+00  }
0x529: {  	vm12 =	vgt.f32 v55, $0.0e+00;
	vm4 =	vmor vm15, vm14;
	v44 =	vmpcnt.ones.xlane vm0  }
0x52a: {  	vm0 =	vmor vm10, vm9;
	vm13 =	vmor vm12, vm11;
	v62 =	vmpcnt.ones.xlane vm4  }
0x52b: {  	v3 =	vadd.s32 v43, v3;
	v2 =	vmul.f32 v5, v2;
	v5 =	vmul.f32 v47, v5  }
0x52c: {  	v57 =	vmpcnt.ones.xlane vm0;
	v61 =	vmpcnt.ones.xlane vm13;
	v0 =	vadd.s32 v44, v0  }
0x52d: {  	v3 =	vadd.s32 v46, v3;
	v2 =	vmax.f32 v10, v2;
	v5 =	vmax.f32 v52, v5  }
0x52e: {  	v0 =	vadd.s32 v57, v0;
	v60 =	vmul.f32 v5, v2;
	v2 =	vmax.f32 v2, v5  }
0x52f: {  	v3 =	vadd.s32 v61, v3;
	v5 =	vmax.f32 v56, v58;
	vm8 =	vlt.f32 v2, $0.0e+00  }
0x530: {  	vm9 =	vgt.f32 v2, $0.0e+00;
	v2 =	vmul.f32 v4, v5;
	v4 =	vmax.f32 v5, v4  }
0x531: {  	vm5 =	vlt.f32 v60, $0.0e+00;
	vm6 =	vgt.f32 v60, $0.0e+00;
	vm10 =	vmor vm9, vm8  }
0x532: {  	p2 =	sne.s32 s14, $0x800;
	vm14 =	vlt.f32 v4, $0.0e+00;
	vm15 =	vgt.f32 v4, $0.0e+00;
	vm7 =	vmor vm6, vm5  }
.Ltmp15:
0x533: {  	vm11 =	vlt.f32 v2, $0.0e+00;
	vm12 =	vgt.f32 v2, $0.0e+00;
	v2 =	vmpcnt.ones.xlane vm10;
	(pc) =	sbr.rel @p2 .LBB2_17-.Ltmp15, $4  }
0x534: {  	vm1 =	vmor vm15, vm14;
	v5 =	vmpcnt.ones.xlane vm7;
	vm13 =	vmor vm12, vm11  }
0x535: {  	v0 =	vadd.s32 v62, v0;
	v63 =	vmpcnt.ones.xlane vm1;
	v4 =	vmpcnt.ones.xlane vm13  }
0x536: {  	v0 =	vadd.s32 v2, v0;
	v3 =	vadd.s32 v5, v3  }
0x537: {  	s20 =	sadd.s32 $0x10, s20;
	s21 =	sadd.s32 $0x10, s21;
	s14 =	sadd.s32 $0x80, s14;
	v2 =	vadd.s32 v63, v0;
	v3 =	vadd.s32 v4, v3  }
0x538: {  	v0 =	vcvt.s32.f32 v3  }
0x539: {  	v2 =	vcvt.s32.f32 v2  }
0x53a: {  	[tilespmem:$0x12A00] =	vst v0  }
0x53b: {  	s3 =	simm.s32 $0x12A00;
	[tilespmem:$0x12A80] =	vst v2  }
0x53c: {  	[hbm4b:s23+s1] =	stream.linear.scatter [tilespmem:s3], [sflag:$0x2], $0x10, $0x38;
	[tilespmem:$0x12D80] =	vst v63  }
0x53d: {  	_ =	swait.ge [sflag:s25], $0x10  }
0x53e: {  	[sflag:s25] =	ssyncset.done $0x0  }
0x53f: {  	s31 =	simm.s32 $0x12A80;
	[sflag:s25] =	ssyncadd.s32 $0xFFFFFFF0  }
0x540: {  	[hbm4b:s24+s1] =	stream.linear.scatter [tilespmem:s31], [sflag:$0x2], $0x10, $0x38;
	[tilespmem:$0x12D80] =	vst v63  }
.Ltmp16:
0x541: {  	_ =	swait.ge [sflag:s25], $0x10;
	(pc) =	sbr.rel @p0 .LBB2_20-.Ltmp16, $3  }
0x542: {  	[sflag:s25] =	ssyncset.done $0x0  }
0x543: {  	[sflag:s25] =	ssyncadd.s32 $0xFFFFFFF0  }
0x544: {  	[bflag:$0x0] =	sbarrier.arrive $0xFFFF;
	_ =	sdelay $0x1  }
0x545: {  	s3 =	rddreg [dreg:$0x11];
	s4 =	simm.s32 $0x12B00  }
0x546: {  	[tilespmem:s4], [sflag:$0x2] =	stream.linear.gather [hbm4b:s3+s1], $0x200, $0x38;
	[tilespmem:$0x12D80] =	vst v63  }
0x547: {  	_ =	swait.ge [sflag:s25], $0x200  }
0x548: {  	[sflag:s25] =	ssyncset.done $0x0  }
0x549: {  	[sflag:s25] =	ssyncadd.s32 $0xFFFFFE00  }
0x54a: {  	v0 =	vld [tilespmem:$0x12B10]  }
0x54b: {  	v2 =	vld [tilespmem:$0x12B30];
	_ =	sdelay $0x1  }
0x54c: {  	v3 =	vld [tilespmem:$0x12B50];
	_ =	sdelay $0x1  }
0x54d: {  	v4 =	vld [tilespmem:$0x12B70]  }
0x54e: {  	v0 =	vadd.f32 v2, v0  }
0x54f: {  	v2 =	vld [tilespmem:$0x12B90]  }
0x550: {  	v0 =	vadd.f32 v3, v0  }
0x551: {  	v3 =	vld [tilespmem:$0x12BB0]  }
0x552: {  	v5 =	vld [tilespmem:$0x12B00];
	v0 =	vadd.f32 v4, v0  }
0x553: {  	v49 =	vld [tilespmem:$0x12BD0]  }
0x554: {  	v6 =	vld [tilespmem:$0x12B20];
	v0 =	vadd.f32 v2, v0  }
0x555: {  	v2 =	vld [tilespmem:$0x12BF0]  }
0x556: {  	v7 =	vld [tilespmem:$0x12B40];
	v0 =	vadd.f32 v3, v0  }
0x557: {  	v3 =	vld [tilespmem:$0x12C10]  }
0x558: {  	v50 =	vld [tilespmem:$0x12B60];
	v0 =	vadd.f32 v49, v0  }
0x559: {  	v51 =	vld [tilespmem:$0x12C30];
	v5 =	vadd.f32 v6, v5  }
0x55a: {  	v0 =	vadd.f32 v2, v0;
	v2 =	vld [tilespmem:$0x12B80]  }
0x55b: {  	v52 =	vld [tilespmem:$0x12C50];
	v5 =	vadd.f32 v7, v5  }
0x55c: {  	v0 =	vadd.f32 v3, v0;
	v3 =	vld [tilespmem:$0x12BA0]  }
0x55d: {  	v53 =	vld [tilespmem:$0x12C70];
	v4 =	vadd.f32 v50, v5  }
0x55e: {  	v54 =	vld [tilespmem:$0x12BC0];
	v0 =	vadd.f32 v51, v0  }
0x55f: {  	v55 =	vld [tilespmem:$0x12C90];
	v2 =	vadd.f32 v2, v4  }
0x560: {  	v56 =	vld [tilespmem:$0x12BE0];
	v0 =	vadd.f32 v52, v0  }
0x561: {  	v2 =	vadd.f32 v3, v2;
	v3 =	vld [tilespmem:$0x12CB0]  }
0x562: {  	v57 =	vld [tilespmem:$0x12C00];
	v0 =	vadd.f32 v53, v0  }
0x563: {  	v58 =	vld [tilespmem:$0x12CD0];
	v2 =	vadd.f32 v54, v2  }
0x564: {  	v59 =	vld [tilespmem:$0x12C20];
	v0 =	vadd.f32 v55, v0  }
0x565: {  	v60 =	vld [tilespmem:$0x12CF0];
	v2 =	vadd.f32 v56, v2  }
0x566: {  	v0 =	vadd.f32 v3, v0;
	v3 =	vld [tilespmem:$0x12C40]  }
0x567: {  	v2 =	vadd.f32 v57, v2  }
0x568: {  	v61 =	vld [tilespmem:$0x12C60];
	v0 =	vadd.f32 v58, v0  }
0x569: {  	v2 =	vadd.f32 v59, v2  }
0x56a: {  	v62 =	vld [tilespmem:$0x12C80];
	v0 =	vadd.f32 v60, v0  }
0x56b: {  	v2 =	vadd.f32 v3, v2  }
0x56c: {  	v3 =	vld [tilespmem:$0x12CA0];
	v0 =	vmax.f32 v0, $1.000000000e+00  }
0x56d: {  	v2 =	vadd.f32 v61, v2;
	(erf) = vrcp.f32 v0  }
0x56e: {  	v0 =	vld [tilespmem:$0x12CC0]  }
0x56f: {  	v2 =	vadd.f32 v62, v2  }
0x570: {  	v63 =	vld [tilespmem:$0x12CE0]  }
0x571: {  	v2 =	vadd.f32 v3, v2;
	_ =	sdelay $0x1  }
0x572: {  	v0 =	vadd.f32 v0, v2;
	_ =	sdelay $0x1  }
0x573: {  	v0 =	vadd.f32 v63, v0  }
0x574: {  	v2 =	vpop (erf)  }
0x575: {  	v0 =	vmul.f32 v2, v0;
	_ =	sdelay $0x1  }
.Ltmp17:
0x576: {  	s31 =	simm.s32 $0x12D00;
	s30 =	rddreg [dreg:$0xc];
	[tilespmem:$0x12D00] =	vst v0;
	(pc) =	sbr.rel .LBB2_20-.Ltmp17, $4  }
0x577: {  	[hbm4b:s30+s1] =	stream.linear.scatter [tilespmem:s31], [sflag:$0x2], $0x10, $0x38;
	[tilespmem:$0x12D80] =	vst v63  }
0x578: {  	_ =	swait.ge [sflag:s25], $0x10  }
0x579: {  	[sflag:s25] =	ssyncset.done $0x0  }
0x57a: {  	[sflag:s25] =	ssyncadd.s32 $0xFFFFFFF0  }
.LBB2_21:
0x57b: {  	_ =	sfence.sel $0x180000  }
0x57c: {  	[bflag:$0x0] =	sbarrier.arrive $0xFFFF  }
0x57d: {  	_ =	strace $0x90000047  }
0x57e: {  	[bflag:$0x2] =	sbarrier.arrive $0xFFFF  }
0x57f: {  	s0 =	rddreg [dreg:$0x3]  }
0x580: {  	s0 =	sadd.s32 @!p0 $0x100000, s0  }
0x581: {  	[sflag:s0] =	ssyncadd.tile.s32 @!p0 $0x1;
	_ =	shalt  }
.Lfunc_end2:
_tile_overlayer_lowered:
.L_overlay_start_2:
0x582: {  	(tag) =	ssettag $0x2  }
0x583: {  	s0 =	rddreg [dreg:$0x0];
	s2 =	stileid.u32  }
0x584: {  	s1 =	rddreg [dreg:$0x1];
	p0 =	sne.s32 s2, $0x0  }
0x585: {  	s3 =	rddreg [dreg:$0x2];
	[bflag:$0x3] =	sbarrier.arrive $0xFFFF;
	s2 =	simm.s32 @!p0 $0x1C02  }
0x586: {  	[timem:s3], [sflag:s2] =	dma.local @!p0 [hbm:s0], s1  }
0x587: {  	s0 =	simm.s32 @!p0 $0x2  }
0x588: {  	_ =	swait.ge @!p0 [sflag:s0], s1  }
0x589: {  	s1 =	ssub.s32 @!p0 $0x0, s1;
	[sflag:s0] =	ssyncset.done @!p0 $0x0  }
0x58a: {  	[sflag:s0] =	ssyncadd.s32 @!p0 s1  }
0x58b: {  	[bflag:$0x3] =	sbarrier.arrive $0xFFFF  }
0x58c: {  	_ =	shalt  }

</sc_bundles>
